<compile_context>
chip_gen: v7x
topology: tpu7x:2x2x1
jax: 0.10.2.dev20260603
libtpu: 0.0.44.dev20260713+nightly
codegen_flags: <defaults>
</compile_context>

<pallas_src>
import functools

import jax
import jax.numpy as jnp
from jax import lax
from jax.experimental import pallas as pl
from jax.experimental.pallas import tpu as pltpu
from jax.experimental.pallas import tpu_sc as plsc

HIDDEN = 1024
N_EXPERTS = 8
INTER = 1408
TOP_K = 2
T = 4096

TM = 256
P = T * TOP_K + N_EXPERTS * TM
NT = P // TM

NC = 2
NS = 16
NW = NC * NS


def _sc_dispatch(x, pos1r, pos2r, g1, g2, chunk, nbuf=3):
    D = x.shape[1]
    tpw = T // NW
    n_chunks = tpw // chunk
    mesh = plsc.VectorSubcoreMesh(core_axis_name="c", subcore_axis_name="s")

    @functools.partial(
        pl.kernel,
        mesh=mesh,
        out_type=(jax.ShapeDtypeStruct((P, D), x.dtype),
                  jax.ShapeDtypeStruct((P,), jnp.float32)),
        scratch_types=[
            pltpu.VMEM((n_chunks, chunk), jnp.int32),
            pltpu.VMEM((n_chunks, chunk), jnp.int32),
            pltpu.VMEM((tpw,), jnp.float32),
            pltpu.VMEM((tpw,), jnp.float32),
            [pltpu.VMEM((chunk, D), x.dtype) for _ in range(nbuf)],
            [pltpu.SemaphoreType.DMA for _ in range(nbuf)],
            [pltpu.SemaphoreType.DMA for _ in range(nbuf)],
            [pltpu.SemaphoreType.DMA for _ in range(nbuf)],
            pltpu.SemaphoreType.DMA,
        ],
    )
    def k(x_hbm, pos1_hbm, pos2_hbm, g1_hbm, g2_hbm, out_hbm, gate_hbm,
          p1_v, p2_v, g1_v, g2_v, bufs, isems, asems, bsems, gsem):
        wid = lax.axis_index("s") * NC + lax.axis_index("c")
        base = wid * tpw
        pltpu.sync_copy(pos1_hbm.at[pl.ds(wid * n_chunks, n_chunks)], p1_v)
        pltpu.sync_copy(pos2_hbm.at[pl.ds(wid * n_chunks, n_chunks)], p2_v)
        pltpu.sync_copy(g1_hbm.at[pl.ds(base, tpw)], g1_v)
        pltpu.sync_copy(g2_hbm.at[pl.ds(base, tpw)], g2_v)
        gd = []
        for c in range(n_chunks):
            gd.append(pltpu.async_copy(
                g1_v.at[pl.ds(c * chunk, chunk)],
                gate_hbm.at[p1_v.at[c]], gsem))
            gd.append(pltpu.async_copy(
                g2_v.at[pl.ds(c * chunk, chunk)],
                gate_hbm.at[p2_v.at[c]], gsem))
        in_d = [None] * n_chunks
        outA = [None] * n_chunks
        outB = [None] * n_chunks

        def flush(c):
            b = c % nbuf
            in_d[c].wait()
            outA[c] = pltpu.async_copy(
                bufs[b], out_hbm.at[p1_v.at[c]], asems[b])
            outB[c] = pltpu.async_copy(
                bufs[b], out_hbm.at[p2_v.at[c]], bsems[b])

        for c in range(n_chunks):
            b = c % nbuf
            if c >= nbuf:
                outA[c - nbuf].wait()
                outB[c - nbuf].wait()
            in_d[c] = pltpu.async_copy(
                x_hbm.at[pl.ds(base + c * chunk, chunk)], bufs[b], isems[b])
            if c >= 1:
                flush(c - 1)
        flush(n_chunks - 1)
        for c in range(max(0, n_chunks - nbuf), n_chunks):
            outA[c].wait()
            outB[c].wait()
        for d in gd:
            d.wait()

    return k(x, pos1r, pos2r, g1, g2)


def _sc_combine(yg, pos1, pos2, chunk, nbuf=2):
    D = yg.shape[1]
    lanes = 32 if yg.dtype == jnp.bfloat16 else 16
    tpw = T // NW
    n_chunks = tpw // chunk
    ncol = D // lanes
    mesh = plsc.VectorSubcoreMesh(core_axis_name="c", subcore_axis_name="s")

    @functools.partial(
        pl.kernel,
        mesh=mesh,
        out_type=jax.ShapeDtypeStruct((T, D), yg.dtype),
        scratch_types=[
            pltpu.VMEM((tpw,), jnp.int32),
            pltpu.VMEM((tpw,), jnp.int32),
            [pltpu.VMEM((chunk, D), yg.dtype) for _ in range(nbuf)],
            [pltpu.VMEM((chunk, D), yg.dtype) for _ in range(nbuf)],
            [pltpu.SemaphoreType.DMA for _ in range(nbuf)],
            [pltpu.SemaphoreType.DMA for _ in range(nbuf)],
            [pltpu.SemaphoreType.DMA for _ in range(nbuf)],
        ],
    )
    def k(yg_hbm, pos1_hbm, pos2_hbm, out_hbm,
          p1_v, p2_v, a_bufs, b_bufs, asems, bsems, osems):
        wid = lax.axis_index("s") * NC + lax.axis_index("c")
        base = wid * tpw
        pltpu.sync_copy(pos1_hbm.at[pl.ds(base, tpw)], p1_v)
        pltpu.sync_copy(pos2_hbm.at[pl.ds(base, tpw)], p2_v)
        inA = [None] * n_chunks
        inB = [None] * n_chunks
        out_d = [None] * n_chunks

        def process(c):
            s = c % nbuf
            inA[c].wait()
            inB[c].wait()
            a_v, b_v = a_bufs[s], b_bufs[s]

            def add_step(j, c2):
                r = j // ncol
                col = (j % ncol) * lanes
                a_v[r, pl.ds(col, lanes)] = (
                    a_v[r, pl.ds(col, lanes)] + b_v[r, pl.ds(col, lanes)]
                )
                return c2

            lax.fori_loop(0, chunk * ncol, add_step, 0, unroll=8)
            out_d[c] = pltpu.async_copy(
                a_v, out_hbm.at[pl.ds(base + c * chunk, chunk)], osems[s])

        for c in range(n_chunks):
            s = c % nbuf
            if c >= nbuf:
                out_d[c - nbuf].wait()
            inA[c] = pltpu.async_copy(
                yg_hbm.at[p1_v.at[pl.ds(c * chunk, chunk)]], a_bufs[s],
                asems[s])
            inB[c] = pltpu.async_copy(
                yg_hbm.at[p2_v.at[pl.ds(c * chunk, chunk)]], b_bufs[s],
                bsems[s])
            if c >= 1:
                process(c - 1)
        process(n_chunks - 1)
        for c in range(max(0, n_chunks - nbuf), n_chunks):
            out_d[c].wait()

    return k(yg, pos1, pos2)


def _tc_expert_matmul(xg, w1, w2, gates3, expert_map):

    def body(em_ref, xg_ref, w1_ref, w2_ref, g_ref, yg_ref):
        xb = xg_ref[...].astype(jnp.bfloat16)
        h = lax.dot_general(
            xb, w1_ref[0].astype(jnp.bfloat16),
            (((1,), (1,)), ((), ())),
            preferred_element_type=jnp.float32,
        )
        h = h * jax.nn.sigmoid(h)
        y = lax.dot_general(
            h.astype(jnp.bfloat16),
            w2_ref[0].astype(jnp.bfloat16),
            (((1,), (1,)), ((), ())),
            preferred_element_type=jnp.float32,
        )
        gv = g_ref[0, 0, :]
        yg_ref[...] = y * gv[:, None]

    grid_spec = pltpu.PrefetchScalarGridSpec(
        num_scalar_prefetch=1,
        grid=(NT,),
        in_specs=[
            pl.BlockSpec((TM, HIDDEN), lambda i, em: (i, 0)),
            pl.BlockSpec((1, INTER, HIDDEN), lambda i, em: (em[i], 0, 0)),
            pl.BlockSpec((1, HIDDEN, INTER), lambda i, em: (em[i], 0, 0)),
            pl.BlockSpec((1, 1, TM), lambda i, em: (i, 0, 0)),
        ],
        out_specs=pl.BlockSpec((TM, HIDDEN), lambda i, em: (i, 0)),
    )
    return pl.pallas_call(
        body,
        grid_spec=grid_spec,
        out_shape=jax.ShapeDtypeStruct((P, HIDDEN), jnp.float32),
        compiler_params=pltpu.CompilerParams(
            dimension_semantics=("arbitrary",),
        ),
    )(expert_map, xg, w1, w2, gates3)


def kernel(x, router_logits, w1, w2):
    lg = router_logits.astype(jnp.float32)
    i1 = jnp.argmax(lg, axis=-1)
    eiota = jnp.arange(N_EXPERTS, dtype=jnp.int32)[None, :]
    oh1 = eiota == i1[:, None]
    lgm = jnp.where(oh1, -jnp.inf, lg)
    i2 = jnp.argmax(lgm, axis=-1)
    oh2 = eiota == i2[:, None]
    l1 = jnp.sum(jnp.where(oh1, lg, 0.0), axis=-1)
    l2 = jnp.sum(jnp.where(oh2, lg, 0.0), axis=-1)
    e2 = jnp.exp(l2 - l1)
    g1 = 1.0 / (1.0 + e2)
    g2 = e2 / (1.0 + e2)

    sel = oh1.astype(jnp.int32) + oh2.astype(jnp.int32)
    csum = jnp.cumsum(sel, axis=0)
    rank = csum - sel
    counts = csum[-1]
    padded = ((counts + TM - 1) // TM) * TM
    starts = jnp.concatenate(
        [jnp.zeros((1,), jnp.int32), jnp.cumsum(padded)[:-1].astype(jnp.int32)]
    )
    pos1 = jnp.sum(jnp.where(oh1, rank + starts[None, :], 0),
                   axis=-1).astype(jnp.int32)
    pos2 = jnp.sum(jnp.where(oh2, rank + starts[None, :], 0),
                   axis=-1).astype(jnp.int32)
    tile_starts = jnp.arange(NT, dtype=jnp.int32) * TM
    expert_map = (tile_starts[:, None] >= starts[None, 1:]).sum(
        axis=1).astype(jnp.int32)

    disp_chunk = 32
    nch = (T // NW) // disp_chunk
    pos1r = pos1.reshape(NW * nch, disp_chunk)
    pos2r = pos2.reshape(NW * nch, disp_chunk)
    xg, gatep = _sc_dispatch(x, pos1r, pos2r, g1, g2,
                             chunk=disp_chunk)

    gates3 = gatep.reshape(NT, 1, TM)
    yg = _tc_expert_matmul(xg, w1, w2, gates3, expert_map)

    out = _sc_combine(yg, pos1, pos2, chunk=16)
    return out.astype(x.dtype)

# --- scband reference (transcript-rebuilt; emitter-appended) ---
"""Pipeline reference for scband-cached-glm-experts-24756191494626 (READ-ONLY COPY).

The authoritative reference and input builder live on the scoring server;
editing this copy changes nothing except your own understanding.
"""

import jax, jax.numpy as jnp
import numpy as np

HIDDEN = 1024
N_EXPERTS = 8
INTER = 1408
TOP_K = 2
T = 4096


def setup_inputs(seed: int = 0) -> dict:
    key = jax.random.key(seed)
    k1, k2, k3, k4 = jax.random.split(key, 4)
    x = jax.random.normal(k1, (T, HIDDEN), dtype=jnp.float32)
    router_logits = jax.random.normal(k2, (T, N_EXPERTS), dtype=jnp.float32)
    # expert weights, cached GGUF tensors reshaped per forward():
    # w1: [E, inter, hidden], w2: [E, hidden, inter]
    w1 = jax.random.normal(k3, (N_EXPERTS, INTER, HIDDEN), dtype=jnp.float32) * 0.02
    w2 = jax.random.normal(k4, (N_EXPERTS, HIDDEN, INTER), dtype=jnp.float32) * 0.02
    return {"x": x, "router_logits": router_logits, "w1": w1, "w2": w2}


def fused_moe(x, w1, w2, router_logits, topk):
    # softmax over experts, top-k selection, renormalize topk weights
    probs = jax.nn.softmax(router_logits.astype(jnp.float32), axis=-1)
    topk_w, topk_ids = jax.lax.top_k(probs, topk)  # [T, K]
    topk_w = topk_w / jnp.sum(topk_w, axis=-1, keepdims=True)
    out = jnp.zeros_like(x)
    n_experts = w1.shape[0]
    for e in range(n_experts):
        h = jax.nn.silu(x @ w1[e].T) @ w2[e].T  # [T, hidden]
        weight = jnp.sum(jnp.where(topk_ids == e, topk_w, 0.0), axis=-1)  # [T]
        out = out + weight[:, None] * h
    return out.astype(x.dtype)


def reference(x, router_logits, w1, w2):
    return fused_moe(x, w1, w2, router_logits, TOP_K)

if __name__ == "__main__":
    import jax
    _d = setup_inputs()
    print(jax.jit(kernel)(*tuple(_d.values())))

</pallas_src>

<mosaic_0001>
#map = affine_map<(d0, d1) -> (0, 0)>
#map1 = affine_map<(d0, d1) -> (0)>
module attributes {stable_mosaic.version = 14 : i64} {
  func.func @k(%arg0: i32, %arg1: i32, %arg2: memref<4096x1024xf32, #tpu.memory_space<hbm>>, %arg3: memref<128x32xi32, #tpu.memory_space<hbm>>, %arg4: memref<128x32xi32, #tpu.memory_space<hbm>>, %arg5: memref<4096xf32, #tpu.memory_space<hbm>>, %arg6: memref<4096xf32, #tpu.memory_space<hbm>>, %arg7: memref<10240x1024xf32, #tpu.memory_space<hbm>>, %arg8: memref<10240xf32, #tpu.memory_space<hbm>>, %arg9: memref<4x32xi32, #tpu.memory_space<vmem>>, %arg10: memref<4x32xi32, #tpu.memory_space<vmem>>, %arg11: memref<128xf32, #tpu.memory_space<vmem>>, %arg12: memref<128xf32, #tpu.memory_space<vmem>>, %arg13: memref<32x1024xf32, #tpu.memory_space<vmem>>, %arg14: memref<32x1024xf32, #tpu.memory_space<vmem>>, %arg15: memref<32x1024xf32, #tpu.memory_space<vmem>>, %arg16: memref<!tpu.dma_semaphore, #tpu.memory_space<semaphore_mem>>, %arg17: memref<!tpu.dma_semaphore, #tpu.memory_space<semaphore_mem>>, %arg18: memref<!tpu.dma_semaphore, #tpu.memory_space<semaphore_mem>>, %arg19: memref<!tpu.dma_semaphore, #tpu.memory_space<semaphore_mem>>, %arg20: memref<!tpu.dma_semaphore, #tpu.memory_space<semaphore_mem>>, %arg21: memref<!tpu.dma_semaphore, #tpu.memory_space<semaphore_mem>>, %arg22: memref<!tpu.dma_semaphore, #tpu.memory_space<semaphore_mem>>, %arg23: memref<!tpu.dma_semaphore, #tpu.memory_space<semaphore_mem>>, %arg24: memref<!tpu.dma_semaphore, #tpu.memory_space<semaphore_mem>>, %arg25: memref<!tpu.dma_semaphore, #tpu.memory_space<semaphore_mem>>) attributes {dimension_semantics = [#tpu.dimension_semantics<core_parallel>, #tpu.dimension_semantics<subcore_parallel>], iteration_bounds = array<i64: 2, 16>, scalar_prefetch = 0 : i64, scratch_operands = 17 : i64, tpu.core_type = #tpu.core_type<sc_vector_subcore>, window_params = [{transform_indices = #map}, {transform_indices = #map}, {transform_indices = #map}, {transform_indices = #map1}, {transform_indices = #map1}, {transform_indices = #map}, {transform_indices = #map1}]} {
    %mul3A = arith.constant 2 : i32
    %mul3A_0 = arith.muli %arg1, %mul3A : i32
    %add3A = arith.addi %mul3A_0, %arg0 : i32
    %mul3A_1 = arith.constant 128 : i32
    %mul3A_2 = arith.muli %add3A, %mul3A_1 : i32
    %mul3A_3 = arith.constant 4 : i32
    %mul3A_4 = arith.muli %add3A, %mul3A_3 : i32
    "tpu.region"() ({
      %run_scoped3A = tpu.sem_alloc : memref<!tpu.dma_semaphore, #tpu.memory_space<semaphore_mem>>
      %dma_start3A_285 = arith.constant 0 : i32
      %dma_start3A_286 = tpu.memref_slice %arg3[%mul3A_4, %dma_start3A_285] : memref<128x32xi32, #tpu.memory_space<hbm>> -> memref<4x32xi32, #tpu.memory_space<hbm>>
      %dma_start3A_287 = arith.constant 0 : i32
      %dma_start3A_288 = tpu.memref_slice %arg3[%mul3A_4, %dma_start3A_287] : memref<128x32xi32, #tpu.memory_space<hbm>> -> memref<4x32xi32, #tpu.memory_space<hbm>>
      tpu.enqueue_dma source(%dma_start3A_288 : memref<4x32xi32, #tpu.memory_space<hbm>>) target(%arg9 : memref<4x32xi32, #tpu.memory_space<vmem>>) target_semaphore(%run_scoped3A : memref<!tpu.dma_semaphore, #tpu.memory_space<semaphore_mem>>)
      %dma_wait3A_289 = arith.constant 0 : i32
      %dma_wait3A_290 = tpu.memref_slice %arg3[%mul3A_4, %dma_wait3A_289] : memref<128x32xi32, #tpu.memory_space<hbm>> -> memref<4x32xi32, #tpu.memory_space<hbm>>
      %dma_wait3A_291 = arith.constant 0 : i32
      %dma_wait3A_292 = tpu.memref_slice %arg3[%mul3A_4, %dma_wait3A_291] : memref<128x32xi32, #tpu.memory_space<hbm>> -> memref<4x32xi32, #tpu.memory_space<hbm>>
      tpu.wait_dma2 semaphore(%run_scoped3A : memref<!tpu.dma_semaphore, #tpu.memory_space<semaphore_mem>>) src(%dma_wait3A_292 : memref<4x32xi32, #tpu.memory_space<hbm>>) dst(%arg9 : memref<4x32xi32, #tpu.memory_space<vmem>>)
      tpu.yield
    }) : () -> ()
    %mul3A_5 = arith.constant 4 : i32
    %mul3A_6 = arith.muli %add3A, %mul3A_5 : i32
    "tpu.region"() ({
      %run_scoped3A = tpu.sem_alloc : memref<!tpu.dma_semaphore, #tpu.memory_space<semaphore_mem>>
      %dma_start3A_285 = arith.constant 0 : i32
      %dma_start3A_286 = tpu.memref_slice %arg4[%mul3A_6, %dma_start3A_285] : memref<128x32xi32, #tpu.memory_space<hbm>> -> memref<4x32xi32, #tpu.memory_space<hbm>>
      %dma_start3A_287 = arith.constant 0 : i32
      %dma_start3A_288 = tpu.memref_slice %arg4[%mul3A_6, %dma_start3A_287] : memref<128x32xi32, #tpu.memory_space<hbm>> -> memref<4x32xi32, #tpu.memory_space<hbm>>
      tpu.enqueue_dma source(%dma_start3A_288 : memref<4x32xi32, #tpu.memory_space<hbm>>) target(%arg10 : memref<4x32xi32, #tpu.memory_space<vmem>>) target_semaphore(%run_scoped3A : memref<!tpu.dma_semaphore, #tpu.memory_space<semaphore_mem>>)
      %dma_wait3A_289 = arith.constant 0 : i32
      %dma_wait3A_290 = tpu.memref_slice %arg4[%mul3A_6, %dma_wait3A_289] : memref<128x32xi32, #tpu.memory_space<hbm>> -> memref<4x32xi32, #tpu.memory_space<hbm>>
      %dma_wait3A_291 = arith.constant 0 : i32
      %dma_wait3A_292 = tpu.memref_slice %arg4[%mul3A_6, %dma_wait3A_291] : memref<128x32xi32, #tpu.memory_space<hbm>> -> memref<4x32xi32, #tpu.memory_space<hbm>>
      tpu.wait_dma2 semaphore(%run_scoped3A : memref<!tpu.dma_semaphore, #tpu.memory_space<semaphore_mem>>) src(%dma_wait3A_292 : memref<4x32xi32, #tpu.memory_space<hbm>>) dst(%arg10 : memref<4x32xi32, #tpu.memory_space<vmem>>)
      tpu.yield
    }) : () -> ()
    "tpu.region"() ({
      %run_scoped3A = tpu.sem_alloc : memref<!tpu.dma_semaphore, #tpu.memory_space<semaphore_mem>>
      %dma_start3A_285 = tpu.memref_slice %arg5[%mul3A_2] : memref<4096xf32, #tpu.memory_space<hbm>> -> memref<128xf32, #tpu.memory_space<hbm>>
      %dma_start3A_286 = tpu.memref_slice %arg5[%mul3A_2] : memref<4096xf32, #tpu.memory_space<hbm>> -> memref<128xf32, #tpu.memory_space<hbm>>
      tpu.enqueue_dma source(%dma_start3A_286 : memref<128xf32, #tpu.memory_space<hbm>>) target(%arg11 : memref<128xf32, #tpu.memory_space<vmem>>) target_semaphore(%run_scoped3A : memref<!tpu.dma_semaphore, #tpu.memory_space<semaphore_mem>>)
      %dma_wait3A_287 = tpu.memref_slice %arg5[%mul3A_2] : memref<4096xf32, #tpu.memory_space<hbm>> -> memref<128xf32, #tpu.memory_space<hbm>>
      %dma_wait3A_288 = tpu.memref_slice %arg5[%mul3A_2] : memref<4096xf32, #tpu.memory_space<hbm>> -> memref<128xf32, #tpu.memory_space<hbm>>
      tpu.wait_dma2 semaphore(%run_scoped3A : memref<!tpu.dma_semaphore, #tpu.memory_space<semaphore_mem>>) src(%dma_wait3A_288 : memref<128xf32, #tpu.memory_space<hbm>>) dst(%arg11 : memref<128xf32, #tpu.memory_space<vmem>>)
      tpu.yield
    }) : () -> ()
    "tpu.region"() ({
      %run_scoped3A = tpu.sem_alloc : memref<!tpu.dma_semaphore, #tpu.memory_space<semaphore_mem>>
      %dma_start3A_285 = tpu.memref_slice %arg6[%mul3A_2] : memref<4096xf32, #tpu.memory_space<hbm>> -> memref<128xf32, #tpu.memory_space<hbm>>
      %dma_start3A_286 = tpu.memref_slice %arg6[%mul3A_2] : memref<4096xf32, #tpu.memory_space<hbm>> -> memref<128xf32, #tpu.memory_space<hbm>>
      tpu.enqueue_dma source(%dma_start3A_286 : memref<128xf32, #tpu.memory_space<hbm>>) target(%arg12 : memref<128xf32, #tpu.memory_space<vmem>>) target_semaphore(%run_scoped3A : memref<!tpu.dma_semaphore, #tpu.memory_space<semaphore_mem>>)
      %dma_wait3A_287 = tpu.memref_slice %arg6[%mul3A_2] : memref<4096xf32, #tpu.memory_space<hbm>> -> memref<128xf32, #tpu.memory_space<hbm>>
      %dma_wait3A_288 = tpu.memref_slice %arg6[%mul3A_2] : memref<4096xf32, #tpu.memory_space<hbm>> -> memref<128xf32, #tpu.memory_space<hbm>>
      tpu.wait_dma2 semaphore(%run_scoped3A : memref<!tpu.dma_semaphore, #tpu.memory_space<semaphore_mem>>) src(%dma_wait3A_288 : memref<128xf32, #tpu.memory_space<hbm>>) dst(%arg12 : memref<128xf32, #tpu.memory_space<vmem>>)
      tpu.yield
    }) : () -> ()
    %dma_start3A = arith.constant 0 : i32
    %dma_start3A_7 = arith.constant 0 : i32
    %dma_start3A_8 = tpu.memref_slice %arg11[%dma_start3A_7] : memref<128xf32, #tpu.memory_space<vmem>> -> memref<32xf32, #tpu.memory_space<vmem>>
    %dma_start3A_9 = arith.constant 0 : i32
    %dma_start3A_10 = tpu.memref_slice %arg9[%dma_start3A, %dma_start3A_9] : memref<4x32xi32, #tpu.memory_space<vmem>> -> memref<1x32xi32, #tpu.memory_space<vmem>>
    %dma_start3A_11 = tpu.memref_squeeze %dma_start3A_10 : memref<1x32xi32, #tpu.memory_space<vmem>> -> memref<32xi32, #tpu.memory_space<vmem>>
    %dma_start3A_12 = arith.constant 0 : i32
    %dma_start3A_13 = tpu.memref_slice %arg8[%dma_start3A_12] : memref<10240xf32, #tpu.memory_space<hbm>> -> memref<10240xf32, #tpu.memory_space<hbm>>
    tpu.enqueue_indirect_dma source(%dma_start3A_8 : memref<32xf32, #tpu.memory_space<vmem>>) target(%dma_start3A_13 : memref<10240xf32, #tpu.memory_space<hbm>>) offsets(%dma_start3A_11 : memref<32xi32, #tpu.memory_space<vmem>>) semaphore(%arg25 : memref<!tpu.dma_semaphore, #tpu.memory_space<semaphore_mem>>)
    %dma_start3A_14 = arith.constant 0 : i32
    %dma_start3A_15 = arith.constant 0 : i32
    %dma_start3A_16 = tpu.memref_slice %arg12[%dma_start3A_15] : memref<128xf32, #tpu.memory_space<vmem>> -> memref<32xf32, #tpu.memory_space<vmem>>
    %dma_start3A_17 = arith.constant 0 : i32
    %dma_start3A_18 = tpu.memref_slice %arg10[%dma_start3A_14, %dma_start3A_17] : memref<4x32xi32, #tpu.memory_space<vmem>> -> memref<1x32xi32, #tpu.memory_space<vmem>>
    %dma_start3A_19 = tpu.memref_squeeze %dma_start3A_18 : memref<1x32xi32, #tpu.memory_space<vmem>> -> memref<32xi32, #tpu.memory_space<vmem>>
    %dma_start3A_20 = arith.constant 0 : i32
    %dma_start3A_21 = tpu.memref_slice %arg8[%dma_start3A_20] : memref<10240xf32, #tpu.memory_space<hbm>> -> memref<10240xf32, #tpu.memory_space<hbm>>
    tpu.enqueue_indirect_dma source(%dma_start3A_16 : memref<32xf32, #tpu.memory_space<vmem>>) target(%dma_start3A_21 : memref<10240xf32, #tpu.memory_space<hbm>>) offsets(%dma_start3A_19 : memref<32xi32, #tpu.memory_space<vmem>>) semaphore(%arg25 : memref<!tpu.dma_semaphore, #tpu.memory_space<semaphore_mem>>)
    %dma_start3A_22 = arith.constant 1 : i32
    %dma_start3A_23 = arith.constant 32 : i32
    %dma_start3A_24 = tpu.memref_slice %arg11[%dma_start3A_23] : memref<128xf32, #tpu.memory_space<vmem>> -> memref<32xf32, #tpu.memory_space<vmem>>
    %dma_start3A_25 = arith.constant 0 : i32
    %dma_start3A_26 = tpu.memref_slice %arg9[%dma_start3A_22, %dma_start3A_25] : memref<4x32xi32, #tpu.memory_space<vmem>> -> memref<1x32xi32, #tpu.memory_space<vmem>>
    %dma_start3A_27 = tpu.memref_squeeze %dma_start3A_26 : memref<1x32xi32, #tpu.memory_space<vmem>> -> memref<32xi32, #tpu.memory_space<vmem>>
    %dma_start3A_28 = arith.constant 0 : i32
    %dma_start3A_29 = tpu.memref_slice %arg8[%dma_start3A_28] : memref<10240xf32, #tpu.memory_space<hbm>> -> memref<10240xf32, #tpu.memory_space<hbm>>
    tpu.enqueue_indirect_dma source(%dma_start3A_24 : memref<32xf32, #tpu.memory_space<vmem>>) target(%dma_start3A_29 : memref<10240xf32, #tpu.memory_space<hbm>>) offsets(%dma_start3A_27 : memref<32xi32, #tpu.memory_space<vmem>>) semaphore(%arg25 : memref<!tpu.dma_semaphore, #tpu.memory_space<semaphore_mem>>)
    %dma_start3A_30 = arith.constant 1 : i32
    %dma_start3A_31 = arith.constant 32 : i32
    %dma_start3A_32 = tpu.memref_slice %arg12[%dma_start3A_31] : memref<128xf32, #tpu.memory_space<vmem>> -> memref<32xf32, #tpu.memory_space<vmem>>
    %dma_start3A_33 = arith.constant 0 : i32
    %dma_start3A_34 = tpu.memref_slice %arg10[%dma_start3A_30, %dma_start3A_33] : memref<4x32xi32, #tpu.memory_space<vmem>> -> memref<1x32xi32, #tpu.memory_space<vmem>>
    %dma_start3A_35 = tpu.memref_squeeze %dma_start3A_34 : memref<1x32xi32, #tpu.memory_space<vmem>> -> memref<32xi32, #tpu.memory_space<vmem>>
    %dma_start3A_36 = arith.constant 0 : i32
    %dma_start3A_37 = tpu.memref_slice %arg8[%dma_start3A_36] : memref<10240xf32, #tpu.memory_space<hbm>> -> memref<10240xf32, #tpu.memory_space<hbm>>
    tpu.enqueue_indirect_dma source(%dma_start3A_32 : memref<32xf32, #tpu.memory_space<vmem>>) target(%dma_start3A_37 : memref<10240xf32, #tpu.memory_space<hbm>>) offsets(%dma_start3A_35 : memref<32xi32, #tpu.memory_space<vmem>>) semaphore(%arg25 : memref<!tpu.dma_semaphore, #tpu.memory_space<semaphore_mem>>)
    %dma_start3A_38 = arith.constant 2 : i32
    %dma_start3A_39 = arith.constant 64 : i32
    %dma_start3A_40 = tpu.memref_slice %arg11[%dma_start3A_39] : memref<128xf32, #tpu.memory_space<vmem>> -> memref<32xf32, #tpu.memory_space<vmem>>
    %dma_start3A_41 = arith.constant 0 : i32
    %dma_start3A_42 = tpu.memref_slice %arg9[%dma_start3A_38, %dma_start3A_41] : memref<4x32xi32, #tpu.memory_space<vmem>> -> memref<1x32xi32, #tpu.memory_space<vmem>>
    %dma_start3A_43 = tpu.memref_squeeze %dma_start3A_42 : memref<1x32xi32, #tpu.memory_space<vmem>> -> memref<32xi32, #tpu.memory_space<vmem>>
    %dma_start3A_44 = arith.constant 0 : i32
    %dma_start3A_45 = tpu.memref_slice %arg8[%dma_start3A_44] : memref<10240xf32, #tpu.memory_space<hbm>> -> memref<10240xf32, #tpu.memory_space<hbm>>
    tpu.enqueue_indirect_dma source(%dma_start3A_40 : memref<32xf32, #tpu.memory_space<vmem>>) target(%dma_start3A_45 : memref<10240xf32, #tpu.memory_space<hbm>>) offsets(%dma_start3A_43 : memref<32xi32, #tpu.memory_space<vmem>>) semaphore(%arg25 : memref<!tpu.dma_semaphore, #tpu.memory_space<semaphore_mem>>)
    %dma_start3A_46 = arith.constant 2 : i32
    %dma_start3A_47 = arith.constant 64 : i32
    %dma_start3A_48 = tpu.memref_slice %arg12[%dma_start3A_47] : memref<128xf32, #tpu.memory_space<vmem>> -> memref<32xf32, #tpu.memory_space<vmem>>
    %dma_start3A_49 = arith.constant 0 : i32
    %dma_start3A_50 = tpu.memref_slice %arg10[%dma_start3A_46, %dma_start3A_49] : memref<4x32xi32, #tpu.memory_space<vmem>> -> memref<1x32xi32, #tpu.memory_space<vmem>>
    %dma_start3A_51 = tpu.memref_squeeze %dma_start3A_50 : memref<1x32xi32, #tpu.memory_space<vmem>> -> memref<32xi32, #tpu.memory_space<vmem>>
    %dma_start3A_52 = arith.constant 0 : i32
    %dma_start3A_53 = tpu.memref_slice %arg8[%dma_start3A_52] : memref<10240xf32, #tpu.memory_space<hbm>> -> memref<10240xf32, #tpu.memory_space<hbm>>
    tpu.enqueue_indirect_dma source(%dma_start3A_48 : memref<32xf32, #tpu.memory_space<vmem>>) target(%dma_start3A_53 : memref<10240xf32, #tpu.memory_space<hbm>>) offsets(%dma_start3A_51 : memref<32xi32, #tpu.memory_space<vmem>>) semaphore(%arg25 : memref<!tpu.dma_semaphore, #tpu.memory_space<semaphore_mem>>)
    %dma_start3A_54 = arith.constant 3 : i32
    %dma_start3A_55 = arith.constant 96 : i32
    %dma_start3A_56 = tpu.memref_slice %arg11[%dma_start3A_55] : memref<128xf32, #tpu.memory_space<vmem>> -> memref<32xf32, #tpu.memory_space<vmem>>
    %dma_start3A_57 = arith.constant 0 : i32
    %dma_start3A_58 = tpu.memref_slice %arg9[%dma_start3A_54, %dma_start3A_57] : memref<4x32xi32, #tpu.memory_space<vmem>> -> memref<1x32xi32, #tpu.memory_space<vmem>>
    %dma_start3A_59 = tpu.memref_squeeze %dma_start3A_58 : memref<1x32xi32, #tpu.memory_space<vmem>> -> memref<32xi32, #tpu.memory_space<vmem>>
    %dma_start3A_60 = arith.constant 0 : i32
    %dma_start3A_61 = tpu.memref_slice %arg8[%dma_start3A_60] : memref<10240xf32, #tpu.memory_space<hbm>> -> memref<10240xf32, #tpu.memory_space<hbm>>
    tpu.enqueue_indirect_dma source(%dma_start3A_56 : memref<32xf32, #tpu.memory_space<vmem>>) target(%dma_start3A_61 : memref<10240xf32, #tpu.memory_space<hbm>>) offsets(%dma_start3A_59 : memref<32xi32, #tpu.memory_space<vmem>>) semaphore(%arg25 : memref<!tpu.dma_semaphore, #tpu.memory_space<semaphore_mem>>)
    %dma_start3A_62 = arith.constant 3 : i32
    %dma_start3A_63 = arith.constant 96 : i32
    %dma_start3A_64 = tpu.memref_slice %arg12[%dma_start3A_63] : memref<128xf32, #tpu.memory_space<vmem>> -> memref<32xf32, #tpu.memory_space<vmem>>
    %dma_start3A_65 = arith.constant 0 : i32
    %dma_start3A_66 = tpu.memref_slice %arg10[%dma_start3A_62, %dma_start3A_65] : memref<4x32xi32, #tpu.memory_space<vmem>> -> memref<1x32xi32, #tpu.memory_space<vmem>>
    %dma_start3A_67 = tpu.memref_squeeze %dma_start3A_66 : memref<1x32xi32, #tpu.memory_space<vmem>> -> memref<32xi32, #tpu.memory_space<vmem>>
    %dma_start3A_68 = arith.constant 0 : i32
    %dma_start3A_69 = tpu.memref_slice %arg8[%dma_start3A_68] : memref<10240xf32, #tpu.memory_space<hbm>> -> memref<10240xf32, #tpu.memory_space<hbm>>
    tpu.enqueue_indirect_dma source(%dma_start3A_64 : memref<32xf32, #tpu.memory_space<vmem>>) target(%dma_start3A_69 : memref<10240xf32, #tpu.memory_space<hbm>>) offsets(%dma_start3A_67 : memref<32xi32, #tpu.memory_space<vmem>>) semaphore(%arg25 : memref<!tpu.dma_semaphore, #tpu.memory_space<semaphore_mem>>)
    %add3A_70 = arith.constant 0 : i32
    %add3A_71 = arith.addi %mul3A_2, %add3A_70 : i32
    %dma_start3A_72 = arith.constant 0 : i32
    %dma_start3A_73 = tpu.memref_slice %arg2[%add3A_71, %dma_start3A_72] : memref<4096x1024xf32, #tpu.memory_space<hbm>> -> memref<32x1024xf32, #tpu.memory_space<hbm>>
    %dma_start3A_74 = arith.constant 0 : i32
    %dma_start3A_75 = tpu.memref_slice %arg2[%add3A_71, %dma_start3A_74] : memref<4096x1024xf32, #tpu.memory_space<hbm>> -> memref<32x1024xf32, #tpu.memory_space<hbm>>
    tpu.enqueue_dma source(%dma_start3A_75 : memref<32x1024xf32, #tpu.memory_space<hbm>>) target(%arg13 : memref<32x1024xf32, #tpu.memory_space<vmem>>) target_semaphore(%arg16 : memref<!tpu.dma_semaphore, #tpu.memory_space<semaphore_mem>>)
    %add3A_76 = arith.constant 32 : i32
    %add3A_77 = arith.addi %mul3A_2, %add3A_76 : i32
    %dma_start3A_78 = arith.constant 0 : i32
    %dma_start3A_79 = tpu.memref_slice %arg2[%add3A_77, %dma_start3A_78] : memref<4096x1024xf32, #tpu.memory_space<hbm>> -> memref<32x1024xf32, #tpu.memory_space<hbm>>
    %dma_start3A_80 = arith.constant 0 : i32
    %dma_start3A_81 = tpu.memref_slice %arg2[%add3A_77, %dma_start3A_80] : memref<4096x1024xf32, #tpu.memory_space<hbm>> -> memref<32x1024xf32, #tpu.memory_space<hbm>>
    tpu.enqueue_dma source(%dma_start3A_81 : memref<32x1024xf32, #tpu.memory_space<hbm>>) target(%arg14 : memref<32x1024xf32, #tpu.memory_space<vmem>>) target_semaphore(%arg17 : memref<!tpu.dma_semaphore, #tpu.memory_space<semaphore_mem>>)
    %dma_wait3A = arith.constant 0 : i32
    %dma_wait3A_82 = tpu.memref_slice %arg2[%add3A_71, %dma_wait3A] : memref<4096x1024xf32, #tpu.memory_space<hbm>> -> memref<32x1024xf32, #tpu.memory_space<hbm>>
    %dma_wait3A_83 = arith.constant 0 : i32
    %dma_wait3A_84 = tpu.memref_slice %arg2[%add3A_71, %dma_wait3A_83] : memref<4096x1024xf32, #tpu.memory_space<hbm>> -> memref<32x1024xf32, #tpu.memory_space<hbm>>
    tpu.wait_dma2 semaphore(%arg16 : memref<!tpu.dma_semaphore, #tpu.memory_space<semaphore_mem>>) src(%dma_wait3A_84 : memref<32x1024xf32, #tpu.memory_space<hbm>>) dst(%arg13 : memref<32x1024xf32, #tpu.memory_space<vmem>>)
    %dma_start3A_85 = arith.constant 0 : i32
    %dma_start3A_86 = arith.constant 0 : i32
    %dma_start3A_87 = tpu.memref_slice %arg9[%dma_start3A_85, %dma_start3A_86] : memref<4x32xi32, #tpu.memory_space<vmem>> -> memref<1x32xi32, #tpu.memory_space<vmem>>
    %dma_start3A_88 = tpu.memref_squeeze %dma_start3A_87 : memref<1x32xi32, #tpu.memory_space<vmem>> -> memref<32xi32, #tpu.memory_space<vmem>>
    %dma_start3A_89 = arith.constant 0 : i32
    %dma_start3A_90 = arith.constant 0 : i32
    %dma_start3A_91 = tpu.memref_slice %arg7[%dma_start3A_89, %dma_start3A_90] : memref<10240x1024xf32, #tpu.memory_space<hbm>> -> memref<10240x1024xf32, #tpu.memory_space<hbm>>
    tpu.enqueue_indirect_dma source(%arg13 : memref<32x1024xf32, #tpu.memory_space<vmem>>) target(%dma_start3A_91 : memref<10240x1024xf32, #tpu.memory_space<hbm>>) offsets(%dma_start3A_88 : memref<32xi32, #tpu.memory_space<vmem>>) semaphore(%arg19 : memref<!tpu.dma_semaphore, #tpu.memory_space<semaphore_mem>>)
    %dma_start3A_92 = arith.constant 0 : i32
    %dma_start3A_93 = arith.constant 0 : i32
    %dma_start3A_94 = tpu.memref_slice %arg10[%dma_start3A_92, %dma_start3A_93] : memref<4x32xi32, #tpu.memory_space<vmem>> -> memref<1x32xi32, #tpu.memory_space<vmem>>
    %dma_start3A_95 = tpu.memref_squeeze %dma_start3A_94 : memref<1x32xi32, #tpu.memory_space<vmem>> -> memref<32xi32, #tpu.memory_space<vmem>>
    %dma_start3A_96 = arith.constant 0 : i32
    %dma_start3A_97 = arith.constant 0 : i32
    %dma_start3A_98 = tpu.memref_slice %arg7[%dma_start3A_96, %dma_start3A_97] : memref<10240x1024xf32, #tpu.memory_space<hbm>> -> memref<10240x1024xf32, #tpu.memory_space<hbm>>
    tpu.enqueue_indirect_dma source(%arg13 : memref<32x1024xf32, #tpu.memory_space<vmem>>) target(%dma_start3A_98 : memref<10240x1024xf32, #tpu.memory_space<hbm>>) offsets(%dma_start3A_95 : memref<32xi32, #tpu.memory_space<vmem>>) semaphore(%arg22 : memref<!tpu.dma_semaphore, #tpu.memory_space<semaphore_mem>>)
    %add3A_99 = arith.constant 64 : i32
    %add3A_100 = arith.addi %mul3A_2, %add3A_99 : i32
    %dma_start3A_101 = arith.constant 0 : i32
    %dma_start3A_102 = tpu.memref_slice %arg2[%add3A_100, %dma_start3A_101] : memref<4096x1024xf32, #tpu.memory_space<hbm>> -> memref<32x1024xf32, #tpu.memory_space<hbm>>
    %dma_start3A_103 = arith.constant 0 : i32
    %dma_start3A_104 = tpu.memref_slice %arg2[%add3A_100, %dma_start3A_103] : memref<4096x1024xf32, #tpu.memory_space<hbm>> -> memref<32x1024xf32, #tpu.memory_space<hbm>>
    tpu.enqueue_dma source(%dma_start3A_104 : memref<32x1024xf32, #tpu.memory_space<hbm>>) target(%arg15 : memref<32x1024xf32, #tpu.memory_space<vmem>>) target_semaphore(%arg18 : memref<!tpu.dma_semaphore, #tpu.memory_space<semaphore_mem>>)
    %dma_wait3A_105 = arith.constant 0 : i32
    %dma_wait3A_106 = tpu.memref_slice %arg2[%add3A_77, %dma_wait3A_105] : memref<4096x1024xf32, #tpu.memory_space<hbm>> -> memref<32x1024xf32, #tpu.memory_space<hbm>>
    %dma_wait3A_107 = arith.constant 0 : i32
    %dma_wait3A_108 = tpu.memref_slice %arg2[%add3A_77, %dma_wait3A_107] : memref<4096x1024xf32, #tpu.memory_space<hbm>> -> memref<32x1024xf32, #tpu.memory_space<hbm>>
    tpu.wait_dma2 semaphore(%arg17 : memref<!tpu.dma_semaphore, #tpu.memory_space<semaphore_mem>>) src(%dma_wait3A_108 : memref<32x1024xf32, #tpu.memory_space<hbm>>) dst(%arg14 : memref<32x1024xf32, #tpu.memory_space<vmem>>)
    %dma_start3A_109 = arith.constant 1 : i32
    %dma_start3A_110 = arith.constant 0 : i32
    %dma_start3A_111 = tpu.memref_slice %arg9[%dma_start3A_109, %dma_start3A_110] : memref<4x32xi32, #tpu.memory_space<vmem>> -> memref<1x32xi32, #tpu.memory_space<vmem>>
    %dma_start3A_112 = tpu.memref_squeeze %dma_start3A_111 : memref<1x32xi32, #tpu.memory_space<vmem>> -> memref<32xi32, #tpu.memory_space<vmem>>
    %dma_start3A_113 = arith.constant 0 : i32
    %dma_start3A_114 = arith.constant 0 : i32
    %dma_start3A_115 = tpu.memref_slice %arg7[%dma_start3A_113, %dma_start3A_114] : memref<10240x1024xf32, #tpu.memory_space<hbm>> -> memref<10240x1024xf32, #tpu.memory_space<hbm>>
    tpu.enqueue_indirect_dma source(%arg14 : memref<32x1024xf32, #tpu.memory_space<vmem>>) target(%dma_start3A_115 : memref<10240x1024xf32, #tpu.memory_space<hbm>>) offsets(%dma_start3A_112 : memref<32xi32, #tpu.memory_space<vmem>>) semaphore(%arg20 : memref<!tpu.dma_semaphore, #tpu.memory_space<semaphore_mem>>)
    %dma_start3A_116 = arith.constant 1 : i32
    %dma_start3A_117 = arith.constant 0 : i32
    %dma_start3A_118 = tpu.memref_slice %arg10[%dma_start3A_116, %dma_start3A_117] : memref<4x32xi32, #tpu.memory_space<vmem>> -> memref<1x32xi32, #tpu.memory_space<vmem>>
    %dma_start3A_119 = tpu.memref_squeeze %dma_start3A_118 : memref<1x32xi32, #tpu.memory_space<vmem>> -> memref<32xi32, #tpu.memory_space<vmem>>
    %dma_start3A_120 = arith.constant 0 : i32
    %dma_start3A_121 = arith.constant 0 : i32
    %dma_start3A_122 = tpu.memref_slice %arg7[%dma_start3A_120, %dma_start3A_121] : memref<10240x1024xf32, #tpu.memory_space<hbm>> -> memref<10240x1024xf32, #tpu.memory_space<hbm>>
    tpu.enqueue_indirect_dma source(%arg14 : memref<32x1024xf32, #tpu.memory_space<vmem>>) target(%dma_start3A_122 : memref<10240x1024xf32, #tpu.memory_space<hbm>>) offsets(%dma_start3A_119 : memref<32xi32, #tpu.memory_space<vmem>>) semaphore(%arg23 : memref<!tpu.dma_semaphore, #tpu.memory_space<semaphore_mem>>)
    %dma_wait3A_123 = arith.constant 0 : i32
    %dma_wait3A_124 = arith.constant 0 : i32
    %dma_wait3A_125 = tpu.memref_slice %arg9[%dma_wait3A_123, %dma_wait3A_124] : memref<4x32xi32, #tpu.memory_space<vmem>> -> memref<1x32xi32, #tpu.memory_space<vmem>>
    %dma_wait3A_126 = tpu.memref_squeeze %dma_wait3A_125 : memref<1x32xi32, #tpu.memory_space<vmem>> -> memref<32xi32, #tpu.memory_space<vmem>>
    %dma_wait3A_127 = arith.constant 0 : i32
    %dma_wait3A_128 = arith.constant 0 : i32
    %dma_wait3A_129 = tpu.memref_slice %arg7[%dma_wait3A_127, %dma_wait3A_128] : memref<10240x1024xf32, #tpu.memory_space<hbm>> -> memref<10240x1024xf32, #tpu.memory_space<hbm>>
    tpu.wait_indirect_dma semaphore(%arg19 : memref<!tpu.dma_semaphore, #tpu.memory_space<semaphore_mem>>) src(%arg13 : memref<32x1024xf32, #tpu.memory_space<vmem>>) dst(%dma_wait3A_129 : memref<10240x1024xf32, #tpu.memory_space<hbm>>)
    %dma_wait3A_130 = arith.constant 0 : i32
    %dma_wait3A_131 = arith.constant 0 : i32
    %dma_wait3A_132 = tpu.memref_slice %arg10[%dma_wait3A_130, %dma_wait3A_131] : memref<4x32xi32, #tpu.memory_space<vmem>> -> memref<1x32xi32, #tpu.memory_space<vmem>>
    %dma_wait3A_133 = tpu.memref_squeeze %dma_wait3A_132 : memref<1x32xi32, #tpu.memory_space<vmem>> -> memref<32xi32, #tpu.memory_space<vmem>>
    %dma_wait3A_134 = arith.constant 0 : i32
    %dma_wait3A_135 = arith.constant 0 : i32
    %dma_wait3A_136 = tpu.memref_slice %arg7[%dma_wait3A_134, %dma_wait3A_135] : memref<10240x1024xf32, #tpu.memory_space<hbm>> -> memref<10240x1024xf32, #tpu.memory_space<hbm>>
    tpu.wait_indirect_dma semaphore(%arg22 : memref<!tpu.dma_semaphore, #tpu.memory_space<semaphore_mem>>) src(%arg13 : memref<32x1024xf32, #tpu.memory_space<vmem>>) dst(%dma_wait3A_136 : memref<10240x1024xf32, #tpu.memory_space<hbm>>)
    %add3A_137 = arith.constant 96 : i32
    %add3A_138 = arith.addi %mul3A_2, %add3A_137 : i32
    %dma_start3A_139 = arith.constant 0 : i32
    %dma_start3A_140 = tpu.memref_slice %arg2[%add3A_138, %dma_start3A_139] : memref<4096x1024xf32, #tpu.memory_space<hbm>> -> memref<32x1024xf32, #tpu.memory_space<hbm>>
    %dma_start3A_141 = arith.constant 0 : i32
    %dma_start3A_142 = tpu.memref_slice %arg2[%add3A_138, %dma_start3A_141] : memref<4096x1024xf32, #tpu.memory_space<hbm>> -> memref<32x1024xf32, #tpu.memory_space<hbm>>
    tpu.enqueue_dma source(%dma_start3A_142 : memref<32x1024xf32, #tpu.memory_space<hbm>>) target(%arg13 : memref<32x1024xf32, #tpu.memory_space<vmem>>) target_semaphore(%arg16 : memref<!tpu.dma_semaphore, #tpu.memory_space<semaphore_mem>>)
    %dma_wait3A_143 = arith.constant 0 : i32
    %dma_wait3A_144 = tpu.memref_slice %arg2[%add3A_100, %dma_wait3A_143] : memref<4096x1024xf32, #tpu.memory_space<hbm>> -> memref<32x1024xf32, #tpu.memory_space<hbm>>
    %dma_wait3A_145 = arith.constant 0 : i32
    %dma_wait3A_146 = tpu.memref_slice %arg2[%add3A_100, %dma_wait3A_145] : memref<4096x1024xf32, #tpu.memory_space<hbm>> -> memref<32x1024xf32, #tpu.memory_space<hbm>>
    tpu.wait_dma2 semaphore(%arg18 : memref<!tpu.dma_semaphore, #tpu.memory_space<semaphore_mem>>) src(%dma_wait3A_146 : memref<32x1024xf32, #tpu.memory_space<hbm>>) dst(%arg15 : memref<32x1024xf32, #tpu.memory_space<vmem>>)
    %dma_start3A_147 = arith.constant 2 : i32
    %dma_start3A_148 = arith.constant 0 : i32
    %dma_start3A_149 = tpu.memref_slice %arg9[%dma_start3A_147, %dma_start3A_148] : memref<4x32xi32, #tpu.memory_space<vmem>> -> memref<1x32xi32, #tpu.memory_space<vmem>>
    %dma_start3A_150 = tpu.memref_squeeze %dma_start3A_149 : memref<1x32xi32, #tpu.memory_space<vmem>> -> memref<32xi32, #tpu.memory_space<vmem>>
    %dma_start3A_151 = arith.constant 0 : i32
    %dma_start3A_152 = arith.constant 0 : i32
    %dma_start3A_153 = tpu.memref_slice %arg7[%dma_start3A_151, %dma_start3A_152] : memref<10240x1024xf32, #tpu.memory_space<hbm>> -> memref<10240x1024xf32, #tpu.memory_space<hbm>>
    tpu.enqueue_indirect_dma source(%arg15 : memref<32x1024xf32, #tpu.memory_space<vmem>>) target(%dma_start3A_153 : memref<10240x1024xf32, #tpu.memory_space<hbm>>) offsets(%dma_start3A_150 : memref<32xi32, #tpu.memory_space<vmem>>) semaphore(%arg21 : memref<!tpu.dma_semaphore, #tpu.memory_space<semaphore_mem>>)
    %dma_start3A_154 = arith.constant 2 : i32
    %dma_start3A_155 = arith.constant 0 : i32
    %dma_start3A_156 = tpu.memref_slice %arg10[%dma_start3A_154, %dma_start3A_155] : memref<4x32xi32, #tpu.memory_space<vmem>> -> memref<1x32xi32, #tpu.memory_space<vmem>>
    %dma_start3A_157 = tpu.memref_squeeze %dma_start3A_156 : memref<1x32xi32, #tpu.memory_space<vmem>> -> memref<32xi32, #tpu.memory_space<vmem>>
    %dma_start3A_158 = arith.constant 0 : i32
    %dma_start3A_159 = arith.constant 0 : i32
    %dma_start3A_160 = tpu.memref_slice %arg7[%dma_start3A_158, %dma_start3A_159] : memref<10240x1024xf32, #tpu.memory_space<hbm>> -> memref<10240x1024xf32, #tpu.memory_space<hbm>>
    tpu.enqueue_indirect_dma source(%arg15 : memref<32x1024xf32, #tpu.memory_space<vmem>>) target(%dma_start3A_160 : memref<10240x1024xf32, #tpu.memory_space<hbm>>) offsets(%dma_start3A_157 : memref<32xi32, #tpu.memory_space<vmem>>) semaphore(%arg24 : memref<!tpu.dma_semaphore, #tpu.memory_space<semaphore_mem>>)
    %dma_wait3A_161 = arith.constant 0 : i32
    %dma_wait3A_162 = tpu.memref_slice %arg2[%add3A_138, %dma_wait3A_161] : memref<4096x1024xf32, #tpu.memory_space<hbm>> -> memref<32x1024xf32, #tpu.memory_space<hbm>>
    %dma_wait3A_163 = arith.constant 0 : i32
    %dma_wait3A_164 = tpu.memref_slice %arg2[%add3A_138, %dma_wait3A_163] : memref<4096x1024xf32, #tpu.memory_space<hbm>> -> memref<32x1024xf32, #tpu.memory_space<hbm>>
    tpu.wait_dma2 semaphore(%arg16 : memref<!tpu.dma_semaphore, #tpu.memory_space<semaphore_mem>>) src(%dma_wait3A_164 : memref<32x1024xf32, #tpu.memory_space<hbm>>) dst(%arg13 : memref<32x1024xf32, #tpu.memory_space<vmem>>)
    %dma_start3A_165 = arith.constant 3 : i32
    %dma_start3A_166 = arith.constant 0 : i32
    %dma_start3A_167 = tpu.memref_slice %arg9[%dma_start3A_165, %dma_start3A_166] : memref<4x32xi32, #tpu.memory_space<vmem>> -> memref<1x32xi32, #tpu.memory_space<vmem>>
    %dma_start3A_168 = tpu.memref_squeeze %dma_start3A_167 : memref<1x32xi32, #tpu.memory_space<vmem>> -> memref<32xi32, #tpu.memory_space<vmem>>
    %dma_start3A_169 = arith.constant 0 : i32
    %dma_start3A_170 = arith.constant 0 : i32
    %dma_start3A_171 = tpu.memref_slice %arg7[%dma_start3A_169, %dma_start3A_170] : memref<10240x1024xf32, #tpu.memory_space<hbm>> -> memref<10240x1024xf32, #tpu.memory_space<hbm>>
    tpu.enqueue_indirect_dma source(%arg13 : memref<32x1024xf32, #tpu.memory_space<vmem>>) target(%dma_start3A_171 : memref<10240x1024xf32, #tpu.memory_space<hbm>>) offsets(%dma_start3A_168 : memref<32xi32, #tpu.memory_space<vmem>>) semaphore(%arg19 : memref<!tpu.dma_semaphore, #tpu.memory_space<semaphore_mem>>)
    %dma_start3A_172 = arith.constant 3 : i32
    %dma_start3A_173 = arith.constant 0 : i32
    %dma_start3A_174 = tpu.memref_slice %arg10[%dma_start3A_172, %dma_start3A_173] : memref<4x32xi32, #tpu.memory_space<vmem>> -> memref<1x32xi32, #tpu.memory_space<vmem>>
    %dma_start3A_175 = tpu.memref_squeeze %dma_start3A_174 : memref<1x32xi32, #tpu.memory_space<vmem>> -> memref<32xi32, #tpu.memory_space<vmem>>
    %dma_start3A_176 = arith.constant 0 : i32
    %dma_start3A_177 = arith.constant 0 : i32
    %dma_start3A_178 = tpu.memref_slice %arg7[%dma_start3A_176, %dma_start3A_177] : memref<10240x1024xf32, #tpu.memory_space<hbm>> -> memref<10240x1024xf32, #tpu.memory_space<hbm>>
    tpu.enqueue_indirect_dma source(%arg13 : memref<32x1024xf32, #tpu.memory_space<vmem>>) target(%dma_start3A_178 : memref<10240x1024xf32, #tpu.memory_space<hbm>>) offsets(%dma_start3A_175 : memref<32xi32, #tpu.memory_space<vmem>>) semaphore(%arg22 : memref<!tpu.dma_semaphore, #tpu.memory_space<semaphore_mem>>)
    %dma_wait3A_179 = arith.constant 1 : i32
    %dma_wait3A_180 = arith.constant 0 : i32
    %dma_wait3A_181 = tpu.memref_slice %arg9[%dma_wait3A_179, %dma_wait3A_180] : memref<4x32xi32, #tpu.memory_space<vmem>> -> memref<1x32xi32, #tpu.memory_space<vmem>>
    %dma_wait3A_182 = tpu.memref_squeeze %dma_wait3A_181 : memref<1x32xi32, #tpu.memory_space<vmem>> -> memref<32xi32, #tpu.memory_space<vmem>>
    %dma_wait3A_183 = arith.constant 0 : i32
    %dma_wait3A_184 = arith.constant 0 : i32
    %dma_wait3A_185 = tpu.memref_slice %arg7[%dma_wait3A_183, %dma_wait3A_184] : memref<10240x1024xf32, #tpu.memory_space<hbm>> -> memref<10240x1024xf32, #tpu.memory_space<hbm>>
    tpu.wait_indirect_dma semaphore(%arg20 : memref<!tpu.dma_semaphore, #tpu.memory_space<semaphore_mem>>) src(%arg14 : memref<32x1024xf32, #tpu.memory_space<vmem>>) dst(%dma_wait3A_185 : memref<10240x1024xf32, #tpu.memory_space<hbm>>)
    %dma_wait3A_186 = arith.constant 1 : i32
    %dma_wait3A_187 = arith.constant 0 : i32
    %dma_wait3A_188 = tpu.memref_slice %arg10[%dma_wait3A_186, %dma_wait3A_187] : memref<4x32xi32, #tpu.memory_space<vmem>> -> memref<1x32xi32, #tpu.memory_space<vmem>>
    %dma_wait3A_189 = tpu.memref_squeeze %dma_wait3A_188 : memref<1x32xi32, #tpu.memory_space<vmem>> -> memref<32xi32, #tpu.memory_space<vmem>>
    %dma_wait3A_190 = arith.constant 0 : i32
    %dma_wait3A_191 = arith.constant 0 : i32
    %dma_wait3A_192 = tpu.memref_slice %arg7[%dma_wait3A_190, %dma_wait3A_191] : memref<10240x1024xf32, #tpu.memory_space<hbm>> -> memref<10240x1024xf32, #tpu.memory_space<hbm>>
    tpu.wait_indirect_dma semaphore(%arg23 : memref<!tpu.dma_semaphore, #tpu.memory_space<semaphore_mem>>) src(%arg14 : memref<32x1024xf32, #tpu.memory_space<vmem>>) dst(%dma_wait3A_192 : memref<10240x1024xf32, #tpu.memory_space<hbm>>)
    %dma_wait3A_193 = arith.constant 2 : i32
    %dma_wait3A_194 = arith.constant 0 : i32
    %dma_wait3A_195 = tpu.memref_slice %arg9[%dma_wait3A_193, %dma_wait3A_194] : memref<4x32xi32, #tpu.memory_space<vmem>> -> memref<1x32xi32, #tpu.memory_space<vmem>>
    %dma_wait3A_196 = tpu.memref_squeeze %dma_wait3A_195 : memref<1x32xi32, #tpu.memory_space<vmem>> -> memref<32xi32, #tpu.memory_space<vmem>>
    %dma_wait3A_197 = arith.constant 0 : i32
    %dma_wait3A_198 = arith.constant 0 : i32
    %dma_wait3A_199 = tpu.memref_slice %arg7[%dma_wait3A_197, %dma_wait3A_198] : memref<10240x1024xf32, #tpu.memory_space<hbm>> -> memref<10240x1024xf32, #tpu.memory_space<hbm>>
    tpu.wait_indirect_dma semaphore(%arg21 : memref<!tpu.dma_semaphore, #tpu.memory_space<semaphore_mem>>) src(%arg15 : memref<32x1024xf32, #tpu.memory_space<vmem>>) dst(%dma_wait3A_199 : memref<10240x1024xf32, #tpu.memory_space<hbm>>)
    %dma_wait3A_200 = arith.constant 2 : i32
    %dma_wait3A_201 = arith.constant 0 : i32
    %dma_wait3A_202 = tpu.memref_slice %arg10[%dma_wait3A_200, %dma_wait3A_201] : memref<4x32xi32, #tpu.memory_space<vmem>> -> memref<1x32xi32, #tpu.memory_space<vmem>>
    %dma_wait3A_203 = tpu.memref_squeeze %dma_wait3A_202 : memref<1x32xi32, #tpu.memory_space<vmem>> -> memref<32xi32, #tpu.memory_space<vmem>>
    %dma_wait3A_204 = arith.constant 0 : i32
    %dma_wait3A_205 = arith.constant 0 : i32
    %dma_wait3A_206 = tpu.memref_slice %arg7[%dma_wait3A_204, %dma_wait3A_205] : memref<10240x1024xf32, #tpu.memory_space<hbm>> -> memref<10240x1024xf32, #tpu.memory_space<hbm>>
    tpu.wait_indirect_dma semaphore(%arg24 : memref<!tpu.dma_semaphore, #tpu.memory_space<semaphore_mem>>) src(%arg15 : memref<32x1024xf32, #tpu.memory_space<vmem>>) dst(%dma_wait3A_206 : memref<10240x1024xf32, #tpu.memory_space<hbm>>)
    %dma_wait3A_207 = arith.constant 3 : i32
    %dma_wait3A_208 = arith.constant 0 : i32
    %dma_wait3A_209 = tpu.memref_slice %arg9[%dma_wait3A_207, %dma_wait3A_208] : memref<4x32xi32, #tpu.memory_space<vmem>> -> memref<1x32xi32, #tpu.memory_space<vmem>>
    %dma_wait3A_210 = tpu.memref_squeeze %dma_wait3A_209 : memref<1x32xi32, #tpu.memory_space<vmem>> -> memref<32xi32, #tpu.memory_space<vmem>>
    %dma_wait3A_211 = arith.constant 0 : i32
    %dma_wait3A_212 = arith.constant 0 : i32
    %dma_wait3A_213 = tpu.memref_slice %arg7[%dma_wait3A_211, %dma_wait3A_212] : memref<10240x1024xf32, #tpu.memory_space<hbm>> -> memref<10240x1024xf32, #tpu.memory_space<hbm>>
    tpu.wait_indirect_dma semaphore(%arg19 : memref<!tpu.dma_semaphore, #tpu.memory_space<semaphore_mem>>) src(%arg13 : memref<32x1024xf32, #tpu.memory_space<vmem>>) dst(%dma_wait3A_213 : memref<10240x1024xf32, #tpu.memory_space<hbm>>)
    %dma_wait3A_214 = arith.constant 3 : i32
    %dma_wait3A_215 = arith.constant 0 : i32
    %dma_wait3A_216 = tpu.memref_slice %arg10[%dma_wait3A_214, %dma_wait3A_215] : memref<4x32xi32, #tpu.memory_space<vmem>> -> memref<1x32xi32, #tpu.memory_space<vmem>>
    %dma_wait3A_217 = tpu.memref_squeeze %dma_wait3A_216 : memref<1x32xi32, #tpu.memory_space<vmem>> -> memref<32xi32, #tpu.memory_space<vmem>>
    %dma_wait3A_218 = arith.constant 0 : i32
    %dma_wait3A_219 = arith.constant 0 : i32
    %dma_wait3A_220 = tpu.memref_slice %arg7[%dma_wait3A_218, %dma_wait3A_219] : memref<10240x1024xf32, #tpu.memory_space<hbm>> -> memref<10240x1024xf32, #tpu.memory_space<hbm>>
    tpu.wait_indirect_dma semaphore(%arg22 : memref<!tpu.dma_semaphore, #tpu.memory_space<semaphore_mem>>) src(%arg13 : memref<32x1024xf32, #tpu.memory_space<vmem>>) dst(%dma_wait3A_220 : memref<10240x1024xf32, #tpu.memory_space<hbm>>)
    %dma_wait3A_221 = arith.constant 0 : i32
    %dma_wait3A_222 = arith.constant 0 : i32
    %dma_wait3A_223 = tpu.memref_slice %arg11[%dma_wait3A_222] : memref<128xf32, #tpu.memory_space<vmem>> -> memref<32xf32, #tpu.memory_space<vmem>>
    %dma_wait3A_224 = arith.constant 0 : i32
    %dma_wait3A_225 = tpu.memref_slice %arg9[%dma_wait3A_221, %dma_wait3A_224] : memref<4x32xi32, #tpu.memory_space<vmem>> -> memref<1x32xi32, #tpu.memory_space<vmem>>
    %dma_wait3A_226 = tpu.memref_squeeze %dma_wait3A_225 : memref<1x32xi32, #tpu.memory_space<vmem>> -> memref<32xi32, #tpu.memory_space<vmem>>
    %dma_wait3A_227 = arith.constant 0 : i32
    %dma_wait3A_228 = tpu.memref_slice %arg8[%dma_wait3A_227] : memref<10240xf32, #tpu.memory_space<hbm>> -> memref<10240xf32, #tpu.memory_space<hbm>>
    tpu.wait_indirect_dma semaphore(%arg25 : memref<!tpu.dma_semaphore, #tpu.memory_space<semaphore_mem>>) src(%dma_wait3A_223 : memref<32xf32, #tpu.memory_space<vmem>>) dst(%dma_wait3A_228 : memref<10240xf32, #tpu.memory_space<hbm>>)
    %dma_wait3A_229 = arith.constant 0 : i32
    %dma_wait3A_230 = arith.constant 0 : i32
    %dma_wait3A_231 = tpu.memref_slice %arg12[%dma_wait3A_230] : memref<128xf32, #tpu.memory_space<vmem>> -> memref<32xf32, #tpu.memory_space<vmem>>
    %dma_wait3A_232 = arith.constant 0 : i32
    %dma_wait3A_233 = tpu.memref_slice %arg10[%dma_wait3A_229, %dma_wait3A_232] : memref<4x32xi32, #tpu.memory_space<vmem>> -> memref<1x32xi32, #tpu.memory_space<vmem>>
    %dma_wait3A_234 = tpu.memref_squeeze %dma_wait3A_233 : memref<1x32xi32, #tpu.memory_space<vmem>> -> memref<32xi32, #tpu.memory_space<vmem>>
    %dma_wait3A_235 = arith.constant 0 : i32
    %dma_wait3A_236 = tpu.memref_slice %arg8[%dma_wait3A_235] : memref<10240xf32, #tpu.memory_space<hbm>> -> memref<10240xf32, #tpu.memory_space<hbm>>
    tpu.wait_indirect_dma semaphore(%arg25 : memref<!tpu.dma_semaphore, #tpu.memory_space<semaphore_mem>>) src(%dma_wait3A_231 : memref<32xf32, #tpu.memory_space<vmem>>) dst(%dma_wait3A_236 : memref<10240xf32, #tpu.memory_space<hbm>>)
    %dma_wait3A_237 = arith.constant 1 : i32
    %dma_wait3A_238 = arith.constant 32 : i32
    %dma_wait3A_239 = tpu.memref_slice %arg11[%dma_wait3A_238] : memref<128xf32, #tpu.memory_space<vmem>> -> memref<32xf32, #tpu.memory_space<vmem>>
    %dma_wait3A_240 = arith.constant 0 : i32
    %dma_wait3A_241 = tpu.memref_slice %arg9[%dma_wait3A_237, %dma_wait3A_240] : memref<4x32xi32, #tpu.memory_space<vmem>> -> memref<1x32xi32, #tpu.memory_space<vmem>>
    %dma_wait3A_242 = tpu.memref_squeeze %dma_wait3A_241 : memref<1x32xi32, #tpu.memory_space<vmem>> -> memref<32xi32, #tpu.memory_space<vmem>>
    %dma_wait3A_243 = arith.constant 0 : i32
    %dma_wait3A_244 = tpu.memref_slice %arg8[%dma_wait3A_243] : memref<10240xf32, #tpu.memory_space<hbm>> -> memref<10240xf32, #tpu.memory_space<hbm>>
    tpu.wait_indirect_dma semaphore(%arg25 : memref<!tpu.dma_semaphore, #tpu.memory_space<semaphore_mem>>) src(%dma_wait3A_239 : memref<32xf32, #tpu.memory_space<vmem>>) dst(%dma_wait3A_244 : memref<10240xf32, #tpu.memory_space<hbm>>)
    %dma_wait3A_245 = arith.constant 1 : i32
    %dma_wait3A_246 = arith.constant 32 : i32
    %dma_wait3A_247 = tpu.memref_slice %arg12[%dma_wait3A_246] : memref<128xf32, #tpu.memory_space<vmem>> -> memref<32xf32, #tpu.memory_space<vmem>>
    %dma_wait3A_248 = arith.constant 0 : i32
    %dma_wait3A_249 = tpu.memref_slice %arg10[%dma_wait3A_245, %dma_wait3A_248] : memref<4x32xi32, #tpu.memory_space<vmem>> -> memref<1x32xi32, #tpu.memory_space<vmem>>
    %dma_wait3A_250 = tpu.memref_squeeze %dma_wait3A_249 : memref<1x32xi32, #tpu.memory_space<vmem>> -> memref<32xi32, #tpu.memory_space<vmem>>
    %dma_wait3A_251 = arith.constant 0 : i32
    %dma_wait3A_252 = tpu.memref_slice %arg8[%dma_wait3A_251] : memref<10240xf32, #tpu.memory_space<hbm>> -> memref<10240xf32, #tpu.memory_space<hbm>>
    tpu.wait_indirect_dma semaphore(%arg25 : memref<!tpu.dma_semaphore, #tpu.memory_space<semaphore_mem>>) src(%dma_wait3A_247 : memref<32xf32, #tpu.memory_space<vmem>>) dst(%dma_wait3A_252 : memref<10240xf32, #tpu.memory_space<hbm>>)
    %dma_wait3A_253 = arith.constant 2 : i32
    %dma_wait3A_254 = arith.constant 64 : i32
    %dma_wait3A_255 = tpu.memref_slice %arg11[%dma_wait3A_254] : memref<128xf32, #tpu.memory_space<vmem>> -> memref<32xf32, #tpu.memory_space<vmem>>
    %dma_wait3A_256 = arith.constant 0 : i32
    %dma_wait3A_257 = tpu.memref_slice %arg9[%dma_wait3A_253, %dma_wait3A_256] : memref<4x32xi32, #tpu.memory_space<vmem>> -> memref<1x32xi32, #tpu.memory_space<vmem>>
    %dma_wait3A_258 = tpu.memref_squeeze %dma_wait3A_257 : memref<1x32xi32, #tpu.memory_space<vmem>> -> memref<32xi32, #tpu.memory_space<vmem>>
    %dma_wait3A_259 = arith.constant 0 : i32
    %dma_wait3A_260 = tpu.memref_slice %arg8[%dma_wait3A_259] : memref<10240xf32, #tpu.memory_space<hbm>> -> memref<10240xf32, #tpu.memory_space<hbm>>
    tpu.wait_indirect_dma semaphore(%arg25 : memref<!tpu.dma_semaphore, #tpu.memory_space<semaphore_mem>>) src(%dma_wait3A_255 : memref<32xf32, #tpu.memory_space<vmem>>) dst(%dma_wait3A_260 : memref<10240xf32, #tpu.memory_space<hbm>>)
    %dma_wait3A_261 = arith.constant 2 : i32
    %dma_wait3A_262 = arith.constant 64 : i32
    %dma_wait3A_263 = tpu.memref_slice %arg12[%dma_wait3A_262] : memref<128xf32, #tpu.memory_space<vmem>> -> memref<32xf32, #tpu.memory_space<vmem>>
    %dma_wait3A_264 = arith.constant 0 : i32
    %dma_wait3A_265 = tpu.memref_slice %arg10[%dma_wait3A_261, %dma_wait3A_264] : memref<4x32xi32, #tpu.memory_space<vmem>> -> memref<1x32xi32, #tpu.memory_space<vmem>>
    %dma_wait3A_266 = tpu.memref_squeeze %dma_wait3A_265 : memref<1x32xi32, #tpu.memory_space<vmem>> -> memref<32xi32, #tpu.memory_space<vmem>>
    %dma_wait3A_267 = arith.constant 0 : i32
    %dma_wait3A_268 = tpu.memref_slice %arg8[%dma_wait3A_267] : memref<10240xf32, #tpu.memory_space<hbm>> -> memref<10240xf32, #tpu.memory_space<hbm>>
    tpu.wait_indirect_dma semaphore(%arg25 : memref<!tpu.dma_semaphore, #tpu.memory_space<semaphore_mem>>) src(%dma_wait3A_263 : memref<32xf32, #tpu.memory_space<vmem>>) dst(%dma_wait3A_268 : memref<10240xf32, #tpu.memory_space<hbm>>)
    %dma_wait3A_269 = arith.constant 3 : i32
    %dma_wait3A_270 = arith.constant 96 : i32
    %dma_wait3A_271 = tpu.memref_slice %arg11[%dma_wait3A_270] : memref<128xf32, #tpu.memory_space<vmem>> -> memref<32xf32, #tpu.memory_space<vmem>>
    %dma_wait3A_272 = arith.constant 0 : i32
    %dma_wait3A_273 = tpu.memref_slice %arg9[%dma_wait3A_269, %dma_wait3A_272] : memref<4x32xi32, #tpu.memory_space<vmem>> -> memref<1x32xi32, #tpu.memory_space<vmem>>
    %dma_wait3A_274 = tpu.memref_squeeze %dma_wait3A_273 : memref<1x32xi32, #tpu.memory_space<vmem>> -> memref<32xi32, #tpu.memory_space<vmem>>
    %dma_wait3A_275 = arith.constant 0 : i32
    %dma_wait3A_276 = tpu.memref_slice %arg8[%dma_wait3A_275] : memref<10240xf32, #tpu.memory_space<hbm>> -> memref<10240xf32, #tpu.memory_space<hbm>>
    tpu.wait_indirect_dma semaphore(%arg25 : memref<!tpu.dma_semaphore, #tpu.memory_space<semaphore_mem>>) src(%dma_wait3A_271 : memref<32xf32, #tpu.memory_space<vmem>>) dst(%dma_wait3A_276 : memref<10240xf32, #tpu.memory_space<hbm>>)
    %dma_wait3A_277 = arith.constant 3 : i32
    %dma_wait3A_278 = arith.constant 96 : i32
    %dma_wait3A_279 = tpu.memref_slice %arg12[%dma_wait3A_278] : memref<128xf32, #tpu.memory_space<vmem>> -> memref<32xf32, #tpu.memory_space<vmem>>
    %dma_wait3A_280 = arith.constant 0 : i32
    %dma_wait3A_281 = tpu.memref_slice %arg10[%dma_wait3A_277, %dma_wait3A_280] : memref<4x32xi32, #tpu.memory_space<vmem>> -> memref<1x32xi32, #tpu.memory_space<vmem>>
    %dma_wait3A_282 = tpu.memref_squeeze %dma_wait3A_281 : memref<1x32xi32, #tpu.memory_space<vmem>> -> memref<32xi32, #tpu.memory_space<vmem>>
    %dma_wait3A_283 = arith.constant 0 : i32
    %dma_wait3A_284 = tpu.memref_slice %arg8[%dma_wait3A_283] : memref<10240xf32, #tpu.memory_space<hbm>> -> memref<10240xf32, #tpu.memory_space<hbm>>
    tpu.wait_indirect_dma semaphore(%arg25 : memref<!tpu.dma_semaphore, #tpu.memory_space<semaphore_mem>>) src(%dma_wait3A_279 : memref<32xf32, #tpu.memory_space<vmem>>) dst(%dma_wait3A_284 : memref<10240xf32, #tpu.memory_space<hbm>>)
    return
  }
}

#map = affine_map<(d0, d1) -> (0, 0)>
#map1 = affine_map<(d0, d1) -> (0)>
module attributes {stable_mosaic.version = 14 : i64} {
  func.func @k(%arg0: i32, %arg1: i32, %arg2: memref<10240x1024xf32, #tpu.memory_space<hbm>>, %arg3: memref<4096xi32, #tpu.memory_space<hbm>>, %arg4: memref<4096xi32, #tpu.memory_space<hbm>>, %arg5: memref<4096x1024xf32, #tpu.memory_space<hbm>>, %arg6: memref<128xi32, #tpu.memory_space<vmem>>, %arg7: memref<128xi32, #tpu.memory_space<vmem>>, %arg8: memref<16x1024xf32, #tpu.memory_space<vmem>>, %arg9: memref<16x1024xf32, #tpu.memory_space<vmem>>, %arg10: memref<16x1024xf32, #tpu.memory_space<vmem>>, %arg11: memref<16x1024xf32, #tpu.memory_space<vmem>>, %arg12: memref<!tpu.dma_semaphore, #tpu.memory_space<semaphore_mem>>, %arg13: memref<!tpu.dma_semaphore, #tpu.memory_space<semaphore_mem>>, %arg14: memref<!tpu.dma_semaphore, #tpu.memory_space<semaphore_mem>>, %arg15: memref<!tpu.dma_semaphore, #tpu.memory_space<semaphore_mem>>, %arg16: memref<!tpu.dma_semaphore, #tpu.memory_space<semaphore_mem>>, %arg17: memref<!tpu.dma_semaphore, #tpu.memory_space<semaphore_mem>>) attributes {dimension_semantics = [#tpu.dimension_semantics<core_parallel>, #tpu.dimension_semantics<subcore_parallel>], iteration_bounds = array<i64: 2, 16>, scalar_prefetch = 0 : i64, scratch_operands = 12 : i64, tpu.core_type = #tpu.core_type<sc_vector_subcore>, window_params = [{transform_indices = #map}, {transform_indices = #map1}, {transform_indices = #map1}, {transform_indices = #map}]} {
    %mul3A = arith.constant 2 : i32
    %mul3A_0 = arith.muli %arg1, %mul3A : i32
    %add3A = arith.addi %mul3A_0, %arg0 : i32
    %mul3A_1 = arith.constant 128 : i32
    %mul3A_2 = arith.muli %add3A, %mul3A_1 : i32
    "tpu.region"() ({
      %run_scoped3A = tpu.sem_alloc : memref<!tpu.dma_semaphore, #tpu.memory_space<semaphore_mem>>
      %dma_start3A_288 = tpu.memref_slice %arg3[%mul3A_2] : memref<4096xi32, #tpu.memory_space<hbm>> -> memref<128xi32, #tpu.memory_space<hbm>>
      %dma_start3A_289 = tpu.memref_slice %arg3[%mul3A_2] : memref<4096xi32, #tpu.memory_space<hbm>> -> memref<128xi32, #tpu.memory_space<hbm>>
      tpu.enqueue_dma source(%dma_start3A_289 : memref<128xi32, #tpu.memory_space<hbm>>) target(%arg6 : memref<128xi32, #tpu.memory_space<vmem>>) target_semaphore(%run_scoped3A : memref<!tpu.dma_semaphore, #tpu.memory_space<semaphore_mem>>)
      %dma_wait3A_290 = tpu.memref_slice %arg3[%mul3A_2] : memref<4096xi32, #tpu.memory_space<hbm>> -> memref<128xi32, #tpu.memory_space<hbm>>
      %dma_wait3A_291 = tpu.memref_slice %arg3[%mul3A_2] : memref<4096xi32, #tpu.memory_space<hbm>> -> memref<128xi32, #tpu.memory_space<hbm>>
      tpu.wait_dma2 semaphore(%run_scoped3A : memref<!tpu.dma_semaphore, #tpu.memory_space<semaphore_mem>>) src(%dma_wait3A_291 : memref<128xi32, #tpu.memory_space<hbm>>) dst(%arg6 : memref<128xi32, #tpu.memory_space<vmem>>)
      tpu.yield
    }) : () -> ()
    "tpu.region"() ({
      %run_scoped3A = tpu.sem_alloc : memref<!tpu.dma_semaphore, #tpu.memory_space<semaphore_mem>>
      %dma_start3A_288 = tpu.memref_slice %arg4[%mul3A_2] : memref<4096xi32, #tpu.memory_space<hbm>> -> memref<128xi32, #tpu.memory_space<hbm>>
      %dma_start3A_289 = tpu.memref_slice %arg4[%mul3A_2] : memref<4096xi32, #tpu.memory_space<hbm>> -> memref<128xi32, #tpu.memory_space<hbm>>
      tpu.enqueue_dma source(%dma_start3A_289 : memref<128xi32, #tpu.memory_space<hbm>>) target(%arg7 : memref<128xi32, #tpu.memory_space<vmem>>) target_semaphore(%run_scoped3A : memref<!tpu.dma_semaphore, #tpu.memory_space<semaphore_mem>>)
      %dma_wait3A_290 = tpu.memref_slice %arg4[%mul3A_2] : memref<4096xi32, #tpu.memory_space<hbm>> -> memref<128xi32, #tpu.memory_space<hbm>>
      %dma_wait3A_291 = tpu.memref_slice %arg4[%mul3A_2] : memref<4096xi32, #tpu.memory_space<hbm>> -> memref<128xi32, #tpu.memory_space<hbm>>
      tpu.wait_dma2 semaphore(%run_scoped3A : memref<!tpu.dma_semaphore, #tpu.memory_space<semaphore_mem>>) src(%dma_wait3A_291 : memref<128xi32, #tpu.memory_space<hbm>>) dst(%arg7 : memref<128xi32, #tpu.memory_space<vmem>>)
      tpu.yield
    }) : () -> ()
    %dma_start3A = arith.constant 0 : i32
    %dma_start3A_3 = tpu.memref_slice %arg6[%dma_start3A] : memref<128xi32, #tpu.memory_space<vmem>> -> memref<16xi32, #tpu.memory_space<vmem>>
    %dma_start3A_4 = arith.constant 0 : i32
    %dma_start3A_5 = arith.constant 0 : i32
    %dma_start3A_6 = tpu.memref_slice %arg2[%dma_start3A_4, %dma_start3A_5] : memref<10240x1024xf32, #tpu.memory_space<hbm>> -> memref<10240x1024xf32, #tpu.memory_space<hbm>>
    tpu.enqueue_indirect_dma source(%dma_start3A_6 : memref<10240x1024xf32, #tpu.memory_space<hbm>>) target(%arg8 : memref<16x1024xf32, #tpu.memory_space<vmem>>) offsets(%dma_start3A_3 : memref<16xi32, #tpu.memory_space<vmem>>) semaphore(%arg12 : memref<!tpu.dma_semaphore, #tpu.memory_space<semaphore_mem>>)
    %dma_start3A_7 = arith.constant 0 : i32
    %dma_start3A_8 = tpu.memref_slice %arg7[%dma_start3A_7] : memref<128xi32, #tpu.memory_space<vmem>> -> memref<16xi32, #tpu.memory_space<vmem>>
    %dma_start3A_9 = arith.constant 0 : i32
    %dma_start3A_10 = arith.constant 0 : i32
    %dma_start3A_11 = tpu.memref_slice %arg2[%dma_start3A_9, %dma_start3A_10] : memref<10240x1024xf32, #tpu.memory_space<hbm>> -> memref<10240x1024xf32, #tpu.memory_space<hbm>>
    tpu.enqueue_indirect_dma source(%dma_start3A_11 : memref<10240x1024xf32, #tpu.memory_space<hbm>>) target(%arg10 : memref<16x1024xf32, #tpu.memory_space<vmem>>) offsets(%dma_start3A_8 : memref<16xi32, #tpu.memory_space<vmem>>) semaphore(%arg14 : memref<!tpu.dma_semaphore, #tpu.memory_space<semaphore_mem>>)
    %dma_start3A_12 = arith.constant 16 : i32
    %dma_start3A_13 = tpu.memref_slice %arg6[%dma_start3A_12] : memref<128xi32, #tpu.memory_space<vmem>> -> memref<16xi32, #tpu.memory_space<vmem>>
    %dma_start3A_14 = arith.constant 0 : i32
    %dma_start3A_15 = arith.constant 0 : i32
    %dma_start3A_16 = tpu.memref_slice %arg2[%dma_start3A_14, %dma_start3A_15] : memref<10240x1024xf32, #tpu.memory_space<hbm>> -> memref<10240x1024xf32, #tpu.memory_space<hbm>>
    tpu.enqueue_indirect_dma source(%dma_start3A_16 : memref<10240x1024xf32, #tpu.memory_space<hbm>>) target(%arg9 : memref<16x1024xf32, #tpu.memory_space<vmem>>) offsets(%dma_start3A_13 : memref<16xi32, #tpu.memory_space<vmem>>) semaphore(%arg13 : memref<!tpu.dma_semaphore, #tpu.memory_space<semaphore_mem>>)
    %dma_start3A_17 = arith.constant 16 : i32
    %dma_start3A_18 = tpu.memref_slice %arg7[%dma_start3A_17] : memref<128xi32, #tpu.memory_space<vmem>> -> memref<16xi32, #tpu.memory_space<vmem>>
    %dma_start3A_19 = arith.constant 0 : i32
    %dma_start3A_20 = arith.constant 0 : i32
    %dma_start3A_21 = tpu.memref_slice %arg2[%dma_start3A_19, %dma_start3A_20] : memref<10240x1024xf32, #tpu.memory_space<hbm>> -> memref<10240x1024xf32, #tpu.memory_space<hbm>>
    tpu.enqueue_indirect_dma source(%dma_start3A_21 : memref<10240x1024xf32, #tpu.memory_space<hbm>>) target(%arg11 : memref<16x1024xf32, #tpu.memory_space<vmem>>) offsets(%dma_start3A_18 : memref<16xi32, #tpu.memory_space<vmem>>) semaphore(%arg15 : memref<!tpu.dma_semaphore, #tpu.memory_space<semaphore_mem>>)
    %dma_wait3A = arith.constant 0 : i32
    %dma_wait3A_22 = tpu.memref_slice %arg6[%dma_wait3A] : memref<128xi32, #tpu.memory_space<vmem>> -> memref<16xi32, #tpu.memory_space<vmem>>
    %dma_wait3A_23 = arith.constant 0 : i32
    %dma_wait3A_24 = arith.constant 0 : i32
    %dma_wait3A_25 = tpu.memref_slice %arg2[%dma_wait3A_23, %dma_wait3A_24] : memref<10240x1024xf32, #tpu.memory_space<hbm>> -> memref<10240x1024xf32, #tpu.memory_space<hbm>>
    tpu.wait_indirect_dma semaphore(%arg12 : memref<!tpu.dma_semaphore, #tpu.memory_space<semaphore_mem>>) src(%dma_wait3A_25 : memref<10240x1024xf32, #tpu.memory_space<hbm>>) dst(%arg8 : memref<16x1024xf32, #tpu.memory_space<vmem>>)
    %dma_wait3A_26 = arith.constant 0 : i32
    %dma_wait3A_27 = tpu.memref_slice %arg7[%dma_wait3A_26] : memref<128xi32, #tpu.memory_space<vmem>> -> memref<16xi32, #tpu.memory_space<vmem>>
    %dma_wait3A_28 = arith.constant 0 : i32
    %dma_wait3A_29 = arith.constant 0 : i32
    %dma_wait3A_30 = tpu.memref_slice %arg2[%dma_wait3A_28, %dma_wait3A_29] : memref<10240x1024xf32, #tpu.memory_space<hbm>> -> memref<10240x1024xf32, #tpu.memory_space<hbm>>
    tpu.wait_indirect_dma semaphore(%arg14 : memref<!tpu.dma_semaphore, #tpu.memory_space<semaphore_mem>>) src(%dma_wait3A_30 : memref<10240x1024xf32, #tpu.memory_space<hbm>>) dst(%arg10 : memref<16x1024xf32, #tpu.memory_space<vmem>>)
    %scan3A = arith.constant 0 : i32
    %scan3A_31 = arith.constant 0 : i32
    %scan3A_32 = arith.constant 1024 : i32
    %scan3A_33 = arith.addi %scan3A_31, %scan3A_32 : i32
    %scan3A_34 = arith.constant 8 : i32
    scf.for %scan3A_288 = %scan3A_31 to %scan3A_33 step %scan3A_34  : i32 {
      %jit3A = arith.constant 64 : i32
      %div3A = arith.divsi %scan3A_288, %jit3A : i32
      %sign3A = arith.constant 0 : i32
      %sign3A_289 = arith.cmpi sgt, %scan3A_288, %sign3A : i32
      %sign3A_290 = arith.extui %sign3A_289 : i1 to i32
      %sign3A_291 = arith.constant 0 : i32
      %sign3A_292 = arith.cmpi slt, %scan3A_288, %sign3A_291 : i32
      %sign3A_293 = arith.extui %sign3A_292 : i1 to i32
      %sign3A_294 = arith.subi %sign3A_290, %sign3A_293 : i32
      %sign3A_295 = arith.constant 0 : i32
      %sign3A_296 = arith.cmpi sgt, %jit3A, %sign3A_295 : i32
      %sign3A_297 = arith.extui %sign3A_296 : i1 to i32
      %sign3A_298 = arith.constant 0 : i32
      %sign3A_299 = arith.cmpi slt, %jit3A, %sign3A_298 : i32
      %sign3A_300 = arith.extui %sign3A_299 : i1 to i32
      %sign3A_301 = arith.subi %sign3A_297, %sign3A_300 : i32
      %ne3A = arith.cmpi ne, %sign3A_294, %sign3A_301 : i32
      %rem3A = arith.remsi %scan3A_288, %jit3A : i32
      %ne3A_302 = arith.constant 0 : i32
      %ne3A_303 = arith.cmpi ne, %rem3A, %ne3A_302 : i32
      %and3A = arith.andi %ne3A, %ne3A_303 : i1
      %sub3A = arith.constant 1 : i32
      %sub3A_304 = arith.subi %div3A, %sub3A : i32
      %select_n3A = arith.select %and3A, %sub3A_304, %div3A : i32
      %jit3A_305 = arith.constant 64 : i32
      %eq3A = arith.constant 0 : i32
      %eq3A_306 = arith.cmpi eq, %jit3A_305, %eq3A : i32
      %jit3A_307 = arith.constant 1 : i32
      %select_n3A_308 = arith.select %eq3A_306, %jit3A_307, %jit3A_305 : i32
      %rem3A_309 = arith.remsi %scan3A_288, %select_n3A_308 : i32
      %ne3A_310 = arith.constant 0 : i32
      %ne3A_311 = arith.cmpi ne, %rem3A_309, %ne3A_310 : i32
      %lt3A = arith.constant 0 : i32
      %lt3A_312 = arith.cmpi slt, %rem3A_309, %lt3A : i32
      %lt3A_313 = arith.constant 0 : i32
      %lt3A_314 = arith.cmpi slt, %select_n3A_308, %lt3A_313 : i32
      %ne3A_315 = arith.xori %lt3A_312, %lt3A_314 : i1
      %and3A_316 = arith.andi %ne3A_315, %ne3A_311 : i1
      %add3A_317 = arith.addi %rem3A_309, %select_n3A_308 : i32
      %select_n3A_318 = arith.select %and3A_316, %add3A_317, %rem3A_309 : i32
      %mul3A_319 = arith.constant 16 : i32
      %mul3A_320 = arith.muli %select_n3A_318, %mul3A_319 : i32
      %get3A = arith.index_cast %select_n3A : i32 to index
      %get3A_321 = arith.index_cast %mul3A_320 : i32 to index
      %get3A_322 = tpu.vector_load %arg8[%get3A, %get3A_321] {strides = array<i32>} : memref<16x1024xf32, #tpu.memory_space<vmem>>, vector<1x16xf32>,
      %get3A_323 = vector.shape_cast %get3A_322 : vector<1x16xf32> to vector<16xf32>
      %get3A_324 = arith.index_cast %select_n3A : i32 to index
      %get3A_325 = arith.index_cast %mul3A_320 : i32 to index
      %get3A_326 = tpu.vector_load %arg10[%get3A_324, %get3A_325] {strides = array<i32>} : memref<16x1024xf32, #tpu.memory_space<vmem>>, vector<1x16xf32>,
      %get3A_327 = vector.shape_cast %get3A_326 : vector<1x16xf32> to vector<16xf32>
      %add3A_328 = arith.addf %get3A_323, %get3A_327 : vector<16xf32>
      %swap3A = arith.index_cast %select_n3A : i32 to index
      %swap3A_329 = arith.index_cast %mul3A_320 : i32 to index
      %swap3A_330 = tpu.vector_load %arg8[%swap3A, %swap3A_329] {strides = array<i32>} : memref<16x1024xf32, #tpu.memory_space<vmem>>, vector<1x16xf32>,
      %swap3A_331 = vector.shape_cast %swap3A_330 : vector<1x16xf32> to vector<16xf32>
      %swap3A_332 = vector.shape_cast %add3A_328 : vector<16xf32> to vector<1x16xf32>
      tpu.vector_store %arg8[%swap3A, %swap3A_329], %swap3A_332 {strides = array<i32>} : memref<16x1024xf32, #tpu.memory_space<vmem>>, vector<1x16xf32>,
      %scan3A_333 = arith.constant 1 : i32
      %scan3A_334 = arith.addi %scan3A_288, %scan3A_333 : i32
      %jit3A_335 = arith.constant 64 : i32
      %div3A_336 = arith.divsi %scan3A_334, %jit3A_335 : i32
      %sign3A_337 = arith.constant 0 : i32
      %sign3A_338 = arith.cmpi sgt, %scan3A_334, %sign3A_337 : i32
      %sign3A_339 = arith.extui %sign3A_338 : i1 to i32
      %sign3A_340 = arith.constant 0 : i32
      %sign3A_341 = arith.cmpi slt, %scan3A_334, %sign3A_340 : i32
      %sign3A_342 = arith.extui %sign3A_341 : i1 to i32
      %sign3A_343 = arith.subi %sign3A_339, %sign3A_342 : i32
      %sign3A_344 = arith.constant 0 : i32
      %sign3A_345 = arith.cmpi sgt, %jit3A_335, %sign3A_344 : i32
      %sign3A_346 = arith.extui %sign3A_345 : i1 to i32
      %sign3A_347 = arith.constant 0 : i32
      %sign3A_348 = arith.cmpi slt, %jit3A_335, %sign3A_347 : i32
      %sign3A_349 = arith.extui %sign3A_348 : i1 to i32
      %sign3A_350 = arith.subi %sign3A_346, %sign3A_349 : i32
      %ne3A_351 = arith.cmpi ne, %sign3A_343, %sign3A_350 : i32
      %rem3A_352 = arith.remsi %scan3A_334, %jit3A_335 : i32
      %ne3A_353 = arith.constant 0 : i32
      %ne3A_354 = arith.cmpi ne, %rem3A_352, %ne3A_353 : i32
      %and3A_355 = arith.andi %ne3A_351, %ne3A_354 : i1
      %sub3A_356 = arith.constant 1 : i32
      %sub3A_357 = arith.subi %div3A_336, %sub3A_356 : i32
      %select_n3A_358 = arith.select %and3A_355, %sub3A_357, %div3A_336 : i32
      %jit3A_359 = arith.constant 64 : i32
      %eq3A_360 = arith.constant 0 : i32
      %eq3A_361 = arith.cmpi eq, %jit3A_359, %eq3A_360 : i32
      %jit3A_362 = arith.constant 1 : i32
      %select_n3A_363 = arith.select %eq3A_361, %jit3A_362, %jit3A_359 : i32
      %rem3A_364 = arith.remsi %scan3A_334, %select_n3A_363 : i32
      %ne3A_365 = arith.constant 0 : i32
      %ne3A_366 = arith.cmpi ne, %rem3A_364, %ne3A_365 : i32
      %lt3A_367 = arith.constant 0 : i32
      %lt3A_368 = arith.cmpi slt, %rem3A_364, %lt3A_367 : i32
      %lt3A_369 = arith.constant 0 : i32
      %lt3A_370 = arith.cmpi slt, %select_n3A_363, %lt3A_369 : i32
      %ne3A_371 = arith.xori %lt3A_368, %lt3A_370 : i1
      %and3A_372 = arith.andi %ne3A_371, %ne3A_366 : i1
      %add3A_373 = arith.addi %rem3A_364, %select_n3A_363 : i32
      %select_n3A_374 = arith.select %and3A_372, %add3A_373, %rem3A_364 : i32
      %mul3A_375 = arith.constant 16 : i32
      %mul3A_376 = arith.muli %select_n3A_374, %mul3A_375 : i32
      %get3A_377 = arith.index_cast %select_n3A_358 : i32 to index
      %get3A_378 = arith.index_cast %mul3A_376 : i32 to index
      %get3A_379 = tpu.vector_load %arg8[%get3A_377, %get3A_378] {strides = array<i32>} : memref<16x1024xf32, #tpu.memory_space<vmem>>, vector<1x16xf32>,
      %get3A_380 = vector.shape_cast %get3A_379 : vector<1x16xf32> to vector<16xf32>
      %get3A_381 = arith.index_cast %select_n3A_358 : i32 to index
      %get3A_382 = arith.index_cast %mul3A_376 : i32 to index
      %get3A_383 = tpu.vector_load %arg10[%get3A_381, %get3A_382] {strides = array<i32>} : memref<16x1024xf32, #tpu.memory_space<vmem>>, vector<1x16xf32>,
      %get3A_384 = vector.shape_cast %get3A_383 : vector<1x16xf32> to vector<16xf32>
      %add3A_385 = arith.addf %get3A_380, %get3A_384 : vector<16xf32>
      %swap3A_386 = arith.index_cast %select_n3A_358 : i32 to index
      %swap3A_387 = arith.index_cast %mul3A_376 : i32 to index
      %swap3A_388 = tpu.vector_load %arg8[%swap3A_386, %swap3A_387] {strides = array<i32>} : memref<16x1024xf32, #tpu.memory_space<vmem>>, vector<1x16xf32>,
      %swap3A_389 = vector.shape_cast %swap3A_388 : vector<1x16xf32> to vector<16xf32>
      %swap3A_390 = vector.shape_cast %add3A_385 : vector<16xf32> to vector<1x16xf32>
      tpu.vector_store %arg8[%swap3A_386, %swap3A_387], %swap3A_390 {strides = array<i32>} : memref<16x1024xf32, #tpu.memory_space<vmem>>, vector<1x16xf32>,
      %scan3A_391 = arith.constant 2 : i32
      %scan3A_392 = arith.addi %scan3A_288, %scan3A_391 : i32
      %jit3A_393 = arith.constant 64 : i32
      %div3A_394 = arith.divsi %scan3A_392, %jit3A_393 : i32
      %sign3A_395 = arith.constant 0 : i32
      %sign3A_396 = arith.cmpi sgt, %scan3A_392, %sign3A_395 : i32
      %sign3A_397 = arith.extui %sign3A_396 : i1 to i32
      %sign3A_398 = arith.constant 0 : i32
      %sign3A_399 = arith.cmpi slt, %scan3A_392, %sign3A_398 : i32
      %sign3A_400 = arith.extui %sign3A_399 : i1 to i32
      %sign3A_401 = arith.subi %sign3A_397, %sign3A_400 : i32
      %sign3A_402 = arith.constant 0 : i32
      %sign3A_403 = arith.cmpi sgt, %jit3A_393, %sign3A_402 : i32
      %sign3A_404 = arith.extui %sign3A_403 : i1 to i32
      %sign3A_405 = arith.constant 0 : i32
      %sign3A_406 = arith.cmpi slt, %jit3A_393, %sign3A_405 : i32
      %sign3A_407 = arith.extui %sign3A_406 : i1 to i32
      %sign3A_408 = arith.subi %sign3A_404, %sign3A_407 : i32
      %ne3A_409 = arith.cmpi ne, %sign3A_401, %sign3A_408 : i32
      %rem3A_410 = arith.remsi %scan3A_392, %jit3A_393 : i32
      %ne3A_411 = arith.constant 0 : i32
      %ne3A_412 = arith.cmpi ne, %rem3A_410, %ne3A_411 : i32
      %and3A_413 = arith.andi %ne3A_409, %ne3A_412 : i1
      %sub3A_414 = arith.constant 1 : i32
      %sub3A_415 = arith.subi %div3A_394, %sub3A_414 : i32
      %select_n3A_416 = arith.select %and3A_413, %sub3A_415, %div3A_394 : i32
      %jit3A_417 = arith.constant 64 : i32
      %eq3A_418 = arith.constant 0 : i32
      %eq3A_419 = arith.cmpi eq, %jit3A_417, %eq3A_418 : i32
      %jit3A_420 = arith.constant 1 : i32
      %select_n3A_421 = arith.select %eq3A_419, %jit3A_420, %jit3A_417 : i32
      %rem3A_422 = arith.remsi %scan3A_392, %select_n3A_421 : i32
      %ne3A_423 = arith.constant 0 : i32
      %ne3A_424 = arith.cmpi ne, %rem3A_422, %ne3A_423 : i32
      %lt3A_425 = arith.constant 0 : i32
      %lt3A_426 = arith.cmpi slt, %rem3A_422, %lt3A_425 : i32
      %lt3A_427 = arith.constant 0 : i32
      %lt3A_428 = arith.cmpi slt, %select_n3A_421, %lt3A_427 : i32
      %ne3A_429 = arith.xori %lt3A_426, %lt3A_428 : i1
      %and3A_430 = arith.andi %ne3A_429, %ne3A_424 : i1
      %add3A_431 = arith.addi %rem3A_422, %select_n3A_421 : i32
      %select_n3A_432 = arith.select %and3A_430, %add3A_431, %rem3A_422 : i32
      %mul3A_433 = arith.constant 16 : i32
      %mul3A_434 = arith.muli %select_n3A_432, %mul3A_433 : i32
      %get3A_435 = arith.index_cast %select_n3A_416 : i32 to index
      %get3A_436 = arith.index_cast %mul3A_434 : i32 to index
      %get3A_437 = tpu.vector_load %arg8[%get3A_435, %get3A_436] {strides = array<i32>} : memref<16x1024xf32, #tpu.memory_space<vmem>>, vector<1x16xf32>,
      %get3A_438 = vector.shape_cast %get3A_437 : vector<1x16xf32> to vector<16xf32>
      %get3A_439 = arith.index_cast %select_n3A_416 : i32 to index
      %get3A_440 = arith.index_cast %mul3A_434 : i32 to index
      %get3A_441 = tpu.vector_load %arg10[%get3A_439, %get3A_440] {strides = array<i32>} : memref<16x1024xf32, #tpu.memory_space<vmem>>, vector<1x16xf32>,
      %get3A_442 = vector.shape_cast %get3A_441 : vector<1x16xf32> to vector<16xf32>
      %add3A_443 = arith.addf %get3A_438, %get3A_442 : vector<16xf32>
      %swap3A_444 = arith.index_cast %select_n3A_416 : i32 to index
      %swap3A_445 = arith.index_cast %mul3A_434 : i32 to index
      %swap3A_446 = tpu.vector_load %arg8[%swap3A_444, %swap3A_445] {strides = array<i32>} : memref<16x1024xf32, #tpu.memory_space<vmem>>, vector<1x16xf32>,
      %swap3A_447 = vector.shape_cast %swap3A_446 : vector<1x16xf32> to vector<16xf32>
      %swap3A_448 = vector.shape_cast %add3A_443 : vector<16xf32> to vector<1x16xf32>
      tpu.vector_store %arg8[%swap3A_444, %swap3A_445], %swap3A_448 {strides = array<i32>} : memref<16x1024xf32, #tpu.memory_space<vmem>>, vector<1x16xf32>,
      %scan3A_449 = arith.constant 3 : i32
      %scan3A_450 = arith.addi %scan3A_288, %scan3A_449 : i32
      %jit3A_451 = arith.constant 64 : i32
      %div3A_452 = arith.divsi %scan3A_450, %jit3A_451 : i32
      %sign3A_453 = arith.constant 0 : i32
      %sign3A_454 = arith.cmpi sgt, %scan3A_450, %sign3A_453 : i32
      %sign3A_455 = arith.extui %sign3A_454 : i1 to i32
      %sign3A_456 = arith.constant 0 : i32
      %sign3A_457 = arith.cmpi slt, %scan3A_450, %sign3A_456 : i32
      %sign3A_458 = arith.extui %sign3A_457 : i1 to i32
      %sign3A_459 = arith.subi %sign3A_455, %sign3A_458 : i32
      %sign3A_460 = arith.constant 0 : i32
      %sign3A_461 = arith.cmpi sgt, %jit3A_451, %sign3A_460 : i32
      %sign3A_462 = arith.extui %sign3A_461 : i1 to i32
      %sign3A_463 = arith.constant 0 : i32
      %sign3A_464 = arith.cmpi slt, %jit3A_451, %sign3A_463 : i32
      %sign3A_465 = arith.extui %sign3A_464 : i1 to i32
      %sign3A_466 = arith.subi %sign3A_462, %sign3A_465 : i32
      %ne3A_467 = arith.cmpi ne, %sign3A_459, %sign3A_466 : i32
      %rem3A_468 = arith.remsi %scan3A_450, %jit3A_451 : i32
      %ne3A_469 = arith.constant 0 : i32
      %ne3A_470 = arith.cmpi ne, %rem3A_468, %ne3A_469 : i32
      %and3A_471 = arith.andi %ne3A_467, %ne3A_470 : i1
      %sub3A_472 = arith.constant 1 : i32
      %sub3A_473 = arith.subi %div3A_452, %sub3A_472 : i32
      %select_n3A_474 = arith.select %and3A_471, %sub3A_473, %div3A_452 : i32
      %jit3A_475 = arith.constant 64 : i32
      %eq3A_476 = arith.constant 0 : i32
      %eq3A_477 = arith.cmpi eq, %jit3A_475, %eq3A_476 : i32
      %jit3A_478 = arith.constant 1 : i32
      %select_n3A_479 = arith.select %eq3A_477, %jit3A_478, %jit3A_475 : i32
      %rem3A_480 = arith.remsi %scan3A_450, %select_n3A_479 : i32
      %ne3A_481 = arith.constant 0 : i32
      %ne3A_482 = arith.cmpi ne, %rem3A_480, %ne3A_481 : i32
      %lt3A_483 = arith.constant 0 : i32
      %lt3A_484 = arith.cmpi slt, %rem3A_480, %lt3A_483 : i32
      %lt3A_485 = arith.constant 0 : i32
      %lt3A_486 = arith.cmpi slt, %select_n3A_479, %lt3A_485 : i32
      %ne3A_487 = arith.xori %lt3A_484, %lt3A_486 : i1
      %and3A_488 = arith.andi %ne3A_487, %ne3A_482 : i1
      %add3A_489 = arith.addi %rem3A_480, %select_n3A_479 : i32
      %select_n3A_490 = arith.select %and3A_488, %add3A_489, %rem3A_480 : i32
      %mul3A_491 = arith.constant 16 : i32
      %mul3A_492 = arith.muli %select_n3A_490, %mul3A_491 : i32
      %get3A_493 = arith.index_cast %select_n3A_474 : i32 to index
      %get3A_494 = arith.index_cast %mul3A_492 : i32 to index
      %get3A_495 = tpu.vector_load %arg8[%get3A_493, %get3A_494] {strides = array<i32>} : memref<16x1024xf32, #tpu.memory_space<vmem>>, vector<1x16xf32>,
      %get3A_496 = vector.shape_cast %get3A_495 : vector<1x16xf32> to vector<16xf32>
      %get3A_497 = arith.index_cast %select_n3A_474 : i32 to index
      %get3A_498 = arith.index_cast %mul3A_492 : i32 to index
      %get3A_499 = tpu.vector_load %arg10[%get3A_497, %get3A_498] {strides = array<i32>} : memref<16x1024xf32, #tpu.memory_space<vmem>>, vector<1x16xf32>,
      %get3A_500 = vector.shape_cast %get3A_499 : vector<1x16xf32> to vector<16xf32>
      %add3A_501 = arith.addf %get3A_496, %get3A_500 : vector<16xf32>
      %swap3A_502 = arith.index_cast %select_n3A_474 : i32 to index
      %swap3A_503 = arith.index_cast %mul3A_492 : i32 to index
      %swap3A_504 = tpu.vector_load %arg8[%swap3A_502, %swap3A_503] {strides = array<i32>} : memref<16x1024xf32, #tpu.memory_space<vmem>>, vector<1x16xf32>,
      %swap3A_505 = vector.shape_cast %swap3A_504 : vector<1x16xf32> to vector<16xf32>
      %swap3A_506 = vector.shape_cast %add3A_501 : vector<16xf32> to vector<1x16xf32>
      tpu.vector_store %arg8[%swap3A_502, %swap3A_503], %swap3A_506 {strides = array<i32>} : memref<16x1024xf32, #tpu.memory_space<vmem>>, vector<1x16xf32>,
      %scan3A_507 = arith.constant 4 : i32
      %scan3A_508 = arith.addi %scan3A_288, %scan3A_507 : i32
      %jit3A_509 = arith.constant 64 : i32
      %div3A_510 = arith.divsi %scan3A_508, %jit3A_509 : i32
      %sign3A_511 = arith.constant 0 : i32
      %sign3A_512 = arith.cmpi sgt, %scan3A_508, %sign3A_511 : i32
      %sign3A_513 = arith.extui %sign3A_512 : i1 to i32
      %sign3A_514 = arith.constant 0 : i32
      %sign3A_515 = arith.cmpi slt, %scan3A_508, %sign3A_514 : i32
      %sign3A_516 = arith.extui %sign3A_515 : i1 to i32
      %sign3A_517 = arith.subi %sign3A_513, %sign3A_516 : i32
      %sign3A_518 = arith.constant 0 : i32
      %sign3A_519 = arith.cmpi sgt, %jit3A_509, %sign3A_518 : i32
      %sign3A_520 = arith.extui %sign3A_519 : i1 to i32
      %sign3A_521 = arith.constant 0 : i32
      %sign3A_522 = arith.cmpi slt, %jit3A_509, %sign3A_521 : i32
      %sign3A_523 = arith.extui %sign3A_522 : i1 to i32
      %sign3A_524 = arith.subi %sign3A_520, %sign3A_523 : i32
      %ne3A_525 = arith.cmpi ne, %sign3A_517, %sign3A_524 : i32
      %rem3A_526 = arith.remsi %scan3A_508, %jit3A_509 : i32
      %ne3A_527 = arith.constant 0 : i32
      %ne3A_528 = arith.cmpi ne, %rem3A_526, %ne3A_527 : i32
      %and3A_529 = arith.andi %ne3A_525, %ne3A_528 : i1
      %sub3A_530 = arith.constant 1 : i32
      %sub3A_531 = arith.subi %div3A_510, %sub3A_530 : i32
      %select_n3A_532 = arith.select %and3A_529, %sub3A_531, %div3A_510 : i32
      %jit3A_533 = arith.constant 64 : i32
      %eq3A_534 = arith.constant 0 : i32
      %eq3A_535 = arith.cmpi eq, %jit3A_533, %eq3A_534 : i32
      %jit3A_536 = arith.constant 1 : i32
      %select_n3A_537 = arith.select %eq3A_535, %jit3A_536, %jit3A_533 : i32
      %rem3A_538 = arith.remsi %scan3A_508, %select_n3A_537 : i32
      %ne3A_539 = arith.constant 0 : i32
      %ne3A_540 = arith.cmpi ne, %rem3A_538, %ne3A_539 : i32
      %lt3A_541 = arith.constant 0 : i32
      %lt3A_542 = arith.cmpi slt, %rem3A_538, %lt3A_541 : i32
      %lt3A_543 = arith.constant 0 : i32
      %lt3A_544 = arith.cmpi slt, %select_n3A_537, %lt3A_543 : i32
      %ne3A_545 = arith.xori %lt3A_542, %lt3A_544 : i1
      %and3A_546 = arith.andi %ne3A_545, %ne3A_540 : i1
      %add3A_547 = arith.addi %rem3A_538, %select_n3A_537 : i32
      %select_n3A_548 = arith.select %and3A_546, %add3A_547, %rem3A_538 : i32
      %mul3A_549 = arith.constant 16 : i32
      %mul3A_550 = arith.muli %select_n3A_548, %mul3A_549 : i32
      %get3A_551 = arith.index_cast %select_n3A_532 : i32 to index
      %get3A_552 = arith.index_cast %mul3A_550 : i32 to index
      %get3A_553 = tpu.vector_load %arg8[%get3A_551, %get3A_552] {strides = array<i32>} : memref<16x1024xf32, #tpu.memory_space<vmem>>, vector<1x16xf32>,
      %get3A_554 = vector.shape_cast %get3A_553 : vector<1x16xf32> to vector<16xf32>
      %get3A_555 = arith.index_cast %select_n3A_532 : i32 to index
      %get3A_556 = arith.index_cast %mul3A_550 : i32 to index
      %get3A_557 = tpu.vector_load %arg10[%get3A_555, %get3A_556] {strides = array<i32>} : memref<16x1024xf32, #tpu.memory_space<vmem>>, vector<1x16xf32>,
      %get3A_558 = vector.shape_cast %get3A_557 : vector<1x16xf32> to vector<16xf32>
      %add3A_559 = arith.addf %get3A_554, %get3A_558 : vector<16xf32>
      %swap3A_560 = arith.index_cast %select_n3A_532 : i32 to index
      %swap3A_561 = arith.index_cast %mul3A_550 : i32 to index
      %swap3A_562 = tpu.vector_load %arg8[%swap3A_560, %swap3A_561] {strides = array<i32>} : memref<16x1024xf32, #tpu.memory_space<vmem>>, vector<1x16xf32>,
      %swap3A_563 = vector.shape_cast %swap3A_562 : vector<1x16xf32> to vector<16xf32>
      %swap3A_564 = vector.shape_cast %add3A_559 : vector<16xf32> to vector<1x16xf32>
      tpu.vector_store %arg8[%swap3A_560, %swap3A_561], %swap3A_564 {strides = array<i32>} : memref<16x1024xf32, #tpu.memory_space<vmem>>, vector<1x16xf32>,
      %scan3A_565 = arith.constant 5 : i32
      %scan3A_566 = arith.addi %scan3A_288, %scan3A_565 : i32
      %jit3A_567 = arith.constant 64 : i32
      %div3A_568 = arith.divsi %scan3A_566, %jit3A_567 : i32
      %sign3A_569 = arith.constant 0 : i32
      %sign3A_570 = arith.cmpi sgt, %scan3A_566, %sign3A_569 : i32
      %sign3A_571 = arith.extui %sign3A_570 : i1 to i32
      %sign3A_572 = arith.constant 0 : i32
      %sign3A_573 = arith.cmpi slt, %scan3A_566, %sign3A_572 : i32
      %sign3A_574 = arith.extui %sign3A_573 : i1 to i32
      %sign3A_575 = arith.subi %sign3A_571, %sign3A_574 : i32
      %sign3A_576 = arith.constant 0 : i32
      %sign3A_577 = arith.cmpi sgt, %jit3A_567, %sign3A_576 : i32
      %sign3A_578 = arith.extui %sign3A_577 : i1 to i32
      %sign3A_579 = arith.constant 0 : i32
      %sign3A_580 = arith.cmpi slt, %jit3A_567, %sign3A_579 : i32
      %sign3A_581 = arith.extui %sign3A_580 : i1 to i32
      %sign3A_582 = arith.subi %sign3A_578, %sign3A_581 : i32
      %ne3A_583 = arith.cmpi ne, %sign3A_575, %sign3A_582 : i32
      %rem3A_584 = arith.remsi %scan3A_566, %jit3A_567 : i32
      %ne3A_585 = arith.constant 0 : i32
      %ne3A_586 = arith.cmpi ne, %rem3A_584, %ne3A_585 : i32
      %and3A_587 = arith.andi %ne3A_583, %ne3A_586 : i1
      %sub3A_588 = arith.constant 1 : i32
      %sub3A_589 = arith.subi %div3A_568, %sub3A_588 : i32
      %select_n3A_590 = arith.select %and3A_587, %sub3A_589, %div3A_568 : i32
      %jit3A_591 = arith.constant 64 : i32
      %eq3A_592 = arith.constant 0 : i32
      %eq3A_593 = arith.cmpi eq, %jit3A_591, %eq3A_592 : i32
      %jit3A_594 = arith.constant 1 : i32
      %select_n3A_595 = arith.select %eq3A_593, %jit3A_594, %jit3A_591 : i32
      %rem3A_596 = arith.remsi %scan3A_566, %select_n3A_595 : i32
      %ne3A_597 = arith.constant 0 : i32
      %ne3A_598 = arith.cmpi ne, %rem3A_596, %ne3A_597 : i32
      %lt3A_599 = arith.constant 0 : i32
      %lt3A_600 = arith.cmpi slt, %rem3A_596, %lt3A_599 : i32
      %lt3A_601 = arith.constant 0 : i32
      %lt3A_602 = arith.cmpi slt, %select_n3A_595, %lt3A_601 : i32
      %ne3A_603 = arith.xori %lt3A_600, %lt3A_602 : i1
      %and3A_604 = arith.andi %ne3A_603, %ne3A_598 : i1
      %add3A_605 = arith.addi %rem3A_596, %select_n3A_595 : i32
      %select_n3A_606 = arith.select %and3A_604, %add3A_605, %rem3A_596 : i32
      %mul3A_607 = arith.constant 16 : i32
      %mul3A_608 = arith.muli %select_n3A_606, %mul3A_607 : i32
      %get3A_609 = arith.index_cast %select_n3A_590 : i32 to index
      %get3A_610 = arith.index_cast %mul3A_608 : i32 to index
      %get3A_611 = tpu.vector_load %arg8[%get3A_609, %get3A_610] {strides = array<i32>} : memref<16x1024xf32, #tpu.memory_space<vmem>>, vector<1x16xf32>,
      %get3A_612 = vector.shape_cast %get3A_611 : vector<1x16xf32> to vector<16xf32>
      %get3A_613 = arith.index_cast %select_n3A_590 : i32 to index
      %get3A_614 = arith.index_cast %mul3A_608 : i32 to index
      %get3A_615 = tpu.vector_load %arg10[%get3A_613, %get3A_614] {strides = array<i32>} : memref<16x1024xf32, #tpu.memory_space<vmem>>, vector<1x16xf32>,
      %get3A_616 = vector.shape_cast %get3A_615 : vector<1x16xf32> to vector<16xf32>
      %add3A_617 = arith.addf %get3A_612, %get3A_616 : vector<16xf32>
      %swap3A_618 = arith.index_cast %select_n3A_590 : i32 to index
      %swap3A_619 = arith.index_cast %mul3A_608 : i32 to index
      %swap3A_620 = tpu.vector_load %arg8[%swap3A_618, %swap3A_619] {strides = array<i32>} : memref<16x1024xf32, #tpu.memory_space<vmem>>, vector<1x16xf32>,
      %swap3A_621 = vector.shape_cast %swap3A_620 : vector<1x16xf32> to vector<16xf32>
      %swap3A_622 = vector.shape_cast %add3A_617 : vector<16xf32> to vector<1x16xf32>
      tpu.vector_store %arg8[%swap3A_618, %swap3A_619], %swap3A_622 {strides = array<i32>} : memref<16x1024xf32, #tpu.memory_space<vmem>>, vector<1x16xf32>,
      %scan3A_623 = arith.constant 6 : i32
      %scan3A_624 = arith.addi %scan3A_288, %scan3A_623 : i32
      %jit3A_625 = arith.constant 64 : i32
      %div3A_626 = arith.divsi %scan3A_624, %jit3A_625 : i32
      %sign3A_627 = arith.constant 0 : i32
      %sign3A_628 = arith.cmpi sgt, %scan3A_624, %sign3A_627 : i32
      %sign3A_629 = arith.extui %sign3A_628 : i1 to i32
      %sign3A_630 = arith.constant 0 : i32
      %sign3A_631 = arith.cmpi slt, %scan3A_624, %sign3A_630 : i32
      %sign3A_632 = arith.extui %sign3A_631 : i1 to i32
      %sign3A_633 = arith.subi %sign3A_629, %sign3A_632 : i32
      %sign3A_634 = arith.constant 0 : i32
      %sign3A_635 = arith.cmpi sgt, %jit3A_625, %sign3A_634 : i32
      %sign3A_636 = arith.extui %sign3A_635 : i1 to i32
      %sign3A_637 = arith.constant 0 : i32
      %sign3A_638 = arith.cmpi slt, %jit3A_625, %sign3A_637 : i32
      %sign3A_639 = arith.extui %sign3A_638 : i1 to i32
      %sign3A_640 = arith.subi %sign3A_636, %sign3A_639 : i32
      %ne3A_641 = arith.cmpi ne, %sign3A_633, %sign3A_640 : i32
      %rem3A_642 = arith.remsi %scan3A_624, %jit3A_625 : i32
      %ne3A_643 = arith.constant 0 : i32
      %ne3A_644 = arith.cmpi ne, %rem3A_642, %ne3A_643 : i32
      %and3A_645 = arith.andi %ne3A_641, %ne3A_644 : i1
      %sub3A_646 = arith.constant 1 : i32
      %sub3A_647 = arith.subi %div3A_626, %sub3A_646 : i32
      %select_n3A_648 = arith.select %and3A_645, %sub3A_647, %div3A_626 : i32
      %jit3A_649 = arith.constant 64 : i32
      %eq3A_650 = arith.constant 0 : i32
      %eq3A_651 = arith.cmpi eq, %jit3A_649, %eq3A_650 : i32
      %jit3A_652 = arith.constant 1 : i32
      %select_n3A_653 = arith.select %eq3A_651, %jit3A_652, %jit3A_649 : i32
      %rem3A_654 = arith.remsi %scan3A_624, %select_n3A_653 : i32
      %ne3A_655 = arith.constant 0 : i32
      %ne3A_656 = arith.cmpi ne, %rem3A_654, %ne3A_655 : i32
      %lt3A_657 = arith.constant 0 : i32
      %lt3A_658 = arith.cmpi slt, %rem3A_654, %lt3A_657 : i32
      %lt3A_659 = arith.constant 0 : i32
      %lt3A_660 = arith.cmpi slt, %select_n3A_653, %lt3A_659 : i32
      %ne3A_661 = arith.xori %lt3A_658, %lt3A_660 : i1
      %and3A_662 = arith.andi %ne3A_661, %ne3A_656 : i1
      %add3A_663 = arith.addi %rem3A_654, %select_n3A_653 : i32
      %select_n3A_664 = arith.select %and3A_662, %add3A_663, %rem3A_654 : i32
      %mul3A_665 = arith.constant 16 : i32
      %mul3A_666 = arith.muli %select_n3A_664, %mul3A_665 : i32
      %get3A_667 = arith.index_cast %select_n3A_648 : i32 to index
      %get3A_668 = arith.index_cast %mul3A_666 : i32 to index
      %get3A_669 = tpu.vector_load %arg8[%get3A_667, %get3A_668] {strides = array<i32>} : memref<16x1024xf32, #tpu.memory_space<vmem>>, vector<1x16xf32>,
      %get3A_670 = vector.shape_cast %get3A_669 : vector<1x16xf32> to vector<16xf32>
      %get3A_671 = arith.index_cast %select_n3A_648 : i32 to index
      %get3A_672 = arith.index_cast %mul3A_666 : i32 to index
      %get3A_673 = tpu.vector_load %arg10[%get3A_671, %get3A_672] {strides = array<i32>} : memref<16x1024xf32, #tpu.memory_space<vmem>>, vector<1x16xf32>,
      %get3A_674 = vector.shape_cast %get3A_673 : vector<1x16xf32> to vector<16xf32>
      %add3A_675 = arith.addf %get3A_670, %get3A_674 : vector<16xf32>
      %swap3A_676 = arith.index_cast %select_n3A_648 : i32 to index
      %swap3A_677 = arith.index_cast %mul3A_666 : i32 to index
      %swap3A_678 = tpu.vector_load %arg8[%swap3A_676, %swap3A_677] {strides = array<i32>} : memref<16x1024xf32, #tpu.memory_space<vmem>>, vector<1x16xf32>,
      %swap3A_679 = vector.shape_cast %swap3A_678 : vector<1x16xf32> to vector<16xf32>
      %swap3A_680 = vector.shape_cast %add3A_675 : vector<16xf32> to vector<1x16xf32>
      tpu.vector_store %arg8[%swap3A_676, %swap3A_677], %swap3A_680 {strides = array<i32>} : memref<16x1024xf32, #tpu.memory_space<vmem>>, vector<1x16xf32>,
      %scan3A_681 = arith.constant 7 : i32
      %scan3A_682 = arith.addi %scan3A_288, %scan3A_681 : i32
      %jit3A_683 = arith.constant 64 : i32
      %div3A_684 = arith.divsi %scan3A_682, %jit3A_683 : i32
      %sign3A_685 = arith.constant 0 : i32
      %sign3A_686 = arith.cmpi sgt, %scan3A_682, %sign3A_685 : i32
      %sign3A_687 = arith.extui %sign3A_686 : i1 to i32
      %sign3A_688 = arith.constant 0 : i32
      %sign3A_689 = arith.cmpi slt, %scan3A_682, %sign3A_688 : i32
      %sign3A_690 = arith.extui %sign3A_689 : i1 to i32
      %sign3A_691 = arith.subi %sign3A_687, %sign3A_690 : i32
      %sign3A_692 = arith.constant 0 : i32
      %sign3A_693 = arith.cmpi sgt, %jit3A_683, %sign3A_692 : i32
      %sign3A_694 = arith.extui %sign3A_693 : i1 to i32
      %sign3A_695 = arith.constant 0 : i32
      %sign3A_696 = arith.cmpi slt, %jit3A_683, %sign3A_695 : i32
      %sign3A_697 = arith.extui %sign3A_696 : i1 to i32
      %sign3A_698 = arith.subi %sign3A_694, %sign3A_697 : i32
      %ne3A_699 = arith.cmpi ne, %sign3A_691, %sign3A_698 : i32
      %rem3A_700 = arith.remsi %scan3A_682, %jit3A_683 : i32
      %ne3A_701 = arith.constant 0 : i32
      %ne3A_702 = arith.cmpi ne, %rem3A_700, %ne3A_701 : i32
      %and3A_703 = arith.andi %ne3A_699, %ne3A_702 : i1
      %sub3A_704 = arith.constant 1 : i32
      %sub3A_705 = arith.subi %div3A_684, %sub3A_704 : i32
      %select_n3A_706 = arith.select %and3A_703, %sub3A_705, %div3A_684 : i32
      %jit3A_707 = arith.constant 64 : i32
      %eq3A_708 = arith.constant 0 : i32
      %eq3A_709 = arith.cmpi eq, %jit3A_707, %eq3A_708 : i32
      %jit3A_710 = arith.constant 1 : i32
      %select_n3A_711 = arith.select %eq3A_709, %jit3A_710, %jit3A_707 : i32
      %rem3A_712 = arith.remsi %scan3A_682, %select_n3A_711 : i32
      %ne3A_713 = arith.constant 0 : i32
      %ne3A_714 = arith.cmpi ne, %rem3A_712, %ne3A_713 : i32
      %lt3A_715 = arith.constant 0 : i32
      %lt3A_716 = arith.cmpi slt, %rem3A_712, %lt3A_715 : i32
      %lt3A_717 = arith.constant 0 : i32
      %lt3A_718 = arith.cmpi slt, %select_n3A_711, %lt3A_717 : i32
      %ne3A_719 = arith.xori %lt3A_716, %lt3A_718 : i1
      %and3A_720 = arith.andi %ne3A_719, %ne3A_714 : i1
      %add3A_721 = arith.addi %rem3A_712, %select_n3A_711 : i32
      %select_n3A_722 = arith.select %and3A_720, %add3A_721, %rem3A_712 : i32
      %mul3A_723 = arith.constant 16 : i32
      %mul3A_724 = arith.muli %select_n3A_722, %mul3A_723 : i32
      %get3A_725 = arith.index_cast %select_n3A_706 : i32 to index
      %get3A_726 = arith.index_cast %mul3A_724 : i32 to index
      %get3A_727 = tpu.vector_load %arg8[%get3A_725, %get3A_726] {strides = array<i32>} : memref<16x1024xf32, #tpu.memory_space<vmem>>, vector<1x16xf32>,
      %get3A_728 = vector.shape_cast %get3A_727 : vector<1x16xf32> to vector<16xf32>
      %get3A_729 = arith.index_cast %select_n3A_706 : i32 to index
      %get3A_730 = arith.index_cast %mul3A_724 : i32 to index
      %get3A_731 = tpu.vector_load %arg10[%get3A_729, %get3A_730] {strides = array<i32>} : memref<16x1024xf32, #tpu.memory_space<vmem>>, vector<1x16xf32>,
      %get3A_732 = vector.shape_cast %get3A_731 : vector<1x16xf32> to vector<16xf32>
      %add3A_733 = arith.addf %get3A_728, %get3A_732 : vector<16xf32>
      %swap3A_734 = arith.index_cast %select_n3A_706 : i32 to index
      %swap3A_735 = arith.index_cast %mul3A_724 : i32 to index
      %swap3A_736 = tpu.vector_load %arg8[%swap3A_734, %swap3A_735] {strides = array<i32>} : memref<16x1024xf32, #tpu.memory_space<vmem>>, vector<1x16xf32>,
      %swap3A_737 = vector.shape_cast %swap3A_736 : vector<1x16xf32> to vector<16xf32>
      %swap3A_738 = vector.shape_cast %add3A_733 : vector<16xf32> to vector<1x16xf32>
      tpu.vector_store %arg8[%swap3A_734, %swap3A_735], %swap3A_738 {strides = array<i32>} : memref<16x1024xf32, #tpu.memory_space<vmem>>, vector<1x16xf32>,
    }
    %scan3A_35 = arith.constant 1024 : i32
    %add3A_36 = arith.constant 0 : i32
    %add3A_37 = arith.addi %mul3A_2, %add3A_36 : i32
    %dma_start3A_38 = arith.constant 0 : i32
    %dma_start3A_39 = tpu.memref_slice %arg5[%add3A_37, %dma_start3A_38] : memref<4096x1024xf32, #tpu.memory_space<hbm>> -> memref<16x1024xf32, #tpu.memory_space<hbm>>
    %dma_start3A_40 = arith.constant 0 : i32
    %dma_start3A_41 = tpu.memref_slice %arg5[%add3A_37, %dma_start3A_40] : memref<4096x1024xf32, #tpu.memory_space<hbm>> -> memref<16x1024xf32, #tpu.memory_space<hbm>>
    tpu.enqueue_dma source(%arg8 : memref<16x1024xf32, #tpu.memory_space<vmem>>) target(%dma_start3A_41 : memref<16x1024xf32, #tpu.memory_space<hbm>>) target_semaphore(%arg16 : memref<!tpu.dma_semaphore, #tpu.memory_space<semaphore_mem>>)
    %dma_wait3A_42 = arith.constant 0 : i32
    %dma_wait3A_43 = tpu.memref_slice %arg5[%add3A_37, %dma_wait3A_42] : memref<4096x1024xf32, #tpu.memory_space<hbm>> -> memref<16x1024xf32, #tpu.memory_space<hbm>>
    %dma_wait3A_44 = arith.constant 0 : i32
    %dma_wait3A_45 = tpu.memref_slice %arg5[%add3A_37, %dma_wait3A_44] : memref<4096x1024xf32, #tpu.memory_space<hbm>> -> memref<16x1024xf32, #tpu.memory_space<hbm>>
    tpu.wait_dma2 semaphore(%arg16 : memref<!tpu.dma_semaphore, #tpu.memory_space<semaphore_mem>>) src(%arg8 : memref<16x1024xf32, #tpu.memory_space<vmem>>) dst(%dma_wait3A_45 : memref<16x1024xf32, #tpu.memory_space<hbm>>)
    %dma_start3A_46 = arith.constant 32 : i32
    %dma_start3A_47 = tpu.memref_slice %arg6[%dma_start3A_46] : memref<128xi32, #tpu.memory_space<vmem>> -> memref<16xi32, #tpu.memory_space<vmem>>
    %dma_start3A_48 = arith.constant 0 : i32
    %dma_start3A_49 = arith.constant 0 : i32
    %dma_start3A_50 = tpu.memref_slice %arg2[%dma_start3A_48, %dma_start3A_49] : memref<10240x1024xf32, #tpu.memory_space<hbm>> -> memref<10240x1024xf32, #tpu.memory_space<hbm>>
    tpu.enqueue_indirect_dma source(%dma_start3A_50 : memref<10240x1024xf32, #tpu.memory_space<hbm>>) target(%arg8 : memref<16x1024xf32, #tpu.memory_space<vmem>>) offsets(%dma_start3A_47 : memref<16xi32, #tpu.memory_space<vmem>>) semaphore(%arg12 : memref<!tpu.dma_semaphore, #tpu.memory_space<semaphore_mem>>)
    %dma_start3A_51 = arith.constant 32 : i32
    %dma_start3A_52 = tpu.memref_slice %arg7[%dma_start3A_51] : memref<128xi32, #tpu.memory_space<vmem>> -> memref<16xi32, #tpu.memory_space<vmem>>
    %dma_start3A_53 = arith.constant 0 : i32
    %dma_start3A_54 = arith.constant 0 : i32
    %dma_start3A_55 = tpu.memref_slice %arg2[%dma_start3A_53, %dma_start3A_54] : memref<10240x1024xf32, #tpu.memory_space<hbm>> -> memref<10240x1024xf32, #tpu.memory_space<hbm>>
    tpu.enqueue_indirect_dma source(%dma_start3A_55 : memref<10240x1024xf32, #tpu.memory_space<hbm>>) target(%arg10 : memref<16x1024xf32, #tpu.memory_space<vmem>>) offsets(%dma_start3A_52 : memref<16xi32, #tpu.memory_space<vmem>>) semaphore(%arg14 : memref<!tpu.dma_semaphore, #tpu.memory_space<semaphore_mem>>)
    %dma_wait3A_56 = arith.constant 16 : i32
    %dma_wait3A_57 = tpu.memref_slice %arg6[%dma_wait3A_56] : memref<128xi32, #tpu.memory_space<vmem>> -> memref<16xi32, #tpu.memory_space<vmem>>
    %dma_wait3A_58 = arith.constant 0 : i32
    %dma_wait3A_59 = arith.constant 0 : i32
    %dma_wait3A_60 = tpu.memref_slice %arg2[%dma_wait3A_58, %dma_wait3A_59] : memref<10240x1024xf32, #tpu.memory_space<hbm>> -> memref<10240x1024xf32, #tpu.memory_space<hbm>>
    tpu.wait_indirect_dma semaphore(%arg13 : memref<!tpu.dma_semaphore, #tpu.memory_space<semaphore_mem>>) src(%dma_wait3A_60 : memref<10240x1024xf32, #tpu.memory_space<hbm>>) dst(%arg9 : memref<16x1024xf32, #tpu.memory_space<vmem>>)
    %dma_wait3A_61 = arith.constant 16 : i32
    %dma_wait3A_62 = tpu.memref_slice %arg7[%dma_wait3A_61] : memref<128xi32, #tpu.memory_space<vmem>> -> memref<16xi32, #tpu.memory_space<vmem>>
    %dma_wait3A_63 = arith.constant 0 : i32
    %dma_wait3A_64 = arith.constant 0 : i32
    %dma_wait3A_65 = tpu.memref_slice %arg2[%dma_wait3A_63, %dma_wait3A_64] : memref<10240x1024xf32, #tpu.memory_space<hbm>> -> memref<10240x1024xf32, #tpu.memory_space<hbm>>
    tpu.wait_indirect_dma semaphore(%arg15 : memref<!tpu.dma_semaphore, #tpu.memory_space<semaphore_mem>>) src(%dma_wait3A_65 : memref<10240x1024xf32, #tpu.memory_space<hbm>>) dst(%arg11 : memref<16x1024xf32, #tpu.memory_space<vmem>>)
    %scan3A_66 = arith.constant 0 : i32
    %scan3A_67 = arith.constant 0 : i32
    %scan3A_68 = arith.constant 1024 : i32
    %scan3A_69 = arith.addi %scan3A_67, %scan3A_68 : i32
    %scan3A_70 = arith.constant 8 : i32
    scf.for %scan3A_288 = %scan3A_67 to %scan3A_69 step %scan3A_70  : i32 {
      %jit3A = arith.constant 64 : i32
      %div3A = arith.divsi %scan3A_288, %jit3A : i32
      %sign3A = arith.constant 0 : i32
      %sign3A_289 = arith.cmpi sgt, %scan3A_288, %sign3A : i32
      %sign3A_290 = arith.extui %sign3A_289 : i1 to i32
      %sign3A_291 = arith.constant 0 : i32
      %sign3A_292 = arith.cmpi slt, %scan3A_288, %sign3A_291 : i32
      %sign3A_293 = arith.extui %sign3A_292 : i1 to i32
      %sign3A_294 = arith.subi %sign3A_290, %sign3A_293 : i32
      %sign3A_295 = arith.constant 0 : i32
      %sign3A_296 = arith.cmpi sgt, %jit3A, %sign3A_295 : i32
      %sign3A_297 = arith.extui %sign3A_296 : i1 to i32
      %sign3A_298 = arith.constant 0 : i32
      %sign3A_299 = arith.cmpi slt, %jit3A, %sign3A_298 : i32
      %sign3A_300 = arith.extui %sign3A_299 : i1 to i32
      %sign3A_301 = arith.subi %sign3A_297, %sign3A_300 : i32
      %ne3A = arith.cmpi ne, %sign3A_294, %sign3A_301 : i32
      %rem3A = arith.remsi %scan3A_288, %jit3A : i32
      %ne3A_302 = arith.constant 0 : i32
      %ne3A_303 = arith.cmpi ne, %rem3A, %ne3A_302 : i32
      %and3A = arith.andi %ne3A, %ne3A_303 : i1
      %sub3A = arith.constant 1 : i32
      %sub3A_304 = arith.subi %div3A, %sub3A : i32
      %select_n3A = arith.select %and3A, %sub3A_304, %div3A : i32
      %jit3A_305 = arith.constant 64 : i32
      %eq3A = arith.constant 0 : i32
      %eq3A_306 = arith.cmpi eq, %jit3A_305, %eq3A : i32
      %jit3A_307 = arith.constant 1 : i32
      %select_n3A_308 = arith.select %eq3A_306, %jit3A_307, %jit3A_305 : i32
      %rem3A_309 = arith.remsi %scan3A_288, %select_n3A_308 : i32
      %ne3A_310 = arith.constant 0 : i32
      %ne3A_311 = arith.cmpi ne, %rem3A_309, %ne3A_310 : i32
      %lt3A = arith.constant 0 : i32
      %lt3A_312 = arith.cmpi slt, %rem3A_309, %lt3A : i32
      %lt3A_313 = arith.constant 0 : i32
      %lt3A_314 = arith.cmpi slt, %select_n3A_308, %lt3A_313 : i32
      %ne3A_315 = arith.xori %lt3A_312, %lt3A_314 : i1
      %and3A_316 = arith.andi %ne3A_315, %ne3A_311 : i1
      %add3A_317 = arith.addi %rem3A_309, %select_n3A_308 : i32
      %select_n3A_318 = arith.select %and3A_316, %add3A_317, %rem3A_309 : i32
      %mul3A_319 = arith.constant 16 : i32
      %mul3A_320 = arith.muli %select_n3A_318, %mul3A_319 : i32
      %get3A = arith.index_cast %select_n3A : i32 to index
      %get3A_321 = arith.index_cast %mul3A_320 : i32 to index
      %get3A_322 = tpu.vector_load %arg9[%get3A, %get3A_321] {strides = array<i32>} : memref<16x1024xf32, #tpu.memory_space<vmem>>, vector<1x16xf32>,
      %get3A_323 = vector.shape_cast %get3A_322 : vector<1x16xf32> to vector<16xf32>
      %get3A_324 = arith.index_cast %select_n3A : i32 to index
      %get3A_325 = arith.index_cast %mul3A_320 : i32 to index
      %get3A_326 = tpu.vector_load %arg11[%get3A_324, %get3A_325] {strides = array<i32>} : memref<16x1024xf32, #tpu.memory_space<vmem>>, vector<1x16xf32>,
      %get3A_327 = vector.shape_cast %get3A_326 : vector<1x16xf32> to vector<16xf32>
      %add3A_328 = arith.addf %get3A_323, %get3A_327 : vector<16xf32>
      %swap3A = arith.index_cast %select_n3A : i32 to index
      %swap3A_329 = arith.index_cast %mul3A_320 : i32 to index
      %swap3A_330 = tpu.vector_load %arg9[%swap3A, %swap3A_329] {strides = array<i32>} : memref<16x1024xf32, #tpu.memory_space<vmem>>, vector<1x16xf32>,
      %swap3A_331 = vector.shape_cast %swap3A_330 : vector<1x16xf32> to vector<16xf32>
      %swap3A_332 = vector.shape_cast %add3A_328 : vector<16xf32> to vector<1x16xf32>
      tpu.vector_store %arg9[%swap3A, %swap3A_329], %swap3A_332 {strides = array<i32>} : memref<16x1024xf32, #tpu.memory_space<vmem>>, vector<1x16xf32>,
      %scan3A_333 = arith.constant 1 : i32
      %scan3A_334 = arith.addi %scan3A_288, %scan3A_333 : i32
      %jit3A_335 = arith.constant 64 : i32
      %div3A_336 = arith.divsi %scan3A_334, %jit3A_335 : i32
      %sign3A_337 = arith.constant 0 : i32
      %sign3A_338 = arith.cmpi sgt, %scan3A_334, %sign3A_337 : i32
      %sign3A_339 = arith.extui %sign3A_338 : i1 to i32
      %sign3A_340 = arith.constant 0 : i32
      %sign3A_341 = arith.cmpi slt, %scan3A_334, %sign3A_340 : i32
      %sign3A_342 = arith.extui %sign3A_341 : i1 to i32
      %sign3A_343 = arith.subi %sign3A_339, %sign3A_342 : i32
      %sign3A_344 = arith.constant 0 : i32
      %sign3A_345 = arith.cmpi sgt, %jit3A_335, %sign3A_344 : i32
      %sign3A_346 = arith.extui %sign3A_345 : i1 to i32
      %sign3A_347 = arith.constant 0 : i32
      %sign3A_348 = arith.cmpi slt, %jit3A_335, %sign3A_347 : i32
      %sign3A_349 = arith.extui %sign3A_348 : i1 to i32
      %sign3A_350 = arith.subi %sign3A_346, %sign3A_349 : i32
      %ne3A_351 = arith.cmpi ne, %sign3A_343, %sign3A_350 : i32
      %rem3A_352 = arith.remsi %scan3A_334, %jit3A_335 : i32
      %ne3A_353 = arith.constant 0 : i32
      %ne3A_354 = arith.cmpi ne, %rem3A_352, %ne3A_353 : i32
      %and3A_355 = arith.andi %ne3A_351, %ne3A_354 : i1
      %sub3A_356 = arith.constant 1 : i32
      %sub3A_357 = arith.subi %div3A_336, %sub3A_356 : i32
      %select_n3A_358 = arith.select %and3A_355, %sub3A_357, %div3A_336 : i32
      %jit3A_359 = arith.constant 64 : i32
      %eq3A_360 = arith.constant 0 : i32
      %eq3A_361 = arith.cmpi eq, %jit3A_359, %eq3A_360 : i32
      %jit3A_362 = arith.constant 1 : i32
      %select_n3A_363 = arith.select %eq3A_361, %jit3A_362, %jit3A_359 : i32
      %rem3A_364 = arith.remsi %scan3A_334, %select_n3A_363 : i32
      %ne3A_365 = arith.constant 0 : i32
      %ne3A_366 = arith.cmpi ne, %rem3A_364, %ne3A_365 : i32
      %lt3A_367 = arith.constant 0 : i32
      %lt3A_368 = arith.cmpi slt, %rem3A_364, %lt3A_367 : i32
      %lt3A_369 = arith.constant 0 : i32
      %lt3A_370 = arith.cmpi slt, %select_n3A_363, %lt3A_369 : i32
      %ne3A_371 = arith.xori %lt3A_368, %lt3A_370 : i1
      %and3A_372 = arith.andi %ne3A_371, %ne3A_366 : i1
      %add3A_373 = arith.addi %rem3A_364, %select_n3A_363 : i32
      %select_n3A_374 = arith.select %and3A_372, %add3A_373, %rem3A_364 : i32
      %mul3A_375 = arith.constant 16 : i32
      %mul3A_376 = arith.muli %select_n3A_374, %mul3A_375 : i32
      %get3A_377 = arith.index_cast %select_n3A_358 : i32 to index
      %get3A_378 = arith.index_cast %mul3A_376 : i32 to index
      %get3A_379 = tpu.vector_load %arg9[%get3A_377, %get3A_378] {strides = array<i32>} : memref<16x1024xf32, #tpu.memory_space<vmem>>, vector<1x16xf32>,
      %get3A_380 = vector.shape_cast %get3A_379 : vector<1x16xf32> to vector<16xf32>
      %get3A_381 = arith.index_cast %select_n3A_358 : i32 to index
      %get3A_382 = arith.index_cast %mul3A_376 : i32 to index
      %get3A_383 = tpu.vector_load %arg11[%get3A_381, %get3A_382] {strides = array<i32>} : memref<16x1024xf32, #tpu.memory_space<vmem>>, vector<1x16xf32>,
      %get3A_384 = vector.shape_cast %get3A_383 : vector<1x16xf32> to vector<16xf32>
      %add3A_385 = arith.addf %get3A_380, %get3A_384 : vector<16xf32>
      %swap3A_386 = arith.index_cast %select_n3A_358 : i32 to index
      %swap3A_387 = arith.index_cast %mul3A_376 : i32 to index
      %swap3A_388 = tpu.vector_load %arg9[%swap3A_386, %swap3A_387] {strides = array<i32>} : memref<16x1024xf32, #tpu.memory_space<vmem>>, vector<1x16xf32>,
      %swap3A_389 = vector.shape_cast %swap3A_388 : vector<1x16xf32> to vector<16xf32>
      %swap3A_390 = vector.shape_cast %add3A_385 : vector<16xf32> to vector<1x16xf32>
      tpu.vector_store %arg9[%swap3A_386, %swap3A_387], %swap3A_390 {strides = array<i32>} : memref<16x1024xf32, #tpu.memory_space<vmem>>, vector<1x16xf32>,
      %scan3A_391 = arith.constant 2 : i32
      %scan3A_392 = arith.addi %scan3A_288, %scan3A_391 : i32
      %jit3A_393 = arith.constant 64 : i32
      %div3A_394 = arith.divsi %scan3A_392, %jit3A_393 : i32
      %sign3A_395 = arith.constant 0 : i32
      %sign3A_396 = arith.cmpi sgt, %scan3A_392, %sign3A_395 : i32
      %sign3A_397 = arith.extui %sign3A_396 : i1 to i32
      %sign3A_398 = arith.constant 0 : i32
      %sign3A_399 = arith.cmpi slt, %scan3A_392, %sign3A_398 : i32
      %sign3A_400 = arith.extui %sign3A_399 : i1 to i32
      %sign3A_401 = arith.subi %sign3A_397, %sign3A_400 : i32
      %sign3A_402 = arith.constant 0 : i32
      %sign3A_403 = arith.cmpi sgt, %jit3A_393, %sign3A_402 : i32
      %sign3A_404 = arith.extui %sign3A_403 : i1 to i32
      %sign3A_405 = arith.constant 0 : i32
      %sign3A_406 = arith.cmpi slt, %jit3A_393, %sign3A_405 : i32
      %sign3A_407 = arith.extui %sign3A_406 : i1 to i32
      %sign3A_408 = arith.subi %sign3A_404, %sign3A_407 : i32
      %ne3A_409 = arith.cmpi ne, %sign3A_401, %sign3A_408 : i32
      %rem3A_410 = arith.remsi %scan3A_392, %jit3A_393 : i32
      %ne3A_411 = arith.constant 0 : i32
      %ne3A_412 = arith.cmpi ne, %rem3A_410, %ne3A_411 : i32
      %and3A_413 = arith.andi %ne3A_409, %ne3A_412 : i1
      %sub3A_414 = arith.constant 1 : i32
      %sub3A_415 = arith.subi %div3A_394, %sub3A_414 : i32
      %select_n3A_416 = arith.select %and3A_413, %sub3A_415, %div3A_394 : i32
      %jit3A_417 = arith.constant 64 : i32
      %eq3A_418 = arith.constant 0 : i32
      %eq3A_419 = arith.cmpi eq, %jit3A_417, %eq3A_418 : i32
      %jit3A_420 = arith.constant 1 : i32
      %select_n3A_421 = arith.select %eq3A_419, %jit3A_420, %jit3A_417 : i32
      %rem3A_422 = arith.remsi %scan3A_392, %select_n3A_421 : i32
      %ne3A_423 = arith.constant 0 : i32
      %ne3A_424 = arith.cmpi ne, %rem3A_422, %ne3A_423 : i32
      %lt3A_425 = arith.constant 0 : i32
      %lt3A_426 = arith.cmpi slt, %rem3A_422, %lt3A_425 : i32
      %lt3A_427 = arith.constant 0 : i32
      %lt3A_428 = arith.cmpi slt, %select_n3A_421, %lt3A_427 : i32
      %ne3A_429 = arith.xori %lt3A_426, %lt3A_428 : i1
      %and3A_430 = arith.andi %ne3A_429, %ne3A_424 : i1
      %add3A_431 = arith.addi %rem3A_422, %select_n3A_421 : i32
      %select_n3A_432 = arith.select %and3A_430, %add3A_431, %rem3A_422 : i32
      %mul3A_433 = arith.constant 16 : i32
      %mul3A_434 = arith.muli %select_n3A_432, %mul3A_433 : i32
      %get3A_435 = arith.index_cast %select_n3A_416 : i32 to index
      %get3A_436 = arith.index_cast %mul3A_434 : i32 to index
      %get3A_437 = tpu.vector_load %arg9[%get3A_435, %get3A_436] {strides = array<i32>} : memref<16x1024xf32, #tpu.memory_space<vmem>>, vector<1x16xf32>,
      %get3A_438 = vector.shape_cast %get3A_437 : vector<1x16xf32> to vector<16xf32>
      %get3A_439 = arith.index_cast %select_n3A_416 : i32 to index
      %get3A_440 = arith.index_cast %mul3A_434 : i32 to index
      %get3A_441 = tpu.vector_load %arg11[%get3A_439, %get3A_440] {strides = array<i32>} : memref<16x1024xf32, #tpu.memory_space<vmem>>, vector<1x16xf32>,
      %get3A_442 = vector.shape_cast %get3A_441 : vector<1x16xf32> to vector<16xf32>
      %add3A_443 = arith.addf %get3A_438, %get3A_442 : vector<16xf32>
      %swap3A_444 = arith.index_cast %select_n3A_416 : i32 to index
      %swap3A_445 = arith.index_cast %mul3A_434 : i32 to index
      %swap3A_446 = tpu.vector_load %arg9[%swap3A_444, %swap3A_445] {strides = array<i32>} : memref<16x1024xf32, #tpu.memory_space<vmem>>, vector<1x16xf32>,
      %swap3A_447 = vector.shape_cast %swap3A_446 : vector<1x16xf32> to vector<16xf32>
      %swap3A_448 = vector.shape_cast %add3A_443 : vector<16xf32> to vector<1x16xf32>
      tpu.vector_store %arg9[%swap3A_444, %swap3A_445], %swap3A_448 {strides = array<i32>} : memref<16x1024xf32, #tpu.memory_space<vmem>>, vector<1x16xf32>,
      %scan3A_449 = arith.constant 3 : i32
      %scan3A_450 = arith.addi %scan3A_288, %scan3A_449 : i32
      %jit3A_451 = arith.constant 64 : i32
      %div3A_452 = arith.divsi %scan3A_450, %jit3A_451 : i32
      %sign3A_453 = arith.constant 0 : i32
      %sign3A_454 = arith.cmpi sgt, %scan3A_450, %sign3A_453 : i32
      %sign3A_455 = arith.extui %sign3A_454 : i1 to i32
      %sign3A_456 = arith.constant 0 : i32
      %sign3A_457 = arith.cmpi slt, %scan3A_450, %sign3A_456 : i32
      %sign3A_458 = arith.extui %sign3A_457 : i1 to i32
      %sign3A_459 = arith.subi %sign3A_455, %sign3A_458 : i32
      %sign3A_460 = arith.constant 0 : i32
      %sign3A_461 = arith.cmpi sgt, %jit3A_451, %sign3A_460 : i32
      %sign3A_462 = arith.extui %sign3A_461 : i1 to i32
      %sign3A_463 = arith.constant 0 : i32
      %sign3A_464 = arith.cmpi slt, %jit3A_451, %sign3A_463 : i32
      %sign3A_465 = arith.extui %sign3A_464 : i1 to i32
      %sign3A_466 = arith.subi %sign3A_462, %sign3A_465 : i32
      %ne3A_467 = arith.cmpi ne, %sign3A_459, %sign3A_466 : i32
      %rem3A_468 = arith.remsi %scan3A_450, %jit3A_451 : i32
      %ne3A_469 = arith.constant 0 : i32
      %ne3A_470 = arith.cmpi ne, %rem3A_468, %ne3A_469 : i32
      %and3A_471 = arith.andi %ne3A_467, %ne3A_470 : i1
      %sub3A_472 = arith.constant 1 : i32
      %sub3A_473 = arith.subi %div3A_452, %sub3A_472 : i32
      %select_n3A_474 = arith.select %and3A_471, %sub3A_473, %div3A_452 : i32
      %jit3A_475 = arith.constant 64 : i32
      %eq3A_476 = arith.constant 0 : i32
      %eq3A_477 = arith.cmpi eq, %jit3A_475, %eq3A_476 : i32
      %jit3A_478 = arith.constant 1 : i32
      %select_n3A_479 = arith.select %eq3A_477, %jit3A_478, %jit3A_475 : i32
      %rem3A_480 = arith.remsi %scan3A_450, %select_n3A_479 : i32
      %ne3A_481 = arith.constant 0 : i32
      %ne3A_482 = arith.cmpi ne, %rem3A_480, %ne3A_481 : i32
      %lt3A_483 = arith.constant 0 : i32
      %lt3A_484 = arith.cmpi slt, %rem3A_480, %lt3A_483 : i32
      %lt3A_485 = arith.constant 0 : i32
      %lt3A_486 = arith.cmpi slt, %select_n3A_479, %lt3A_485 : i32
      %ne3A_487 = arith.xori %lt3A_484, %lt3A_486 : i1
      %and3A_488 = arith.andi %ne3A_487, %ne3A_482 : i1
      %add3A_489 = arith.addi %rem3A_480, %select_n3A_479 : i32
      %select_n3A_490 = arith.select %and3A_488, %add3A_489, %rem3A_480 : i32
      %mul3A_491 = arith.constant 16 : i32
      %mul3A_492 = arith.muli %select_n3A_490, %mul3A_491 : i32
      %get3A_493 = arith.index_cast %select_n3A_474 : i32 to index
      %get3A_494 = arith.index_cast %mul3A_492 : i32 to index
      %get3A_495 = tpu.vector_load %arg9[%get3A_493, %get3A_494] {strides = array<i32>} : memref<16x1024xf32, #tpu.memory_space<vmem>>, vector<1x16xf32>,
      %get3A_496 = vector.shape_cast %get3A_495 : vector<1x16xf32> to vector<16xf32>
      %get3A_497 = arith.index_cast %select_n3A_474 : i32 to index
      %get3A_498 = arith.index_cast %mul3A_492 : i32 to index
      %get3A_499 = tpu.vector_load %arg11[%get3A_497, %get3A_498] {strides = array<i32>} : memref<16x1024xf32, #tpu.memory_space<vmem>>, vector<1x16xf32>,
      %get3A_500 = vector.shape_cast %get3A_499 : vector<1x16xf32> to vector<16xf32>
      %add3A_501 = arith.addf %get3A_496, %get3A_500 : vector<16xf32>
      %swap3A_502 = arith.index_cast %select_n3A_474 : i32 to index
      %swap3A_503 = arith.index_cast %mul3A_492 : i32 to index
      %swap3A_504 = tpu.vector_load %arg9[%swap3A_502, %swap3A_503] {strides = array<i32>} : memref<16x1024xf32, #tpu.memory_space<vmem>>, vector<1x16xf32>,
      %swap3A_505 = vector.shape_cast %swap3A_504 : vector<1x16xf32> to vector<16xf32>
      %swap3A_506 = vector.shape_cast %add3A_501 : vector<16xf32> to vector<1x16xf32>
      tpu.vector_store %arg9[%swap3A_502, %swap3A_503], %swap3A_506 {strides = array<i32>} : memref<16x1024xf32, #tpu.memory_space<vmem>>, vector<1x16xf32>,
      %scan3A_507 = arith.constant 4 : i32
      %scan3A_508 = arith.addi %scan3A_288, %scan3A_507 : i32
      %jit3A_509 = arith.constant 64 : i32
      %div3A_510 = arith.divsi %scan3A_508, %jit3A_509 : i32
      %sign3A_511 = arith.constant 0 : i32
      %sign3A_512 = arith.cmpi sgt, %scan3A_508, %sign3A_511 : i32
      %sign3A_513 = arith.extui %sign3A_512 : i1 to i32
      %sign3A_514 = arith.constant 0 : i32
      %sign3A_515 = arith.cmpi slt, %scan3A_508, %sign3A_514 : i32
      %sign3A_516 = arith.extui %sign3A_515 : i1 to i32
      %sign3A_517 = arith.subi %sign3A_513, %sign3A_516 : i32
      %sign3A_518 = arith.constant 0 : i32
      %sign3A_519 = arith.cmpi sgt, %jit3A_509, %sign3A_518 : i32
      %sign3A_520 = arith.extui %sign3A_519 : i1 to i32
      %sign3A_521 = arith.constant 0 : i32
      %sign3A_522 = arith.cmpi slt, %jit3A_509, %sign3A_521 : i32
      %sign3A_523 = arith.extui %sign3A_522 : i1 to i32
      %sign3A_524 = arith.subi %sign3A_520, %sign3A_523 : i32
      %ne3A_525 = arith.cmpi ne, %sign3A_517, %sign3A_524 : i32
      %rem3A_526 = arith.remsi %scan3A_508, %jit3A_509 : i32
      %ne3A_527 = arith.constant 0 : i32
      %ne3A_528 = arith.cmpi ne, %rem3A_526, %ne3A_527 : i32
      %and3A_529 = arith.andi %ne3A_525, %ne3A_528 : i1
      %sub3A_530 = arith.constant 1 : i32
      %sub3A_531 = arith.subi %div3A_510, %sub3A_530 : i32
      %select_n3A_532 = arith.select %and3A_529, %sub3A_531, %div3A_510 : i32
      %jit3A_533 = arith.constant 64 : i32
      %eq3A_534 = arith.constant 0 : i32
      %eq3A_535 = arith.cmpi eq, %jit3A_533, %eq3A_534 : i32
      %jit3A_536 = arith.constant 1 : i32
      %select_n3A_537 = arith.select %eq3A_535, %jit3A_536, %jit3A_533 : i32
      %rem3A_538 = arith.remsi %scan3A_508, %select_n3A_537 : i32
      %ne3A_539 = arith.constant 0 : i32
      %ne3A_540 = arith.cmpi ne, %rem3A_538, %ne3A_539 : i32
      %lt3A_541 = arith.constant 0 : i32
      %lt3A_542 = arith.cmpi slt, %rem3A_538, %lt3A_541 : i32
      %lt3A_543 = arith.constant 0 : i32
      %lt3A_544 = arith.cmpi slt, %select_n3A_537, %lt3A_543 : i32
      %ne3A_545 = arith.xori %lt3A_542, %lt3A_544 : i1
      %and3A_546 = arith.andi %ne3A_545, %ne3A_540 : i1
      %add3A_547 = arith.addi %rem3A_538, %select_n3A_537 : i32
      %select_n3A_548 = arith.select %and3A_546, %add3A_547, %rem3A_538 : i32
      %mul3A_549 = arith.constant 16 : i32
      %mul3A_550 = arith.muli %select_n3A_548, %mul3A_549 : i32
      %get3A_551 = arith.index_cast %select_n3A_532 : i32 to index
      %get3A_552 = arith.index_cast %mul3A_550 : i32 to index
      %get3A_553 = tpu.vector_load %arg9[%get3A_551, %get3A_552] {strides = array<i32>} : memref<16x1024xf32, #tpu.memory_space<vmem>>, vector<1x16xf32>,
      %get3A_554 = vector.shape_cast %get3A_553 : vector<1x16xf32> to vector<16xf32>
      %get3A_555 = arith.index_cast %select_n3A_532 : i32 to index
      %get3A_556 = arith.index_cast %mul3A_550 : i32 to index
      %get3A_557 = tpu.vector_load %arg11[%get3A_555, %get3A_556] {strides = array<i32>} : memref<16x1024xf32, #tpu.memory_space<vmem>>, vector<1x16xf32>,
      %get3A_558 = vector.shape_cast %get3A_557 : vector<1x16xf32> to vector<16xf32>
      %add3A_559 = arith.addf %get3A_554, %get3A_558 : vector<16xf32>
      %swap3A_560 = arith.index_cast %select_n3A_532 : i32 to index
      %swap3A_561 = arith.index_cast %mul3A_550 : i32 to index
      %swap3A_562 = tpu.vector_load %arg9[%swap3A_560, %swap3A_561] {strides = array<i32>} : memref<16x1024xf32, #tpu.memory_space<vmem>>, vector<1x16xf32>,
      %swap3A_563 = vector.shape_cast %swap3A_562 : vector<1x16xf32> to vector<16xf32>
      %swap3A_564 = vector.shape_cast %add3A_559 : vector<16xf32> to vector<1x16xf32>
      tpu.vector_store %arg9[%swap3A_560, %swap3A_561], %swap3A_564 {strides = array<i32>} : memref<16x1024xf32, #tpu.memory_space<vmem>>, vector<1x16xf32>,
      %scan3A_565 = arith.constant 5 : i32
      %scan3A_566 = arith.addi %scan3A_288, %scan3A_565 : i32
      %jit3A_567 = arith.constant 64 : i32
      %div3A_568 = arith.divsi %scan3A_566, %jit3A_567 : i32
      %sign3A_569 = arith.constant 0 : i32
      %sign3A_570 = arith.cmpi sgt, %scan3A_566, %sign3A_569 : i32
      %sign3A_571 = arith.extui %sign3A_570 : i1 to i32
      %sign3A_572 = arith.constant 0 : i32
      %sign3A_573 = arith.cmpi slt, %scan3A_566, %sign3A_572 : i32
      %sign3A_574 = arith.extui %sign3A_573 : i1 to i32
      %sign3A_575 = arith.subi %sign3A_571, %sign3A_574 : i32
      %sign3A_576 = arith.constant 0 : i32
      %sign3A_577 = arith.cmpi sgt, %jit3A_567, %sign3A_576 : i32
      %sign3A_578 = arith.extui %sign3A_577 : i1 to i32
      %sign3A_579 = arith.constant 0 : i32
      %sign3A_580 = arith.cmpi slt, %jit3A_567, %sign3A_579 : i32
      %sign3A_581 = arith.extui %sign3A_580 : i1 to i32
      %sign3A_582 = arith.subi %sign3A_578, %sign3A_581 : i32
      %ne3A_583 = arith.cmpi ne, %sign3A_575, %sign3A_582 : i32
      %rem3A_584 = arith.remsi %scan3A_566, %jit3A_567 : i32
      %ne3A_585 = arith.constant 0 : i32
      %ne3A_586 = arith.cmpi ne, %rem3A_584, %ne3A_585 : i32
      %and3A_587 = arith.andi %ne3A_583, %ne3A_586 : i1
      %sub3A_588 = arith.constant 1 : i32
      %sub3A_589 = arith.subi %div3A_568, %sub3A_588 : i32
      %select_n3A_590 = arith.select %and3A_587, %sub3A_589, %div3A_568 : i32
      %jit3A_591 = arith.constant 64 : i32
      %eq3A_592 = arith.constant 0 : i32
      %eq3A_593 = arith.cmpi eq, %jit3A_591, %eq3A_592 : i32
      %jit3A_594 = arith.constant 1 : i32
      %select_n3A_595 = arith.select %eq3A_593, %jit3A_594, %jit3A_591 : i32
      %rem3A_596 = arith.remsi %scan3A_566, %select_n3A_595 : i32
      %ne3A_597 = arith.constant 0 : i32
      %ne3A_598 = arith.cmpi ne, %rem3A_596, %ne3A_597 : i32
      %lt3A_599 = arith.constant 0 : i32
      %lt3A_600 = arith.cmpi slt, %rem3A_596, %lt3A_599 : i32
      %lt3A_601 = arith.constant 0 : i32
      %lt3A_602 = arith.cmpi slt, %select_n3A_595, %lt3A_601 : i32
      %ne3A_603 = arith.xori %lt3A_600, %lt3A_602 : i1
      %and3A_604 = arith.andi %ne3A_603, %ne3A_598 : i1
      %add3A_605 = arith.addi %rem3A_596, %select_n3A_595 : i32
      %select_n3A_606 = arith.select %and3A_604, %add3A_605, %rem3A_596 : i32
      %mul3A_607 = arith.constant 16 : i32
      %mul3A_608 = arith.muli %select_n3A_606, %mul3A_607 : i32
      %get3A_609 = arith.index_cast %select_n3A_590 : i32 to index
      %get3A_610 = arith.index_cast %mul3A_608 : i32 to index
      %get3A_611 = tpu.vector_load %arg9[%get3A_609, %get3A_610] {strides = array<i32>} : memref<16x1024xf32, #tpu.memory_space<vmem>>, vector<1x16xf32>,
      %get3A_612 = vector.shape_cast %get3A_611 : vector<1x16xf32> to vector<16xf32>
      %get3A_613 = arith.index_cast %select_n3A_590 : i32 to index
      %get3A_614 = arith.index_cast %mul3A_608 : i32 to index
      %get3A_615 = tpu.vector_load %arg11[%get3A_613, %get3A_614] {strides = array<i32>} : memref<16x1024xf32, #tpu.memory_space<vmem>>, vector<1x16xf32>,
      %get3A_616 = vector.shape_cast %get3A_615 : vector<1x16xf32> to vector<16xf32>
      %add3A_617 = arith.addf %get3A_612, %get3A_616 : vector<16xf32>
      %swap3A_618 = arith.index_cast %select_n3A_590 : i32 to index
      %swap3A_619 = arith.index_cast %mul3A_608 : i32 to index
      %swap3A_620 = tpu.vector_load %arg9[%swap3A_618, %swap3A_619] {strides = array<i32>} : memref<16x1024xf32, #tpu.memory_space<vmem>>, vector<1x16xf32>,
      %swap3A_621 = vector.shape_cast %swap3A_620 : vector<1x16xf32> to vector<16xf32>
      %swap3A_622 = vector.shape_cast %add3A_617 : vector<16xf32> to vector<1x16xf32>
      tpu.vector_store %arg9[%swap3A_618, %swap3A_619], %swap3A_622 {strides = array<i32>} : memref<16x1024xf32, #tpu.memory_space<vmem>>, vector<1x16xf32>,
      %scan3A_623 = arith.constant 6 : i32
      %scan3A_624 = arith.addi %scan3A_288, %scan3A_623 : i32
      %jit3A_625 = arith.constant 64 : i32
      %div3A_626 = arith.divsi %scan3A_624, %jit3A_625 : i32
      %sign3A_627 = arith.constant 0 : i32
      %sign3A_628 = arith.cmpi sgt, %scan3A_624, %sign3A_627 : i32
      %sign3A_629 = arith.extui %sign3A_628 : i1 to i32
      %sign3A_630 = arith.constant 0 : i32
      %sign3A_631 = arith.cmpi slt, %scan3A_624, %sign3A_630 : i32
      %sign3A_632 = arith.extui %sign3A_631 : i1 to i32
      %sign3A_633 = arith.subi %sign3A_629, %sign3A_632 : i32
      %sign3A_634 = arith.constant 0 : i32
      %sign3A_635 = arith.cmpi sgt, %jit3A_625, %sign3A_634 : i32
      %sign3A_636 = arith.extui %sign3A_635 : i1 to i32
      %sign3A_637 = arith.constant 0 : i32
      %sign3A_638 = arith.cmpi slt, %jit3A_625, %sign3A_637 : i32
      %sign3A_639 = arith.extui %sign3A_638 : i1 to i32
      %sign3A_640 = arith.subi %sign3A_636, %sign3A_639 : i32
      %ne3A_641 = arith.cmpi ne, %sign3A_633, %sign3A_640 : i32
      %rem3A_642 = arith.remsi %scan3A_624, %jit3A_625 : i32
      %ne3A_643 = arith.constant 0 : i32
      %ne3A_644 = arith.cmpi ne, %rem3A_642, %ne3A_643 : i32
      %and3A_645 = arith.andi %ne3A_641, %ne3A_644 : i1
      %sub3A_646 = arith.constant 1 : i32
      %sub3A_647 = arith.subi %div3A_626, %sub3A_646 : i32
      %select_n3A_648 = arith.select %and3A_645, %sub3A_647, %div3A_626 : i32
      %jit3A_649 = arith.constant 64 : i32
      %eq3A_650 = arith.constant 0 : i32
      %eq3A_651 = arith.cmpi eq, %jit3A_649, %eq3A_650 : i32
      %jit3A_652 = arith.constant 1 : i32
      %select_n3A_653 = arith.select %eq3A_651, %jit3A_652, %jit3A_649 : i32
      %rem3A_654 = arith.remsi %scan3A_624, %select_n3A_653 : i32
      %ne3A_655 = arith.constant 0 : i32
      %ne3A_656 = arith.cmpi ne, %rem3A_654, %ne3A_655 : i32
      %lt3A_657 = arith.constant 0 : i32
      %lt3A_658 = arith.cmpi slt, %rem3A_654, %lt3A_657 : i32
      %lt3A_659 = arith.constant 0 : i32
      %lt3A_660 = arith.cmpi slt, %select_n3A_653, %lt3A_659 : i32
      %ne3A_661 = arith.xori %lt3A_658, %lt3A_660 : i1
      %and3A_662 = arith.andi %ne3A_661, %ne3A_656 : i1
      %add3A_663 = arith.addi %rem3A_654, %select_n3A_653 : i32
      %select_n3A_664 = arith.select %and3A_662, %add3A_663, %rem3A_654 : i32
      %mul3A_665 = arith.constant 16 : i32
      %mul3A_666 = arith.muli %select_n3A_664, %mul3A_665 : i32
      %get3A_667 = arith.index_cast %select_n3A_648 : i32 to index
      %get3A_668 = arith.index_cast %mul3A_666 : i32 to index
      %get3A_669 = tpu.vector_load %arg9[%get3A_667, %get3A_668] {strides = array<i32>} : memref<16x1024xf32, #tpu.memory_space<vmem>>, vector<1x16xf32>,
      %get3A_670 = vector.shape_cast %get3A_669 : vector<1x16xf32> to vector<16xf32>
      %get3A_671 = arith.index_cast %select_n3A_648 : i32 to index
      %get3A_672 = arith.index_cast %mul3A_666 : i32 to index
      %get3A_673 = tpu.vector_load %arg11[%get3A_671, %get3A_672] {strides = array<i32>} : memref<16x1024xf32, #tpu.memory_space<vmem>>, vector<1x16xf32>,
      %get3A_674 = vector.shape_cast %get3A_673 : vector<1x16xf32> to vector<16xf32>
      %add3A_675 = arith.addf %get3A_670, %get3A_674 : vector<16xf32>
      %swap3A_676 = arith.index_cast %select_n3A_648 : i32 to index
      %swap3A_677 = arith.index_cast %mul3A_666 : i32 to index
      %swap3A_678 = tpu.vector_load %arg9[%swap3A_676, %swap3A_677] {strides = array<i32>} : memref<16x1024xf32, #tpu.memory_space<vmem>>, vector<1x16xf32>,
      %swap3A_679 = vector.shape_cast %swap3A_678 : vector<1x16xf32> to vector<16xf32>
      %swap3A_680 = vector.shape_cast %add3A_675 : vector<16xf32> to vector<1x16xf32>
      tpu.vector_store %arg9[%swap3A_676, %swap3A_677], %swap3A_680 {strides = array<i32>} : memref<16x1024xf32, #tpu.memory_space<vmem>>, vector<1x16xf32>,
      %scan3A_681 = arith.constant 7 : i32
      %scan3A_682 = arith.addi %scan3A_288, %scan3A_681 : i32
      %jit3A_683 = arith.constant 64 : i32
      %div3A_684 = arith.divsi %scan3A_682, %jit3A_683 : i32
      %sign3A_685 = arith.constant 0 : i32
      %sign3A_686 = arith.cmpi sgt, %scan3A_682, %sign3A_685 : i32
      %sign3A_687 = arith.extui %sign3A_686 : i1 to i32
      %sign3A_688 = arith.constant 0 : i32
      %sign3A_689 = arith.cmpi slt, %scan3A_682, %sign3A_688 : i32
      %sign3A_690 = arith.extui %sign3A_689 : i1 to i32
      %sign3A_691 = arith.subi %sign3A_687, %sign3A_690 : i32
      %sign3A_692 = arith.constant 0 : i32
      %sign3A_693 = arith.cmpi sgt, %jit3A_683, %sign3A_692 : i32
      %sign3A_694 = arith.extui %sign3A_693 : i1 to i32
      %sign3A_695 = arith.constant 0 : i32
      %sign3A_696 = arith.cmpi slt, %jit3A_683, %sign3A_695 : i32
      %sign3A_697 = arith.extui %sign3A_696 : i1 to i32
      %sign3A_698 = arith.subi %sign3A_694, %sign3A_697 : i32
      %ne3A_699 = arith.cmpi ne, %sign3A_691, %sign3A_698 : i32
      %rem3A_700 = arith.remsi %scan3A_682, %jit3A_683 : i32
      %ne3A_701 = arith.constant 0 : i32
      %ne3A_702 = arith.cmpi ne, %rem3A_700, %ne3A_701 : i32
      %and3A_703 = arith.andi %ne3A_699, %ne3A_702 : i1
      %sub3A_704 = arith.constant 1 : i32
      %sub3A_705 = arith.subi %div3A_684, %sub3A_704 : i32
      %select_n3A_706 = arith.select %and3A_703, %sub3A_705, %div3A_684 : i32
      %jit3A_707 = arith.constant 64 : i32
      %eq3A_708 = arith.constant 0 : i32
      %eq3A_709 = arith.cmpi eq, %jit3A_707, %eq3A_708 : i32
      %jit3A_710 = arith.constant 1 : i32
      %select_n3A_711 = arith.select %eq3A_709, %jit3A_710, %jit3A_707 : i32
      %rem3A_712 = arith.remsi %scan3A_682, %select_n3A_711 : i32
      %ne3A_713 = arith.constant 0 : i32
      %ne3A_714 = arith.cmpi ne, %rem3A_712, %ne3A_713 : i32
      %lt3A_715 = arith.constant 0 : i32
      %lt3A_716 = arith.cmpi slt, %rem3A_712, %lt3A_715 : i32
      %lt3A_717 = arith.constant 0 : i32
      %lt3A_718 = arith.cmpi slt, %select_n3A_711, %lt3A_717 : i32
      %ne3A_719 = arith.xori %lt3A_716, %lt3A_718 : i1
      %and3A_720 = arith.andi %ne3A_719, %ne3A_714 : i1
      %add3A_721 = arith.addi %rem3A_712, %select_n3A_711 : i32
      %select_n3A_722 = arith.select %and3A_720, %add3A_721, %rem3A_712 : i32
      %mul3A_723 = arith.constant 16 : i32
      %mul3A_724 = arith.muli %select_n3A_722, %mul3A_723 : i32
      %get3A_725 = arith.index_cast %select_n3A_706 : i32 to index
      %get3A_726 = arith.index_cast %mul3A_724 : i32 to index
      %get3A_727 = tpu.vector_load %arg9[%get3A_725, %get3A_726] {strides = array<i32>} : memref<16x1024xf32, #tpu.memory_space<vmem>>, vector<1x16xf32>,
      %get3A_728 = vector.shape_cast %get3A_727 : vector<1x16xf32> to vector<16xf32>
      %get3A_729 = arith.index_cast %select_n3A_706 : i32 to index
      %get3A_730 = arith.index_cast %mul3A_724 : i32 to index
      %get3A_731 = tpu.vector_load %arg11[%get3A_729, %get3A_730] {strides = array<i32>} : memref<16x1024xf32, #tpu.memory_space<vmem>>, vector<1x16xf32>,
      %get3A_732 = vector.shape_cast %get3A_731 : vector<1x16xf32> to vector<16xf32>
      %add3A_733 = arith.addf %get3A_728, %get3A_732 : vector<16xf32>
      %swap3A_734 = arith.index_cast %select_n3A_706 : i32 to index
      %swap3A_735 = arith.index_cast %mul3A_724 : i32 to index
      %swap3A_736 = tpu.vector_load %arg9[%swap3A_734, %swap3A_735] {strides = array<i32>} : memref<16x1024xf32, #tpu.memory_space<vmem>>, vector<1x16xf32>,
      %swap3A_737 = vector.shape_cast %swap3A_736 : vector<1x16xf32> to vector<16xf32>
      %swap3A_738 = vector.shape_cast %add3A_733 : vector<16xf32> to vector<1x16xf32>
      tpu.vector_store %arg9[%swap3A_734, %swap3A_735], %swap3A_738 {strides = array<i32>} : memref<16x1024xf32, #tpu.memory_space<vmem>>, vector<1x16xf32>,
    }
    %scan3A_71 = arith.constant 1024 : i32
    %add3A_72 = arith.constant 16 : i32
    %add3A_73 = arith.addi %mul3A_2, %add3A_72 : i32
    %dma_start3A_74 = arith.constant 0 : i32
    %dma_start3A_75 = tpu.memref_slice %arg5[%add3A_73, %dma_start3A_74] : memref<4096x1024xf32, #tpu.memory_space<hbm>> -> memref<16x1024xf32, #tpu.memory_space<hbm>>
    %dma_start3A_76 = arith.constant 0 : i32
    %dma_start3A_77 = tpu.memref_slice %arg5[%add3A_73, %dma_start3A_76] : memref<4096x1024xf32, #tpu.memory_space<hbm>> -> memref<16x1024xf32, #tpu.memory_space<hbm>>
    tpu.enqueue_dma source(%arg9 : memref<16x1024xf32, #tpu.memory_space<vmem>>) target(%dma_start3A_77 : memref<16x1024xf32, #tpu.memory_space<hbm>>) target_semaphore(%arg17 : memref<!tpu.dma_semaphore, #tpu.memory_space<semaphore_mem>>)
    %dma_wait3A_78 = arith.constant 0 : i32
    %dma_wait3A_79 = tpu.memref_slice %arg5[%add3A_73, %dma_wait3A_78] : memref<4096x1024xf32, #tpu.memory_space<hbm>> -> memref<16x1024xf32, #tpu.memory_space<hbm>>
    %dma_wait3A_80 = arith.constant 0 : i32
    %dma_wait3A_81 = tpu.memref_slice %arg5[%add3A_73, %dma_wait3A_80] : memref<4096x1024xf32, #tpu.memory_space<hbm>> -> memref<16x1024xf32, #tpu.memory_space<hbm>>
    tpu.wait_dma2 semaphore(%arg17 : memref<!tpu.dma_semaphore, #tpu.memory_space<semaphore_mem>>) src(%arg9 : memref<16x1024xf32, #tpu.memory_space<vmem>>) dst(%dma_wait3A_81 : memref<16x1024xf32, #tpu.memory_space<hbm>>)
    %dma_start3A_82 = arith.constant 48 : i32
    %dma_start3A_83 = tpu.memref_slice %arg6[%dma_start3A_82] : memref<128xi32, #tpu.memory_space<vmem>> -> memref<16xi32, #tpu.memory_space<vmem>>
    %dma_start3A_84 = arith.constant 0 : i32
    %dma_start3A_85 = arith.constant 0 : i32
    %dma_start3A_86 = tpu.memref_slice %arg2[%dma_start3A_84, %dma_start3A_85] : memref<10240x1024xf32, #tpu.memory_space<hbm>> -> memref<10240x1024xf32, #tpu.memory_space<hbm>>
    tpu.enqueue_indirect_dma source(%dma_start3A_86 : memref<10240x1024xf32, #tpu.memory_space<hbm>>) target(%arg9 : memref<16x1024xf32, #tpu.memory_space<vmem>>) offsets(%dma_start3A_83 : memref<16xi32, #tpu.memory_space<vmem>>) semaphore(%arg13 : memref<!tpu.dma_semaphore, #tpu.memory_space<semaphore_mem>>)
    %dma_start3A_87 = arith.constant 48 : i32
    %dma_start3A_88 = tpu.memref_slice %arg7[%dma_start3A_87] : memref<128xi32, #tpu.memory_space<vmem>> -> memref<16xi32, #tpu.memory_space<vmem>>
    %dma_start3A_89 = arith.constant 0 : i32
    %dma_start3A_90 = arith.constant 0 : i32
    %dma_start3A_91 = tpu.memref_slice %arg2[%dma_start3A_89, %dma_start3A_90] : memref<10240x1024xf32, #tpu.memory_space<hbm>> -> memref<10240x1024xf32, #tpu.memory_space<hbm>>
    tpu.enqueue_indirect_dma source(%dma_start3A_91 : memref<10240x1024xf32, #tpu.memory_space<hbm>>) target(%arg11 : memref<16x1024xf32, #tpu.memory_space<vmem>>) offsets(%dma_start3A_88 : memref<16xi32, #tpu.memory_space<vmem>>) semaphore(%arg15 : memref<!tpu.dma_semaphore, #tpu.memory_space<semaphore_mem>>)
    %dma_wait3A_92 = arith.constant 32 : i32
    %dma_wait3A_93 = tpu.memref_slice %arg6[%dma_wait3A_92] : memref<128xi32, #tpu.memory_space<vmem>> -> memref<16xi32, #tpu.memory_space<vmem>>
    %dma_wait3A_94 = arith.constant 0 : i32
    %dma_wait3A_95 = arith.constant 0 : i32
    %dma_wait3A_96 = tpu.memref_slice %arg2[%dma_wait3A_94, %dma_wait3A_95] : memref<10240x1024xf32, #tpu.memory_space<hbm>> -> memref<10240x1024xf32, #tpu.memory_space<hbm>>
    tpu.wait_indirect_dma semaphore(%arg12 : memref<!tpu.dma_semaphore, #tpu.memory_space<semaphore_mem>>) src(%dma_wait3A_96 : memref<10240x1024xf32, #tpu.memory_space<hbm>>) dst(%arg8 : memref<16x1024xf32, #tpu.memory_space<vmem>>)
    %dma_wait3A_97 = arith.constant 32 : i32
    %dma_wait3A_98 = tpu.memref_slice %arg7[%dma_wait3A_97] : memref<128xi32, #tpu.memory_space<vmem>> -> memref<16xi32, #tpu.memory_space<vmem>>
    %dma_wait3A_99 = arith.constant 0 : i32
    %dma_wait3A_100 = arith.constant 0 : i32
    %dma_wait3A_101 = tpu.memref_slice %arg2[%dma_wait3A_99, %dma_wait3A_100] : memref<10240x1024xf32, #tpu.memory_space<hbm>> -> memref<10240x1024xf32, #tpu.memory_space<hbm>>
    tpu.wait_indirect_dma semaphore(%arg14 : memref<!tpu.dma_semaphore, #tpu.memory_space<semaphore_mem>>) src(%dma_wait3A_101 : memref<10240x1024xf32, #tpu.memory_space<hbm>>) dst(%arg10 : memref<16x1024xf32, #tpu.memory_space<vmem>>)
    %scan3A_102 = arith.constant 0 : i32
    %scan3A_103 = arith.constant 0 : i32
    %scan3A_104 = arith.constant 1024 : i32
    %scan3A_105 = arith.addi %scan3A_103, %scan3A_104 : i32
    %scan3A_106 = arith.constant 8 : i32
    scf.for %scan3A_288 = %scan3A_103 to %scan3A_105 step %scan3A_106  : i32 {
      %jit3A = arith.constant 64 : i32
      %div3A = arith.divsi %scan3A_288, %jit3A : i32
      %sign3A = arith.constant 0 : i32
      %sign3A_289 = arith.cmpi sgt, %scan3A_288, %sign3A : i32
      %sign3A_290 = arith.extui %sign3A_289 : i1 to i32
      %sign3A_291 = arith.constant 0 : i32
      %sign3A_292 = arith.cmpi slt, %scan3A_288, %sign3A_291 : i32
      %sign3A_293 = arith.extui %sign3A_292 : i1 to i32
      %sign3A_294 = arith.subi %sign3A_290, %sign3A_293 : i32
      %sign3A_295 = arith.constant 0 : i32
      %sign3A_296 = arith.cmpi sgt, %jit3A, %sign3A_295 : i32
      %sign3A_297 = arith.extui %sign3A_296 : i1 to i32
      %sign3A_298 = arith.constant 0 : i32
      %sign3A_299 = arith.cmpi slt, %jit3A, %sign3A_298 : i32
      %sign3A_300 = arith.extui %sign3A_299 : i1 to i32
      %sign3A_301 = arith.subi %sign3A_297, %sign3A_300 : i32
      %ne3A = arith.cmpi ne, %sign3A_294, %sign3A_301 : i32
      %rem3A = arith.remsi %scan3A_288, %jit3A : i32
      %ne3A_302 = arith.constant 0 : i32
      %ne3A_303 = arith.cmpi ne, %rem3A, %ne3A_302 : i32
      %and3A = arith.andi %ne3A, %ne3A_303 : i1
      %sub3A = arith.constant 1 : i32
      %sub3A_304 = arith.subi %div3A, %sub3A : i32
      %select_n3A = arith.select %and3A, %sub3A_304, %div3A : i32
      %jit3A_305 = arith.constant 64 : i32
      %eq3A = arith.constant 0 : i32
      %eq3A_306 = arith.cmpi eq, %jit3A_305, %eq3A : i32
      %jit3A_307 = arith.constant 1 : i32
      %select_n3A_308 = arith.select %eq3A_306, %jit3A_307, %jit3A_305 : i32
      %rem3A_309 = arith.remsi %scan3A_288, %select_n3A_308 : i32
      %ne3A_310 = arith.constant 0 : i32
      %ne3A_311 = arith.cmpi ne, %rem3A_309, %ne3A_310 : i32
      %lt3A = arith.constant 0 : i32
      %lt3A_312 = arith.cmpi slt, %rem3A_309, %lt3A : i32
      %lt3A_313 = arith.constant 0 : i32
      %lt3A_314 = arith.cmpi slt, %select_n3A_308, %lt3A_313 : i32
      %ne3A_315 = arith.xori %lt3A_312, %lt3A_314 : i1
      %and3A_316 = arith.andi %ne3A_315, %ne3A_311 : i1
      %add3A_317 = arith.addi %rem3A_309, %select_n3A_308 : i32
      %select_n3A_318 = arith.select %and3A_316, %add3A_317, %rem3A_309 : i32
      %mul3A_319 = arith.constant 16 : i32
      %mul3A_320 = arith.muli %select_n3A_318, %mul3A_319 : i32
      %get3A = arith.index_cast %select_n3A : i32 to index
      %get3A_321 = arith.index_cast %mul3A_320 : i32 to index
      %get3A_322 = tpu.vector_load %arg8[%get3A, %get3A_321] {strides = array<i32>} : memref<16x1024xf32, #tpu.memory_space<vmem>>, vector<1x16xf32>,
      %get3A_323 = vector.shape_cast %get3A_322 : vector<1x16xf32> to vector<16xf32>
      %get3A_324 = arith.index_cast %select_n3A : i32 to index
      %get3A_325 = arith.index_cast %mul3A_320 : i32 to index
      %get3A_326 = tpu.vector_load %arg10[%get3A_324, %get3A_325] {strides = array<i32>} : memref<16x1024xf32, #tpu.memory_space<vmem>>, vector<1x16xf32>,
      %get3A_327 = vector.shape_cast %get3A_326 : vector<1x16xf32> to vector<16xf32>
      %add3A_328 = arith.addf %get3A_323, %get3A_327 : vector<16xf32>
      %swap3A = arith.index_cast %select_n3A : i32 to index
      %swap3A_329 = arith.index_cast %mul3A_320 : i32 to index
      %swap3A_330 = tpu.vector_load %arg8[%swap3A, %swap3A_329] {strides = array<i32>} : memref<16x1024xf32, #tpu.memory_space<vmem>>, vector<1x16xf32>,
      %swap3A_331 = vector.shape_cast %swap3A_330 : vector<1x16xf32> to vector<16xf32>
      %swap3A_332 = vector.shape_cast %add3A_328 : vector<16xf32> to vector<1x16xf32>
      tpu.vector_store %arg8[%swap3A, %swap3A_329], %swap3A_332 {strides = array<i32>} : memref<16x1024xf32, #tpu.memory_space<vmem>>, vector<1x16xf32>,
      %scan3A_333 = arith.constant 1 : i32
      %scan3A_334 = arith.addi %scan3A_288, %scan3A_333 : i32
      %jit3A_335 = arith.constant 64 : i32
      %div3A_336 = arith.divsi %scan3A_334, %jit3A_335 : i32
      %sign3A_337 = arith.constant 0 : i32
      %sign3A_338 = arith.cmpi sgt, %scan3A_334, %sign3A_337 : i32
      %sign3A_339 = arith.extui %sign3A_338 : i1 to i32
      %sign3A_340 = arith.constant 0 : i32
      %sign3A_341 = arith.cmpi slt, %scan3A_334, %sign3A_340 : i32
      %sign3A_342 = arith.extui %sign3A_341 : i1 to i32
      %sign3A_343 = arith.subi %sign3A_339, %sign3A_342 : i32
      %sign3A_344 = arith.constant 0 : i32
      %sign3A_345 = arith.cmpi sgt, %jit3A_335, %sign3A_344 : i32
      %sign3A_346 = arith.extui %sign3A_345 : i1 to i32
      %sign3A_347 = arith.constant 0 : i32
      %sign3A_348 = arith.cmpi slt, %jit3A_335, %sign3A_347 : i32
      %sign3A_349 = arith.extui %sign3A_348 : i1 to i32
      %sign3A_350 = arith.subi %sign3A_346, %sign3A_349 : i32
      %ne3A_351 = arith.cmpi ne, %sign3A_343, %sign3A_350 : i32
      %rem3A_352 = arith.remsi %scan3A_334, %jit3A_335 : i32
      %ne3A_353 = arith.constant 0 : i32
      %ne3A_354 = arith.cmpi ne, %rem3A_352, %ne3A_353 : i32
      %and3A_355 = arith.andi %ne3A_351, %ne3A_354 : i1
      %sub3A_356 = arith.constant 1 : i32
      %sub3A_357 = arith.subi %div3A_336, %sub3A_356 : i32
      %select_n3A_358 = arith.select %and3A_355, %sub3A_357, %div3A_336 : i32
      %jit3A_359 = arith.constant 64 : i32
      %eq3A_360 = arith.constant 0 : i32
      %eq3A_361 = arith.cmpi eq, %jit3A_359, %eq3A_360 : i32
      %jit3A_362 = arith.constant 1 : i32
      %select_n3A_363 = arith.select %eq3A_361, %jit3A_362, %jit3A_359 : i32
      %rem3A_364 = arith.remsi %scan3A_334, %select_n3A_363 : i32
      %ne3A_365 = arith.constant 0 : i32
      %ne3A_366 = arith.cmpi ne, %rem3A_364, %ne3A_365 : i32
      %lt3A_367 = arith.constant 0 : i32
      %lt3A_368 = arith.cmpi slt, %rem3A_364, %lt3A_367 : i32
      %lt3A_369 = arith.constant 0 : i32
      %lt3A_370 = arith.cmpi slt, %select_n3A_363, %lt3A_369 : i32
      %ne3A_371 = arith.xori %lt3A_368, %lt3A_370 : i1
      %and3A_372 = arith.andi %ne3A_371, %ne3A_366 : i1
      %add3A_373 = arith.addi %rem3A_364, %select_n3A_363 : i32
      %select_n3A_374 = arith.select %and3A_372, %add3A_373, %rem3A_364 : i32
      %mul3A_375 = arith.constant 16 : i32
      %mul3A_376 = arith.muli %select_n3A_374, %mul3A_375 : i32
      %get3A_377 = arith.index_cast %select_n3A_358 : i32 to index
      %get3A_378 = arith.index_cast %mul3A_376 : i32 to index
      %get3A_379 = tpu.vector_load %arg8[%get3A_377, %get3A_378] {strides = array<i32>} : memref<16x1024xf32, #tpu.memory_space<vmem>>, vector<1x16xf32>,
      %get3A_380 = vector.shape_cast %get3A_379 : vector<1x16xf32> to vector<16xf32>
      %get3A_381 = arith.index_cast %select_n3A_358 : i32 to index
      %get3A_382 = arith.index_cast %mul3A_376 : i32 to index
      %get3A_383 = tpu.vector_load %arg10[%get3A_381, %get3A_382] {strides = array<i32>} : memref<16x1024xf32, #tpu.memory_space<vmem>>, vector<1x16xf32>,
      %get3A_384 = vector.shape_cast %get3A_383 : vector<1x16xf32> to vector<16xf32>
      %add3A_385 = arith.addf %get3A_380, %get3A_384 : vector<16xf32>
      %swap3A_386 = arith.index_cast %select_n3A_358 : i32 to index
      %swap3A_387 = arith.index_cast %mul3A_376 : i32 to index
      %swap3A_388 = tpu.vector_load %arg8[%swap3A_386, %swap3A_387] {strides = array<i32>} : memref<16x1024xf32, #tpu.memory_space<vmem>>, vector<1x16xf32>,
      %swap3A_389 = vector.shape_cast %swap3A_388 : vector<1x16xf32> to vector<16xf32>
      %swap3A_390 = vector.shape_cast %add3A_385 : vector<16xf32> to vector<1x16xf32>
      tpu.vector_store %arg8[%swap3A_386, %swap3A_387], %swap3A_390 {strides = array<i32>} : memref<16x1024xf32, #tpu.memory_space<vmem>>, vector<1x16xf32>,
      %scan3A_391 = arith.constant 2 : i32
      %scan3A_392 = arith.addi %scan3A_288, %scan3A_391 : i32
      %jit3A_393 = arith.constant 64 : i32
      %div3A_394 = arith.divsi %scan3A_392, %jit3A_393 : i32
      %sign3A_395 = arith.constant 0 : i32
      %sign3A_396 = arith.cmpi sgt, %scan3A_392, %sign3A_395 : i32
      %sign3A_397 = arith.extui %sign3A_396 : i1 to i32
      %sign3A_398 = arith.constant 0 : i32
      %sign3A_399 = arith.cmpi slt, %scan3A_392, %sign3A_398 : i32
      %sign3A_400 = arith.extui %sign3A_399 : i1 to i32
      %sign3A_401 = arith.subi %sign3A_397, %sign3A_400 : i32
      %sign3A_402 = arith.constant 0 : i32
      %sign3A_403 = arith.cmpi sgt, %jit3A_393, %sign3A_402 : i32
      %sign3A_404 = arith.extui %sign3A_403 : i1 to i32
      %sign3A_405 = arith.constant 0 : i32
      %sign3A_406 = arith.cmpi slt, %jit3A_393, %sign3A_405 : i32
      %sign3A_407 = arith.extui %sign3A_406 : i1 to i32
      %sign3A_408 = arith.subi %sign3A_404, %sign3A_407 : i32
      %ne3A_409 = arith.cmpi ne, %sign3A_401, %sign3A_408 : i32
      %rem3A_410 = arith.remsi %scan3A_392, %jit3A_393 : i32
      %ne3A_411 = arith.constant 0 : i32
      %ne3A_412 = arith.cmpi ne, %rem3A_410, %ne3A_411 : i32
      %and3A_413 = arith.andi %ne3A_409, %ne3A_412 : i1
      %sub3A_414 = arith.constant 1 : i32
      %sub3A_415 = arith.subi %div3A_394, %sub3A_414 : i32
      %select_n3A_416 = arith.select %and3A_413, %sub3A_415, %div3A_394 : i32
      %jit3A_417 = arith.constant 64 : i32
      %eq3A_418 = arith.constant 0 : i32
      %eq3A_419 = arith.cmpi eq, %jit3A_417, %eq3A_418 : i32
      %jit3A_420 = arith.constant 1 : i32
      %select_n3A_421 = arith.select %eq3A_419, %jit3A_420, %jit3A_417 : i32
      %rem3A_422 = arith.remsi %scan3A_392, %select_n3A_421 : i32
      %ne3A_423 = arith.constant 0 : i32
      %ne3A_424 = arith.cmpi ne, %rem3A_422, %ne3A_423 : i32
      %lt3A_425 = arith.constant 0 : i32
      %lt3A_426 = arith.cmpi slt, %rem3A_422, %lt3A_425 : i32
      %lt3A_427 = arith.constant 0 : i32
      %lt3A_428 = arith.cmpi slt, %select_n3A_421, %lt3A_427 : i32
      %ne3A_429 = arith.xori %lt3A_426, %lt3A_428 : i1
      %and3A_430 = arith.andi %ne3A_429, %ne3A_424 : i1
      %add3A_431 = arith.addi %rem3A_422, %select_n3A_421 : i32
      %select_n3A_432 = arith.select %and3A_430, %add3A_431, %rem3A_422 : i32
      %mul3A_433 = arith.constant 16 : i32
      %mul3A_434 = arith.muli %select_n3A_432, %mul3A_433 : i32
      %get3A_435 = arith.index_cast %select_n3A_416 : i32 to index
      %get3A_436 = arith.index_cast %mul3A_434 : i32 to index
      %get3A_437 = tpu.vector_load %arg8[%get3A_435, %get3A_436] {strides = array<i32>} : memref<16x1024xf32, #tpu.memory_space<vmem>>, vector<1x16xf32>,
      %get3A_438 = vector.shape_cast %get3A_437 : vector<1x16xf32> to vector<16xf32>
      %get3A_439 = arith.index_cast %select_n3A_416 : i32 to index
      %get3A_440 = arith.index_cast %mul3A_434 : i32 to index
      %get3A_441 = tpu.vector_load %arg10[%get3A_439, %get3A_440] {strides = array<i32>} : memref<16x1024xf32, #tpu.memory_space<vmem>>, vector<1x16xf32>,
      %get3A_442 = vector.shape_cast %get3A_441 : vector<1x16xf32> to vector<16xf32>
      %add3A_443 = arith.addf %get3A_438, %get3A_442 : vector<16xf32>
      %swap3A_444 = arith.index_cast %select_n3A_416 : i32 to index
      %swap3A_445 = arith.index_cast %mul3A_434 : i32 to index
      %swap3A_446 = tpu.vector_load %arg8[%swap3A_444, %swap3A_445] {strides = array<i32>} : memref<16x1024xf32, #tpu.memory_space<vmem>>, vector<1x16xf32>,
      %swap3A_447 = vector.shape_cast %swap3A_446 : vector<1x16xf32> to vector<16xf32>
      %swap3A_448 = vector.shape_cast %add3A_443 : vector<16xf32> to vector<1x16xf32>
      tpu.vector_store %arg8[%swap3A_444, %swap3A_445], %swap3A_448 {strides = array<i32>} : memref<16x1024xf32, #tpu.memory_space<vmem>>, vector<1x16xf32>,
      %scan3A_449 = arith.constant 3 : i32
      %scan3A_450 = arith.addi %scan3A_288, %scan3A_449 : i32
      %jit3A_451 = arith.constant 64 : i32
      %div3A_452 = arith.divsi %scan3A_450, %jit3A_451 : i32
      %sign3A_453 = arith.constant 0 : i32
      %sign3A_454 = arith.cmpi sgt, %scan3A_450, %sign3A_453 : i32
      %sign3A_455 = arith.extui %sign3A_454 : i1 to i32
      %sign3A_456 = arith.constant 0 : i32
      %sign3A_457 = arith.cmpi slt, %scan3A_450, %sign3A_456 : i32
      %sign3A_458 = arith.extui %sign3A_457 : i1 to i32
      %sign3A_459 = arith.subi %sign3A_455, %sign3A_458 : i32
      %sign3A_460 = arith.constant 0 : i32
      %sign3A_461 = arith.cmpi sgt, %jit3A_451, %sign3A_460 : i32
      %sign3A_462 = arith.extui %sign3A_461 : i1 to i32
      %sign3A_463 = arith.constant 0 : i32
      %sign3A_464 = arith.cmpi slt, %jit3A_451, %sign3A_463 : i32
      %sign3A_465 = arith.extui %sign3A_464 : i1 to i32
      %sign3A_466 = arith.subi %sign3A_462, %sign3A_465 : i32
      %ne3A_467 = arith.cmpi ne, %sign3A_459, %sign3A_466 : i32
      %rem3A_468 = arith.remsi %scan3A_450, %jit3A_451 : i32
      %ne3A_469 = arith.constant 0 : i32
      %ne3A_470 = arith.cmpi ne, %rem3A_468, %ne3A_469 : i32
      %and3A_471 = arith.andi %ne3A_467, %ne3A_470 : i1
      %sub3A_472 = arith.constant 1 : i32
      %sub3A_473 = arith.subi %div3A_452, %sub3A_472 : i32
      %select_n3A_474 = arith.select %and3A_471, %sub3A_473, %div3A_452 : i32
      %jit3A_475 = arith.constant 64 : i32
      %eq3A_476 = arith.constant 0 : i32
      %eq3A_477 = arith.cmpi eq, %jit3A_475, %eq3A_476 : i32
      %jit3A_478 = arith.constant 1 : i32
      %select_n3A_479 = arith.select %eq3A_477, %jit3A_478, %jit3A_475 : i32
      %rem3A_480 = arith.remsi %scan3A_450, %select_n3A_479 : i32
      %ne3A_481 = arith.constant 0 : i32
      %ne3A_482 = arith.cmpi ne, %rem3A_480, %ne3A_481 : i32
      %lt3A_483 = arith.constant 0 : i32
      %lt3A_484 = arith.cmpi slt, %rem3A_480, %lt3A_483 : i32
      %lt3A_485 = arith.constant 0 : i32
      %lt3A_486 = arith.cmpi slt, %select_n3A_479, %lt3A_485 : i32
      %ne3A_487 = arith.xori %lt3A_484, %lt3A_486 : i1
      %and3A_488 = arith.andi %ne3A_487, %ne3A_482 : i1
      %add3A_489 = arith.addi %rem3A_480, %select_n3A_479 : i32
      %select_n3A_490 = arith.select %and3A_488, %add3A_489, %rem3A_480 : i32
      %mul3A_491 = arith.constant 16 : i32
      %mul3A_492 = arith.muli %select_n3A_490, %mul3A_491 : i32
      %get3A_493 = arith.index_cast %select_n3A_474 : i32 to index
      %get3A_494 = arith.index_cast %mul3A_492 : i32 to index
      %get3A_495 = tpu.vector_load %arg8[%get3A_493, %get3A_494] {strides = array<i32>} : memref<16x1024xf32, #tpu.memory_space<vmem>>, vector<1x16xf32>,
      %get3A_496 = vector.shape_cast %get3A_495 : vector<1x16xf32> to vector<16xf32>
      %get3A_497 = arith.index_cast %select_n3A_474 : i32 to index
      %get3A_498 = arith.index_cast %mul3A_492 : i32 to index
      %get3A_499 = tpu.vector_load %arg10[%get3A_497, %get3A_498] {strides = array<i32>} : memref<16x1024xf32, #tpu.memory_space<vmem>>, vector<1x16xf32>,
      %get3A_500 = vector.shape_cast %get3A_499 : vector<1x16xf32> to vector<16xf32>
      %add3A_501 = arith.addf %get3A_496, %get3A_500 : vector<16xf32>
      %swap3A_502 = arith.index_cast %select_n3A_474 : i32 to index
      %swap3A_503 = arith.index_cast %mul3A_492 : i32 to index
      %swap3A_504 = tpu.vector_load %arg8[%swap3A_502, %swap3A_503] {strides = array<i32>} : memref<16x1024xf32, #tpu.memory_space<vmem>>, vector<1x16xf32>,
      %swap3A_505 = vector.shape_cast %swap3A_504 : vector<1x16xf32> to vector<16xf32>
      %swap3A_506 = vector.shape_cast %add3A_501 : vector<16xf32> to vector<1x16xf32>
      tpu.vector_store %arg8[%swap3A_502, %swap3A_503], %swap3A_506 {strides = array<i32>} : memref<16x1024xf32, #tpu.memory_space<vmem>>, vector<1x16xf32>,
      %scan3A_507 = arith.constant 4 : i32
      %scan3A_508 = arith.addi %scan3A_288, %scan3A_507 : i32
      %jit3A_509 = arith.constant 64 : i32
      %div3A_510 = arith.divsi %scan3A_508, %jit3A_509 : i32
      %sign3A_511 = arith.constant 0 : i32
      %sign3A_512 = arith.cmpi sgt, %scan3A_508, %sign3A_511 : i32
      %sign3A_513 = arith.extui %sign3A_512 : i1 to i32
      %sign3A_514 = arith.constant 0 : i32
      %sign3A_515 = arith.cmpi slt, %scan3A_508, %sign3A_514 : i32
      %sign3A_516 = arith.extui %sign3A_515 : i1 to i32
      %sign3A_517 = arith.subi %sign3A_513, %sign3A_516 : i32
      %sign3A_518 = arith.constant 0 : i32
      %sign3A_519 = arith.cmpi sgt, %jit3A_509, %sign3A_518 : i32
      %sign3A_520 = arith.extui %sign3A_519 : i1 to i32
      %sign3A_521 = arith.constant 0 : i32
      %sign3A_522 = arith.cmpi slt, %jit3A_509, %sign3A_521 : i32
      %sign3A_523 = arith.extui %sign3A_522 : i1 to i32
      %sign3A_524 = arith.subi %sign3A_520, %sign3A_523 : i32
      %ne3A_525 = arith.cmpi ne, %sign3A_517, %sign3A_524 : i32
      %rem3A_526 = arith.remsi %scan3A_508, %jit3A_509 : i32
      %ne3A_527 = arith.constant 0 : i32
      %ne3A_528 = arith.cmpi ne, %rem3A_526, %ne3A_527 : i32
      %and3A_529 = arith.andi %ne3A_525, %ne3A_528 : i1
      %sub3A_530 = arith.constant 1 : i32
      %sub3A_531 = arith.subi %div3A_510, %sub3A_530 : i32
      %select_n3A_532 = arith.select %and3A_529, %sub3A_531, %div3A_510 : i32
      %jit3A_533 = arith.constant 64 : i32
      %eq3A_534 = arith.constant 0 : i32
      %eq3A_535 = arith.cmpi eq, %jit3A_533, %eq3A_534 : i32
      %jit3A_536 = arith.constant 1 : i32
      %select_n3A_537 = arith.select %eq3A_535, %jit3A_536, %jit3A_533 : i32
      %rem3A_538 = arith.remsi %scan3A_508, %select_n3A_537 : i32
      %ne3A_539 = arith.constant 0 : i32
      %ne3A_540 = arith.cmpi ne, %rem3A_538, %ne3A_539 : i32
      %lt3A_541 = arith.constant 0 : i32
      %lt3A_542 = arith.cmpi slt, %rem3A_538, %lt3A_541 : i32
      %lt3A_543 = arith.constant 0 : i32
      %lt3A_544 = arith.cmpi slt, %select_n3A_537, %lt3A_543 : i32
      %ne3A_545 = arith.xori %lt3A_542, %lt3A_544 : i1
      %and3A_546 = arith.andi %ne3A_545, %ne3A_540 : i1
      %add3A_547 = arith.addi %rem3A_538, %select_n3A_537 : i32
      %select_n3A_548 = arith.select %and3A_546, %add3A_547, %rem3A_538 : i32
      %mul3A_549 = arith.constant 16 : i32
      %mul3A_550 = arith.muli %select_n3A_548, %mul3A_549 : i32
      %get3A_551 = arith.index_cast %select_n3A_532 : i32 to index
      %get3A_552 = arith.index_cast %mul3A_550 : i32 to index
      %get3A_553 = tpu.vector_load %arg8[%get3A_551, %get3A_552] {strides = array<i32>} : memref<16x1024xf32, #tpu.memory_space<vmem>>, vector<1x16xf32>,
      %get3A_554 = vector.shape_cast %get3A_553 : vector<1x16xf32> to vector<16xf32>
      %get3A_555 = arith.index_cast %select_n3A_532 : i32 to index
      %get3A_556 = arith.index_cast %mul3A_550 : i32 to index
      %get3A_557 = tpu.vector_load %arg10[%get3A_555, %get3A_556] {strides = array<i32>} : memref<16x1024xf32, #tpu.memory_space<vmem>>, vector<1x16xf32>,
      %get3A_558 = vector.shape_cast %get3A_557 : vector<1x16xf32> to vector<16xf32>
      %add3A_559 = arith.addf %get3A_554, %get3A_558 : vector<16xf32>
      %swap3A_560 = arith.index_cast %select_n3A_532 : i32 to index
      %swap3A_561 = arith.index_cast %mul3A_550 : i32 to index
      %swap3A_562 = tpu.vector_load %arg8[%swap3A_560, %swap3A_561] {strides = array<i32>} : memref<16x1024xf32, #tpu.memory_space<vmem>>, vector<1x16xf32>,
      %swap3A_563 = vector.shape_cast %swap3A_562 : vector<1x16xf32> to vector<16xf32>
      %swap3A_564 = vector.shape_cast %add3A_559 : vector<16xf32> to vector<1x16xf32>
      tpu.vector_store %arg8[%swap3A_560, %swap3A_561], %swap3A_564 {strides = array<i32>} : memref<16x1024xf32, #tpu.memory_space<vmem>>, vector<1x16xf32>,
      %scan3A_565 = arith.constant 5 : i32
      %scan3A_566 = arith.addi %scan3A_288, %scan3A_565 : i32
      %jit3A_567 = arith.constant 64 : i32
      %div3A_568 = arith.divsi %scan3A_566, %jit3A_567 : i32
      %sign3A_569 = arith.constant 0 : i32
      %sign3A_570 = arith.cmpi sgt, %scan3A_566, %sign3A_569 : i32
      %sign3A_571 = arith.extui %sign3A_570 : i1 to i32
      %sign3A_572 = arith.constant 0 : i32
      %sign3A_573 = arith.cmpi slt, %scan3A_566, %sign3A_572 : i32
      %sign3A_574 = arith.extui %sign3A_573 : i1 to i32
      %sign3A_575 = arith.subi %sign3A_571, %sign3A_574 : i32
      %sign3A_576 = arith.constant 0 : i32
      %sign3A_577 = arith.cmpi sgt, %jit3A_567, %sign3A_576 : i32
      %sign3A_578 = arith.extui %sign3A_577 : i1 to i32
      %sign3A_579 = arith.constant 0 : i32
      %sign3A_580 = arith.cmpi slt, %jit3A_567, %sign3A_579 : i32
      %sign3A_581 = arith.extui %sign3A_580 : i1 to i32
      %sign3A_582 = arith.subi %sign3A_578, %sign3A_581 : i32
      %ne3A_583 = arith.cmpi ne, %sign3A_575, %sign3A_582 : i32
      %rem3A_584 = arith.remsi %scan3A_566, %jit3A_567 : i32
      %ne3A_585 = arith.constant 0 : i32
      %ne3A_586 = arith.cmpi ne, %rem3A_584, %ne3A_585 : i32
      %and3A_587 = arith.andi %ne3A_583, %ne3A_586 : i1
      %sub3A_588 = arith.constant 1 : i32
      %sub3A_589 = arith.subi %div3A_568, %sub3A_588 : i32
      %select_n3A_590 = arith.select %and3A_587, %sub3A_589, %div3A_568 : i32
      %jit3A_591 = arith.constant 64 : i32
      %eq3A_592 = arith.constant 0 : i32
      %eq3A_593 = arith.cmpi eq, %jit3A_591, %eq3A_592 : i32
      %jit3A_594 = arith.constant 1 : i32
      %select_n3A_595 = arith.select %eq3A_593, %jit3A_594, %jit3A_591 : i32
      %rem3A_596 = arith.remsi %scan3A_566, %select_n3A_595 : i32
      %ne3A_597 = arith.constant 0 : i32
      %ne3A_598 = arith.cmpi ne, %rem3A_596, %ne3A_597 : i32
      %lt3A_599 = arith.constant 0 : i32
      %lt3A_600 = arith.cmpi slt, %rem3A_596, %lt3A_599 : i32
      %lt3A_601 = arith.constant 0 : i32
      %lt3A_602 = arith.cmpi slt, %select_n3A_595, %lt3A_601 : i32
      %ne3A_603 = arith.xori %lt3A_600, %lt3A_602 : i1
      %and3A_604 = arith.andi %ne3A_603, %ne3A_598 : i1
      %add3A_605 = arith.addi %rem3A_596, %select_n3A_595 : i32
      %select_n3A_606 = arith.select %and3A_604, %add3A_605, %rem3A_596 : i32
      %mul3A_607 = arith.constant 16 : i32
      %mul3A_608 = arith.muli %select_n3A_606, %mul3A_607 : i32
      %get3A_609 = arith.index_cast %select_n3A_590 : i32 to index
      %get3A_610 = arith.index_cast %mul3A_608 : i32 to index
      %get3A_611 = tpu.vector_load %arg8[%get3A_609, %get3A_610] {strides = array<i32>} : memref<16x1024xf32, #tpu.memory_space<vmem>>, vector<1x16xf32>,
      %get3A_612 = vector.shape_cast %get3A_611 : vector<1x16xf32> to vector<16xf32>
      %get3A_613 = arith.index_cast %select_n3A_590 : i32 to index
      %get3A_614 = arith.index_cast %mul3A_608 : i32 to index
      %get3A_615 = tpu.vector_load %arg10[%get3A_613, %get3A_614] {strides = array<i32>} : memref<16x1024xf32, #tpu.memory_space<vmem>>, vector<1x16xf32>,
      %get3A_616 = vector.shape_cast %get3A_615 : vector<1x16xf32> to vector<16xf32>
      %add3A_617 = arith.addf %get3A_612, %get3A_616 : vector<16xf32>
      %swap3A_618 = arith.index_cast %select_n3A_590 : i32 to index
      %swap3A_619 = arith.index_cast %mul3A_608 : i32 to index
      %swap3A_620 = tpu.vector_load %arg8[%swap3A_618, %swap3A_619] {strides = array<i32>} : memref<16x1024xf32, #tpu.memory_space<vmem>>, vector<1x16xf32>,
      %swap3A_621 = vector.shape_cast %swap3A_620 : vector<1x16xf32> to vector<16xf32>
      %swap3A_622 = vector.shape_cast %add3A_617 : vector<16xf32> to vector<1x16xf32>
      tpu.vector_store %arg8[%swap3A_618, %swap3A_619], %swap3A_622 {strides = array<i32>} : memref<16x1024xf32, #tpu.memory_space<vmem>>, vector<1x16xf32>,
      %scan3A_623 = arith.constant 6 : i32
      %scan3A_624 = arith.addi %scan3A_288, %scan3A_623 : i32
      %jit3A_625 = arith.constant 64 : i32
      %div3A_626 = arith.divsi %scan3A_624, %jit3A_625 : i32
      %sign3A_627 = arith.constant 0 : i32
      %sign3A_628 = arith.cmpi sgt, %scan3A_624, %sign3A_627 : i32
      %sign3A_629 = arith.extui %sign3A_628 : i1 to i32
      %sign3A_630 = arith.constant 0 : i32
      %sign3A_631 = arith.cmpi slt, %scan3A_624, %sign3A_630 : i32
      %sign3A_632 = arith.extui %sign3A_631 : i1 to i32
      %sign3A_633 = arith.subi %sign3A_629, %sign3A_632 : i32
      %sign3A_634 = arith.constant 0 : i32
      %sign3A_635 = arith.cmpi sgt, %jit3A_625, %sign3A_634 : i32
      %sign3A_636 = arith.extui %sign3A_635 : i1 to i32
      %sign3A_637 = arith.constant 0 : i32
      %sign3A_638 = arith.cmpi slt, %jit3A_625, %sign3A_637 : i32
      %sign3A_639 = arith.extui %sign3A_638 : i1 to i32
      %sign3A_640 = arith.subi %sign3A_636, %sign3A_639 : i32
      %ne3A_641 = arith.cmpi ne, %sign3A_633, %sign3A_640 : i32
      %rem3A_642 = arith.remsi %scan3A_624, %jit3A_625 : i32
      %ne3A_643 = arith.constant 0 : i32
      %ne3A_644 = arith.cmpi ne, %rem3A_642, %ne3A_643 : i32
      %and3A_645 = arith.andi %ne3A_641, %ne3A_644 : i1
      %sub3A_646 = arith.constant 1 : i32
      %sub3A_647 = arith.subi %div3A_626, %sub3A_646 : i32
      %select_n3A_648 = arith.select %and3A_645, %sub3A_647, %div3A_626 : i32
      %jit3A_649 = arith.constant 64 : i32
      %eq3A_650 = arith.constant 0 : i32
      %eq3A_651 = arith.cmpi eq, %jit3A_649, %eq3A_650 : i32
      %jit3A_652 = arith.constant 1 : i32
      %select_n3A_653 = arith.select %eq3A_651, %jit3A_652, %jit3A_649 : i32
      %rem3A_654 = arith.remsi %scan3A_624, %select_n3A_653 : i32
      %ne3A_655 = arith.constant 0 : i32
      %ne3A_656 = arith.cmpi ne, %rem3A_654, %ne3A_655 : i32
      %lt3A_657 = arith.constant 0 : i32
      %lt3A_658 = arith.cmpi slt, %rem3A_654, %lt3A_657 : i32
      %lt3A_659 = arith.constant 0 : i32
      %lt3A_660 = arith.cmpi slt, %select_n3A_653, %lt3A_659 : i32
      %ne3A_661 = arith.xori %lt3A_658, %lt3A_660 : i1
      %and3A_662 = arith.andi %ne3A_661, %ne3A_656 : i1
      %add3A_663 = arith.addi %rem3A_654, %select_n3A_653 : i32
      %select_n3A_664 = arith.select %and3A_662, %add3A_663, %rem3A_654 : i32
      %mul3A_665 = arith.constant 16 : i32
      %mul3A_666 = arith.muli %select_n3A_664, %mul3A_665 : i32
      %get3A_667 = arith.index_cast %select_n3A_648 : i32 to index
      %get3A_668 = arith.index_cast %mul3A_666 : i32 to index
      %get3A_669 = tpu.vector_load %arg8[%get3A_667, %get3A_668] {strides = array<i32>} : memref<16x1024xf32, #tpu.memory_space<vmem>>, vector<1x16xf32>,
      %get3A_670 = vector.shape_cast %get3A_669 : vector<1x16xf32> to vector<16xf32>
      %get3A_671 = arith.index_cast %select_n3A_648 : i32 to index
      %get3A_672 = arith.index_cast %mul3A_666 : i32 to index
      %get3A_673 = tpu.vector_load %arg10[%get3A_671, %get3A_672] {strides = array<i32>} : memref<16x1024xf32, #tpu.memory_space<vmem>>, vector<1x16xf32>,
      %get3A_674 = vector.shape_cast %get3A_673 : vector<1x16xf32> to vector<16xf32>
      %add3A_675 = arith.addf %get3A_670, %get3A_674 : vector<16xf32>
      %swap3A_676 = arith.index_cast %select_n3A_648 : i32 to index
      %swap3A_677 = arith.index_cast %mul3A_666 : i32 to index
      %swap3A_678 = tpu.vector_load %arg8[%swap3A_676, %swap3A_677] {strides = array<i32>} : memref<16x1024xf32, #tpu.memory_space<vmem>>, vector<1x16xf32>,
      %swap3A_679 = vector.shape_cast %swap3A_678 : vector<1x16xf32> to vector<16xf32>
      %swap3A_680 = vector.shape_cast %add3A_675 : vector<16xf32> to vector<1x16xf32>
      tpu.vector_store %arg8[%swap3A_676, %swap3A_677], %swap3A_680 {strides = array<i32>} : memref<16x1024xf32, #tpu.memory_space<vmem>>, vector<1x16xf32>,
      %scan3A_681 = arith.constant 7 : i32
      %scan3A_682 = arith.addi %scan3A_288, %scan3A_681 : i32
      %jit3A_683 = arith.constant 64 : i32
      %div3A_684 = arith.divsi %scan3A_682, %jit3A_683 : i32
      %sign3A_685 = arith.constant 0 : i32
      %sign3A_686 = arith.cmpi sgt, %scan3A_682, %sign3A_685 : i32
      %sign3A_687 = arith.extui %sign3A_686 : i1 to i32
      %sign3A_688 = arith.constant 0 : i32
      %sign3A_689 = arith.cmpi slt, %scan3A_682, %sign3A_688 : i32
      %sign3A_690 = arith.extui %sign3A_689 : i1 to i32
      %sign3A_691 = arith.subi %sign3A_687, %sign3A_690 : i32
      %sign3A_692 = arith.constant 0 : i32
      %sign3A_693 = arith.cmpi sgt, %jit3A_683, %sign3A_692 : i32
      %sign3A_694 = arith.extui %sign3A_693 : i1 to i32
      %sign3A_695 = arith.constant 0 : i32
      %sign3A_696 = arith.cmpi slt, %jit3A_683, %sign3A_695 : i32
      %sign3A_697 = arith.extui %sign3A_696 : i1 to i32
      %sign3A_698 = arith.subi %sign3A_694, %sign3A_697 : i32
      %ne3A_699 = arith.cmpi ne, %sign3A_691, %sign3A_698 : i32
      %rem3A_700 = arith.remsi %scan3A_682, %jit3A_683 : i32
      %ne3A_701 = arith.constant 0 : i32
      %ne3A_702 = arith.cmpi ne, %rem3A_700, %ne3A_701 : i32
      %and3A_703 = arith.andi %ne3A_699, %ne3A_702 : i1
      %sub3A_704 = arith.constant 1 : i32
      %sub3A_705 = arith.subi %div3A_684, %sub3A_704 : i32
      %select_n3A_706 = arith.select %and3A_703, %sub3A_705, %div3A_684 : i32
      %jit3A_707 = arith.constant 64 : i32
      %eq3A_708 = arith.constant 0 : i32
      %eq3A_709 = arith.cmpi eq, %jit3A_707, %eq3A_708 : i32
      %jit3A_710 = arith.constant 1 : i32
      %select_n3A_711 = arith.select %eq3A_709, %jit3A_710, %jit3A_707 : i32
      %rem3A_712 = arith.remsi %scan3A_682, %select_n3A_711 : i32
      %ne3A_713 = arith.constant 0 : i32
      %ne3A_714 = arith.cmpi ne, %rem3A_712, %ne3A_713 : i32
      %lt3A_715 = arith.constant 0 : i32
      %lt3A_716 = arith.cmpi slt, %rem3A_712, %lt3A_715 : i32
      %lt3A_717 = arith.constant 0 : i32
      %lt3A_718 = arith.cmpi slt, %select_n3A_711, %lt3A_717 : i32
      %ne3A_719 = arith.xori %lt3A_716, %lt3A_718 : i1
      %and3A_720 = arith.andi %ne3A_719, %ne3A_714 : i1
      %add3A_721 = arith.addi %rem3A_712, %select_n3A_711 : i32
      %select_n3A_722 = arith.select %and3A_720, %add3A_721, %rem3A_712 : i32
      %mul3A_723 = arith.constant 16 : i32
      %mul3A_724 = arith.muli %select_n3A_722, %mul3A_723 : i32
      %get3A_725 = arith.index_cast %select_n3A_706 : i32 to index
      %get3A_726 = arith.index_cast %mul3A_724 : i32 to index
      %get3A_727 = tpu.vector_load %arg8[%get3A_725, %get3A_726] {strides = array<i32>} : memref<16x1024xf32, #tpu.memory_space<vmem>>, vector<1x16xf32>,
      %get3A_728 = vector.shape_cast %get3A_727 : vector<1x16xf32> to vector<16xf32>
      %get3A_729 = arith.index_cast %select_n3A_706 : i32 to index
      %get3A_730 = arith.index_cast %mul3A_724 : i32 to index
      %get3A_731 = tpu.vector_load %arg10[%get3A_729, %get3A_730] {strides = array<i32>} : memref<16x1024xf32, #tpu.memory_space<vmem>>, vector<1x16xf32>,
      %get3A_732 = vector.shape_cast %get3A_731 : vector<1x16xf32> to vector<16xf32>
      %add3A_733 = arith.addf %get3A_728, %get3A_732 : vector<16xf32>
      %swap3A_734 = arith.index_cast %select_n3A_706 : i32 to index
      %swap3A_735 = arith.index_cast %mul3A_724 : i32 to index
      %swap3A_736 = tpu.vector_load %arg8[%swap3A_734, %swap3A_735] {strides = array<i32>} : memref<16x1024xf32, #tpu.memory_space<vmem>>, vector<1x16xf32>,
      %swap3A_737 = vector.shape_cast %swap3A_736 : vector<1x16xf32> to vector<16xf32>
      %swap3A_738 = vector.shape_cast %add3A_733 : vector<16xf32> to vector<1x16xf32>
      tpu.vector_store %arg8[%swap3A_734, %swap3A_735], %swap3A_738 {strides = array<i32>} : memref<16x1024xf32, #tpu.memory_space<vmem>>, vector<1x16xf32>,
    }
    %scan3A_107 = arith.constant 1024 : i32
    %add3A_108 = arith.constant 32 : i32
    %add3A_109 = arith.addi %mul3A_2, %add3A_108 : i32
    %dma_start3A_110 = arith.constant 0 : i32
    %dma_start3A_111 = tpu.memref_slice %arg5[%add3A_109, %dma_start3A_110] : memref<4096x1024xf32, #tpu.memory_space<hbm>> -> memref<16x1024xf32, #tpu.memory_space<hbm>>
    %dma_start3A_112 = arith.constant 0 : i32
    %dma_start3A_113 = tpu.memref_slice %arg5[%add3A_109, %dma_start3A_112] : memref<4096x1024xf32, #tpu.memory_space<hbm>> -> memref<16x1024xf32, #tpu.memory_space<hbm>>
    tpu.enqueue_dma source(%arg8 : memref<16x1024xf32, #tpu.memory_space<vmem>>) target(%dma_start3A_113 : memref<16x1024xf32, #tpu.memory_space<hbm>>) target_semaphore(%arg16 : memref<!tpu.dma_semaphore, #tpu.memory_space<semaphore_mem>>)
    %dma_wait3A_114 = arith.constant 0 : i32
    %dma_wait3A_115 = tpu.memref_slice %arg5[%add3A_109, %dma_wait3A_114] : memref<4096x1024xf32, #tpu.memory_space<hbm>> -> memref<16x1024xf32, #tpu.memory_space<hbm>>
    %dma_wait3A_116 = arith.constant 0 : i32
    %dma_wait3A_117 = tpu.memref_slice %arg5[%add3A_109, %dma_wait3A_116] : memref<4096x1024xf32, #tpu.memory_space<hbm>> -> memref<16x1024xf32, #tpu.memory_space<hbm>>
    tpu.wait_dma2 semaphore(%arg16 : memref<!tpu.dma_semaphore, #tpu.memory_space<semaphore_mem>>) src(%arg8 : memref<16x1024xf32, #tpu.memory_space<vmem>>) dst(%dma_wait3A_117 : memref<16x1024xf32, #tpu.memory_space<hbm>>)
    %dma_start3A_118 = arith.constant 64 : i32
    %dma_start3A_119 = tpu.memref_slice %arg6[%dma_start3A_118] : memref<128xi32, #tpu.memory_space<vmem>> -> memref<16xi32, #tpu.memory_space<vmem>>
    %dma_start3A_120 = arith.constant 0 : i32
    %dma_start3A_121 = arith.constant 0 : i32
    %dma_start3A_122 = tpu.memref_slice %arg2[%dma_start3A_120, %dma_start3A_121] : memref<10240x1024xf32, #tpu.memory_space<hbm>> -> memref<10240x1024xf32, #tpu.memory_space<hbm>>
    tpu.enqueue_indirect_dma source(%dma_start3A_122 : memref<10240x1024xf32, #tpu.memory_space<hbm>>) target(%arg8 : memref<16x1024xf32, #tpu.memory_space<vmem>>) offsets(%dma_start3A_119 : memref<16xi32, #tpu.memory_space<vmem>>) semaphore(%arg12 : memref<!tpu.dma_semaphore, #tpu.memory_space<semaphore_mem>>)
    %dma_start3A_123 = arith.constant 64 : i32
    %dma_start3A_124 = tpu.memref_slice %arg7[%dma_start3A_123] : memref<128xi32, #tpu.memory_space<vmem>> -> memref<16xi32, #tpu.memory_space<vmem>>
    %dma_start3A_125 = arith.constant 0 : i32
    %dma_start3A_126 = arith.constant 0 : i32
    %dma_start3A_127 = tpu.memref_slice %arg2[%dma_start3A_125, %dma_start3A_126] : memref<10240x1024xf32, #tpu.memory_space<hbm>> -> memref<10240x1024xf32, #tpu.memory_space<hbm>>
    tpu.enqueue_indirect_dma source(%dma_start3A_127 : memref<10240x1024xf32, #tpu.memory_space<hbm>>) target(%arg10 : memref<16x1024xf32, #tpu.memory_space<vmem>>) offsets(%dma_start3A_124 : memref<16xi32, #tpu.memory_space<vmem>>) semaphore(%arg14 : memref<!tpu.dma_semaphore, #tpu.memory_space<semaphore_mem>>)
    %dma_wait3A_128 = arith.constant 48 : i32
    %dma_wait3A_129 = tpu.memref_slice %arg6[%dma_wait3A_128] : memref<128xi32, #tpu.memory_space<vmem>> -> memref<16xi32, #tpu.memory_space<vmem>>
    %dma_wait3A_130 = arith.constant 0 : i32
    %dma_wait3A_131 = arith.constant 0 : i32
    %dma_wait3A_132 = tpu.memref_slice %arg2[%dma_wait3A_130, %dma_wait3A_131] : memref<10240x1024xf32, #tpu.memory_space<hbm>> -> memref<10240x1024xf32, #tpu.memory_space<hbm>>
    tpu.wait_indirect_dma semaphore(%arg13 : memref<!tpu.dma_semaphore, #tpu.memory_space<semaphore_mem>>) src(%dma_wait3A_132 : memref<10240x1024xf32, #tpu.memory_space<hbm>>) dst(%arg9 : memref<16x1024xf32, #tpu.memory_space<vmem>>)
    %dma_wait3A_133 = arith.constant 48 : i32
    %dma_wait3A_134 = tpu.memref_slice %arg7[%dma_wait3A_133] : memref<128xi32, #tpu.memory_space<vmem>> -> memref<16xi32, #tpu.memory_space<vmem>>
    %dma_wait3A_135 = arith.constant 0 : i32
    %dma_wait3A_136 = arith.constant 0 : i32
    %dma_wait3A_137 = tpu.memref_slice %arg2[%dma_wait3A_135, %dma_wait3A_136] : memref<10240x1024xf32, #tpu.memory_space<hbm>> -> memref<10240x1024xf32, #tpu.memory_space<hbm>>
    tpu.wait_indirect_dma semaphore(%arg15 : memref<!tpu.dma_semaphore, #tpu.memory_space<semaphore_mem>>) src(%dma_wait3A_137 : memref<10240x1024xf32, #tpu.memory_space<hbm>>) dst(%arg11 : memref<16x1024xf32, #tpu.memory_space<vmem>>)
    %scan3A_138 = arith.constant 0 : i32
    %scan3A_139 = arith.constant 0 : i32
    %scan3A_140 = arith.constant 1024 : i32
    %scan3A_141 = arith.addi %scan3A_139, %scan3A_140 : i32
    %scan3A_142 = arith.constant 8 : i32
    scf.for %scan3A_288 = %scan3A_139 to %scan3A_141 step %scan3A_142  : i32 {
      %jit3A = arith.constant 64 : i32
      %div3A = arith.divsi %scan3A_288, %jit3A : i32
      %sign3A = arith.constant 0 : i32
      %sign3A_289 = arith.cmpi sgt, %scan3A_288, %sign3A : i32
      %sign3A_290 = arith.extui %sign3A_289 : i1 to i32
      %sign3A_291 = arith.constant 0 : i32
      %sign3A_292 = arith.cmpi slt, %scan3A_288, %sign3A_291 : i32
      %sign3A_293 = arith.extui %sign3A_292 : i1 to i32
      %sign3A_294 = arith.subi %sign3A_290, %sign3A_293 : i32
      %sign3A_295 = arith.constant 0 : i32
      %sign3A_296 = arith.cmpi sgt, %jit3A, %sign3A_295 : i32
      %sign3A_297 = arith.extui %sign3A_296 : i1 to i32
      %sign3A_298 = arith.constant 0 : i32
      %sign3A_299 = arith.cmpi slt, %jit3A, %sign3A_298 : i32
      %sign3A_300 = arith.extui %sign3A_299 : i1 to i32
      %sign3A_301 = arith.subi %sign3A_297, %sign3A_300 : i32
      %ne3A = arith.cmpi ne, %sign3A_294, %sign3A_301 : i32
      %rem3A = arith.remsi %scan3A_288, %jit3A : i32
      %ne3A_302 = arith.constant 0 : i32
      %ne3A_303 = arith.cmpi ne, %rem3A, %ne3A_302 : i32
      %and3A = arith.andi %ne3A, %ne3A_303 : i1
      %sub3A = arith.constant 1 : i32
      %sub3A_304 = arith.subi %div3A, %sub3A : i32
      %select_n3A = arith.select %and3A, %sub3A_304, %div3A : i32
      %jit3A_305 = arith.constant 64 : i32
      %eq3A = arith.constant 0 : i32
      %eq3A_306 = arith.cmpi eq, %jit3A_305, %eq3A : i32
      %jit3A_307 = arith.constant 1 : i32
      %select_n3A_308 = arith.select %eq3A_306, %jit3A_307, %jit3A_305 : i32
      %rem3A_309 = arith.remsi %scan3A_288, %select_n3A_308 : i32
      %ne3A_310 = arith.constant 0 : i32
      %ne3A_311 = arith.cmpi ne, %rem3A_309, %ne3A_310 : i32
      %lt3A = arith.constant 0 : i32
      %lt3A_312 = arith.cmpi slt, %rem3A_309, %lt3A : i32
      %lt3A_313 = arith.constant 0 : i32
      %lt3A_314 = arith.cmpi slt, %select_n3A_308, %lt3A_313 : i32
      %ne3A_315 = arith.xori %lt3A_312, %lt3A_314 : i1
      %and3A_316 = arith.andi %ne3A_315, %ne3A_311 : i1
      %add3A_317 = arith.addi %rem3A_309, %select_n3A_308 : i32
      %select_n3A_318 = arith.select %and3A_316, %add3A_317, %rem3A_309 : i32
      %mul3A_319 = arith.constant 16 : i32
      %mul3A_320 = arith.muli %select_n3A_318, %mul3A_319 : i32
      %get3A = arith.index_cast %select_n3A : i32 to index
      %get3A_321 = arith.index_cast %mul3A_320 : i32 to index
      %get3A_322 = tpu.vector_load %arg9[%get3A, %get3A_321] {strides = array<i32>} : memref<16x1024xf32, #tpu.memory_space<vmem>>, vector<1x16xf32>,
      %get3A_323 = vector.shape_cast %get3A_322 : vector<1x16xf32> to vector<16xf32>
      %get3A_324 = arith.index_cast %select_n3A : i32 to index
      %get3A_325 = arith.index_cast %mul3A_320 : i32 to index
      %get3A_326 = tpu.vector_load %arg11[%get3A_324, %get3A_325] {strides = array<i32>} : memref<16x1024xf32, #tpu.memory_space<vmem>>, vector<1x16xf32>,
      %get3A_327 = vector.shape_cast %get3A_326 : vector<1x16xf32> to vector<16xf32>
      %add3A_328 = arith.addf %get3A_323, %get3A_327 : vector<16xf32>
      %swap3A = arith.index_cast %select_n3A : i32 to index
      %swap3A_329 = arith.index_cast %mul3A_320 : i32 to index
      %swap3A_330 = tpu.vector_load %arg9[%swap3A, %swap3A_329] {strides = array<i32>} : memref<16x1024xf32, #tpu.memory_space<vmem>>, vector<1x16xf32>,
      %swap3A_331 = vector.shape_cast %swap3A_330 : vector<1x16xf32> to vector<16xf32>
      %swap3A_332 = vector.shape_cast %add3A_328 : vector<16xf32> to vector<1x16xf32>
      tpu.vector_store %arg9[%swap3A, %swap3A_329], %swap3A_332 {strides = array<i32>} : memref<16x1024xf32, #tpu.memory_space<vmem>>, vector<1x16xf32>,
      %scan3A_333 = arith.constant 1 : i32
      %scan3A_334 = arith.addi %scan3A_288, %scan3A_333 : i32
      %jit3A_335 = arith.constant 64 : i32
      %div3A_336 = arith.divsi %scan3A_334, %jit3A_335 : i32
      %sign3A_337 = arith.constant 0 : i32
      %sign3A_338 = arith.cmpi sgt, %scan3A_334, %sign3A_337 : i32
      %sign3A_339 = arith.extui %sign3A_338 : i1 to i32
      %sign3A_340 = arith.constant 0 : i32
      %sign3A_341 = arith.cmpi slt, %scan3A_334, %sign3A_340 : i32
      %sign3A_342 = arith.extui %sign3A_341 : i1 to i32
      %sign3A_343 = arith.subi %sign3A_339, %sign3A_342 : i32
      %sign3A_344 = arith.constant 0 : i32
      %sign3A_345 = arith.cmpi sgt, %jit3A_335, %sign3A_344 : i32
      %sign3A_346 = arith.extui %sign3A_345 : i1 to i32
      %sign3A_347 = arith.constant 0 : i32
      %sign3A_348 = arith.cmpi slt, %jit3A_335, %sign3A_347 : i32
      %sign3A_349 = arith.extui %sign3A_348 : i1 to i32
      %sign3A_350 = arith.subi %sign3A_346, %sign3A_349 : i32
      %ne3A_351 = arith.cmpi ne, %sign3A_343, %sign3A_350 : i32
      %rem3A_352 = arith.remsi %scan3A_334, %jit3A_335 : i32
      %ne3A_353 = arith.constant 0 : i32
      %ne3A_354 = arith.cmpi ne, %rem3A_352, %ne3A_353 : i32
      %and3A_355 = arith.andi %ne3A_351, %ne3A_354 : i1
      %sub3A_356 = arith.constant 1 : i32
      %sub3A_357 = arith.subi %div3A_336, %sub3A_356 : i32
      %select_n3A_358 = arith.select %and3A_355, %sub3A_357, %div3A_336 : i32
      %jit3A_359 = arith.constant 64 : i32
      %eq3A_360 = arith.constant 0 : i32
      %eq3A_361 = arith.cmpi eq, %jit3A_359, %eq3A_360 : i32
      %jit3A_362 = arith.constant 1 : i32
      %select_n3A_363 = arith.select %eq3A_361, %jit3A_362, %jit3A_359 : i32
      %rem3A_364 = arith.remsi %scan3A_334, %select_n3A_363 : i32
      %ne3A_365 = arith.constant 0 : i32
      %ne3A_366 = arith.cmpi ne, %rem3A_364, %ne3A_365 : i32
      %lt3A_367 = arith.constant 0 : i32
      %lt3A_368 = arith.cmpi slt, %rem3A_364, %lt3A_367 : i32
      %lt3A_369 = arith.constant 0 : i32
      %lt3A_370 = arith.cmpi slt, %select_n3A_363, %lt3A_369 : i32
      %ne3A_371 = arith.xori %lt3A_368, %lt3A_370 : i1
      %and3A_372 = arith.andi %ne3A_371, %ne3A_366 : i1
      %add3A_373 = arith.addi %rem3A_364, %select_n3A_363 : i32
      %select_n3A_374 = arith.select %and3A_372, %add3A_373, %rem3A_364 : i32
      %mul3A_375 = arith.constant 16 : i32
      %mul3A_376 = arith.muli %select_n3A_374, %mul3A_375 : i32
      %get3A_377 = arith.index_cast %select_n3A_358 : i32 to index
      %get3A_378 = arith.index_cast %mul3A_376 : i32 to index
      %get3A_379 = tpu.vector_load %arg9[%get3A_377, %get3A_378] {strides = array<i32>} : memref<16x1024xf32, #tpu.memory_space<vmem>>, vector<1x16xf32>,
      %get3A_380 = vector.shape_cast %get3A_379 : vector<1x16xf32> to vector<16xf32>
      %get3A_381 = arith.index_cast %select_n3A_358 : i32 to index
      %get3A_382 = arith.index_cast %mul3A_376 : i32 to index
      %get3A_383 = tpu.vector_load %arg11[%get3A_381, %get3A_382] {strides = array<i32>} : memref<16x1024xf32, #tpu.memory_space<vmem>>, vector<1x16xf32>,
      %get3A_384 = vector.shape_cast %get3A_383 : vector<1x16xf32> to vector<16xf32>
      %add3A_385 = arith.addf %get3A_380, %get3A_384 : vector<16xf32>
      %swap3A_386 = arith.index_cast %select_n3A_358 : i32 to index
      %swap3A_387 = arith.index_cast %mul3A_376 : i32 to index
      %swap3A_388 = tpu.vector_load %arg9[%swap3A_386, %swap3A_387] {strides = array<i32>} : memref<16x1024xf32, #tpu.memory_space<vmem>>, vector<1x16xf32>,
      %swap3A_389 = vector.shape_cast %swap3A_388 : vector<1x16xf32> to vector<16xf32>
      %swap3A_390 = vector.shape_cast %add3A_385 : vector<16xf32> to vector<1x16xf32>
      tpu.vector_store %arg9[%swap3A_386, %swap3A_387], %swap3A_390 {strides = array<i32>} : memref<16x1024xf32, #tpu.memory_space<vmem>>, vector<1x16xf32>,
      %scan3A_391 = arith.constant 2 : i32
      %scan3A_392 = arith.addi %scan3A_288, %scan3A_391 : i32
      %jit3A_393 = arith.constant 64 : i32
      %div3A_394 = arith.divsi %scan3A_392, %jit3A_393 : i32
      %sign3A_395 = arith.constant 0 : i32
      %sign3A_396 = arith.cmpi sgt, %scan3A_392, %sign3A_395 : i32
      %sign3A_397 = arith.extui %sign3A_396 : i1 to i32
      %sign3A_398 = arith.constant 0 : i32
      %sign3A_399 = arith.cmpi slt, %scan3A_392, %sign3A_398 : i32
      %sign3A_400 = arith.extui %sign3A_399 : i1 to i32
      %sign3A_401 = arith.subi %sign3A_397, %sign3A_400 : i32
      %sign3A_402 = arith.constant 0 : i32
      %sign3A_403 = arith.cmpi sgt, %jit3A_393, %sign3A_402 : i32
      %sign3A_404 = arith.extui %sign3A_403 : i1 to i32
      %sign3A_405 = arith.constant 0 : i32
      %sign3A_406 = arith.cmpi slt, %jit3A_393, %sign3A_405 : i32
      %sign3A_407 = arith.extui %sign3A_406 : i1 to i32
      %sign3A_408 = arith.subi %sign3A_404, %sign3A_407 : i32
      %ne3A_409 = arith.cmpi ne, %sign3A_401, %sign3A_408 : i32
      %rem3A_410 = arith.remsi %scan3A_392, %jit3A_393 : i32
      %ne3A_411 = arith.constant 0 : i32
      %ne3A_412 = arith.cmpi ne, %rem3A_410, %ne3A_411 : i32
      %and3A_413 = arith.andi %ne3A_409, %ne3A_412 : i1
      %sub3A_414 = arith.constant 1 : i32
      %sub3A_415 = arith.subi %div3A_394, %sub3A_414 : i32
      %select_n3A_416 = arith.select %and3A_413, %sub3A_415, %div3A_394 : i32
      %jit3A_417 = arith.constant 64 : i32
      %eq3A_418 = arith.constant 0 : i32
      %eq3A_419 = arith.cmpi eq, %jit3A_417, %eq3A_418 : i32
      %jit3A_420 = arith.constant 1 : i32
      %select_n3A_421 = arith.select %eq3A_419, %jit3A_420, %jit3A_417 : i32
      %rem3A_422 = arith.remsi %scan3A_392, %select_n3A_421 : i32
      %ne3A_423 = arith.constant 0 : i32
      %ne3A_424 = arith.cmpi ne, %rem3A_422, %ne3A_423 : i32
      %lt3A_425 = arith.constant 0 : i32
      %lt3A_426 = arith.cmpi slt, %rem3A_422, %lt3A_425 : i32
      %lt3A_427 = arith.constant 0 : i32
      %lt3A_428 = arith.cmpi slt, %select_n3A_421, %lt3A_427 : i32
      %ne3A_429 = arith.xori %lt3A_426, %lt3A_428 : i1
      %and3A_430 = arith.andi %ne3A_429, %ne3A_424 : i1
      %add3A_431 = arith.addi %rem3A_422, %select_n3A_421 : i32
      %select_n3A_432 = arith.select %and3A_430, %add3A_431, %rem3A_422 : i32
      %mul3A_433 = arith.constant 16 : i32
      %mul3A_434 = arith.muli %select_n3A_432, %mul3A_433 : i32
      %get3A_435 = arith.index_cast %select_n3A_416 : i32 to index
      %get3A_436 = arith.index_cast %mul3A_434 : i32 to index
      %get3A_437 = tpu.vector_load %arg9[%get3A_435, %get3A_436] {strides = array<i32>} : memref<16x1024xf32, #tpu.memory_space<vmem>>, vector<1x16xf32>,
      %get3A_438 = vector.shape_cast %get3A_437 : vector<1x16xf32> to vector<16xf32>
      %get3A_439 = arith.index_cast %select_n3A_416 : i32 to index
      %get3A_440 = arith.index_cast %mul3A_434 : i32 to index
      %get3A_441 = tpu.vector_load %arg11[%get3A_439, %get3A_440] {strides = array<i32>} : memref<16x1024xf32, #tpu.memory_space<vmem>>, vector<1x16xf32>,
      %get3A_442 = vector.shape_cast %get3A_441 : vector<1x16xf32> to vector<16xf32>
      %add3A_443 = arith.addf %get3A_438, %get3A_442 : vector<16xf32>
      %swap3A_444 = arith.index_cast %select_n3A_416 : i32 to index
      %swap3A_445 = arith.index_cast %mul3A_434 : i32 to index
      %swap3A_446 = tpu.vector_load %arg9[%swap3A_444, %swap3A_445] {strides = array<i32>} : memref<16x1024xf32, #tpu.memory_space<vmem>>, vector<1x16xf32>,
      %swap3A_447 = vector.shape_cast %swap3A_446 : vector<1x16xf32> to vector<16xf32>
      %swap3A_448 = vector.shape_cast %add3A_443 : vector<16xf32> to vector<1x16xf32>
      tpu.vector_store %arg9[%swap3A_444, %swap3A_445], %swap3A_448 {strides = array<i32>} : memref<16x1024xf32, #tpu.memory_space<vmem>>, vector<1x16xf32>,
      %scan3A_449 = arith.constant 3 : i32
      %scan3A_450 = arith.addi %scan3A_288, %scan3A_449 : i32
      %jit3A_451 = arith.constant 64 : i32
      %div3A_452 = arith.divsi %scan3A_450, %jit3A_451 : i32
      %sign3A_453 = arith.constant 0 : i32
      %sign3A_454 = arith.cmpi sgt, %scan3A_450, %sign3A_453 : i32
      %sign3A_455 = arith.extui %sign3A_454 : i1 to i32
      %sign3A_456 = arith.constant 0 : i32
      %sign3A_457 = arith.cmpi slt, %scan3A_450, %sign3A_456 : i32
      %sign3A_458 = arith.extui %sign3A_457 : i1 to i32
      %sign3A_459 = arith.subi %sign3A_455, %sign3A_458 : i32
      %sign3A_460 = arith.constant 0 : i32
      %sign3A_461 = arith.cmpi sgt, %jit3A_451, %sign3A_460 : i32
      %sign3A_462 = arith.extui %sign3A_461 : i1 to i32
      %sign3A_463 = arith.constant 0 : i32
      %sign3A_464 = arith.cmpi slt, %jit3A_451, %sign3A_463 : i32
      %sign3A_465 = arith.extui %sign3A_464 : i1 to i32
      %sign3A_466 = arith.subi %sign3A_462, %sign3A_465 : i32
      %ne3A_467 = arith.cmpi ne, %sign3A_459, %sign3A_466 : i32
      %rem3A_468 = arith.remsi %scan3A_450, %jit3A_451 : i32
      %ne3A_469 = arith.constant 0 : i32
      %ne3A_470 = arith.cmpi ne, %rem3A_468, %ne3A_469 : i32
      %and3A_471 = arith.andi %ne3A_467, %ne3A_470 : i1
      %sub3A_472 = arith.constant 1 : i32
      %sub3A_473 = arith.subi %div3A_452, %sub3A_472 : i32
      %select_n3A_474 = arith.select %and3A_471, %sub3A_473, %div3A_452 : i32
      %jit3A_475 = arith.constant 64 : i32
      %eq3A_476 = arith.constant 0 : i32
      %eq3A_477 = arith.cmpi eq, %jit3A_475, %eq3A_476 : i32
      %jit3A_478 = arith.constant 1 : i32
      %select_n3A_479 = arith.select %eq3A_477, %jit3A_478, %jit3A_475 : i32
      %rem3A_480 = arith.remsi %scan3A_450, %select_n3A_479 : i32
      %ne3A_481 = arith.constant 0 : i32
      %ne3A_482 = arith.cmpi ne, %rem3A_480, %ne3A_481 : i32
      %lt3A_483 = arith.constant 0 : i32
      %lt3A_484 = arith.cmpi slt, %rem3A_480, %lt3A_483 : i32
      %lt3A_485 = arith.constant 0 : i32
      %lt3A_486 = arith.cmpi slt, %select_n3A_479, %lt3A_485 : i32
      %ne3A_487 = arith.xori %lt3A_484, %lt3A_486 : i1
      %and3A_488 = arith.andi %ne3A_487, %ne3A_482 : i1
      %add3A_489 = arith.addi %rem3A_480, %select_n3A_479 : i32
      %select_n3A_490 = arith.select %and3A_488, %add3A_489, %rem3A_480 : i32
      %mul3A_491 = arith.constant 16 : i32
      %mul3A_492 = arith.muli %select_n3A_490, %mul3A_491 : i32
      %get3A_493 = arith.index_cast %select_n3A_474 : i32 to index
      %get3A_494 = arith.index_cast %mul3A_492 : i32 to index
      %get3A_495 = tpu.vector_load %arg9[%get3A_493, %get3A_494] {strides = array<i32>} : memref<16x1024xf32, #tpu.memory_space<vmem>>, vector<1x16xf32>,
      %get3A_496 = vector.shape_cast %get3A_495 : vector<1x16xf32> to vector<16xf32>
      %get3A_497 = arith.index_cast %select_n3A_474 : i32 to index
      %get3A_498 = arith.index_cast %mul3A_492 : i32 to index
      %get3A_499 = tpu.vector_load %arg11[%get3A_497, %get3A_498] {strides = array<i32>} : memref<16x1024xf32, #tpu.memory_space<vmem>>, vector<1x16xf32>,
      %get3A_500 = vector.shape_cast %get3A_499 : vector<1x16xf32> to vector<16xf32>
      %add3A_501 = arith.addf %get3A_496, %get3A_500 : vector<16xf32>
      %swap3A_502 = arith.index_cast %select_n3A_474 : i32 to index
      %swap3A_503 = arith.index_cast %mul3A_492 : i32 to index
      %swap3A_504 = tpu.vector_load %arg9[%swap3A_502, %swap3A_503] {strides = array<i32>} : memref<16x1024xf32, #tpu.memory_space<vmem>>, vector<1x16xf32>,
      %swap3A_505 = vector.shape_cast %swap3A_504 : vector<1x16xf32> to vector<16xf32>
      %swap3A_506 = vector.shape_cast %add3A_501 : vector<16xf32> to vector<1x16xf32>
      tpu.vector_store %arg9[%swap3A_502, %swap3A_503], %swap3A_506 {strides = array<i32>} : memref<16x1024xf32, #tpu.memory_space<vmem>>, vector<1x16xf32>,
      %scan3A_507 = arith.constant 4 : i32
      %scan3A_508 = arith.addi %scan3A_288, %scan3A_507 : i32
      %jit3A_509 = arith.constant 64 : i32
      %div3A_510 = arith.divsi %scan3A_508, %jit3A_509 : i32
      %sign3A_511 = arith.constant 0 : i32
      %sign3A_512 = arith.cmpi sgt, %scan3A_508, %sign3A_511 : i32
      %sign3A_513 = arith.extui %sign3A_512 : i1 to i32
      %sign3A_514 = arith.constant 0 : i32
      %sign3A_515 = arith.cmpi slt, %scan3A_508, %sign3A_514 : i32
      %sign3A_516 = arith.extui %sign3A_515 : i1 to i32
      %sign3A_517 = arith.subi %sign3A_513, %sign3A_516 : i32
      %sign3A_518 = arith.constant 0 : i32
      %sign3A_519 = arith.cmpi sgt, %jit3A_509, %sign3A_518 : i32
      %sign3A_520 = arith.extui %sign3A_519 : i1 to i32
      %sign3A_521 = arith.constant 0 : i32
      %sign3A_522 = arith.cmpi slt, %jit3A_509, %sign3A_521 : i32
      %sign3A_523 = arith.extui %sign3A_522 : i1 to i32
      %sign3A_524 = arith.subi %sign3A_520, %sign3A_523 : i32
      %ne3A_525 = arith.cmpi ne, %sign3A_517, %sign3A_524 : i32
      %rem3A_526 = arith.remsi %scan3A_508, %jit3A_509 : i32
      %ne3A_527 = arith.constant 0 : i32
      %ne3A_528 = arith.cmpi ne, %rem3A_526, %ne3A_527 : i32
      %and3A_529 = arith.andi %ne3A_525, %ne3A_528 : i1
      %sub3A_530 = arith.constant 1 : i32
      %sub3A_531 = arith.subi %div3A_510, %sub3A_530 : i32
      %select_n3A_532 = arith.select %and3A_529, %sub3A_531, %div3A_510 : i32
      %jit3A_533 = arith.constant 64 : i32
      %eq3A_534 = arith.constant 0 : i32
      %eq3A_535 = arith.cmpi eq, %jit3A_533, %eq3A_534 : i32
      %jit3A_536 = arith.constant 1 : i32
      %select_n3A_537 = arith.select %eq3A_535, %jit3A_536, %jit3A_533 : i32
      %rem3A_538 = arith.remsi %scan3A_508, %select_n3A_537 : i32
      %ne3A_539 = arith.constant 0 : i32
      %ne3A_540 = arith.cmpi ne, %rem3A_538, %ne3A_539 : i32
      %lt3A_541 = arith.constant 0 : i32
      %lt3A_542 = arith.cmpi slt, %rem3A_538, %lt3A_541 : i32
      %lt3A_543 = arith.constant 0 : i32
      %lt3A_544 = arith.cmpi slt, %select_n3A_537, %lt3A_543 : i32
      %ne3A_545 = arith.xori %lt3A_542, %lt3A_544 : i1
      %and3A_546 = arith.andi %ne3A_545, %ne3A_540 : i1
      %add3A_547 = arith.addi %rem3A_538, %select_n3A_537 : i32
      %select_n3A_548 = arith.select %and3A_546, %add3A_547, %rem3A_538 : i32
      %mul3A_549 = arith.constant 16 : i32
      %mul3A_550 = arith.muli %select_n3A_548, %mul3A_549 : i32
      %get3A_551 = arith.index_cast %select_n3A_532 : i32 to index
      %get3A_552 = arith.index_cast %mul3A_550 : i32 to index
      %get3A_553 = tpu.vector_load %arg9[%get3A_551, %get3A_552] {strides = array<i32>} : memref<16x1024xf32, #tpu.memory_space<vmem>>, vector<1x16xf32>,
      %get3A_554 = vector.shape_cast %get3A_553 : vector<1x16xf32> to vector<16xf32>
      %get3A_555 = arith.index_cast %select_n3A_532 : i32 to index
      %get3A_556 = arith.index_cast %mul3A_550 : i32 to index
      %get3A_557 = tpu.vector_load %arg11[%get3A_555, %get3A_556] {strides = array<i32>} : memref<16x1024xf32, #tpu.memory_space<vmem>>, vector<1x16xf32>,
      %get3A_558 = vector.shape_cast %get3A_557 : vector<1x16xf32> to vector<16xf32>
      %add3A_559 = arith.addf %get3A_554, %get3A_558 : vector<16xf32>
      %swap3A_560 = arith.index_cast %select_n3A_532 : i32 to index
      %swap3A_561 = arith.index_cast %mul3A_550 : i32 to index
      %swap3A_562 = tpu.vector_load %arg9[%swap3A_560, %swap3A_561] {strides = array<i32>} : memref<16x1024xf32, #tpu.memory_space<vmem>>, vector<1x16xf32>,
      %swap3A_563 = vector.shape_cast %swap3A_562 : vector<1x16xf32> to vector<16xf32>
      %swap3A_564 = vector.shape_cast %add3A_559 : vector<16xf32> to vector<1x16xf32>
      tpu.vector_store %arg9[%swap3A_560, %swap3A_561], %swap3A_564 {strides = array<i32>} : memref<16x1024xf32, #tpu.memory_space<vmem>>, vector<1x16xf32>,
      %scan3A_565 = arith.constant 5 : i32
      %scan3A_566 = arith.addi %scan3A_288, %scan3A_565 : i32
      %jit3A_567 = arith.constant 64 : i32
      %div3A_568 = arith.divsi %scan3A_566, %jit3A_567 : i32
      %sign3A_569 = arith.constant 0 : i32
      %sign3A_570 = arith.cmpi sgt, %scan3A_566, %sign3A_569 : i32
      %sign3A_571 = arith.extui %sign3A_570 : i1 to i32
      %sign3A_572 = arith.constant 0 : i32
      %sign3A_573 = arith.cmpi slt, %scan3A_566, %sign3A_572 : i32
      %sign3A_574 = arith.extui %sign3A_573 : i1 to i32
      %sign3A_575 = arith.subi %sign3A_571, %sign3A_574 : i32
      %sign3A_576 = arith.constant 0 : i32
      %sign3A_577 = arith.cmpi sgt, %jit3A_567, %sign3A_576 : i32
      %sign3A_578 = arith.extui %sign3A_577 : i1 to i32
      %sign3A_579 = arith.constant 0 : i32
      %sign3A_580 = arith.cmpi slt, %jit3A_567, %sign3A_579 : i32
      %sign3A_581 = arith.extui %sign3A_580 : i1 to i32
      %sign3A_582 = arith.subi %sign3A_578, %sign3A_581 : i32
      %ne3A_583 = arith.cmpi ne, %sign3A_575, %sign3A_582 : i32
      %rem3A_584 = arith.remsi %scan3A_566, %jit3A_567 : i32
      %ne3A_585 = arith.constant 0 : i32
      %ne3A_586 = arith.cmpi ne, %rem3A_584, %ne3A_585 : i32
      %and3A_587 = arith.andi %ne3A_583, %ne3A_586 : i1
      %sub3A_588 = arith.constant 1 : i32
      %sub3A_589 = arith.subi %div3A_568, %sub3A_588 : i32
      %select_n3A_590 = arith.select %and3A_587, %sub3A_589, %div3A_568 : i32
      %jit3A_591 = arith.constant 64 : i32
      %eq3A_592 = arith.constant 0 : i32
      %eq3A_593 = arith.cmpi eq, %jit3A_591, %eq3A_592 : i32
      %jit3A_594 = arith.constant 1 : i32
      %select_n3A_595 = arith.select %eq3A_593, %jit3A_594, %jit3A_591 : i32
      %rem3A_596 = arith.remsi %scan3A_566, %select_n3A_595 : i32
      %ne3A_597 = arith.constant 0 : i32
      %ne3A_598 = arith.cmpi ne, %rem3A_596, %ne3A_597 : i32
      %lt3A_599 = arith.constant 0 : i32
      %lt3A_600 = arith.cmpi slt, %rem3A_596, %lt3A_599 : i32
      %lt3A_601 = arith.constant 0 : i32
      %lt3A_602 = arith.cmpi slt, %select_n3A_595, %lt3A_601 : i32
      %ne3A_603 = arith.xori %lt3A_600, %lt3A_602 : i1
      %and3A_604 = arith.andi %ne3A_603, %ne3A_598 : i1
      %add3A_605 = arith.addi %rem3A_596, %select_n3A_595 : i32
      %select_n3A_606 = arith.select %and3A_604, %add3A_605, %rem3A_596 : i32
      %mul3A_607 = arith.constant 16 : i32
      %mul3A_608 = arith.muli %select_n3A_606, %mul3A_607 : i32
      %get3A_609 = arith.index_cast %select_n3A_590 : i32 to index
      %get3A_610 = arith.index_cast %mul3A_608 : i32 to index
      %get3A_611 = tpu.vector_load %arg9[%get3A_609, %get3A_610] {strides = array<i32>} : memref<16x1024xf32, #tpu.memory_space<vmem>>, vector<1x16xf32>,
      %get3A_612 = vector.shape_cast %get3A_611 : vector<1x16xf32> to vector<16xf32>
      %get3A_613 = arith.index_cast %select_n3A_590 : i32 to index
      %get3A_614 = arith.index_cast %mul3A_608 : i32 to index
      %get3A_615 = tpu.vector_load %arg11[%get3A_613, %get3A_614] {strides = array<i32>} : memref<16x1024xf32, #tpu.memory_space<vmem>>, vector<1x16xf32>,
      %get3A_616 = vector.shape_cast %get3A_615 : vector<1x16xf32> to vector<16xf32>
      %add3A_617 = arith.addf %get3A_612, %get3A_616 : vector<16xf32>
      %swap3A_618 = arith.index_cast %select_n3A_590 : i32 to index
      %swap3A_619 = arith.index_cast %mul3A_608 : i32 to index
      %swap3A_620 = tpu.vector_load %arg9[%swap3A_618, %swap3A_619] {strides = array<i32>} : memref<16x1024xf32, #tpu.memory_space<vmem>>, vector<1x16xf32>,
      %swap3A_621 = vector.shape_cast %swap3A_620 : vector<1x16xf32> to vector<16xf32>
      %swap3A_622 = vector.shape_cast %add3A_617 : vector<16xf32> to vector<1x16xf32>
      tpu.vector_store %arg9[%swap3A_618, %swap3A_619], %swap3A_622 {strides = array<i32>} : memref<16x1024xf32, #tpu.memory_space<vmem>>, vector<1x16xf32>,
      %scan3A_623 = arith.constant 6 : i32
      %scan3A_624 = arith.addi %scan3A_288, %scan3A_623 : i32
      %jit3A_625 = arith.constant 64 : i32
      %div3A_626 = arith.divsi %scan3A_624, %jit3A_625 : i32
      %sign3A_627 = arith.constant 0 : i32
      %sign3A_628 = arith.cmpi sgt, %scan3A_624, %sign3A_627 : i32
      %sign3A_629 = arith.extui %sign3A_628 : i1 to i32
      %sign3A_630 = arith.constant 0 : i32
      %sign3A_631 = arith.cmpi slt, %scan3A_624, %sign3A_630 : i32
      %sign3A_632 = arith.extui %sign3A_631 : i1 to i32
      %sign3A_633 = arith.subi %sign3A_629, %sign3A_632 : i32
      %sign3A_634 = arith.constant 0 : i32
      %sign3A_635 = arith.cmpi sgt, %jit3A_625, %sign3A_634 : i32
      %sign3A_636 = arith.extui %sign3A_635 : i1 to i32
      %sign3A_637 = arith.constant 0 : i32
      %sign3A_638 = arith.cmpi slt, %jit3A_625, %sign3A_637 : i32
      %sign3A_639 = arith.extui %sign3A_638 : i1 to i32
      %sign3A_640 = arith.subi %sign3A_636, %sign3A_639 : i32
      %ne3A_641 = arith.cmpi ne, %sign3A_633, %sign3A_640 : i32
      %rem3A_642 = arith.remsi %scan3A_624, %jit3A_625 : i32
      %ne3A_643 = arith.constant 0 : i32
      %ne3A_644 = arith.cmpi ne, %rem3A_642, %ne3A_643 : i32
      %and3A_645 = arith.andi %ne3A_641, %ne3A_644 : i1
      %sub3A_646 = arith.constant 1 : i32
      %sub3A_647 = arith.subi %div3A_626, %sub3A_646 : i32
      %select_n3A_648 = arith.select %and3A_645, %sub3A_647, %div3A_626 : i32
      %jit3A_649 = arith.constant 64 : i32
      %eq3A_650 = arith.constant 0 : i32
      %eq3A_651 = arith.cmpi eq, %jit3A_649, %eq3A_650 : i32
      %jit3A_652 = arith.constant 1 : i32
      %select_n3A_653 = arith.select %eq3A_651, %jit3A_652, %jit3A_649 : i32
      %rem3A_654 = arith.remsi %scan3A_624, %select_n3A_653 : i32
      %ne3A_655 = arith.constant 0 : i32
      %ne3A_656 = arith.cmpi ne, %rem3A_654, %ne3A_655 : i32
      %lt3A_657 = arith.constant 0 : i32
      %lt3A_658 = arith.cmpi slt, %rem3A_654, %lt3A_657 : i32
      %lt3A_659 = arith.constant 0 : i32
      %lt3A_660 = arith.cmpi slt, %select_n3A_653, %lt3A_659 : i32
      %ne3A_661 = arith.xori %lt3A_658, %lt3A_660 : i1
      %and3A_662 = arith.andi %ne3A_661, %ne3A_656 : i1
      %add3A_663 = arith.addi %rem3A_654, %select_n3A_653 : i32
      %select_n3A_664 = arith.select %and3A_662, %add3A_663, %rem3A_654 : i32
      %mul3A_665 = arith.constant 16 : i32
      %mul3A_666 = arith.muli %select_n3A_664, %mul3A_665 : i32
      %get3A_667 = arith.index_cast %select_n3A_648 : i32 to index
      %get3A_668 = arith.index_cast %mul3A_666 : i32 to index
      %get3A_669 = tpu.vector_load %arg9[%get3A_667, %get3A_668] {strides = array<i32>} : memref<16x1024xf32, #tpu.memory_space<vmem>>, vector<1x16xf32>,
      %get3A_670 = vector.shape_cast %get3A_669 : vector<1x16xf32> to vector<16xf32>
      %get3A_671 = arith.index_cast %select_n3A_648 : i32 to index
      %get3A_672 = arith.index_cast %mul3A_666 : i32 to index
      %get3A_673 = tpu.vector_load %arg11[%get3A_671, %get3A_672] {strides = array<i32>} : memref<16x1024xf32, #tpu.memory_space<vmem>>, vector<1x16xf32>,
      %get3A_674 = vector.shape_cast %get3A_673 : vector<1x16xf32> to vector<16xf32>
      %add3A_675 = arith.addf %get3A_670, %get3A_674 : vector<16xf32>
      %swap3A_676 = arith.index_cast %select_n3A_648 : i32 to index
      %swap3A_677 = arith.index_cast %mul3A_666 : i32 to index
      %swap3A_678 = tpu.vector_load %arg9[%swap3A_676, %swap3A_677] {strides = array<i32>} : memref<16x1024xf32, #tpu.memory_space<vmem>>, vector<1x16xf32>,
      %swap3A_679 = vector.shape_cast %swap3A_678 : vector<1x16xf32> to vector<16xf32>
      %swap3A_680 = vector.shape_cast %add3A_675 : vector<16xf32> to vector<1x16xf32>
      tpu.vector_store %arg9[%swap3A_676, %swap3A_677], %swap3A_680 {strides = array<i32>} : memref<16x1024xf32, #tpu.memory_space<vmem>>, vector<1x16xf32>,
      %scan3A_681 = arith.constant 7 : i32
      %scan3A_682 = arith.addi %scan3A_288, %scan3A_681 : i32
      %jit3A_683 = arith.constant 64 : i32
      %div3A_684 = arith.divsi %scan3A_682, %jit3A_683 : i32
      %sign3A_685 = arith.constant 0 : i32
      %sign3A_686 = arith.cmpi sgt, %scan3A_682, %sign3A_685 : i32
      %sign3A_687 = arith.extui %sign3A_686 : i1 to i32
      %sign3A_688 = arith.constant 0 : i32
      %sign3A_689 = arith.cmpi slt, %scan3A_682, %sign3A_688 : i32
      %sign3A_690 = arith.extui %sign3A_689 : i1 to i32
      %sign3A_691 = arith.subi %sign3A_687, %sign3A_690 : i32
      %sign3A_692 = arith.constant 0 : i32
      %sign3A_693 = arith.cmpi sgt, %jit3A_683, %sign3A_692 : i32
      %sign3A_694 = arith.extui %sign3A_693 : i1 to i32
      %sign3A_695 = arith.constant 0 : i32
      %sign3A_696 = arith.cmpi slt, %jit3A_683, %sign3A_695 : i32
      %sign3A_697 = arith.extui %sign3A_696 : i1 to i32
      %sign3A_698 = arith.subi %sign3A_694, %sign3A_697 : i32
      %ne3A_699 = arith.cmpi ne, %sign3A_691, %sign3A_698 : i32
      %rem3A_700 = arith.remsi %scan3A_682, %jit3A_683 : i32
      %ne3A_701 = arith.constant 0 : i32
      %ne3A_702 = arith.cmpi ne, %rem3A_700, %ne3A_701 : i32
      %and3A_703 = arith.andi %ne3A_699, %ne3A_702 : i1
      %sub3A_704 = arith.constant 1 : i32
      %sub3A_705 = arith.subi %div3A_684, %sub3A_704 : i32
      %select_n3A_706 = arith.select %and3A_703, %sub3A_705, %div3A_684 : i32
      %jit3A_707 = arith.constant 64 : i32
      %eq3A_708 = arith.constant 0 : i32
      %eq3A_709 = arith.cmpi eq, %jit3A_707, %eq3A_708 : i32
      %jit3A_710 = arith.constant 1 : i32
      %select_n3A_711 = arith.select %eq3A_709, %jit3A_710, %jit3A_707 : i32
      %rem3A_712 = arith.remsi %scan3A_682, %select_n3A_711 : i32
      %ne3A_713 = arith.constant 0 : i32
      %ne3A_714 = arith.cmpi ne, %rem3A_712, %ne3A_713 : i32
      %lt3A_715 = arith.constant 0 : i32
      %lt3A_716 = arith.cmpi slt, %rem3A_712, %lt3A_715 : i32
      %lt3A_717 = arith.constant 0 : i32
      %lt3A_718 = arith.cmpi slt, %select_n3A_711, %lt3A_717 : i32
      %ne3A_719 = arith.xori %lt3A_716, %lt3A_718 : i1
      %and3A_720 = arith.andi %ne3A_719, %ne3A_714 : i1
      %add3A_721 = arith.addi %rem3A_712, %select_n3A_711 : i32
      %select_n3A_722 = arith.select %and3A_720, %add3A_721, %rem3A_712 : i32
      %mul3A_723 = arith.constant 16 : i32
      %mul3A_724 = arith.muli %select_n3A_722, %mul3A_723 : i32
      %get3A_725 = arith.index_cast %select_n3A_706 : i32 to index
      %get3A_726 = arith.index_cast %mul3A_724 : i32 to index
      %get3A_727 = tpu.vector_load %arg9[%get3A_725, %get3A_726] {strides = array<i32>} : memref<16x1024xf32, #tpu.memory_space<vmem>>, vector<1x16xf32>,
      %get3A_728 = vector.shape_cast %get3A_727 : vector<1x16xf32> to vector<16xf32>
      %get3A_729 = arith.index_cast %select_n3A_706 : i32 to index
      %get3A_730 = arith.index_cast %mul3A_724 : i32 to index
      %get3A_731 = tpu.vector_load %arg11[%get3A_729, %get3A_730] {strides = array<i32>} : memref<16x1024xf32, #tpu.memory_space<vmem>>, vector<1x16xf32>,
      %get3A_732 = vector.shape_cast %get3A_731 : vector<1x16xf32> to vector<16xf32>
      %add3A_733 = arith.addf %get3A_728, %get3A_732 : vector<16xf32>
      %swap3A_734 = arith.index_cast %select_n3A_706 : i32 to index
      %swap3A_735 = arith.index_cast %mul3A_724 : i32 to index
      %swap3A_736 = tpu.vector_load %arg9[%swap3A_734, %swap3A_735] {strides = array<i32>} : memref<16x1024xf32, #tpu.memory_space<vmem>>, vector<1x16xf32>,
      %swap3A_737 = vector.shape_cast %swap3A_736 : vector<1x16xf32> to vector<16xf32>
      %swap3A_738 = vector.shape_cast %add3A_733 : vector<16xf32> to vector<1x16xf32>
      tpu.vector_store %arg9[%swap3A_734, %swap3A_735], %swap3A_738 {strides = array<i32>} : memref<16x1024xf32, #tpu.memory_space<vmem>>, vector<1x16xf32>,
    }
    %scan3A_143 = arith.constant 1024 : i32
    %add3A_144 = arith.constant 48 : i32
    %add3A_145 = arith.addi %mul3A_2, %add3A_144 : i32
    %dma_start3A_146 = arith.constant 0 : i32
    %dma_start3A_147 = tpu.memref_slice %arg5[%add3A_145, %dma_start3A_146] : memref<4096x1024xf32, #tpu.memory_space<hbm>> -> memref<16x1024xf32, #tpu.memory_space<hbm>>
    %dma_start3A_148 = arith.constant 0 : i32
    %dma_start3A_149 = tpu.memref_slice %arg5[%add3A_145, %dma_start3A_148] : memref<4096x1024xf32, #tpu.memory_space<hbm>> -> memref<16x1024xf32, #tpu.memory_space<hbm>>
    tpu.enqueue_dma source(%arg9 : memref<16x1024xf32, #tpu.memory_space<vmem>>) target(%dma_start3A_149 : memref<16x1024xf32, #tpu.memory_space<hbm>>) target_semaphore(%arg17 : memref<!tpu.dma_semaphore, #tpu.memory_space<semaphore_mem>>)
    %dma_wait3A_150 = arith.constant 0 : i32
    %dma_wait3A_151 = tpu.memref_slice %arg5[%add3A_145, %dma_wait3A_150] : memref<4096x1024xf32, #tpu.memory_space<hbm>> -> memref<16x1024xf32, #tpu.memory_space<hbm>>
    %dma_wait3A_152 = arith.constant 0 : i32
    %dma_wait3A_153 = tpu.memref_slice %arg5[%add3A_145, %dma_wait3A_152] : memref<4096x1024xf32, #tpu.memory_space<hbm>> -> memref<16x1024xf32, #tpu.memory_space<hbm>>
    tpu.wait_dma2 semaphore(%arg17 : memref<!tpu.dma_semaphore, #tpu.memory_space<semaphore_mem>>) src(%arg9 : memref<16x1024xf32, #tpu.memory_space<vmem>>) dst(%dma_wait3A_153 : memref<16x1024xf32, #tpu.memory_space<hbm>>)
    %dma_start3A_154 = arith.constant 80 : i32
    %dma_start3A_155 = tpu.memref_slice %arg6[%dma_start3A_154] : memref<128xi32, #tpu.memory_space<vmem>> -> memref<16xi32, #tpu.memory_space<vmem>>
    %dma_start3A_156 = arith.constant 0 : i32
    %dma_start3A_157 = arith.constant 0 : i32
    %dma_start3A_158 = tpu.memref_slice %arg2[%dma_start3A_156, %dma_start3A_157] : memref<10240x1024xf32, #tpu.memory_space<hbm>> -> memref<10240x1024xf32, #tpu.memory_space<hbm>>
    tpu.enqueue_indirect_dma source(%dma_start3A_158 : memref<10240x1024xf32, #tpu.memory_space<hbm>>) target(%arg9 : memref<16x1024xf32, #tpu.memory_space<vmem>>) offsets(%dma_start3A_155 : memref<16xi32, #tpu.memory_space<vmem>>) semaphore(%arg13 : memref<!tpu.dma_semaphore, #tpu.memory_space<semaphore_mem>>)
    %dma_start3A_159 = arith.constant 80 : i32
    %dma_start3A_160 = tpu.memref_slice %arg7[%dma_start3A_159] : memref<128xi32, #tpu.memory_space<vmem>> -> memref<16xi32, #tpu.memory_space<vmem>>
    %dma_start3A_161 = arith.constant 0 : i32
    %dma_start3A_162 = arith.constant 0 : i32
    %dma_start3A_163 = tpu.memref_slice %arg2[%dma_start3A_161, %dma_start3A_162] : memref<10240x1024xf32, #tpu.memory_space<hbm>> -> memref<10240x1024xf32, #tpu.memory_space<hbm>>
    tpu.enqueue_indirect_dma source(%dma_start3A_163 : memref<10240x1024xf32, #tpu.memory_space<hbm>>) target(%arg11 : memref<16x1024xf32, #tpu.memory_space<vmem>>) offsets(%dma_start3A_160 : memref<16xi32, #tpu.memory_space<vmem>>) semaphore(%arg15 : memref<!tpu.dma_semaphore, #tpu.memory_space<semaphore_mem>>)
    %dma_wait3A_164 = arith.constant 64 : i32
    %dma_wait3A_165 = tpu.memref_slice %arg6[%dma_wait3A_164] : memref<128xi32, #tpu.memory_space<vmem>> -> memref<16xi32, #tpu.memory_space<vmem>>
    %dma_wait3A_166 = arith.constant 0 : i32
    %dma_wait3A_167 = arith.constant 0 : i32
    %dma_wait3A_168 = tpu.memref_slice %arg2[%dma_wait3A_166, %dma_wait3A_167] : memref<10240x1024xf32, #tpu.memory_space<hbm>> -> memref<10240x1024xf32, #tpu.memory_space<hbm>>
    tpu.wait_indirect_dma semaphore(%arg12 : memref<!tpu.dma_semaphore, #tpu.memory_space<semaphore_mem>>) src(%dma_wait3A_168 : memref<10240x1024xf32, #tpu.memory_space<hbm>>) dst(%arg8 : memref<16x1024xf32, #tpu.memory_space<vmem>>)
    %dma_wait3A_169 = arith.constant 64 : i32
    %dma_wait3A_170 = tpu.memref_slice %arg7[%dma_wait3A_169] : memref<128xi32, #tpu.memory_space<vmem>> -> memref<16xi32, #tpu.memory_space<vmem>>
    %dma_wait3A_171 = arith.constant 0 : i32
    %dma_wait3A_172 = arith.constant 0 : i32
    %dma_wait3A_173 = tpu.memref_slice %arg2[%dma_wait3A_171, %dma_wait3A_172] : memref<10240x1024xf32, #tpu.memory_space<hbm>> -> memref<10240x1024xf32, #tpu.memory_space<hbm>>
    tpu.wait_indirect_dma semaphore(%arg14 : memref<!tpu.dma_semaphore, #tpu.memory_space<semaphore_mem>>) src(%dma_wait3A_173 : memref<10240x1024xf32, #tpu.memory_space<hbm>>) dst(%arg10 : memref<16x1024xf32, #tpu.memory_space<vmem>>)
    %scan3A_174 = arith.constant 0 : i32
    %scan3A_175 = arith.constant 0 : i32
    %scan3A_176 = arith.constant 1024 : i32
    %scan3A_177 = arith.addi %scan3A_175, %scan3A_176 : i32
    %scan3A_178 = arith.constant 8 : i32
    scf.for %scan3A_288 = %scan3A_175 to %scan3A_177 step %scan3A_178  : i32 {
      %jit3A = arith.constant 64 : i32
      %div3A = arith.divsi %scan3A_288, %jit3A : i32
      %sign3A = arith.constant 0 : i32
      %sign3A_289 = arith.cmpi sgt, %scan3A_288, %sign3A : i32
      %sign3A_290 = arith.extui %sign3A_289 : i1 to i32
      %sign3A_291 = arith.constant 0 : i32
      %sign3A_292 = arith.cmpi slt, %scan3A_288, %sign3A_291 : i32
      %sign3A_293 = arith.extui %sign3A_292 : i1 to i32
      %sign3A_294 = arith.subi %sign3A_290, %sign3A_293 : i32
      %sign3A_295 = arith.constant 0 : i32
      %sign3A_296 = arith.cmpi sgt, %jit3A, %sign3A_295 : i32
      %sign3A_297 = arith.extui %sign3A_296 : i1 to i32
      %sign3A_298 = arith.constant 0 : i32
      %sign3A_299 = arith.cmpi slt, %jit3A, %sign3A_298 : i32
      %sign3A_300 = arith.extui %sign3A_299 : i1 to i32
      %sign3A_301 = arith.subi %sign3A_297, %sign3A_300 : i32
      %ne3A = arith.cmpi ne, %sign3A_294, %sign3A_301 : i32
      %rem3A = arith.remsi %scan3A_288, %jit3A : i32
      %ne3A_302 = arith.constant 0 : i32
      %ne3A_303 = arith.cmpi ne, %rem3A, %ne3A_302 : i32
      %and3A = arith.andi %ne3A, %ne3A_303 : i1
      %sub3A = arith.constant 1 : i32
      %sub3A_304 = arith.subi %div3A, %sub3A : i32
      %select_n3A = arith.select %and3A, %sub3A_304, %div3A : i32
      %jit3A_305 = arith.constant 64 : i32
      %eq3A = arith.constant 0 : i32
      %eq3A_306 = arith.cmpi eq, %jit3A_305, %eq3A : i32
      %jit3A_307 = arith.constant 1 : i32
      %select_n3A_308 = arith.select %eq3A_306, %jit3A_307, %jit3A_305 : i32
      %rem3A_309 = arith.remsi %scan3A_288, %select_n3A_308 : i32
      %ne3A_310 = arith.constant 0 : i32
      %ne3A_311 = arith.cmpi ne, %rem3A_309, %ne3A_310 : i32
      %lt3A = arith.constant 0 : i32
      %lt3A_312 = arith.cmpi slt, %rem3A_309, %lt3A : i32
      %lt3A_313 = arith.constant 0 : i32
      %lt3A_314 = arith.cmpi slt, %select_n3A_308, %lt3A_313 : i32
      %ne3A_315 = arith.xori %lt3A_312, %lt3A_314 : i1
      %and3A_316 = arith.andi %ne3A_315, %ne3A_311 : i1
      %add3A_317 = arith.addi %rem3A_309, %select_n3A_308 : i32
      %select_n3A_318 = arith.select %and3A_316, %add3A_317, %rem3A_309 : i32
      %mul3A_319 = arith.constant 16 : i32
      %mul3A_320 = arith.muli %select_n3A_318, %mul3A_319 : i32
      %get3A = arith.index_cast %select_n3A : i32 to index
      %get3A_321 = arith.index_cast %mul3A_320 : i32 to index
      %get3A_322 = tpu.vector_load %arg8[%get3A, %get3A_321] {strides = array<i32>} : memref<16x1024xf32, #tpu.memory_space<vmem>>, vector<1x16xf32>,
      %get3A_323 = vector.shape_cast %get3A_322 : vector<1x16xf32> to vector<16xf32>
      %get3A_324 = arith.index_cast %select_n3A : i32 to index
      %get3A_325 = arith.index_cast %mul3A_320 : i32 to index
      %get3A_326 = tpu.vector_load %arg10[%get3A_324, %get3A_325] {strides = array<i32>} : memref<16x1024xf32, #tpu.memory_space<vmem>>, vector<1x16xf32>,
      %get3A_327 = vector.shape_cast %get3A_326 : vector<1x16xf32> to vector<16xf32>
      %add3A_328 = arith.addf %get3A_323, %get3A_327 : vector<16xf32>
      %swap3A = arith.index_cast %select_n3A : i32 to index
      %swap3A_329 = arith.index_cast %mul3A_320 : i32 to index
      %swap3A_330 = tpu.vector_load %arg8[%swap3A, %swap3A_329] {strides = array<i32>} : memref<16x1024xf32, #tpu.memory_space<vmem>>, vector<1x16xf32>,
      %swap3A_331 = vector.shape_cast %swap3A_330 : vector<1x16xf32> to vector<16xf32>
      %swap3A_332 = vector.shape_cast %add3A_328 : vector<16xf32> to vector<1x16xf32>
      tpu.vector_store %arg8[%swap3A, %swap3A_329], %swap3A_332 {strides = array<i32>} : memref<16x1024xf32, #tpu.memory_space<vmem>>, vector<1x16xf32>,
      %scan3A_333 = arith.constant 1 : i32
      %scan3A_334 = arith.addi %scan3A_288, %scan3A_333 : i32
      %jit3A_335 = arith.constant 64 : i32
      %div3A_336 = arith.divsi %scan3A_334, %jit3A_335 : i32
      %sign3A_337 = arith.constant 0 : i32
      %sign3A_338 = arith.cmpi sgt, %scan3A_334, %sign3A_337 : i32
      %sign3A_339 = arith.extui %sign3A_338 : i1 to i32
      %sign3A_340 = arith.constant 0 : i32
      %sign3A_341 = arith.cmpi slt, %scan3A_334, %sign3A_340 : i32
      %sign3A_342 = arith.extui %sign3A_341 : i1 to i32
      %sign3A_343 = arith.subi %sign3A_339, %sign3A_342 : i32
      %sign3A_344 = arith.constant 0 : i32
      %sign3A_345 = arith.cmpi sgt, %jit3A_335, %sign3A_344 : i32
      %sign3A_346 = arith.extui %sign3A_345 : i1 to i32
      %sign3A_347 = arith.constant 0 : i32
      %sign3A_348 = arith.cmpi slt, %jit3A_335, %sign3A_347 : i32
      %sign3A_349 = arith.extui %sign3A_348 : i1 to i32
      %sign3A_350 = arith.subi %sign3A_346, %sign3A_349 : i32
      %ne3A_351 = arith.cmpi ne, %sign3A_343, %sign3A_350 : i32
      %rem3A_352 = arith.remsi %scan3A_334, %jit3A_335 : i32
      %ne3A_353 = arith.constant 0 : i32
      %ne3A_354 = arith.cmpi ne, %rem3A_352, %ne3A_353 : i32
      %and3A_355 = arith.andi %ne3A_351, %ne3A_354 : i1
      %sub3A_356 = arith.constant 1 : i32
      %sub3A_357 = arith.subi %div3A_336, %sub3A_356 : i32
      %select_n3A_358 = arith.select %and3A_355, %sub3A_357, %div3A_336 : i32
      %jit3A_359 = arith.constant 64 : i32
      %eq3A_360 = arith.constant 0 : i32
      %eq3A_361 = arith.cmpi eq, %jit3A_359, %eq3A_360 : i32
      %jit3A_362 = arith.constant 1 : i32
      %select_n3A_363 = arith.select %eq3A_361, %jit3A_362, %jit3A_359 : i32
      %rem3A_364 = arith.remsi %scan3A_334, %select_n3A_363 : i32
      %ne3A_365 = arith.constant 0 : i32
      %ne3A_366 = arith.cmpi ne, %rem3A_364, %ne3A_365 : i32
      %lt3A_367 = arith.constant 0 : i32
      %lt3A_368 = arith.cmpi slt, %rem3A_364, %lt3A_367 : i32
      %lt3A_369 = arith.constant 0 : i32
      %lt3A_370 = arith.cmpi slt, %select_n3A_363, %lt3A_369 : i32
      %ne3A_371 = arith.xori %lt3A_368, %lt3A_370 : i1
      %and3A_372 = arith.andi %ne3A_371, %ne3A_366 : i1
      %add3A_373 = arith.addi %rem3A_364, %select_n3A_363 : i32
      %select_n3A_374 = arith.select %and3A_372, %add3A_373, %rem3A_364 : i32
      %mul3A_375 = arith.constant 16 : i32
      %mul3A_376 = arith.muli %select_n3A_374, %mul3A_375 : i32
      %get3A_377 = arith.index_cast %select_n3A_358 : i32 to index
      %get3A_378 = arith.index_cast %mul3A_376 : i32 to index
      %get3A_379 = tpu.vector_load %arg8[%get3A_377, %get3A_378] {strides = array<i32>} : memref<16x1024xf32, #tpu.memory_space<vmem>>, vector<1x16xf32>,
      %get3A_380 = vector.shape_cast %get3A_379 : vector<1x16xf32> to vector<16xf32>
      %get3A_381 = arith.index_cast %select_n3A_358 : i32 to index
      %get3A_382 = arith.index_cast %mul3A_376 : i32 to index
      %get3A_383 = tpu.vector_load %arg10[%get3A_381, %get3A_382] {strides = array<i32>} : memref<16x1024xf32, #tpu.memory_space<vmem>>, vector<1x16xf32>,
      %get3A_384 = vector.shape_cast %get3A_383 : vector<1x16xf32> to vector<16xf32>
      %add3A_385 = arith.addf %get3A_380, %get3A_384 : vector<16xf32>
      %swap3A_386 = arith.index_cast %select_n3A_358 : i32 to index
      %swap3A_387 = arith.index_cast %mul3A_376 : i32 to index
      %swap3A_388 = tpu.vector_load %arg8[%swap3A_386, %swap3A_387] {strides = array<i32>} : memref<16x1024xf32, #tpu.memory_space<vmem>>, vector<1x16xf32>,
      %swap3A_389 = vector.shape_cast %swap3A_388 : vector<1x16xf32> to vector<16xf32>
      %swap3A_390 = vector.shape_cast %add3A_385 : vector<16xf32> to vector<1x16xf32>
      tpu.vector_store %arg8[%swap3A_386, %swap3A_387], %swap3A_390 {strides = array<i32>} : memref<16x1024xf32, #tpu.memory_space<vmem>>, vector<1x16xf32>,
      %scan3A_391 = arith.constant 2 : i32
      %scan3A_392 = arith.addi %scan3A_288, %scan3A_391 : i32
      %jit3A_393 = arith.constant 64 : i32
      %div3A_394 = arith.divsi %scan3A_392, %jit3A_393 : i32
      %sign3A_395 = arith.constant 0 : i32
      %sign3A_396 = arith.cmpi sgt, %scan3A_392, %sign3A_395 : i32
      %sign3A_397 = arith.extui %sign3A_396 : i1 to i32
      %sign3A_398 = arith.constant 0 : i32
      %sign3A_399 = arith.cmpi slt, %scan3A_392, %sign3A_398 : i32
      %sign3A_400 = arith.extui %sign3A_399 : i1 to i32
      %sign3A_401 = arith.subi %sign3A_397, %sign3A_400 : i32
      %sign3A_402 = arith.constant 0 : i32
      %sign3A_403 = arith.cmpi sgt, %jit3A_393, %sign3A_402 : i32
      %sign3A_404 = arith.extui %sign3A_403 : i1 to i32
      %sign3A_405 = arith.constant 0 : i32
      %sign3A_406 = arith.cmpi slt, %jit3A_393, %sign3A_405 : i32
      %sign3A_407 = arith.extui %sign3A_406 : i1 to i32
      %sign3A_408 = arith.subi %sign3A_404, %sign3A_407 : i32
      %ne3A_409 = arith.cmpi ne, %sign3A_401, %sign3A_408 : i32
      %rem3A_410 = arith.remsi %scan3A_392, %jit3A_393 : i32
      %ne3A_411 = arith.constant 0 : i32
      %ne3A_412 = arith.cmpi ne, %rem3A_410, %ne3A_411 : i32
      %and3A_413 = arith.andi %ne3A_409, %ne3A_412 : i1
      %sub3A_414 = arith.constant 1 : i32
      %sub3A_415 = arith.subi %div3A_394, %sub3A_414 : i32
      %select_n3A_416 = arith.select %and3A_413, %sub3A_415, %div3A_394 : i32
      %jit3A_417 = arith.constant 64 : i32
      %eq3A_418 = arith.constant 0 : i32
      %eq3A_419 = arith.cmpi eq, %jit3A_417, %eq3A_418 : i32
      %jit3A_420 = arith.constant 1 : i32
      %select_n3A_421 = arith.select %eq3A_419, %jit3A_420, %jit3A_417 : i32
      %rem3A_422 = arith.remsi %scan3A_392, %select_n3A_421 : i32
      %ne3A_423 = arith.constant 0 : i32
      %ne3A_424 = arith.cmpi ne, %rem3A_422, %ne3A_423 : i32
      %lt3A_425 = arith.constant 0 : i32
      %lt3A_426 = arith.cmpi slt, %rem3A_422, %lt3A_425 : i32
      %lt3A_427 = arith.constant 0 : i32
      %lt3A_428 = arith.cmpi slt, %select_n3A_421, %lt3A_427 : i32
      %ne3A_429 = arith.xori %lt3A_426, %lt3A_428 : i1
      %and3A_430 = arith.andi %ne3A_429, %ne3A_424 : i1
      %add3A_431 = arith.addi %rem3A_422, %select_n3A_421 : i32
      %select_n3A_432 = arith.select %and3A_430, %add3A_431, %rem3A_422 : i32
      %mul3A_433 = arith.constant 16 : i32
      %mul3A_434 = arith.muli %select_n3A_432, %mul3A_433 : i32
      %get3A_435 = arith.index_cast %select_n3A_416 : i32 to index
      %get3A_436 = arith.index_cast %mul3A_434 : i32 to index
      %get3A_437 = tpu.vector_load %arg8[%get3A_435, %get3A_436] {strides = array<i32>} : memref<16x1024xf32, #tpu.memory_space<vmem>>, vector<1x16xf32>,
      %get3A_438 = vector.shape_cast %get3A_437 : vector<1x16xf32> to vector<16xf32>
      %get3A_439 = arith.index_cast %select_n3A_416 : i32 to index
      %get3A_440 = arith.index_cast %mul3A_434 : i32 to index
      %get3A_441 = tpu.vector_load %arg10[%get3A_439, %get3A_440] {strides = array<i32>} : memref<16x1024xf32, #tpu.memory_space<vmem>>, vector<1x16xf32>,
      %get3A_442 = vector.shape_cast %get3A_441 : vector<1x16xf32> to vector<16xf32>
      %add3A_443 = arith.addf %get3A_438, %get3A_442 : vector<16xf32>
      %swap3A_444 = arith.index_cast %select_n3A_416 : i32 to index
      %swap3A_445 = arith.index_cast %mul3A_434 : i32 to index
      %swap3A_446 = tpu.vector_load %arg8[%swap3A_444, %swap3A_445] {strides = array<i32>} : memref<16x1024xf32, #tpu.memory_space<vmem>>, vector<1x16xf32>,
      %swap3A_447 = vector.shape_cast %swap3A_446 : vector<1x16xf32> to vector<16xf32>
      %swap3A_448 = vector.shape_cast %add3A_443 : vector<16xf32> to vector<1x16xf32>
      tpu.vector_store %arg8[%swap3A_444, %swap3A_445], %swap3A_448 {strides = array<i32>} : memref<16x1024xf32, #tpu.memory_space<vmem>>, vector<1x16xf32>,
      %scan3A_449 = arith.constant 3 : i32
      %scan3A_450 = arith.addi %scan3A_288, %scan3A_449 : i32
      %jit3A_451 = arith.constant 64 : i32
      %div3A_452 = arith.divsi %scan3A_450, %jit3A_451 : i32
      %sign3A_453 = arith.constant 0 : i32
      %sign3A_454 = arith.cmpi sgt, %scan3A_450, %sign3A_453 : i32
      %sign3A_455 = arith.extui %sign3A_454 : i1 to i32
      %sign3A_456 = arith.constant 0 : i32
      %sign3A_457 = arith.cmpi slt, %scan3A_450, %sign3A_456 : i32
      %sign3A_458 = arith.extui %sign3A_457 : i1 to i32
      %sign3A_459 = arith.subi %sign3A_455, %sign3A_458 : i32
      %sign3A_460 = arith.constant 0 : i32
      %sign3A_461 = arith.cmpi sgt, %jit3A_451, %sign3A_460 : i32
      %sign3A_462 = arith.extui %sign3A_461 : i1 to i32
      %sign3A_463 = arith.constant 0 : i32
      %sign3A_464 = arith.cmpi slt, %jit3A_451, %sign3A_463 : i32
      %sign3A_465 = arith.extui %sign3A_464 : i1 to i32
      %sign3A_466 = arith.subi %sign3A_462, %sign3A_465 : i32
      %ne3A_467 = arith.cmpi ne, %sign3A_459, %sign3A_466 : i32
      %rem3A_468 = arith.remsi %scan3A_450, %jit3A_451 : i32
      %ne3A_469 = arith.constant 0 : i32
      %ne3A_470 = arith.cmpi ne, %rem3A_468, %ne3A_469 : i32
      %and3A_471 = arith.andi %ne3A_467, %ne3A_470 : i1
      %sub3A_472 = arith.constant 1 : i32
      %sub3A_473 = arith.subi %div3A_452, %sub3A_472 : i32
      %select_n3A_474 = arith.select %and3A_471, %sub3A_473, %div3A_452 : i32
      %jit3A_475 = arith.constant 64 : i32
      %eq3A_476 = arith.constant 0 : i32
      %eq3A_477 = arith.cmpi eq, %jit3A_475, %eq3A_476 : i32
      %jit3A_478 = arith.constant 1 : i32
      %select_n3A_479 = arith.select %eq3A_477, %jit3A_478, %jit3A_475 : i32
      %rem3A_480 = arith.remsi %scan3A_450, %select_n3A_479 : i32
      %ne3A_481 = arith.constant 0 : i32
      %ne3A_482 = arith.cmpi ne, %rem3A_480, %ne3A_481 : i32
      %lt3A_483 = arith.constant 0 : i32
      %lt3A_484 = arith.cmpi slt, %rem3A_480, %lt3A_483 : i32
      %lt3A_485 = arith.constant 0 : i32
      %lt3A_486 = arith.cmpi slt, %select_n3A_479, %lt3A_485 : i32
      %ne3A_487 = arith.xori %lt3A_484, %lt3A_486 : i1
      %and3A_488 = arith.andi %ne3A_487, %ne3A_482 : i1
      %add3A_489 = arith.addi %rem3A_480, %select_n3A_479 : i32
      %select_n3A_490 = arith.select %and3A_488, %add3A_489, %rem3A_480 : i32
      %mul3A_491 = arith.constant 16 : i32
      %mul3A_492 = arith.muli %select_n3A_490, %mul3A_491 : i32
      %get3A_493 = arith.index_cast %select_n3A_474 : i32 to index
      %get3A_494 = arith.index_cast %mul3A_492 : i32 to index
      %get3A_495 = tpu.vector_load %arg8[%get3A_493, %get3A_494] {strides = array<i32>} : memref<16x1024xf32, #tpu.memory_space<vmem>>, vector<1x16xf32>,
      %get3A_496 = vector.shape_cast %get3A_495 : vector<1x16xf32> to vector<16xf32>
      %get3A_497 = arith.index_cast %select_n3A_474 : i32 to index
      %get3A_498 = arith.index_cast %mul3A_492 : i32 to index
      %get3A_499 = tpu.vector_load %arg10[%get3A_497, %get3A_498] {strides = array<i32>} : memref<16x1024xf32, #tpu.memory_space<vmem>>, vector<1x16xf32>,
      %get3A_500 = vector.shape_cast %get3A_499 : vector<1x16xf32> to vector<16xf32>
      %add3A_501 = arith.addf %get3A_496, %get3A_500 : vector<16xf32>
      %swap3A_502 = arith.index_cast %select_n3A_474 : i32 to index
      %swap3A_503 = arith.index_cast %mul3A_492 : i32 to index
      %swap3A_504 = tpu.vector_load %arg8[%swap3A_502, %swap3A_503] {strides = array<i32>} : memref<16x1024xf32, #tpu.memory_space<vmem>>, vector<1x16xf32>,
      %swap3A_505 = vector.shape_cast %swap3A_504 : vector<1x16xf32> to vector<16xf32>
      %swap3A_506 = vector.shape_cast %add3A_501 : vector<16xf32> to vector<1x16xf32>
      tpu.vector_store %arg8[%swap3A_502, %swap3A_503], %swap3A_506 {strides = array<i32>} : memref<16x1024xf32, #tpu.memory_space<vmem>>, vector<1x16xf32>,
      %scan3A_507 = arith.constant 4 : i32
      %scan3A_508 = arith.addi %scan3A_288, %scan3A_507 : i32
      %jit3A_509 = arith.constant 64 : i32
      %div3A_510 = arith.divsi %scan3A_508, %jit3A_509 : i32
      %sign3A_511 = arith.constant 0 : i32
      %sign3A_512 = arith.cmpi sgt, %scan3A_508, %sign3A_511 : i32
      %sign3A_513 = arith.extui %sign3A_512 : i1 to i32
      %sign3A_514 = arith.constant 0 : i32
      %sign3A_515 = arith.cmpi slt, %scan3A_508, %sign3A_514 : i32
      %sign3A_516 = arith.extui %sign3A_515 : i1 to i32
      %sign3A_517 = arith.subi %sign3A_513, %sign3A_516 : i32
      %sign3A_518 = arith.constant 0 : i32
      %sign3A_519 = arith.cmpi sgt, %jit3A_509, %sign3A_518 : i32
      %sign3A_520 = arith.extui %sign3A_519 : i1 to i32
      %sign3A_521 = arith.constant 0 : i32
      %sign3A_522 = arith.cmpi slt, %jit3A_509, %sign3A_521 : i32
      %sign3A_523 = arith.extui %sign3A_522 : i1 to i32
      %sign3A_524 = arith.subi %sign3A_520, %sign3A_523 : i32
      %ne3A_525 = arith.cmpi ne, %sign3A_517, %sign3A_524 : i32
      %rem3A_526 = arith.remsi %scan3A_508, %jit3A_509 : i32
      %ne3A_527 = arith.constant 0 : i32
      %ne3A_528 = arith.cmpi ne, %rem3A_526, %ne3A_527 : i32
      %and3A_529 = arith.andi %ne3A_525, %ne3A_528 : i1
      %sub3A_530 = arith.constant 1 : i32
      %sub3A_531 = arith.subi %div3A_510, %sub3A_530 : i32
      %select_n3A_532 = arith.select %and3A_529, %sub3A_531, %div3A_510 : i32
      %jit3A_533 = arith.constant 64 : i32
      %eq3A_534 = arith.constant 0 : i32
      %eq3A_535 = arith.cmpi eq, %jit3A_533, %eq3A_534 : i32
      %jit3A_536 = arith.constant 1 : i32
      %select_n3A_537 = arith.select %eq3A_535, %jit3A_536, %jit3A_533 : i32
      %rem3A_538 = arith.remsi %scan3A_508, %select_n3A_537 : i32
      %ne3A_539 = arith.constant 0 : i32
      %ne3A_540 = arith.cmpi ne, %rem3A_538, %ne3A_539 : i32
      %lt3A_541 = arith.constant 0 : i32
      %lt3A_542 = arith.cmpi slt, %rem3A_538, %lt3A_541 : i32
      %lt3A_543 = arith.constant 0 : i32
      %lt3A_544 = arith.cmpi slt, %select_n3A_537, %lt3A_543 : i32
      %ne3A_545 = arith.xori %lt3A_542, %lt3A_544 : i1
      %and3A_546 = arith.andi %ne3A_545, %ne3A_540 : i1
      %add3A_547 = arith.addi %rem3A_538, %select_n3A_537 : i32
      %select_n3A_548 = arith.select %and3A_546, %add3A_547, %rem3A_538 : i32
      %mul3A_549 = arith.constant 16 : i32
      %mul3A_550 = arith.muli %select_n3A_548, %mul3A_549 : i32
      %get3A_551 = arith.index_cast %select_n3A_532 : i32 to index
      %get3A_552 = arith.index_cast %mul3A_550 : i32 to index
      %get3A_553 = tpu.vector_load %arg8[%get3A_551, %get3A_552] {strides = array<i32>} : memref<16x1024xf32, #tpu.memory_space<vmem>>, vector<1x16xf32>,
      %get3A_554 = vector.shape_cast %get3A_553 : vector<1x16xf32> to vector<16xf32>
      %get3A_555 = arith.index_cast %select_n3A_532 : i32 to index
      %get3A_556 = arith.index_cast %mul3A_550 : i32 to index
      %get3A_557 = tpu.vector_load %arg10[%get3A_555, %get3A_556] {strides = array<i32>} : memref<16x1024xf32, #tpu.memory_space<vmem>>, vector<1x16xf32>,
      %get3A_558 = vector.shape_cast %get3A_557 : vector<1x16xf32> to vector<16xf32>
      %add3A_559 = arith.addf %get3A_554, %get3A_558 : vector<16xf32>
      %swap3A_560 = arith.index_cast %select_n3A_532 : i32 to index
      %swap3A_561 = arith.index_cast %mul3A_550 : i32 to index
      %swap3A_562 = tpu.vector_load %arg8[%swap3A_560, %swap3A_561] {strides = array<i32>} : memref<16x1024xf32, #tpu.memory_space<vmem>>, vector<1x16xf32>,
      %swap3A_563 = vector.shape_cast %swap3A_562 : vector<1x16xf32> to vector<16xf32>
      %swap3A_564 = vector.shape_cast %add3A_559 : vector<16xf32> to vector<1x16xf32>
      tpu.vector_store %arg8[%swap3A_560, %swap3A_561], %swap3A_564 {strides = array<i32>} : memref<16x1024xf32, #tpu.memory_space<vmem>>, vector<1x16xf32>,
      %scan3A_565 = arith.constant 5 : i32
      %scan3A_566 = arith.addi %scan3A_288, %scan3A_565 : i32
      %jit3A_567 = arith.constant 64 : i32
      %div3A_568 = arith.divsi %scan3A_566, %jit3A_567 : i32
      %sign3A_569 = arith.constant 0 : i32
      %sign3A_570 = arith.cmpi sgt, %scan3A_566, %sign3A_569 : i32
      %sign3A_571 = arith.extui %sign3A_570 : i1 to i32
      %sign3A_572 = arith.constant 0 : i32
      %sign3A_573 = arith.cmpi slt, %scan3A_566, %sign3A_572 : i32
      %sign3A_574 = arith.extui %sign3A_573 : i1 to i32
      %sign3A_575 = arith.subi %sign3A_571, %sign3A_574 : i32
      %sign3A_576 = arith.constant 0 : i32
      %sign3A_577 = arith.cmpi sgt, %jit3A_567, %sign3A_576 : i32
      %sign3A_578 = arith.extui %sign3A_577 : i1 to i32
      %sign3A_579 = arith.constant 0 : i32
      %sign3A_580 = arith.cmpi slt, %jit3A_567, %sign3A_579 : i32
      %sign3A_581 = arith.extui %sign3A_580 : i1 to i32
      %sign3A_582 = arith.subi %sign3A_578, %sign3A_581 : i32
      %ne3A_583 = arith.cmpi ne, %sign3A_575, %sign3A_582 : i32
      %rem3A_584 = arith.remsi %scan3A_566, %jit3A_567 : i32
      %ne3A_585 = arith.constant 0 : i32
      %ne3A_586 = arith.cmpi ne, %rem3A_584, %ne3A_585 : i32
      %and3A_587 = arith.andi %ne3A_583, %ne3A_586 : i1
      %sub3A_588 = arith.constant 1 : i32
      %sub3A_589 = arith.subi %div3A_568, %sub3A_588 : i32
      %select_n3A_590 = arith.select %and3A_587, %sub3A_589, %div3A_568 : i32
      %jit3A_591 = arith.constant 64 : i32
      %eq3A_592 = arith.constant 0 : i32
      %eq3A_593 = arith.cmpi eq, %jit3A_591, %eq3A_592 : i32
      %jit3A_594 = arith.constant 1 : i32
      %select_n3A_595 = arith.select %eq3A_593, %jit3A_594, %jit3A_591 : i32
      %rem3A_596 = arith.remsi %scan3A_566, %select_n3A_595 : i32
      %ne3A_597 = arith.constant 0 : i32
      %ne3A_598 = arith.cmpi ne, %rem3A_596, %ne3A_597 : i32
      %lt3A_599 = arith.constant 0 : i32
      %lt3A_600 = arith.cmpi slt, %rem3A_596, %lt3A_599 : i32
      %lt3A_601 = arith.constant 0 : i32
      %lt3A_602 = arith.cmpi slt, %select_n3A_595, %lt3A_601 : i32
      %ne3A_603 = arith.xori %lt3A_600, %lt3A_602 : i1
      %and3A_604 = arith.andi %ne3A_603, %ne3A_598 : i1
      %add3A_605 = arith.addi %rem3A_596, %select_n3A_595 : i32
      %select_n3A_606 = arith.select %and3A_604, %add3A_605, %rem3A_596 : i32
      %mul3A_607 = arith.constant 16 : i32
      %mul3A_608 = arith.muli %select_n3A_606, %mul3A_607 : i32
      %get3A_609 = arith.index_cast %select_n3A_590 : i32 to index
      %get3A_610 = arith.index_cast %mul3A_608 : i32 to index
      %get3A_611 = tpu.vector_load %arg8[%get3A_609, %get3A_610] {strides = array<i32>} : memref<16x1024xf32, #tpu.memory_space<vmem>>, vector<1x16xf32>,
      %get3A_612 = vector.shape_cast %get3A_611 : vector<1x16xf32> to vector<16xf32>
      %get3A_613 = arith.index_cast %select_n3A_590 : i32 to index
      %get3A_614 = arith.index_cast %mul3A_608 : i32 to index
      %get3A_615 = tpu.vector_load %arg10[%get3A_613, %get3A_614] {strides = array<i32>} : memref<16x1024xf32, #tpu.memory_space<vmem>>, vector<1x16xf32>,
      %get3A_616 = vector.shape_cast %get3A_615 : vector<1x16xf32> to vector<16xf32>
      %add3A_617 = arith.addf %get3A_612, %get3A_616 : vector<16xf32>
      %swap3A_618 = arith.index_cast %select_n3A_590 : i32 to index
      %swap3A_619 = arith.index_cast %mul3A_608 : i32 to index
      %swap3A_620 = tpu.vector_load %arg8[%swap3A_618, %swap3A_619] {strides = array<i32>} : memref<16x1024xf32, #tpu.memory_space<vmem>>, vector<1x16xf32>,
      %swap3A_621 = vector.shape_cast %swap3A_620 : vector<1x16xf32> to vector<16xf32>
      %swap3A_622 = vector.shape_cast %add3A_617 : vector<16xf32> to vector<1x16xf32>
      tpu.vector_store %arg8[%swap3A_618, %swap3A_619], %swap3A_622 {strides = array<i32>} : memref<16x1024xf32, #tpu.memory_space<vmem>>, vector<1x16xf32>,
      %scan3A_623 = arith.constant 6 : i32
      %scan3A_624 = arith.addi %scan3A_288, %scan3A_623 : i32
      %jit3A_625 = arith.constant 64 : i32
      %div3A_626 = arith.divsi %scan3A_624, %jit3A_625 : i32
      %sign3A_627 = arith.constant 0 : i32
      %sign3A_628 = arith.cmpi sgt, %scan3A_624, %sign3A_627 : i32
      %sign3A_629 = arith.extui %sign3A_628 : i1 to i32
      %sign3A_630 = arith.constant 0 : i32
      %sign3A_631 = arith.cmpi slt, %scan3A_624, %sign3A_630 : i32
      %sign3A_632 = arith.extui %sign3A_631 : i1 to i32
      %sign3A_633 = arith.subi %sign3A_629, %sign3A_632 : i32
      %sign3A_634 = arith.constant 0 : i32
      %sign3A_635 = arith.cmpi sgt, %jit3A_625, %sign3A_634 : i32
      %sign3A_636 = arith.extui %sign3A_635 : i1 to i32
      %sign3A_637 = arith.constant 0 : i32
      %sign3A_638 = arith.cmpi slt, %jit3A_625, %sign3A_637 : i32
      %sign3A_639 = arith.extui %sign3A_638 : i1 to i32
      %sign3A_640 = arith.subi %sign3A_636, %sign3A_639 : i32
      %ne3A_641 = arith.cmpi ne, %sign3A_633, %sign3A_640 : i32
      %rem3A_642 = arith.remsi %scan3A_624, %jit3A_625 : i32
      %ne3A_643 = arith.constant 0 : i32
      %ne3A_644 = arith.cmpi ne, %rem3A_642, %ne3A_643 : i32
      %and3A_645 = arith.andi %ne3A_641, %ne3A_644 : i1
      %sub3A_646 = arith.constant 1 : i32
      %sub3A_647 = arith.subi %div3A_626, %sub3A_646 : i32
      %select_n3A_648 = arith.select %and3A_645, %sub3A_647, %div3A_626 : i32
      %jit3A_649 = arith.constant 64 : i32
      %eq3A_650 = arith.constant 0 : i32
      %eq3A_651 = arith.cmpi eq, %jit3A_649, %eq3A_650 : i32
      %jit3A_652 = arith.constant 1 : i32
      %select_n3A_653 = arith.select %eq3A_651, %jit3A_652, %jit3A_649 : i32
      %rem3A_654 = arith.remsi %scan3A_624, %select_n3A_653 : i32
      %ne3A_655 = arith.constant 0 : i32
      %ne3A_656 = arith.cmpi ne, %rem3A_654, %ne3A_655 : i32
      %lt3A_657 = arith.constant 0 : i32
      %lt3A_658 = arith.cmpi slt, %rem3A_654, %lt3A_657 : i32
      %lt3A_659 = arith.constant 0 : i32
      %lt3A_660 = arith.cmpi slt, %select_n3A_653, %lt3A_659 : i32
      %ne3A_661 = arith.xori %lt3A_658, %lt3A_660 : i1
      %and3A_662 = arith.andi %ne3A_661, %ne3A_656 : i1
      %add3A_663 = arith.addi %rem3A_654, %select_n3A_653 : i32
      %select_n3A_664 = arith.select %and3A_662, %add3A_663, %rem3A_654 : i32
      %mul3A_665 = arith.constant 16 : i32
      %mul3A_666 = arith.muli %select_n3A_664, %mul3A_665 : i32
      %get3A_667 = arith.index_cast %select_n3A_648 : i32 to index
      %get3A_668 = arith.index_cast %mul3A_666 : i32 to index
      %get3A_669 = tpu.vector_load %arg8[%get3A_667, %get3A_668] {strides = array<i32>} : memref<16x1024xf32, #tpu.memory_space<vmem>>, vector<1x16xf32>,
      %get3A_670 = vector.shape_cast %get3A_669 : vector<1x16xf32> to vector<16xf32>
      %get3A_671 = arith.index_cast %select_n3A_648 : i32 to index
      %get3A_672 = arith.index_cast %mul3A_666 : i32 to index
      %get3A_673 = tpu.vector_load %arg10[%get3A_671, %get3A_672] {strides = array<i32>} : memref<16x1024xf32, #tpu.memory_space<vmem>>, vector<1x16xf32>,
      %get3A_674 = vector.shape_cast %get3A_673 : vector<1x16xf32> to vector<16xf32>
      %add3A_675 = arith.addf %get3A_670, %get3A_674 : vector<16xf32>
      %swap3A_676 = arith.index_cast %select_n3A_648 : i32 to index
      %swap3A_677 = arith.index_cast %mul3A_666 : i32 to index
      %swap3A_678 = tpu.vector_load %arg8[%swap3A_676, %swap3A_677] {strides = array<i32>} : memref<16x1024xf32, #tpu.memory_space<vmem>>, vector<1x16xf32>,
      %swap3A_679 = vector.shape_cast %swap3A_678 : vector<1x16xf32> to vector<16xf32>
      %swap3A_680 = vector.shape_cast %add3A_675 : vector<16xf32> to vector<1x16xf32>
      tpu.vector_store %arg8[%swap3A_676, %swap3A_677], %swap3A_680 {strides = array<i32>} : memref<16x1024xf32, #tpu.memory_space<vmem>>, vector<1x16xf32>,
      %scan3A_681 = arith.constant 7 : i32
      %scan3A_682 = arith.addi %scan3A_288, %scan3A_681 : i32
      %jit3A_683 = arith.constant 64 : i32
      %div3A_684 = arith.divsi %scan3A_682, %jit3A_683 : i32
      %sign3A_685 = arith.constant 0 : i32
      %sign3A_686 = arith.cmpi sgt, %scan3A_682, %sign3A_685 : i32
      %sign3A_687 = arith.extui %sign3A_686 : i1 to i32
      %sign3A_688 = arith.constant 0 : i32
      %sign3A_689 = arith.cmpi slt, %scan3A_682, %sign3A_688 : i32
      %sign3A_690 = arith.extui %sign3A_689 : i1 to i32
      %sign3A_691 = arith.subi %sign3A_687, %sign3A_690 : i32
      %sign3A_692 = arith.constant 0 : i32
      %sign3A_693 = arith.cmpi sgt, %jit3A_683, %sign3A_692 : i32
      %sign3A_694 = arith.extui %sign3A_693 : i1 to i32
      %sign3A_695 = arith.constant 0 : i32
      %sign3A_696 = arith.cmpi slt, %jit3A_683, %sign3A_695 : i32
      %sign3A_697 = arith.extui %sign3A_696 : i1 to i32
      %sign3A_698 = arith.subi %sign3A_694, %sign3A_697 : i32
      %ne3A_699 = arith.cmpi ne, %sign3A_691, %sign3A_698 : i32
      %rem3A_700 = arith.remsi %scan3A_682, %jit3A_683 : i32
      %ne3A_701 = arith.constant 0 : i32
      %ne3A_702 = arith.cmpi ne, %rem3A_700, %ne3A_701 : i32
      %and3A_703 = arith.andi %ne3A_699, %ne3A_702 : i1
      %sub3A_704 = arith.constant 1 : i32
      %sub3A_705 = arith.subi %div3A_684, %sub3A_704 : i32
      %select_n3A_706 = arith.select %and3A_703, %sub3A_705, %div3A_684 : i32
      %jit3A_707 = arith.constant 64 : i32
      %eq3A_708 = arith.constant 0 : i32
      %eq3A_709 = arith.cmpi eq, %jit3A_707, %eq3A_708 : i32
      %jit3A_710 = arith.constant 1 : i32
      %select_n3A_711 = arith.select %eq3A_709, %jit3A_710, %jit3A_707 : i32
      %rem3A_712 = arith.remsi %scan3A_682, %select_n3A_711 : i32
      %ne3A_713 = arith.constant 0 : i32
      %ne3A_714 = arith.cmpi ne, %rem3A_712, %ne3A_713 : i32
      %lt3A_715 = arith.constant 0 : i32
      %lt3A_716 = arith.cmpi slt, %rem3A_712, %lt3A_715 : i32
      %lt3A_717 = arith.constant 0 : i32
      %lt3A_718 = arith.cmpi slt, %select_n3A_711, %lt3A_717 : i32
      %ne3A_719 = arith.xori %lt3A_716, %lt3A_718 : i1
      %and3A_720 = arith.andi %ne3A_719, %ne3A_714 : i1
      %add3A_721 = arith.addi %rem3A_712, %select_n3A_711 : i32
      %select_n3A_722 = arith.select %and3A_720, %add3A_721, %rem3A_712 : i32
      %mul3A_723 = arith.constant 16 : i32
      %mul3A_724 = arith.muli %select_n3A_722, %mul3A_723 : i32
      %get3A_725 = arith.index_cast %select_n3A_706 : i32 to index
      %get3A_726 = arith.index_cast %mul3A_724 : i32 to index
      %get3A_727 = tpu.vector_load %arg8[%get3A_725, %get3A_726] {strides = array<i32>} : memref<16x1024xf32, #tpu.memory_space<vmem>>, vector<1x16xf32>,
      %get3A_728 = vector.shape_cast %get3A_727 : vector<1x16xf32> to vector<16xf32>
      %get3A_729 = arith.index_cast %select_n3A_706 : i32 to index
      %get3A_730 = arith.index_cast %mul3A_724 : i32 to index
      %get3A_731 = tpu.vector_load %arg10[%get3A_729, %get3A_730] {strides = array<i32>} : memref<16x1024xf32, #tpu.memory_space<vmem>>, vector<1x16xf32>,
      %get3A_732 = vector.shape_cast %get3A_731 : vector<1x16xf32> to vector<16xf32>
      %add3A_733 = arith.addf %get3A_728, %get3A_732 : vector<16xf32>
      %swap3A_734 = arith.index_cast %select_n3A_706 : i32 to index
      %swap3A_735 = arith.index_cast %mul3A_724 : i32 to index
      %swap3A_736 = tpu.vector_load %arg8[%swap3A_734, %swap3A_735] {strides = array<i32>} : memref<16x1024xf32, #tpu.memory_space<vmem>>, vector<1x16xf32>,
      %swap3A_737 = vector.shape_cast %swap3A_736 : vector<1x16xf32> to vector<16xf32>
      %swap3A_738 = vector.shape_cast %add3A_733 : vector<16xf32> to vector<1x16xf32>
      tpu.vector_store %arg8[%swap3A_734, %swap3A_735], %swap3A_738 {strides = array<i32>} : memref<16x1024xf32, #tpu.memory_space<vmem>>, vector<1x16xf32>,
    }
    %scan3A_179 = arith.constant 1024 : i32
    %add3A_180 = arith.constant 64 : i32
    %add3A_181 = arith.addi %mul3A_2, %add3A_180 : i32
    %dma_start3A_182 = arith.constant 0 : i32
    %dma_start3A_183 = tpu.memref_slice %arg5[%add3A_181, %dma_start3A_182] : memref<4096x1024xf32, #tpu.memory_space<hbm>> -> memref<16x1024xf32, #tpu.memory_space<hbm>>
    %dma_start3A_184 = arith.constant 0 : i32
    %dma_start3A_185 = tpu.memref_slice %arg5[%add3A_181, %dma_start3A_184] : memref<4096x1024xf32, #tpu.memory_space<hbm>> -> memref<16x1024xf32, #tpu.memory_space<hbm>>
    tpu.enqueue_dma source(%arg8 : memref<16x1024xf32, #tpu.memory_space<vmem>>) target(%dma_start3A_185 : memref<16x1024xf32, #tpu.memory_space<hbm>>) target_semaphore(%arg16 : memref<!tpu.dma_semaphore, #tpu.memory_space<semaphore_mem>>)
    %dma_wait3A_186 = arith.constant 0 : i32
    %dma_wait3A_187 = tpu.memref_slice %arg5[%add3A_181, %dma_wait3A_186] : memref<4096x1024xf32, #tpu.memory_space<hbm>> -> memref<16x1024xf32, #tpu.memory_space<hbm>>
    %dma_wait3A_188 = arith.constant 0 : i32
    %dma_wait3A_189 = tpu.memref_slice %arg5[%add3A_181, %dma_wait3A_188] : memref<4096x1024xf32, #tpu.memory_space<hbm>> -> memref<16x1024xf32, #tpu.memory_space<hbm>>
    tpu.wait_dma2 semaphore(%arg16 : memref<!tpu.dma_semaphore, #tpu.memory_space<semaphore_mem>>) src(%arg8 : memref<16x1024xf32, #tpu.memory_space<vmem>>) dst(%dma_wait3A_189 : memref<16x1024xf32, #tpu.memory_space<hbm>>)
    %dma_start3A_190 = arith.constant 96 : i32
    %dma_start3A_191 = tpu.memref_slice %arg6[%dma_start3A_190] : memref<128xi32, #tpu.memory_space<vmem>> -> memref<16xi32, #tpu.memory_space<vmem>>
    %dma_start3A_192 = arith.constant 0 : i32
    %dma_start3A_193 = arith.constant 0 : i32
    %dma_start3A_194 = tpu.memref_slice %arg2[%dma_start3A_192, %dma_start3A_193] : memref<10240x1024xf32, #tpu.memory_space<hbm>> -> memref<10240x1024xf32, #tpu.memory_space<hbm>>
    tpu.enqueue_indirect_dma source(%dma_start3A_194 : memref<10240x1024xf32, #tpu.memory_space<hbm>>) target(%arg8 : memref<16x1024xf32, #tpu.memory_space<vmem>>) offsets(%dma_start3A_191 : memref<16xi32, #tpu.memory_space<vmem>>) semaphore(%arg12 : memref<!tpu.dma_semaphore, #tpu.memory_space<semaphore_mem>>)
    %dma_start3A_195 = arith.constant 96 : i32
    %dma_start3A_196 = tpu.memref_slice %arg7[%dma_start3A_195] : memref<128xi32, #tpu.memory_space<vmem>> -> memref<16xi32, #tpu.memory_space<vmem>>
    %dma_start3A_197 = arith.constant 0 : i32
    %dma_start3A_198 = arith.constant 0 : i32
    %dma_start3A_199 = tpu.memref_slice %arg2[%dma_start3A_197, %dma_start3A_198] : memref<10240x1024xf32, #tpu.memory_space<hbm>> -> memref<10240x1024xf32, #tpu.memory_space<hbm>>
    tpu.enqueue_indirect_dma source(%dma_start3A_199 : memref<10240x1024xf32, #tpu.memory_space<hbm>>) target(%arg10 : memref<16x1024xf32, #tpu.memory_space<vmem>>) offsets(%dma_start3A_196 : memref<16xi32, #tpu.memory_space<vmem>>) semaphore(%arg14 : memref<!tpu.dma_semaphore, #tpu.memory_space<semaphore_mem>>)
    %dma_wait3A_200 = arith.constant 80 : i32
    %dma_wait3A_201 = tpu.memref_slice %arg6[%dma_wait3A_200] : memref<128xi32, #tpu.memory_space<vmem>> -> memref<16xi32, #tpu.memory_space<vmem>>
    %dma_wait3A_202 = arith.constant 0 : i32
    %dma_wait3A_203 = arith.constant 0 : i32
    %dma_wait3A_204 = tpu.memref_slice %arg2[%dma_wait3A_202, %dma_wait3A_203] : memref<10240x1024xf32, #tpu.memory_space<hbm>> -> memref<10240x1024xf32, #tpu.memory_space<hbm>>
    tpu.wait_indirect_dma semaphore(%arg13 : memref<!tpu.dma_semaphore, #tpu.memory_space<semaphore_mem>>) src(%dma_wait3A_204 : memref<10240x1024xf32, #tpu.memory_space<hbm>>) dst(%arg9 : memref<16x1024xf32, #tpu.memory_space<vmem>>)
    %dma_wait3A_205 = arith.constant 80 : i32
    %dma_wait3A_206 = tpu.memref_slice %arg7[%dma_wait3A_205] : memref<128xi32, #tpu.memory_space<vmem>> -> memref<16xi32, #tpu.memory_space<vmem>>
    %dma_wait3A_207 = arith.constant 0 : i32
    %dma_wait3A_208 = arith.constant 0 : i32
    %dma_wait3A_209 = tpu.memref_slice %arg2[%dma_wait3A_207, %dma_wait3A_208] : memref<10240x1024xf32, #tpu.memory_space<hbm>> -> memref<10240x1024xf32, #tpu.memory_space<hbm>>
    tpu.wait_indirect_dma semaphore(%arg15 : memref<!tpu.dma_semaphore, #tpu.memory_space<semaphore_mem>>) src(%dma_wait3A_209 : memref<10240x1024xf32, #tpu.memory_space<hbm>>) dst(%arg11 : memref<16x1024xf32, #tpu.memory_space<vmem>>)
    %scan3A_210 = arith.constant 0 : i32
    %scan3A_211 = arith.constant 0 : i32
    %scan3A_212 = arith.constant 1024 : i32
    %scan3A_213 = arith.addi %scan3A_211, %scan3A_212 : i32
    %scan3A_214 = arith.constant 8 : i32
    scf.for %scan3A_288 = %scan3A_211 to %scan3A_213 step %scan3A_214  : i32 {
      %jit3A = arith.constant 64 : i32
      %div3A = arith.divsi %scan3A_288, %jit3A : i32
      %sign3A = arith.constant 0 : i32
      %sign3A_289 = arith.cmpi sgt, %scan3A_288, %sign3A : i32
      %sign3A_290 = arith.extui %sign3A_289 : i1 to i32
      %sign3A_291 = arith.constant 0 : i32
      %sign3A_292 = arith.cmpi slt, %scan3A_288, %sign3A_291 : i32
      %sign3A_293 = arith.extui %sign3A_292 : i1 to i32
      %sign3A_294 = arith.subi %sign3A_290, %sign3A_293 : i32
      %sign3A_295 = arith.constant 0 : i32
      %sign3A_296 = arith.cmpi sgt, %jit3A, %sign3A_295 : i32
      %sign3A_297 = arith.extui %sign3A_296 : i1 to i32
      %sign3A_298 = arith.constant 0 : i32
      %sign3A_299 = arith.cmpi slt, %jit3A, %sign3A_298 : i32
      %sign3A_300 = arith.extui %sign3A_299 : i1 to i32
      %sign3A_301 = arith.subi %sign3A_297, %sign3A_300 : i32
      %ne3A = arith.cmpi ne, %sign3A_294, %sign3A_301 : i32
      %rem3A = arith.remsi %scan3A_288, %jit3A : i32
      %ne3A_302 = arith.constant 0 : i32
      %ne3A_303 = arith.cmpi ne, %rem3A, %ne3A_302 : i32
      %and3A = arith.andi %ne3A, %ne3A_303 : i1
      %sub3A = arith.constant 1 : i32
      %sub3A_304 = arith.subi %div3A, %sub3A : i32
      %select_n3A = arith.select %and3A, %sub3A_304, %div3A : i32
      %jit3A_305 = arith.constant 64 : i32
      %eq3A = arith.constant 0 : i32
      %eq3A_306 = arith.cmpi eq, %jit3A_305, %eq3A : i32
      %jit3A_307 = arith.constant 1 : i32
      %select_n3A_308 = arith.select %eq3A_306, %jit3A_307, %jit3A_305 : i32
      %rem3A_309 = arith.remsi %scan3A_288, %select_n3A_308 : i32
      %ne3A_310 = arith.constant 0 : i32
      %ne3A_311 = arith.cmpi ne, %rem3A_309, %ne3A_310 : i32
      %lt3A = arith.constant 0 : i32
      %lt3A_312 = arith.cmpi slt, %rem3A_309, %lt3A : i32
      %lt3A_313 = arith.constant 0 : i32
      %lt3A_314 = arith.cmpi slt, %select_n3A_308, %lt3A_313 : i32
      %ne3A_315 = arith.xori %lt3A_312, %lt3A_314 : i1
      %and3A_316 = arith.andi %ne3A_315, %ne3A_311 : i1
      %add3A_317 = arith.addi %rem3A_309, %select_n3A_308 : i32
      %select_n3A_318 = arith.select %and3A_316, %add3A_317, %rem3A_309 : i32
      %mul3A_319 = arith.constant 16 : i32
      %mul3A_320 = arith.muli %select_n3A_318, %mul3A_319 : i32
      %get3A = arith.index_cast %select_n3A : i32 to index
      %get3A_321 = arith.index_cast %mul3A_320 : i32 to index
      %get3A_322 = tpu.vector_load %arg9[%get3A, %get3A_321] {strides = array<i32>} : memref<16x1024xf32, #tpu.memory_space<vmem>>, vector<1x16xf32>,
      %get3A_323 = vector.shape_cast %get3A_322 : vector<1x16xf32> to vector<16xf32>
      %get3A_324 = arith.index_cast %select_n3A : i32 to index
      %get3A_325 = arith.index_cast %mul3A_320 : i32 to index
      %get3A_326 = tpu.vector_load %arg11[%get3A_324, %get3A_325] {strides = array<i32>} : memref<16x1024xf32, #tpu.memory_space<vmem>>, vector<1x16xf32>,
      %get3A_327 = vector.shape_cast %get3A_326 : vector<1x16xf32> to vector<16xf32>
      %add3A_328 = arith.addf %get3A_323, %get3A_327 : vector<16xf32>
      %swap3A = arith.index_cast %select_n3A : i32 to index
      %swap3A_329 = arith.index_cast %mul3A_320 : i32 to index
      %swap3A_330 = tpu.vector_load %arg9[%swap3A, %swap3A_329] {strides = array<i32>} : memref<16x1024xf32, #tpu.memory_space<vmem>>, vector<1x16xf32>,
      %swap3A_331 = vector.shape_cast %swap3A_330 : vector<1x16xf32> to vector<16xf32>
      %swap3A_332 = vector.shape_cast %add3A_328 : vector<16xf32> to vector<1x16xf32>
      tpu.vector_store %arg9[%swap3A, %swap3A_329], %swap3A_332 {strides = array<i32>} : memref<16x1024xf32, #tpu.memory_space<vmem>>, vector<1x16xf32>,
      %scan3A_333 = arith.constant 1 : i32
      %scan3A_334 = arith.addi %scan3A_288, %scan3A_333 : i32
      %jit3A_335 = arith.constant 64 : i32
      %div3A_336 = arith.divsi %scan3A_334, %jit3A_335 : i32
      %sign3A_337 = arith.constant 0 : i32
      %sign3A_338 = arith.cmpi sgt, %scan3A_334, %sign3A_337 : i32
      %sign3A_339 = arith.extui %sign3A_338 : i1 to i32
      %sign3A_340 = arith.constant 0 : i32
      %sign3A_341 = arith.cmpi slt, %scan3A_334, %sign3A_340 : i32
      %sign3A_342 = arith.extui %sign3A_341 : i1 to i32
      %sign3A_343 = arith.subi %sign3A_339, %sign3A_342 : i32
      %sign3A_344 = arith.constant 0 : i32
      %sign3A_345 = arith.cmpi sgt, %jit3A_335, %sign3A_344 : i32
      %sign3A_346 = arith.extui %sign3A_345 : i1 to i32
      %sign3A_347 = arith.constant 0 : i32
      %sign3A_348 = arith.cmpi slt, %jit3A_335, %sign3A_347 : i32
      %sign3A_349 = arith.extui %sign3A_348 : i1 to i32
      %sign3A_350 = arith.subi %sign3A_346, %sign3A_349 : i32
      %ne3A_351 = arith.cmpi ne, %sign3A_343, %sign3A_350 : i32
      %rem3A_352 = arith.remsi %scan3A_334, %jit3A_335 : i32
      %ne3A_353 = arith.constant 0 : i32
      %ne3A_354 = arith.cmpi ne, %rem3A_352, %ne3A_353 : i32
      %and3A_355 = arith.andi %ne3A_351, %ne3A_354 : i1
      %sub3A_356 = arith.constant 1 : i32
      %sub3A_357 = arith.subi %div3A_336, %sub3A_356 : i32
      %select_n3A_358 = arith.select %and3A_355, %sub3A_357, %div3A_336 : i32
      %jit3A_359 = arith.constant 64 : i32
      %eq3A_360 = arith.constant 0 : i32
      %eq3A_361 = arith.cmpi eq, %jit3A_359, %eq3A_360 : i32
      %jit3A_362 = arith.constant 1 : i32
      %select_n3A_363 = arith.select %eq3A_361, %jit3A_362, %jit3A_359 : i32
      %rem3A_364 = arith.remsi %scan3A_334, %select_n3A_363 : i32
      %ne3A_365 = arith.constant 0 : i32
      %ne3A_366 = arith.cmpi ne, %rem3A_364, %ne3A_365 : i32
      %lt3A_367 = arith.constant 0 : i32
      %lt3A_368 = arith.cmpi slt, %rem3A_364, %lt3A_367 : i32
      %lt3A_369 = arith.constant 0 : i32
      %lt3A_370 = arith.cmpi slt, %select_n3A_363, %lt3A_369 : i32
      %ne3A_371 = arith.xori %lt3A_368, %lt3A_370 : i1
      %and3A_372 = arith.andi %ne3A_371, %ne3A_366 : i1
      %add3A_373 = arith.addi %rem3A_364, %select_n3A_363 : i32
      %select_n3A_374 = arith.select %and3A_372, %add3A_373, %rem3A_364 : i32
      %mul3A_375 = arith.constant 16 : i32
      %mul3A_376 = arith.muli %select_n3A_374, %mul3A_375 : i32
      %get3A_377 = arith.index_cast %select_n3A_358 : i32 to index
      %get3A_378 = arith.index_cast %mul3A_376 : i32 to index
      %get3A_379 = tpu.vector_load %arg9[%get3A_377, %get3A_378] {strides = array<i32>} : memref<16x1024xf32, #tpu.memory_space<vmem>>, vector<1x16xf32>,
      %get3A_380 = vector.shape_cast %get3A_379 : vector<1x16xf32> to vector<16xf32>
      %get3A_381 = arith.index_cast %select_n3A_358 : i32 to index
      %get3A_382 = arith.index_cast %mul3A_376 : i32 to index
      %get3A_383 = tpu.vector_load %arg11[%get3A_381, %get3A_382] {strides = array<i32>} : memref<16x1024xf32, #tpu.memory_space<vmem>>, vector<1x16xf32>,
      %get3A_384 = vector.shape_cast %get3A_383 : vector<1x16xf32> to vector<16xf32>
      %add3A_385 = arith.addf %get3A_380, %get3A_384 : vector<16xf32>
      %swap3A_386 = arith.index_cast %select_n3A_358 : i32 to index
      %swap3A_387 = arith.index_cast %mul3A_376 : i32 to index
      %swap3A_388 = tpu.vector_load %arg9[%swap3A_386, %swap3A_387] {strides = array<i32>} : memref<16x1024xf32, #tpu.memory_space<vmem>>, vector<1x16xf32>,
      %swap3A_389 = vector.shape_cast %swap3A_388 : vector<1x16xf32> to vector<16xf32>
      %swap3A_390 = vector.shape_cast %add3A_385 : vector<16xf32> to vector<1x16xf32>
      tpu.vector_store %arg9[%swap3A_386, %swap3A_387], %swap3A_390 {strides = array<i32>} : memref<16x1024xf32, #tpu.memory_space<vmem>>, vector<1x16xf32>,
      %scan3A_391 = arith.constant 2 : i32
      %scan3A_392 = arith.addi %scan3A_288, %scan3A_391 : i32
      %jit3A_393 = arith.constant 64 : i32
      %div3A_394 = arith.divsi %scan3A_392, %jit3A_393 : i32
      %sign3A_395 = arith.constant 0 : i32
      %sign3A_396 = arith.cmpi sgt, %scan3A_392, %sign3A_395 : i32
      %sign3A_397 = arith.extui %sign3A_396 : i1 to i32
      %sign3A_398 = arith.constant 0 : i32
      %sign3A_399 = arith.cmpi slt, %scan3A_392, %sign3A_398 : i32
      %sign3A_400 = arith.extui %sign3A_399 : i1 to i32
      %sign3A_401 = arith.subi %sign3A_397, %sign3A_400 : i32
      %sign3A_402 = arith.constant 0 : i32
      %sign3A_403 = arith.cmpi sgt, %jit3A_393, %sign3A_402 : i32
      %sign3A_404 = arith.extui %sign3A_403 : i1 to i32
      %sign3A_405 = arith.constant 0 : i32
      %sign3A_406 = arith.cmpi slt, %jit3A_393, %sign3A_405 : i32
      %sign3A_407 = arith.extui %sign3A_406 : i1 to i32
      %sign3A_408 = arith.subi %sign3A_404, %sign3A_407 : i32
      %ne3A_409 = arith.cmpi ne, %sign3A_401, %sign3A_408 : i32
      %rem3A_410 = arith.remsi %scan3A_392, %jit3A_393 : i32
      %ne3A_411 = arith.constant 0 : i32
      %ne3A_412 = arith.cmpi ne, %rem3A_410, %ne3A_411 : i32
      %and3A_413 = arith.andi %ne3A_409, %ne3A_412 : i1
      %sub3A_414 = arith.constant 1 : i32
      %sub3A_415 = arith.subi %div3A_394, %sub3A_414 : i32
      %select_n3A_416 = arith.select %and3A_413, %sub3A_415, %div3A_394 : i32
      %jit3A_417 = arith.constant 64 : i32
      %eq3A_418 = arith.constant 0 : i32
      %eq3A_419 = arith.cmpi eq, %jit3A_417, %eq3A_418 : i32
      %jit3A_420 = arith.constant 1 : i32
      %select_n3A_421 = arith.select %eq3A_419, %jit3A_420, %jit3A_417 : i32
      %rem3A_422 = arith.remsi %scan3A_392, %select_n3A_421 : i32
      %ne3A_423 = arith.constant 0 : i32
      %ne3A_424 = arith.cmpi ne, %rem3A_422, %ne3A_423 : i32
      %lt3A_425 = arith.constant 0 : i32
      %lt3A_426 = arith.cmpi slt, %rem3A_422, %lt3A_425 : i32
      %lt3A_427 = arith.constant 0 : i32
      %lt3A_428 = arith.cmpi slt, %select_n3A_421, %lt3A_427 : i32
      %ne3A_429 = arith.xori %lt3A_426, %lt3A_428 : i1
      %and3A_430 = arith.andi %ne3A_429, %ne3A_424 : i1
      %add3A_431 = arith.addi %rem3A_422, %select_n3A_421 : i32
      %select_n3A_432 = arith.select %and3A_430, %add3A_431, %rem3A_422 : i32
      %mul3A_433 = arith.constant 16 : i32
      %mul3A_434 = arith.muli %select_n3A_432, %mul3A_433 : i32
      %get3A_435 = arith.index_cast %select_n3A_416 : i32 to index
      %get3A_436 = arith.index_cast %mul3A_434 : i32 to index
      %get3A_437 = tpu.vector_load %arg9[%get3A_435, %get3A_436] {strides = array<i32>} : memref<16x1024xf32, #tpu.memory_space<vmem>>, vector<1x16xf32>,
      %get3A_438 = vector.shape_cast %get3A_437 : vector<1x16xf32> to vector<16xf32>
      %get3A_439 = arith.index_cast %select_n3A_416 : i32 to index
      %get3A_440 = arith.index_cast %mul3A_434 : i32 to index
      %get3A_441 = tpu.vector_load %arg11[%get3A_439, %get3A_440] {strides = array<i32>} : memref<16x1024xf32, #tpu.memory_space<vmem>>, vector<1x16xf32>,
      %get3A_442 = vector.shape_cast %get3A_441 : vector<1x16xf32> to vector<16xf32>
      %add3A_443 = arith.addf %get3A_438, %get3A_442 : vector<16xf32>
      %swap3A_444 = arith.index_cast %select_n3A_416 : i32 to index
      %swap3A_445 = arith.index_cast %mul3A_434 : i32 to index
      %swap3A_446 = tpu.vector_load %arg9[%swap3A_444, %swap3A_445] {strides = array<i32>} : memref<16x1024xf32, #tpu.memory_space<vmem>>, vector<1x16xf32>,
      %swap3A_447 = vector.shape_cast %swap3A_446 : vector<1x16xf32> to vector<16xf32>
      %swap3A_448 = vector.shape_cast %add3A_443 : vector<16xf32> to vector<1x16xf32>
      tpu.vector_store %arg9[%swap3A_444, %swap3A_445], %swap3A_448 {strides = array<i32>} : memref<16x1024xf32, #tpu.memory_space<vmem>>, vector<1x16xf32>,
      %scan3A_449 = arith.constant 3 : i32
      %scan3A_450 = arith.addi %scan3A_288, %scan3A_449 : i32
      %jit3A_451 = arith.constant 64 : i32
      %div3A_452 = arith.divsi %scan3A_450, %jit3A_451 : i32
      %sign3A_453 = arith.constant 0 : i32
      %sign3A_454 = arith.cmpi sgt, %scan3A_450, %sign3A_453 : i32
      %sign3A_455 = arith.extui %sign3A_454 : i1 to i32
      %sign3A_456 = arith.constant 0 : i32
      %sign3A_457 = arith.cmpi slt, %scan3A_450, %sign3A_456 : i32
      %sign3A_458 = arith.extui %sign3A_457 : i1 to i32
      %sign3A_459 = arith.subi %sign3A_455, %sign3A_458 : i32
      %sign3A_460 = arith.constant 0 : i32
      %sign3A_461 = arith.cmpi sgt, %jit3A_451, %sign3A_460 : i32
      %sign3A_462 = arith.extui %sign3A_461 : i1 to i32
      %sign3A_463 = arith.constant 0 : i32
      %sign3A_464 = arith.cmpi slt, %jit3A_451, %sign3A_463 : i32
      %sign3A_465 = arith.extui %sign3A_464 : i1 to i32
      %sign3A_466 = arith.subi %sign3A_462, %sign3A_465 : i32
      %ne3A_467 = arith.cmpi ne, %sign3A_459, %sign3A_466 : i32
      %rem3A_468 = arith.remsi %scan3A_450, %jit3A_451 : i32
      %ne3A_469 = arith.constant 0 : i32
      %ne3A_470 = arith.cmpi ne, %rem3A_468, %ne3A_469 : i32
      %and3A_471 = arith.andi %ne3A_467, %ne3A_470 : i1
      %sub3A_472 = arith.constant 1 : i32
      %sub3A_473 = arith.subi %div3A_452, %sub3A_472 : i32
      %select_n3A_474 = arith.select %and3A_471, %sub3A_473, %div3A_452 : i32
      %jit3A_475 = arith.constant 64 : i32
      %eq3A_476 = arith.constant 0 : i32
      %eq3A_477 = arith.cmpi eq, %jit3A_475, %eq3A_476 : i32
      %jit3A_478 = arith.constant 1 : i32
      %select_n3A_479 = arith.select %eq3A_477, %jit3A_478, %jit3A_475 : i32
      %rem3A_480 = arith.remsi %scan3A_450, %select_n3A_479 : i32
      %ne3A_481 = arith.constant 0 : i32
      %ne3A_482 = arith.cmpi ne, %rem3A_480, %ne3A_481 : i32
      %lt3A_483 = arith.constant 0 : i32
      %lt3A_484 = arith.cmpi slt, %rem3A_480, %lt3A_483 : i32
      %lt3A_485 = arith.constant 0 : i32
      %lt3A_486 = arith.cmpi slt, %select_n3A_479, %lt3A_485 : i32
      %ne3A_487 = arith.xori %lt3A_484, %lt3A_486 : i1
      %and3A_488 = arith.andi %ne3A_487, %ne3A_482 : i1
      %add3A_489 = arith.addi %rem3A_480, %select_n3A_479 : i32
      %select_n3A_490 = arith.select %and3A_488, %add3A_489, %rem3A_480 : i32
      %mul3A_491 = arith.constant 16 : i32
      %mul3A_492 = arith.muli %select_n3A_490, %mul3A_491 : i32
      %get3A_493 = arith.index_cast %select_n3A_474 : i32 to index
      %get3A_494 = arith.index_cast %mul3A_492 : i32 to index
      %get3A_495 = tpu.vector_load %arg9[%get3A_493, %get3A_494] {strides = array<i32>} : memref<16x1024xf32, #tpu.memory_space<vmem>>, vector<1x16xf32>,
      %get3A_496 = vector.shape_cast %get3A_495 : vector<1x16xf32> to vector<16xf32>
      %get3A_497 = arith.index_cast %select_n3A_474 : i32 to index
      %get3A_498 = arith.index_cast %mul3A_492 : i32 to index
      %get3A_499 = tpu.vector_load %arg11[%get3A_497, %get3A_498] {strides = array<i32>} : memref<16x1024xf32, #tpu.memory_space<vmem>>, vector<1x16xf32>,
      %get3A_500 = vector.shape_cast %get3A_499 : vector<1x16xf32> to vector<16xf32>
      %add3A_501 = arith.addf %get3A_496, %get3A_500 : vector<16xf32>
      %swap3A_502 = arith.index_cast %select_n3A_474 : i32 to index
      %swap3A_503 = arith.index_cast %mul3A_492 : i32 to index
      %swap3A_504 = tpu.vector_load %arg9[%swap3A_502, %swap3A_503] {strides = array<i32>} : memref<16x1024xf32, #tpu.memory_space<vmem>>, vector<1x16xf32>,
      %swap3A_505 = vector.shape_cast %swap3A_504 : vector<1x16xf32> to vector<16xf32>
      %swap3A_506 = vector.shape_cast %add3A_501 : vector<16xf32> to vector<1x16xf32>
      tpu.vector_store %arg9[%swap3A_502, %swap3A_503], %swap3A_506 {strides = array<i32>} : memref<16x1024xf32, #tpu.memory_space<vmem>>, vector<1x16xf32>,
      %scan3A_507 = arith.constant 4 : i32
      %scan3A_508 = arith.addi %scan3A_288, %scan3A_507 : i32
      %jit3A_509 = arith.constant 64 : i32
      %div3A_510 = arith.divsi %scan3A_508, %jit3A_509 : i32
      %sign3A_511 = arith.constant 0 : i32
      %sign3A_512 = arith.cmpi sgt, %scan3A_508, %sign3A_511 : i32
      %sign3A_513 = arith.extui %sign3A_512 : i1 to i32
      %sign3A_514 = arith.constant 0 : i32
      %sign3A_515 = arith.cmpi slt, %scan3A_508, %sign3A_514 : i32
      %sign3A_516 = arith.extui %sign3A_515 : i1 to i32
      %sign3A_517 = arith.subi %sign3A_513, %sign3A_516 : i32
      %sign3A_518 = arith.constant 0 : i32
      %sign3A_519 = arith.cmpi sgt, %jit3A_509, %sign3A_518 : i32
      %sign3A_520 = arith.extui %sign3A_519 : i1 to i32
      %sign3A_521 = arith.constant 0 : i32
      %sign3A_522 = arith.cmpi slt, %jit3A_509, %sign3A_521 : i32
      %sign3A_523 = arith.extui %sign3A_522 : i1 to i32
      %sign3A_524 = arith.subi %sign3A_520, %sign3A_523 : i32
      %ne3A_525 = arith.cmpi ne, %sign3A_517, %sign3A_524 : i32
      %rem3A_526 = arith.remsi %scan3A_508, %jit3A_509 : i32
      %ne3A_527 = arith.constant 0 : i32
      %ne3A_528 = arith.cmpi ne, %rem3A_526, %ne3A_527 : i32
      %and3A_529 = arith.andi %ne3A_525, %ne3A_528 : i1
      %sub3A_530 = arith.constant 1 : i32
      %sub3A_531 = arith.subi %div3A_510, %sub3A_530 : i32
      %select_n3A_532 = arith.select %and3A_529, %sub3A_531, %div3A_510 : i32
      %jit3A_533 = arith.constant 64 : i32
      %eq3A_534 = arith.constant 0 : i32
      %eq3A_535 = arith.cmpi eq, %jit3A_533, %eq3A_534 : i32
      %jit3A_536 = arith.constant 1 : i32
      %select_n3A_537 = arith.select %eq3A_535, %jit3A_536, %jit3A_533 : i32
      %rem3A_538 = arith.remsi %scan3A_508, %select_n3A_537 : i32
      %ne3A_539 = arith.constant 0 : i32
      %ne3A_540 = arith.cmpi ne, %rem3A_538, %ne3A_539 : i32
      %lt3A_541 = arith.constant 0 : i32
      %lt3A_542 = arith.cmpi slt, %rem3A_538, %lt3A_541 : i32
      %lt3A_543 = arith.constant 0 : i32
      %lt3A_544 = arith.cmpi slt, %select_n3A_537, %lt3A_543 : i32
      %ne3A_545 = arith.xori %lt3A_542, %lt3A_544 : i1
      %and3A_546 = arith.andi %ne3A_545, %ne3A_540 : i1
      %add3A_547 = arith.addi %rem3A_538, %select_n3A_537 : i32
      %select_n3A_548 = arith.select %and3A_546, %add3A_547, %rem3A_538 : i32
      %mul3A_549 = arith.constant 16 : i32
      %mul3A_550 = arith.muli %select_n3A_548, %mul3A_549 : i32
      %get3A_551 = arith.index_cast %select_n3A_532 : i32 to index
      %get3A_552 = arith.index_cast %mul3A_550 : i32 to index
      %get3A_553 = tpu.vector_load %arg9[%get3A_551, %get3A_552] {strides = array<i32>} : memref<16x1024xf32, #tpu.memory_space<vmem>>, vector<1x16xf32>,
      %get3A_554 = vector.shape_cast %get3A_553 : vector<1x16xf32> to vector<16xf32>
      %get3A_555 = arith.index_cast %select_n3A_532 : i32 to index
      %get3A_556 = arith.index_cast %mul3A_550 : i32 to index
      %get3A_557 = tpu.vector_load %arg11[%get3A_555, %get3A_556] {strides = array<i32>} : memref<16x1024xf32, #tpu.memory_space<vmem>>, vector<1x16xf32>,
      %get3A_558 = vector.shape_cast %get3A_557 : vector<1x16xf32> to vector<16xf32>
      %add3A_559 = arith.addf %get3A_554, %get3A_558 : vector<16xf32>
      %swap3A_560 = arith.index_cast %select_n3A_532 : i32 to index
      %swap3A_561 = arith.index_cast %mul3A_550 : i32 to index
      %swap3A_562 = tpu.vector_load %arg9[%swap3A_560, %swap3A_561] {strides = array<i32>} : memref<16x1024xf32, #tpu.memory_space<vmem>>, vector<1x16xf32>,
      %swap3A_563 = vector.shape_cast %swap3A_562 : vector<1x16xf32> to vector<16xf32>
      %swap3A_564 = vector.shape_cast %add3A_559 : vector<16xf32> to vector<1x16xf32>
      tpu.vector_store %arg9[%swap3A_560, %swap3A_561], %swap3A_564 {strides = array<i32>} : memref<16x1024xf32, #tpu.memory_space<vmem>>, vector<1x16xf32>,
      %scan3A_565 = arith.constant 5 : i32
      %scan3A_566 = arith.addi %scan3A_288, %scan3A_565 : i32
      %jit3A_567 = arith.constant 64 : i32
      %div3A_568 = arith.divsi %scan3A_566, %jit3A_567 : i32
      %sign3A_569 = arith.constant 0 : i32
      %sign3A_570 = arith.cmpi sgt, %scan3A_566, %sign3A_569 : i32
      %sign3A_571 = arith.extui %sign3A_570 : i1 to i32
      %sign3A_572 = arith.constant 0 : i32
      %sign3A_573 = arith.cmpi slt, %scan3A_566, %sign3A_572 : i32
      %sign3A_574 = arith.extui %sign3A_573 : i1 to i32
      %sign3A_575 = arith.subi %sign3A_571, %sign3A_574 : i32
      %sign3A_576 = arith.constant 0 : i32
      %sign3A_577 = arith.cmpi sgt, %jit3A_567, %sign3A_576 : i32
      %sign3A_578 = arith.extui %sign3A_577 : i1 to i32
      %sign3A_579 = arith.constant 0 : i32
      %sign3A_580 = arith.cmpi slt, %jit3A_567, %sign3A_579 : i32
      %sign3A_581 = arith.extui %sign3A_580 : i1 to i32
      %sign3A_582 = arith.subi %sign3A_578, %sign3A_581 : i32
      %ne3A_583 = arith.cmpi ne, %sign3A_575, %sign3A_582 : i32
      %rem3A_584 = arith.remsi %scan3A_566, %jit3A_567 : i32
      %ne3A_585 = arith.constant 0 : i32
      %ne3A_586 = arith.cmpi ne, %rem3A_584, %ne3A_585 : i32
      %and3A_587 = arith.andi %ne3A_583, %ne3A_586 : i1
      %sub3A_588 = arith.constant 1 : i32
      %sub3A_589 = arith.subi %div3A_568, %sub3A_588 : i32
      %select_n3A_590 = arith.select %and3A_587, %sub3A_589, %div3A_568 : i32
      %jit3A_591 = arith.constant 64 : i32
      %eq3A_592 = arith.constant 0 : i32
      %eq3A_593 = arith.cmpi eq, %jit3A_591, %eq3A_592 : i32
      %jit3A_594 = arith.constant 1 : i32
      %select_n3A_595 = arith.select %eq3A_593, %jit3A_594, %jit3A_591 : i32
      %rem3A_596 = arith.remsi %scan3A_566, %select_n3A_595 : i32
      %ne3A_597 = arith.constant 0 : i32
      %ne3A_598 = arith.cmpi ne, %rem3A_596, %ne3A_597 : i32
      %lt3A_599 = arith.constant 0 : i32
      %lt3A_600 = arith.cmpi slt, %rem3A_596, %lt3A_599 : i32
      %lt3A_601 = arith.constant 0 : i32
      %lt3A_602 = arith.cmpi slt, %select_n3A_595, %lt3A_601 : i32
      %ne3A_603 = arith.xori %lt3A_600, %lt3A_602 : i1
      %and3A_604 = arith.andi %ne3A_603, %ne3A_598 : i1
      %add3A_605 = arith.addi %rem3A_596, %select_n3A_595 : i32
      %select_n3A_606 = arith.select %and3A_604, %add3A_605, %rem3A_596 : i32
      %mul3A_607 = arith.constant 16 : i32
      %mul3A_608 = arith.muli %select_n3A_606, %mul3A_607 : i32
      %get3A_609 = arith.index_cast %select_n3A_590 : i32 to index
      %get3A_610 = arith.index_cast %mul3A_608 : i32 to index
      %get3A_611 = tpu.vector_load %arg9[%get3A_609, %get3A_610] {strides = array<i32>} : memref<16x1024xf32, #tpu.memory_space<vmem>>, vector<1x16xf32>,
      %get3A_612 = vector.shape_cast %get3A_611 : vector<1x16xf32> to vector<16xf32>
      %get3A_613 = arith.index_cast %select_n3A_590 : i32 to index
      %get3A_614 = arith.index_cast %mul3A_608 : i32 to index
      %get3A_615 = tpu.vector_load %arg11[%get3A_613, %get3A_614] {strides = array<i32>} : memref<16x1024xf32, #tpu.memory_space<vmem>>, vector<1x16xf32>,
      %get3A_616 = vector.shape_cast %get3A_615 : vector<1x16xf32> to vector<16xf32>
      %add3A_617 = arith.addf %get3A_612, %get3A_616 : vector<16xf32>
      %swap3A_618 = arith.index_cast %select_n3A_590 : i32 to index
      %swap3A_619 = arith.index_cast %mul3A_608 : i32 to index
      %swap3A_620 = tpu.vector_load %arg9[%swap3A_618, %swap3A_619] {strides = array<i32>} : memref<16x1024xf32, #tpu.memory_space<vmem>>, vector<1x16xf32>,
      %swap3A_621 = vector.shape_cast %swap3A_620 : vector<1x16xf32> to vector<16xf32>
      %swap3A_622 = vector.shape_cast %add3A_617 : vector<16xf32> to vector<1x16xf32>
      tpu.vector_store %arg9[%swap3A_618, %swap3A_619], %swap3A_622 {strides = array<i32>} : memref<16x1024xf32, #tpu.memory_space<vmem>>, vector<1x16xf32>,
      %scan3A_623 = arith.constant 6 : i32
      %scan3A_624 = arith.addi %scan3A_288, %scan3A_623 : i32
      %jit3A_625 = arith.constant 64 : i32
      %div3A_626 = arith.divsi %scan3A_624, %jit3A_625 : i32
      %sign3A_627 = arith.constant 0 : i32
      %sign3A_628 = arith.cmpi sgt, %scan3A_624, %sign3A_627 : i32
      %sign3A_629 = arith.extui %sign3A_628 : i1 to i32
      %sign3A_630 = arith.constant 0 : i32
      %sign3A_631 = arith.cmpi slt, %scan3A_624, %sign3A_630 : i32
      %sign3A_632 = arith.extui %sign3A_631 : i1 to i32
      %sign3A_633 = arith.subi %sign3A_629, %sign3A_632 : i32
      %sign3A_634 = arith.constant 0 : i32
      %sign3A_635 = arith.cmpi sgt, %jit3A_625, %sign3A_634 : i32
      %sign3A_636 = arith.extui %sign3A_635 : i1 to i32
      %sign3A_637 = arith.constant 0 : i32
      %sign3A_638 = arith.cmpi slt, %jit3A_625, %sign3A_637 : i32
      %sign3A_639 = arith.extui %sign3A_638 : i1 to i32
      %sign3A_640 = arith.subi %sign3A_636, %sign3A_639 : i32
      %ne3A_641 = arith.cmpi ne, %sign3A_633, %sign3A_640 : i32
      %rem3A_642 = arith.remsi %scan3A_624, %jit3A_625 : i32
      %ne3A_643 = arith.constant 0 : i32
      %ne3A_644 = arith.cmpi ne, %rem3A_642, %ne3A_643 : i32
      %and3A_645 = arith.andi %ne3A_641, %ne3A_644 : i1
      %sub3A_646 = arith.constant 1 : i32
      %sub3A_647 = arith.subi %div3A_626, %sub3A_646 : i32
      %select_n3A_648 = arith.select %and3A_645, %sub3A_647, %div3A_626 : i32
      %jit3A_649 = arith.constant 64 : i32
      %eq3A_650 = arith.constant 0 : i32
      %eq3A_651 = arith.cmpi eq, %jit3A_649, %eq3A_650 : i32
      %jit3A_652 = arith.constant 1 : i32
      %select_n3A_653 = arith.select %eq3A_651, %jit3A_652, %jit3A_649 : i32
      %rem3A_654 = arith.remsi %scan3A_624, %select_n3A_653 : i32
      %ne3A_655 = arith.constant 0 : i32
      %ne3A_656 = arith.cmpi ne, %rem3A_654, %ne3A_655 : i32
      %lt3A_657 = arith.constant 0 : i32
      %lt3A_658 = arith.cmpi slt, %rem3A_654, %lt3A_657 : i32
      %lt3A_659 = arith.constant 0 : i32
      %lt3A_660 = arith.cmpi slt, %select_n3A_653, %lt3A_659 : i32
      %ne3A_661 = arith.xori %lt3A_658, %lt3A_660 : i1
      %and3A_662 = arith.andi %ne3A_661, %ne3A_656 : i1
      %add3A_663 = arith.addi %rem3A_654, %select_n3A_653 : i32
      %select_n3A_664 = arith.select %and3A_662, %add3A_663, %rem3A_654 : i32
      %mul3A_665 = arith.constant 16 : i32
      %mul3A_666 = arith.muli %select_n3A_664, %mul3A_665 : i32
      %get3A_667 = arith.index_cast %select_n3A_648 : i32 to index
      %get3A_668 = arith.index_cast %mul3A_666 : i32 to index
      %get3A_669 = tpu.vector_load %arg9[%get3A_667, %get3A_668] {strides = array<i32>} : memref<16x1024xf32, #tpu.memory_space<vmem>>, vector<1x16xf32>,
      %get3A_670 = vector.shape_cast %get3A_669 : vector<1x16xf32> to vector<16xf32>
      %get3A_671 = arith.index_cast %select_n3A_648 : i32 to index
      %get3A_672 = arith.index_cast %mul3A_666 : i32 to index
      %get3A_673 = tpu.vector_load %arg11[%get3A_671, %get3A_672] {strides = array<i32>} : memref<16x1024xf32, #tpu.memory_space<vmem>>, vector<1x16xf32>,
      %get3A_674 = vector.shape_cast %get3A_673 : vector<1x16xf32> to vector<16xf32>
      %add3A_675 = arith.addf %get3A_670, %get3A_674 : vector<16xf32>
      %swap3A_676 = arith.index_cast %select_n3A_648 : i32 to index
      %swap3A_677 = arith.index_cast %mul3A_666 : i32 to index
      %swap3A_678 = tpu.vector_load %arg9[%swap3A_676, %swap3A_677] {strides = array<i32>} : memref<16x1024xf32, #tpu.memory_space<vmem>>, vector<1x16xf32>,
      %swap3A_679 = vector.shape_cast %swap3A_678 : vector<1x16xf32> to vector<16xf32>
      %swap3A_680 = vector.shape_cast %add3A_675 : vector<16xf32> to vector<1x16xf32>
      tpu.vector_store %arg9[%swap3A_676, %swap3A_677], %swap3A_680 {strides = array<i32>} : memref<16x1024xf32, #tpu.memory_space<vmem>>, vector<1x16xf32>,
      %scan3A_681 = arith.constant 7 : i32
      %scan3A_682 = arith.addi %scan3A_288, %scan3A_681 : i32
      %jit3A_683 = arith.constant 64 : i32
      %div3A_684 = arith.divsi %scan3A_682, %jit3A_683 : i32
      %sign3A_685 = arith.constant 0 : i32
      %sign3A_686 = arith.cmpi sgt, %scan3A_682, %sign3A_685 : i32
      %sign3A_687 = arith.extui %sign3A_686 : i1 to i32
      %sign3A_688 = arith.constant 0 : i32
      %sign3A_689 = arith.cmpi slt, %scan3A_682, %sign3A_688 : i32
      %sign3A_690 = arith.extui %sign3A_689 : i1 to i32
      %sign3A_691 = arith.subi %sign3A_687, %sign3A_690 : i32
      %sign3A_692 = arith.constant 0 : i32
      %sign3A_693 = arith.cmpi sgt, %jit3A_683, %sign3A_692 : i32
      %sign3A_694 = arith.extui %sign3A_693 : i1 to i32
      %sign3A_695 = arith.constant 0 : i32
      %sign3A_696 = arith.cmpi slt, %jit3A_683, %sign3A_695 : i32
      %sign3A_697 = arith.extui %sign3A_696 : i1 to i32
      %sign3A_698 = arith.subi %sign3A_694, %sign3A_697 : i32
      %ne3A_699 = arith.cmpi ne, %sign3A_691, %sign3A_698 : i32
      %rem3A_700 = arith.remsi %scan3A_682, %jit3A_683 : i32
      %ne3A_701 = arith.constant 0 : i32
      %ne3A_702 = arith.cmpi ne, %rem3A_700, %ne3A_701 : i32
      %and3A_703 = arith.andi %ne3A_699, %ne3A_702 : i1
      %sub3A_704 = arith.constant 1 : i32
      %sub3A_705 = arith.subi %div3A_684, %sub3A_704 : i32
      %select_n3A_706 = arith.select %and3A_703, %sub3A_705, %div3A_684 : i32
      %jit3A_707 = arith.constant 64 : i32
      %eq3A_708 = arith.constant 0 : i32
      %eq3A_709 = arith.cmpi eq, %jit3A_707, %eq3A_708 : i32
      %jit3A_710 = arith.constant 1 : i32
      %select_n3A_711 = arith.select %eq3A_709, %jit3A_710, %jit3A_707 : i32
      %rem3A_712 = arith.remsi %scan3A_682, %select_n3A_711 : i32
      %ne3A_713 = arith.constant 0 : i32
      %ne3A_714 = arith.cmpi ne, %rem3A_712, %ne3A_713 : i32
      %lt3A_715 = arith.constant 0 : i32
      %lt3A_716 = arith.cmpi slt, %rem3A_712, %lt3A_715 : i32
      %lt3A_717 = arith.constant 0 : i32
      %lt3A_718 = arith.cmpi slt, %select_n3A_711, %lt3A_717 : i32
      %ne3A_719 = arith.xori %lt3A_716, %lt3A_718 : i1
      %and3A_720 = arith.andi %ne3A_719, %ne3A_714 : i1
      %add3A_721 = arith.addi %rem3A_712, %select_n3A_711 : i32
      %select_n3A_722 = arith.select %and3A_720, %add3A_721, %rem3A_712 : i32
      %mul3A_723 = arith.constant 16 : i32
      %mul3A_724 = arith.muli %select_n3A_722, %mul3A_723 : i32
      %get3A_725 = arith.index_cast %select_n3A_706 : i32 to index
      %get3A_726 = arith.index_cast %mul3A_724 : i32 to index
      %get3A_727 = tpu.vector_load %arg9[%get3A_725, %get3A_726] {strides = array<i32>} : memref<16x1024xf32, #tpu.memory_space<vmem>>, vector<1x16xf32>,
      %get3A_728 = vector.shape_cast %get3A_727 : vector<1x16xf32> to vector<16xf32>
      %get3A_729 = arith.index_cast %select_n3A_706 : i32 to index
      %get3A_730 = arith.index_cast %mul3A_724 : i32 to index
      %get3A_731 = tpu.vector_load %arg11[%get3A_729, %get3A_730] {strides = array<i32>} : memref<16x1024xf32, #tpu.memory_space<vmem>>, vector<1x16xf32>,
      %get3A_732 = vector.shape_cast %get3A_731 : vector<1x16xf32> to vector<16xf32>
      %add3A_733 = arith.addf %get3A_728, %get3A_732 : vector<16xf32>
      %swap3A_734 = arith.index_cast %select_n3A_706 : i32 to index
      %swap3A_735 = arith.index_cast %mul3A_724 : i32 to index
      %swap3A_736 = tpu.vector_load %arg9[%swap3A_734, %swap3A_735] {strides = array<i32>} : memref<16x1024xf32, #tpu.memory_space<vmem>>, vector<1x16xf32>,
      %swap3A_737 = vector.shape_cast %swap3A_736 : vector<1x16xf32> to vector<16xf32>
      %swap3A_738 = vector.shape_cast %add3A_733 : vector<16xf32> to vector<1x16xf32>
      tpu.vector_store %arg9[%swap3A_734, %swap3A_735], %swap3A_738 {strides = array<i32>} : memref<16x1024xf32, #tpu.memory_space<vmem>>, vector<1x16xf32>,
    }
    %scan3A_215 = arith.constant 1024 : i32
    %add3A_216 = arith.constant 80 : i32
    %add3A_217 = arith.addi %mul3A_2, %add3A_216 : i32
    %dma_start3A_218 = arith.constant 0 : i32
    %dma_start3A_219 = tpu.memref_slice %arg5[%add3A_217, %dma_start3A_218] : memref<4096x1024xf32, #tpu.memory_space<hbm>> -> memref<16x1024xf32, #tpu.memory_space<hbm>>
    %dma_start3A_220 = arith.constant 0 : i32
    %dma_start3A_221 = tpu.memref_slice %arg5[%add3A_217, %dma_start3A_220] : memref<4096x1024xf32, #tpu.memory_space<hbm>> -> memref<16x1024xf32, #tpu.memory_space<hbm>>
    tpu.enqueue_dma source(%arg9 : memref<16x1024xf32, #tpu.memory_space<vmem>>) target(%dma_start3A_221 : memref<16x1024xf32, #tpu.memory_space<hbm>>) target_semaphore(%arg17 : memref<!tpu.dma_semaphore, #tpu.memory_space<semaphore_mem>>)
    %dma_wait3A_222 = arith.constant 0 : i32
    %dma_wait3A_223 = tpu.memref_slice %arg5[%add3A_217, %dma_wait3A_222] : memref<4096x1024xf32, #tpu.memory_space<hbm>> -> memref<16x1024xf32, #tpu.memory_space<hbm>>
    %dma_wait3A_224 = arith.constant 0 : i32
    %dma_wait3A_225 = tpu.memref_slice %arg5[%add3A_217, %dma_wait3A_224] : memref<4096x1024xf32, #tpu.memory_space<hbm>> -> memref<16x1024xf32, #tpu.memory_space<hbm>>
    tpu.wait_dma2 semaphore(%arg17 : memref<!tpu.dma_semaphore, #tpu.memory_space<semaphore_mem>>) src(%arg9 : memref<16x1024xf32, #tpu.memory_space<vmem>>) dst(%dma_wait3A_225 : memref<16x1024xf32, #tpu.memory_space<hbm>>)
    %dma_start3A_226 = arith.constant 112 : i32
    %dma_start3A_227 = tpu.memref_slice %arg6[%dma_start3A_226] : memref<128xi32, #tpu.memory_space<vmem>> -> memref<16xi32, #tpu.memory_space<vmem>>
    %dma_start3A_228 = arith.constant 0 : i32
    %dma_start3A_229 = arith.constant 0 : i32
    %dma_start3A_230 = tpu.memref_slice %arg2[%dma_start3A_228, %dma_start3A_229] : memref<10240x1024xf32, #tpu.memory_space<hbm>> -> memref<10240x1024xf32, #tpu.memory_space<hbm>>
    tpu.enqueue_indirect_dma source(%dma_start3A_230 : memref<10240x1024xf32, #tpu.memory_space<hbm>>) target(%arg9 : memref<16x1024xf32, #tpu.memory_space<vmem>>) offsets(%dma_start3A_227 : memref<16xi32, #tpu.memory_space<vmem>>) semaphore(%arg13 : memref<!tpu.dma_semaphore, #tpu.memory_space<semaphore_mem>>)
    %dma_start3A_231 = arith.constant 112 : i32
    %dma_start3A_232 = tpu.memref_slice %arg7[%dma_start3A_231] : memref<128xi32, #tpu.memory_space<vmem>> -> memref<16xi32, #tpu.memory_space<vmem>>
    %dma_start3A_233 = arith.constant 0 : i32
    %dma_start3A_234 = arith.constant 0 : i32
    %dma_start3A_235 = tpu.memref_slice %arg2[%dma_start3A_233, %dma_start3A_234] : memref<10240x1024xf32, #tpu.memory_space<hbm>> -> memref<10240x1024xf32, #tpu.memory_space<hbm>>
    tpu.enqueue_indirect_dma source(%dma_start3A_235 : memref<10240x1024xf32, #tpu.memory_space<hbm>>) target(%arg11 : memref<16x1024xf32, #tpu.memory_space<vmem>>) offsets(%dma_start3A_232 : memref<16xi32, #tpu.memory_space<vmem>>) semaphore(%arg15 : memref<!tpu.dma_semaphore, #tpu.memory_space<semaphore_mem>>)
    %dma_wait3A_236 = arith.constant 96 : i32
    %dma_wait3A_237 = tpu.memref_slice %arg6[%dma_wait3A_236] : memref<128xi32, #tpu.memory_space<vmem>> -> memref<16xi32, #tpu.memory_space<vmem>>
    %dma_wait3A_238 = arith.constant 0 : i32
    %dma_wait3A_239 = arith.constant 0 : i32
    %dma_wait3A_240 = tpu.memref_slice %arg2[%dma_wait3A_238, %dma_wait3A_239] : memref<10240x1024xf32, #tpu.memory_space<hbm>> -> memref<10240x1024xf32, #tpu.memory_space<hbm>>
    tpu.wait_indirect_dma semaphore(%arg12 : memref<!tpu.dma_semaphore, #tpu.memory_space<semaphore_mem>>) src(%dma_wait3A_240 : memref<10240x1024xf32, #tpu.memory_space<hbm>>) dst(%arg8 : memref<16x1024xf32, #tpu.memory_space<vmem>>)
    %dma_wait3A_241 = arith.constant 96 : i32
    %dma_wait3A_242 = tpu.memref_slice %arg7[%dma_wait3A_241] : memref<128xi32, #tpu.memory_space<vmem>> -> memref<16xi32, #tpu.memory_space<vmem>>
    %dma_wait3A_243 = arith.constant 0 : i32
    %dma_wait3A_244 = arith.constant 0 : i32
    %dma_wait3A_245 = tpu.memref_slice %arg2[%dma_wait3A_243, %dma_wait3A_244] : memref<10240x1024xf32, #tpu.memory_space<hbm>> -> memref<10240x1024xf32, #tpu.memory_space<hbm>>
    tpu.wait_indirect_dma semaphore(%arg14 : memref<!tpu.dma_semaphore, #tpu.memory_space<semaphore_mem>>) src(%dma_wait3A_245 : memref<10240x1024xf32, #tpu.memory_space<hbm>>) dst(%arg10 : memref<16x1024xf32, #tpu.memory_space<vmem>>)
    %scan3A_246 = arith.constant 0 : i32
    %scan3A_247 = arith.constant 0 : i32
    %scan3A_248 = arith.constant 1024 : i32
    %scan3A_249 = arith.addi %scan3A_247, %scan3A_248 : i32
    %scan3A_250 = arith.constant 8 : i32
    scf.for %scan3A_288 = %scan3A_247 to %scan3A_249 step %scan3A_250  : i32 {
      %jit3A = arith.constant 64 : i32
      %div3A = arith.divsi %scan3A_288, %jit3A : i32
      %sign3A = arith.constant 0 : i32
      %sign3A_289 = arith.cmpi sgt, %scan3A_288, %sign3A : i32
      %sign3A_290 = arith.extui %sign3A_289 : i1 to i32
      %sign3A_291 = arith.constant 0 : i32
      %sign3A_292 = arith.cmpi slt, %scan3A_288, %sign3A_291 : i32
      %sign3A_293 = arith.extui %sign3A_292 : i1 to i32
      %sign3A_294 = arith.subi %sign3A_290, %sign3A_293 : i32
      %sign3A_295 = arith.constant 0 : i32
      %sign3A_296 = arith.cmpi sgt, %jit3A, %sign3A_295 : i32
      %sign3A_297 = arith.extui %sign3A_296 : i1 to i32
      %sign3A_298 = arith.constant 0 : i32
      %sign3A_299 = arith.cmpi slt, %jit3A, %sign3A_298 : i32
      %sign3A_300 = arith.extui %sign3A_299 : i1 to i32
      %sign3A_301 = arith.subi %sign3A_297, %sign3A_300 : i32
      %ne3A = arith.cmpi ne, %sign3A_294, %sign3A_301 : i32
      %rem3A = arith.remsi %scan3A_288, %jit3A : i32
      %ne3A_302 = arith.constant 0 : i32
      %ne3A_303 = arith.cmpi ne, %rem3A, %ne3A_302 : i32
      %and3A = arith.andi %ne3A, %ne3A_303 : i1
      %sub3A = arith.constant 1 : i32
      %sub3A_304 = arith.subi %div3A, %sub3A : i32
      %select_n3A = arith.select %and3A, %sub3A_304, %div3A : i32
      %jit3A_305 = arith.constant 64 : i32
      %eq3A = arith.constant 0 : i32
      %eq3A_306 = arith.cmpi eq, %jit3A_305, %eq3A : i32
      %jit3A_307 = arith.constant 1 : i32
      %select_n3A_308 = arith.select %eq3A_306, %jit3A_307, %jit3A_305 : i32
      %rem3A_309 = arith.remsi %scan3A_288, %select_n3A_308 : i32
      %ne3A_310 = arith.constant 0 : i32
      %ne3A_311 = arith.cmpi ne, %rem3A_309, %ne3A_310 : i32
      %lt3A = arith.constant 0 : i32
      %lt3A_312 = arith.cmpi slt, %rem3A_309, %lt3A : i32
      %lt3A_313 = arith.constant 0 : i32
      %lt3A_314 = arith.cmpi slt, %select_n3A_308, %lt3A_313 : i32
      %ne3A_315 = arith.xori %lt3A_312, %lt3A_314 : i1
      %and3A_316 = arith.andi %ne3A_315, %ne3A_311 : i1
      %add3A_317 = arith.addi %rem3A_309, %select_n3A_308 : i32
      %select_n3A_318 = arith.select %and3A_316, %add3A_317, %rem3A_309 : i32
      %mul3A_319 = arith.constant 16 : i32
      %mul3A_320 = arith.muli %select_n3A_318, %mul3A_319 : i32
      %get3A = arith.index_cast %select_n3A : i32 to index
      %get3A_321 = arith.index_cast %mul3A_320 : i32 to index
      %get3A_322 = tpu.vector_load %arg8[%get3A, %get3A_321] {strides = array<i32>} : memref<16x1024xf32, #tpu.memory_space<vmem>>, vector<1x16xf32>,
      %get3A_323 = vector.shape_cast %get3A_322 : vector<1x16xf32> to vector<16xf32>
      %get3A_324 = arith.index_cast %select_n3A : i32 to index
      %get3A_325 = arith.index_cast %mul3A_320 : i32 to index
      %get3A_326 = tpu.vector_load %arg10[%get3A_324, %get3A_325] {strides = array<i32>} : memref<16x1024xf32, #tpu.memory_space<vmem>>, vector<1x16xf32>,
      %get3A_327 = vector.shape_cast %get3A_326 : vector<1x16xf32> to vector<16xf32>
      %add3A_328 = arith.addf %get3A_323, %get3A_327 : vector<16xf32>
      %swap3A = arith.index_cast %select_n3A : i32 to index
      %swap3A_329 = arith.index_cast %mul3A_320 : i32 to index
      %swap3A_330 = tpu.vector_load %arg8[%swap3A, %swap3A_329] {strides = array<i32>} : memref<16x1024xf32, #tpu.memory_space<vmem>>, vector<1x16xf32>,
      %swap3A_331 = vector.shape_cast %swap3A_330 : vector<1x16xf32> to vector<16xf32>
      %swap3A_332 = vector.shape_cast %add3A_328 : vector<16xf32> to vector<1x16xf32>
      tpu.vector_store %arg8[%swap3A, %swap3A_329], %swap3A_332 {strides = array<i32>} : memref<16x1024xf32, #tpu.memory_space<vmem>>, vector<1x16xf32>,
      %scan3A_333 = arith.constant 1 : i32
      %scan3A_334 = arith.addi %scan3A_288, %scan3A_333 : i32
      %jit3A_335 = arith.constant 64 : i32
      %div3A_336 = arith.divsi %scan3A_334, %jit3A_335 : i32
      %sign3A_337 = arith.constant 0 : i32
      %sign3A_338 = arith.cmpi sgt, %scan3A_334, %sign3A_337 : i32
      %sign3A_339 = arith.extui %sign3A_338 : i1 to i32
      %sign3A_340 = arith.constant 0 : i32
      %sign3A_341 = arith.cmpi slt, %scan3A_334, %sign3A_340 : i32
      %sign3A_342 = arith.extui %sign3A_341 : i1 to i32
      %sign3A_343 = arith.subi %sign3A_339, %sign3A_342 : i32
      %sign3A_344 = arith.constant 0 : i32
      %sign3A_345 = arith.cmpi sgt, %jit3A_335, %sign3A_344 : i32
      %sign3A_346 = arith.extui %sign3A_345 : i1 to i32
      %sign3A_347 = arith.constant 0 : i32
      %sign3A_348 = arith.cmpi slt, %jit3A_335, %sign3A_347 : i32
      %sign3A_349 = arith.extui %sign3A_348 : i1 to i32
      %sign3A_350 = arith.subi %sign3A_346, %sign3A_349 : i32
      %ne3A_351 = arith.cmpi ne, %sign3A_343, %sign3A_350 : i32
      %rem3A_352 = arith.remsi %scan3A_334, %jit3A_335 : i32
      %ne3A_353 = arith.constant 0 : i32
      %ne3A_354 = arith.cmpi ne, %rem3A_352, %ne3A_353 : i32
      %and3A_355 = arith.andi %ne3A_351, %ne3A_354 : i1
      %sub3A_356 = arith.constant 1 : i32
      %sub3A_357 = arith.subi %div3A_336, %sub3A_356 : i32
      %select_n3A_358 = arith.select %and3A_355, %sub3A_357, %div3A_336 : i32
      %jit3A_359 = arith.constant 64 : i32
      %eq3A_360 = arith.constant 0 : i32
      %eq3A_361 = arith.cmpi eq, %jit3A_359, %eq3A_360 : i32
      %jit3A_362 = arith.constant 1 : i32
      %select_n3A_363 = arith.select %eq3A_361, %jit3A_362, %jit3A_359 : i32
      %rem3A_364 = arith.remsi %scan3A_334, %select_n3A_363 : i32
      %ne3A_365 = arith.constant 0 : i32
      %ne3A_366 = arith.cmpi ne, %rem3A_364, %ne3A_365 : i32
      %lt3A_367 = arith.constant 0 : i32
      %lt3A_368 = arith.cmpi slt, %rem3A_364, %lt3A_367 : i32
      %lt3A_369 = arith.constant 0 : i32
      %lt3A_370 = arith.cmpi slt, %select_n3A_363, %lt3A_369 : i32
      %ne3A_371 = arith.xori %lt3A_368, %lt3A_370 : i1
      %and3A_372 = arith.andi %ne3A_371, %ne3A_366 : i1
      %add3A_373 = arith.addi %rem3A_364, %select_n3A_363 : i32
      %select_n3A_374 = arith.select %and3A_372, %add3A_373, %rem3A_364 : i32
      %mul3A_375 = arith.constant 16 : i32
      %mul3A_376 = arith.muli %select_n3A_374, %mul3A_375 : i32
      %get3A_377 = arith.index_cast %select_n3A_358 : i32 to index
      %get3A_378 = arith.index_cast %mul3A_376 : i32 to index
      %get3A_379 = tpu.vector_load %arg8[%get3A_377, %get3A_378] {strides = array<i32>} : memref<16x1024xf32, #tpu.memory_space<vmem>>, vector<1x16xf32>,
      %get3A_380 = vector.shape_cast %get3A_379 : vector<1x16xf32> to vector<16xf32>
      %get3A_381 = arith.index_cast %select_n3A_358 : i32 to index
      %get3A_382 = arith.index_cast %mul3A_376 : i32 to index
      %get3A_383 = tpu.vector_load %arg10[%get3A_381, %get3A_382] {strides = array<i32>} : memref<16x1024xf32, #tpu.memory_space<vmem>>, vector<1x16xf32>,
      %get3A_384 = vector.shape_cast %get3A_383 : vector<1x16xf32> to vector<16xf32>
      %add3A_385 = arith.addf %get3A_380, %get3A_384 : vector<16xf32>
      %swap3A_386 = arith.index_cast %select_n3A_358 : i32 to index
      %swap3A_387 = arith.index_cast %mul3A_376 : i32 to index
      %swap3A_388 = tpu.vector_load %arg8[%swap3A_386, %swap3A_387] {strides = array<i32>} : memref<16x1024xf32, #tpu.memory_space<vmem>>, vector<1x16xf32>,
      %swap3A_389 = vector.shape_cast %swap3A_388 : vector<1x16xf32> to vector<16xf32>
      %swap3A_390 = vector.shape_cast %add3A_385 : vector<16xf32> to vector<1x16xf32>
      tpu.vector_store %arg8[%swap3A_386, %swap3A_387], %swap3A_390 {strides = array<i32>} : memref<16x1024xf32, #tpu.memory_space<vmem>>, vector<1x16xf32>,
      %scan3A_391 = arith.constant 2 : i32
      %scan3A_392 = arith.addi %scan3A_288, %scan3A_391 : i32
      %jit3A_393 = arith.constant 64 : i32
      %div3A_394 = arith.divsi %scan3A_392, %jit3A_393 : i32
      %sign3A_395 = arith.constant 0 : i32
      %sign3A_396 = arith.cmpi sgt, %scan3A_392, %sign3A_395 : i32
      %sign3A_397 = arith.extui %sign3A_396 : i1 to i32
      %sign3A_398 = arith.constant 0 : i32
      %sign3A_399 = arith.cmpi slt, %scan3A_392, %sign3A_398 : i32
      %sign3A_400 = arith.extui %sign3A_399 : i1 to i32
      %sign3A_401 = arith.subi %sign3A_397, %sign3A_400 : i32
      %sign3A_402 = arith.constant 0 : i32
      %sign3A_403 = arith.cmpi sgt, %jit3A_393, %sign3A_402 : i32
      %sign3A_404 = arith.extui %sign3A_403 : i1 to i32
      %sign3A_405 = arith.constant 0 : i32
      %sign3A_406 = arith.cmpi slt, %jit3A_393, %sign3A_405 : i32
      %sign3A_407 = arith.extui %sign3A_406 : i1 to i32
      %sign3A_408 = arith.subi %sign3A_404, %sign3A_407 : i32
      %ne3A_409 = arith.cmpi ne, %sign3A_401, %sign3A_408 : i32
      %rem3A_410 = arith.remsi %scan3A_392, %jit3A_393 : i32
      %ne3A_411 = arith.constant 0 : i32
      %ne3A_412 = arith.cmpi ne, %rem3A_410, %ne3A_411 : i32
      %and3A_413 = arith.andi %ne3A_409, %ne3A_412 : i1
      %sub3A_414 = arith.constant 1 : i32
      %sub3A_415 = arith.subi %div3A_394, %sub3A_414 : i32
      %select_n3A_416 = arith.select %and3A_413, %sub3A_415, %div3A_394 : i32
      %jit3A_417 = arith.constant 64 : i32
      %eq3A_418 = arith.constant 0 : i32
      %eq3A_419 = arith.cmpi eq, %jit3A_417, %eq3A_418 : i32
      %jit3A_420 = arith.constant 1 : i32
      %select_n3A_421 = arith.select %eq3A_419, %jit3A_420, %jit3A_417 : i32
      %rem3A_422 = arith.remsi %scan3A_392, %select_n3A_421 : i32
      %ne3A_423 = arith.constant 0 : i32
      %ne3A_424 = arith.cmpi ne, %rem3A_422, %ne3A_423 : i32
      %lt3A_425 = arith.constant 0 : i32
      %lt3A_426 = arith.cmpi slt, %rem3A_422, %lt3A_425 : i32
      %lt3A_427 = arith.constant 0 : i32
      %lt3A_428 = arith.cmpi slt, %select_n3A_421, %lt3A_427 : i32
      %ne3A_429 = arith.xori %lt3A_426, %lt3A_428 : i1
      %and3A_430 = arith.andi %ne3A_429, %ne3A_424 : i1
      %add3A_431 = arith.addi %rem3A_422, %select_n3A_421 : i32
      %select_n3A_432 = arith.select %and3A_430, %add3A_431, %rem3A_422 : i32
      %mul3A_433 = arith.constant 16 : i32
      %mul3A_434 = arith.muli %select_n3A_432, %mul3A_433 : i32
      %get3A_435 = arith.index_cast %select_n3A_416 : i32 to index
      %get3A_436 = arith.index_cast %mul3A_434 : i32 to index
      %get3A_437 = tpu.vector_load %arg8[%get3A_435, %get3A_436] {strides = array<i32>} : memref<16x1024xf32, #tpu.memory_space<vmem>>, vector<1x16xf32>,
      %get3A_438 = vector.shape_cast %get3A_437 : vector<1x16xf32> to vector<16xf32>
      %get3A_439 = arith.index_cast %select_n3A_416 : i32 to index
      %get3A_440 = arith.index_cast %mul3A_434 : i32 to index
      %get3A_441 = tpu.vector_load %arg10[%get3A_439, %get3A_440] {strides = array<i32>} : memref<16x1024xf32, #tpu.memory_space<vmem>>, vector<1x16xf32>,
      %get3A_442 = vector.shape_cast %get3A_441 : vector<1x16xf32> to vector<16xf32>
      %add3A_443 = arith.addf %get3A_438, %get3A_442 : vector<16xf32>
      %swap3A_444 = arith.index_cast %select_n3A_416 : i32 to index
      %swap3A_445 = arith.index_cast %mul3A_434 : i32 to index
      %swap3A_446 = tpu.vector_load %arg8[%swap3A_444, %swap3A_445] {strides = array<i32>} : memref<16x1024xf32, #tpu.memory_space<vmem>>, vector<1x16xf32>,
      %swap3A_447 = vector.shape_cast %swap3A_446 : vector<1x16xf32> to vector<16xf32>
      %swap3A_448 = vector.shape_cast %add3A_443 : vector<16xf32> to vector<1x16xf32>
      tpu.vector_store %arg8[%swap3A_444, %swap3A_445], %swap3A_448 {strides = array<i32>} : memref<16x1024xf32, #tpu.memory_space<vmem>>, vector<1x16xf32>,
      %scan3A_449 = arith.constant 3 : i32
      %scan3A_450 = arith.addi %scan3A_288, %scan3A_449 : i32
      %jit3A_451 = arith.constant 64 : i32
      %div3A_452 = arith.divsi %scan3A_450, %jit3A_451 : i32
      %sign3A_453 = arith.constant 0 : i32
      %sign3A_454 = arith.cmpi sgt, %scan3A_450, %sign3A_453 : i32
      %sign3A_455 = arith.extui %sign3A_454 : i1 to i32
      %sign3A_456 = arith.constant 0 : i32
      %sign3A_457 = arith.cmpi slt, %scan3A_450, %sign3A_456 : i32
      %sign3A_458 = arith.extui %sign3A_457 : i1 to i32
      %sign3A_459 = arith.subi %sign3A_455, %sign3A_458 : i32
      %sign3A_460 = arith.constant 0 : i32
      %sign3A_461 = arith.cmpi sgt, %jit3A_451, %sign3A_460 : i32
      %sign3A_462 = arith.extui %sign3A_461 : i1 to i32
      %sign3A_463 = arith.constant 0 : i32
      %sign3A_464 = arith.cmpi slt, %jit3A_451, %sign3A_463 : i32
      %sign3A_465 = arith.extui %sign3A_464 : i1 to i32
      %sign3A_466 = arith.subi %sign3A_462, %sign3A_465 : i32
      %ne3A_467 = arith.cmpi ne, %sign3A_459, %sign3A_466 : i32
      %rem3A_468 = arith.remsi %scan3A_450, %jit3A_451 : i32
      %ne3A_469 = arith.constant 0 : i32
      %ne3A_470 = arith.cmpi ne, %rem3A_468, %ne3A_469 : i32
      %and3A_471 = arith.andi %ne3A_467, %ne3A_470 : i1
      %sub3A_472 = arith.constant 1 : i32
      %sub3A_473 = arith.subi %div3A_452, %sub3A_472 : i32
      %select_n3A_474 = arith.select %and3A_471, %sub3A_473, %div3A_452 : i32
      %jit3A_475 = arith.constant 64 : i32
      %eq3A_476 = arith.constant 0 : i32
      %eq3A_477 = arith.cmpi eq, %jit3A_475, %eq3A_476 : i32
      %jit3A_478 = arith.constant 1 : i32
      %select_n3A_479 = arith.select %eq3A_477, %jit3A_478, %jit3A_475 : i32
      %rem3A_480 = arith.remsi %scan3A_450, %select_n3A_479 : i32
      %ne3A_481 = arith.constant 0 : i32
      %ne3A_482 = arith.cmpi ne, %rem3A_480, %ne3A_481 : i32
      %lt3A_483 = arith.constant 0 : i32
      %lt3A_484 = arith.cmpi slt, %rem3A_480, %lt3A_483 : i32
      %lt3A_485 = arith.constant 0 : i32
      %lt3A_486 = arith.cmpi slt, %select_n3A_479, %lt3A_485 : i32
      %ne3A_487 = arith.xori %lt3A_484, %lt3A_486 : i1
      %and3A_488 = arith.andi %ne3A_487, %ne3A_482 : i1
      %add3A_489 = arith.addi %rem3A_480, %select_n3A_479 : i32
      %select_n3A_490 = arith.select %and3A_488, %add3A_489, %rem3A_480 : i32
      %mul3A_491 = arith.constant 16 : i32
      %mul3A_492 = arith.muli %select_n3A_490, %mul3A_491 : i32
      %get3A_493 = arith.index_cast %select_n3A_474 : i32 to index
      %get3A_494 = arith.index_cast %mul3A_492 : i32 to index
      %get3A_495 = tpu.vector_load %arg8[%get3A_493, %get3A_494] {strides = array<i32>} : memref<16x1024xf32, #tpu.memory_space<vmem>>, vector<1x16xf32>,
      %get3A_496 = vector.shape_cast %get3A_495 : vector<1x16xf32> to vector<16xf32>
      %get3A_497 = arith.index_cast %select_n3A_474 : i32 to index
      %get3A_498 = arith.index_cast %mul3A_492 : i32 to index
      %get3A_499 = tpu.vector_load %arg10[%get3A_497, %get3A_498] {strides = array<i32>} : memref<16x1024xf32, #tpu.memory_space<vmem>>, vector<1x16xf32>,
      %get3A_500 = vector.shape_cast %get3A_499 : vector<1x16xf32> to vector<16xf32>
      %add3A_501 = arith.addf %get3A_496, %get3A_500 : vector<16xf32>
      %swap3A_502 = arith.index_cast %select_n3A_474 : i32 to index
      %swap3A_503 = arith.index_cast %mul3A_492 : i32 to index
      %swap3A_504 = tpu.vector_load %arg8[%swap3A_502, %swap3A_503] {strides = array<i32>} : memref<16x1024xf32, #tpu.memory_space<vmem>>, vector<1x16xf32>,
      %swap3A_505 = vector.shape_cast %swap3A_504 : vector<1x16xf32> to vector<16xf32>
      %swap3A_506 = vector.shape_cast %add3A_501 : vector<16xf32> to vector<1x16xf32>
      tpu.vector_store %arg8[%swap3A_502, %swap3A_503], %swap3A_506 {strides = array<i32>} : memref<16x1024xf32, #tpu.memory_space<vmem>>, vector<1x16xf32>,
      %scan3A_507 = arith.constant 4 : i32
      %scan3A_508 = arith.addi %scan3A_288, %scan3A_507 : i32
      %jit3A_509 = arith.constant 64 : i32
      %div3A_510 = arith.divsi %scan3A_508, %jit3A_509 : i32
      %sign3A_511 = arith.constant 0 : i32
      %sign3A_512 = arith.cmpi sgt, %scan3A_508, %sign3A_511 : i32
      %sign3A_513 = arith.extui %sign3A_512 : i1 to i32
      %sign3A_514 = arith.constant 0 : i32
      %sign3A_515 = arith.cmpi slt, %scan3A_508, %sign3A_514 : i32
      %sign3A_516 = arith.extui %sign3A_515 : i1 to i32
      %sign3A_517 = arith.subi %sign3A_513, %sign3A_516 : i32
      %sign3A_518 = arith.constant 0 : i32
      %sign3A_519 = arith.cmpi sgt, %jit3A_509, %sign3A_518 : i32
      %sign3A_520 = arith.extui %sign3A_519 : i1 to i32
      %sign3A_521 = arith.constant 0 : i32
      %sign3A_522 = arith.cmpi slt, %jit3A_509, %sign3A_521 : i32
      %sign3A_523 = arith.extui %sign3A_522 : i1 to i32
      %sign3A_524 = arith.subi %sign3A_520, %sign3A_523 : i32
      %ne3A_525 = arith.cmpi ne, %sign3A_517, %sign3A_524 : i32
      %rem3A_526 = arith.remsi %scan3A_508, %jit3A_509 : i32
      %ne3A_527 = arith.constant 0 : i32
      %ne3A_528 = arith.cmpi ne, %rem3A_526, %ne3A_527 : i32
      %and3A_529 = arith.andi %ne3A_525, %ne3A_528 : i1
      %sub3A_530 = arith.constant 1 : i32
      %sub3A_531 = arith.subi %div3A_510, %sub3A_530 : i32
      %select_n3A_532 = arith.select %and3A_529, %sub3A_531, %div3A_510 : i32
      %jit3A_533 = arith.constant 64 : i32
      %eq3A_534 = arith.constant 0 : i32
      %eq3A_535 = arith.cmpi eq, %jit3A_533, %eq3A_534 : i32
      %jit3A_536 = arith.constant 1 : i32
      %select_n3A_537 = arith.select %eq3A_535, %jit3A_536, %jit3A_533 : i32
      %rem3A_538 = arith.remsi %scan3A_508, %select_n3A_537 : i32
      %ne3A_539 = arith.constant 0 : i32
      %ne3A_540 = arith.cmpi ne, %rem3A_538, %ne3A_539 : i32
      %lt3A_541 = arith.constant 0 : i32
      %lt3A_542 = arith.cmpi slt, %rem3A_538, %lt3A_541 : i32
      %lt3A_543 = arith.constant 0 : i32
      %lt3A_544 = arith.cmpi slt, %select_n3A_537, %lt3A_543 : i32
      %ne3A_545 = arith.xori %lt3A_542, %lt3A_544 : i1
      %and3A_546 = arith.andi %ne3A_545, %ne3A_540 : i1
      %add3A_547 = arith.addi %rem3A_538, %select_n3A_537 : i32
      %select_n3A_548 = arith.select %and3A_546, %add3A_547, %rem3A_538 : i32
      %mul3A_549 = arith.constant 16 : i32
      %mul3A_550 = arith.muli %select_n3A_548, %mul3A_549 : i32
      %get3A_551 = arith.index_cast %select_n3A_532 : i32 to index
      %get3A_552 = arith.index_cast %mul3A_550 : i32 to index
      %get3A_553 = tpu.vector_load %arg8[%get3A_551, %get3A_552] {strides = array<i32>} : memref<16x1024xf32, #tpu.memory_space<vmem>>, vector<1x16xf32>,
      %get3A_554 = vector.shape_cast %get3A_553 : vector<1x16xf32> to vector<16xf32>
      %get3A_555 = arith.index_cast %select_n3A_532 : i32 to index
      %get3A_556 = arith.index_cast %mul3A_550 : i32 to index
      %get3A_557 = tpu.vector_load %arg10[%get3A_555, %get3A_556] {strides = array<i32>} : memref<16x1024xf32, #tpu.memory_space<vmem>>, vector<1x16xf32>,
      %get3A_558 = vector.shape_cast %get3A_557 : vector<1x16xf32> to vector<16xf32>
      %add3A_559 = arith.addf %get3A_554, %get3A_558 : vector<16xf32>
      %swap3A_560 = arith.index_cast %select_n3A_532 : i32 to index
      %swap3A_561 = arith.index_cast %mul3A_550 : i32 to index
      %swap3A_562 = tpu.vector_load %arg8[%swap3A_560, %swap3A_561] {strides = array<i32>} : memref<16x1024xf32, #tpu.memory_space<vmem>>, vector<1x16xf32>,
      %swap3A_563 = vector.shape_cast %swap3A_562 : vector<1x16xf32> to vector<16xf32>
      %swap3A_564 = vector.shape_cast %add3A_559 : vector<16xf32> to vector<1x16xf32>
      tpu.vector_store %arg8[%swap3A_560, %swap3A_561], %swap3A_564 {strides = array<i32>} : memref<16x1024xf32, #tpu.memory_space<vmem>>, vector<1x16xf32>,
      %scan3A_565 = arith.constant 5 : i32
      %scan3A_566 = arith.addi %scan3A_288, %scan3A_565 : i32
      %jit3A_567 = arith.constant 64 : i32
      %div3A_568 = arith.divsi %scan3A_566, %jit3A_567 : i32
      %sign3A_569 = arith.constant 0 : i32
      %sign3A_570 = arith.cmpi sgt, %scan3A_566, %sign3A_569 : i32
      %sign3A_571 = arith.extui %sign3A_570 : i1 to i32
      %sign3A_572 = arith.constant 0 : i32
      %sign3A_573 = arith.cmpi slt, %scan3A_566, %sign3A_572 : i32
      %sign3A_574 = arith.extui %sign3A_573 : i1 to i32
      %sign3A_575 = arith.subi %sign3A_571, %sign3A_574 : i32
      %sign3A_576 = arith.constant 0 : i32
      %sign3A_577 = arith.cmpi sgt, %jit3A_567, %sign3A_576 : i32
      %sign3A_578 = arith.extui %sign3A_577 : i1 to i32
      %sign3A_579 = arith.constant 0 : i32
      %sign3A_580 = arith.cmpi slt, %jit3A_567, %sign3A_579 : i32
      %sign3A_581 = arith.extui %sign3A_580 : i1 to i32
      %sign3A_582 = arith.subi %sign3A_578, %sign3A_581 : i32
      %ne3A_583 = arith.cmpi ne, %sign3A_575, %sign3A_582 : i32
      %rem3A_584 = arith.remsi %scan3A_566, %jit3A_567 : i32
      %ne3A_585 = arith.constant 0 : i32
      %ne3A_586 = arith.cmpi ne, %rem3A_584, %ne3A_585 : i32
      %and3A_587 = arith.andi %ne3A_583, %ne3A_586 : i1
      %sub3A_588 = arith.constant 1 : i32
      %sub3A_589 = arith.subi %div3A_568, %sub3A_588 : i32
      %select_n3A_590 = arith.select %and3A_587, %sub3A_589, %div3A_568 : i32
      %jit3A_591 = arith.constant 64 : i32
      %eq3A_592 = arith.constant 0 : i32
      %eq3A_593 = arith.cmpi eq, %jit3A_591, %eq3A_592 : i32
      %jit3A_594 = arith.constant 1 : i32
      %select_n3A_595 = arith.select %eq3A_593, %jit3A_594, %jit3A_591 : i32
      %rem3A_596 = arith.remsi %scan3A_566, %select_n3A_595 : i32
      %ne3A_597 = arith.constant 0 : i32
      %ne3A_598 = arith.cmpi ne, %rem3A_596, %ne3A_597 : i32
      %lt3A_599 = arith.constant 0 : i32
      %lt3A_600 = arith.cmpi slt, %rem3A_596, %lt3A_599 : i32
      %lt3A_601 = arith.constant 0 : i32
      %lt3A_602 = arith.cmpi slt, %select_n3A_595, %lt3A_601 : i32
      %ne3A_603 = arith.xori %lt3A_600, %lt3A_602 : i1
      %and3A_604 = arith.andi %ne3A_603, %ne3A_598 : i1
      %add3A_605 = arith.addi %rem3A_596, %select_n3A_595 : i32
      %select_n3A_606 = arith.select %and3A_604, %add3A_605, %rem3A_596 : i32
      %mul3A_607 = arith.constant 16 : i32
      %mul3A_608 = arith.muli %select_n3A_606, %mul3A_607 : i32
      %get3A_609 = arith.index_cast %select_n3A_590 : i32 to index
      %get3A_610 = arith.index_cast %mul3A_608 : i32 to index
      %get3A_611 = tpu.vector_load %arg8[%get3A_609, %get3A_610] {strides = array<i32>} : memref<16x1024xf32, #tpu.memory_space<vmem>>, vector<1x16xf32>,
      %get3A_612 = vector.shape_cast %get3A_611 : vector<1x16xf32> to vector<16xf32>
      %get3A_613 = arith.index_cast %select_n3A_590 : i32 to index
      %get3A_614 = arith.index_cast %mul3A_608 : i32 to index
      %get3A_615 = tpu.vector_load %arg10[%get3A_613, %get3A_614] {strides = array<i32>} : memref<16x1024xf32, #tpu.memory_space<vmem>>, vector<1x16xf32>,
      %get3A_616 = vector.shape_cast %get3A_615 : vector<1x16xf32> to vector<16xf32>
      %add3A_617 = arith.addf %get3A_612, %get3A_616 : vector<16xf32>
      %swap3A_618 = arith.index_cast %select_n3A_590 : i32 to index
      %swap3A_619 = arith.index_cast %mul3A_608 : i32 to index
      %swap3A_620 = tpu.vector_load %arg8[%swap3A_618, %swap3A_619] {strides = array<i32>} : memref<16x1024xf32, #tpu.memory_space<vmem>>, vector<1x16xf32>,
      %swap3A_621 = vector.shape_cast %swap3A_620 : vector<1x16xf32> to vector<16xf32>
      %swap3A_622 = vector.shape_cast %add3A_617 : vector<16xf32> to vector<1x16xf32>
      tpu.vector_store %arg8[%swap3A_618, %swap3A_619], %swap3A_622 {strides = array<i32>} : memref<16x1024xf32, #tpu.memory_space<vmem>>, vector<1x16xf32>,
      %scan3A_623 = arith.constant 6 : i32
      %scan3A_624 = arith.addi %scan3A_288, %scan3A_623 : i32
      %jit3A_625 = arith.constant 64 : i32
      %div3A_626 = arith.divsi %scan3A_624, %jit3A_625 : i32
      %sign3A_627 = arith.constant 0 : i32
      %sign3A_628 = arith.cmpi sgt, %scan3A_624, %sign3A_627 : i32
      %sign3A_629 = arith.extui %sign3A_628 : i1 to i32
      %sign3A_630 = arith.constant 0 : i32
      %sign3A_631 = arith.cmpi slt, %scan3A_624, %sign3A_630 : i32
      %sign3A_632 = arith.extui %sign3A_631 : i1 to i32
      %sign3A_633 = arith.subi %sign3A_629, %sign3A_632 : i32
      %sign3A_634 = arith.constant 0 : i32
      %sign3A_635 = arith.cmpi sgt, %jit3A_625, %sign3A_634 : i32
      %sign3A_636 = arith.extui %sign3A_635 : i1 to i32
      %sign3A_637 = arith.constant 0 : i32
      %sign3A_638 = arith.cmpi slt, %jit3A_625, %sign3A_637 : i32
      %sign3A_639 = arith.extui %sign3A_638 : i1 to i32
      %sign3A_640 = arith.subi %sign3A_636, %sign3A_639 : i32
      %ne3A_641 = arith.cmpi ne, %sign3A_633, %sign3A_640 : i32
      %rem3A_642 = arith.remsi %scan3A_624, %jit3A_625 : i32
      %ne3A_643 = arith.constant 0 : i32
      %ne3A_644 = arith.cmpi ne, %rem3A_642, %ne3A_643 : i32
      %and3A_645 = arith.andi %ne3A_641, %ne3A_644 : i1
      %sub3A_646 = arith.constant 1 : i32
      %sub3A_647 = arith.subi %div3A_626, %sub3A_646 : i32
      %select_n3A_648 = arith.select %and3A_645, %sub3A_647, %div3A_626 : i32
      %jit3A_649 = arith.constant 64 : i32
      %eq3A_650 = arith.constant 0 : i32
      %eq3A_651 = arith.cmpi eq, %jit3A_649, %eq3A_650 : i32
      %jit3A_652 = arith.constant 1 : i32
      %select_n3A_653 = arith.select %eq3A_651, %jit3A_652, %jit3A_649 : i32
      %rem3A_654 = arith.remsi %scan3A_624, %select_n3A_653 : i32
      %ne3A_655 = arith.constant 0 : i32
      %ne3A_656 = arith.cmpi ne, %rem3A_654, %ne3A_655 : i32
      %lt3A_657 = arith.constant 0 : i32
      %lt3A_658 = arith.cmpi slt, %rem3A_654, %lt3A_657 : i32
      %lt3A_659 = arith.constant 0 : i32
      %lt3A_660 = arith.cmpi slt, %select_n3A_653, %lt3A_659 : i32
      %ne3A_661 = arith.xori %lt3A_658, %lt3A_660 : i1
      %and3A_662 = arith.andi %ne3A_661, %ne3A_656 : i1
      %add3A_663 = arith.addi %rem3A_654, %select_n3A_653 : i32
      %select_n3A_664 = arith.select %and3A_662, %add3A_663, %rem3A_654 : i32
      %mul3A_665 = arith.constant 16 : i32
      %mul3A_666 = arith.muli %select_n3A_664, %mul3A_665 : i32
      %get3A_667 = arith.index_cast %select_n3A_648 : i32 to index
      %get3A_668 = arith.index_cast %mul3A_666 : i32 to index
      %get3A_669 = tpu.vector_load %arg8[%get3A_667, %get3A_668] {strides = array<i32>} : memref<16x1024xf32, #tpu.memory_space<vmem>>, vector<1x16xf32>,
      %get3A_670 = vector.shape_cast %get3A_669 : vector<1x16xf32> to vector<16xf32>
      %get3A_671 = arith.index_cast %select_n3A_648 : i32 to index
      %get3A_672 = arith.index_cast %mul3A_666 : i32 to index
      %get3A_673 = tpu.vector_load %arg10[%get3A_671, %get3A_672] {strides = array<i32>} : memref<16x1024xf32, #tpu.memory_space<vmem>>, vector<1x16xf32>,
      %get3A_674 = vector.shape_cast %get3A_673 : vector<1x16xf32> to vector<16xf32>
      %add3A_675 = arith.addf %get3A_670, %get3A_674 : vector<16xf32>
      %swap3A_676 = arith.index_cast %select_n3A_648 : i32 to index
      %swap3A_677 = arith.index_cast %mul3A_666 : i32 to index
      %swap3A_678 = tpu.vector_load %arg8[%swap3A_676, %swap3A_677] {strides = array<i32>} : memref<16x1024xf32, #tpu.memory_space<vmem>>, vector<1x16xf32>,
      %swap3A_679 = vector.shape_cast %swap3A_678 : vector<1x16xf32> to vector<16xf32>
      %swap3A_680 = vector.shape_cast %add3A_675 : vector<16xf32> to vector<1x16xf32>
      tpu.vector_store %arg8[%swap3A_676, %swap3A_677], %swap3A_680 {strides = array<i32>} : memref<16x1024xf32, #tpu.memory_space<vmem>>, vector<1x16xf32>,
      %scan3A_681 = arith.constant 7 : i32
      %scan3A_682 = arith.addi %scan3A_288, %scan3A_681 : i32
      %jit3A_683 = arith.constant 64 : i32
      %div3A_684 = arith.divsi %scan3A_682, %jit3A_683 : i32
      %sign3A_685 = arith.constant 0 : i32
      %sign3A_686 = arith.cmpi sgt, %scan3A_682, %sign3A_685 : i32
      %sign3A_687 = arith.extui %sign3A_686 : i1 to i32
      %sign3A_688 = arith.constant 0 : i32
      %sign3A_689 = arith.cmpi slt, %scan3A_682, %sign3A_688 : i32
      %sign3A_690 = arith.extui %sign3A_689 : i1 to i32
      %sign3A_691 = arith.subi %sign3A_687, %sign3A_690 : i32
      %sign3A_692 = arith.constant 0 : i32
      %sign3A_693 = arith.cmpi sgt, %jit3A_683, %sign3A_692 : i32
      %sign3A_694 = arith.extui %sign3A_693 : i1 to i32
      %sign3A_695 = arith.constant 0 : i32
      %sign3A_696 = arith.cmpi slt, %jit3A_683, %sign3A_695 : i32
      %sign3A_697 = arith.extui %sign3A_696 : i1 to i32
      %sign3A_698 = arith.subi %sign3A_694, %sign3A_697 : i32
      %ne3A_699 = arith.cmpi ne, %sign3A_691, %sign3A_698 : i32
      %rem3A_700 = arith.remsi %scan3A_682, %jit3A_683 : i32
      %ne3A_701 = arith.constant 0 : i32
      %ne3A_702 = arith.cmpi ne, %rem3A_700, %ne3A_701 : i32
      %and3A_703 = arith.andi %ne3A_699, %ne3A_702 : i1
      %sub3A_704 = arith.constant 1 : i32
      %sub3A_705 = arith.subi %div3A_684, %sub3A_704 : i32
      %select_n3A_706 = arith.select %and3A_703, %sub3A_705, %div3A_684 : i32
      %jit3A_707 = arith.constant 64 : i32
      %eq3A_708 = arith.constant 0 : i32
      %eq3A_709 = arith.cmpi eq, %jit3A_707, %eq3A_708 : i32
      %jit3A_710 = arith.constant 1 : i32
      %select_n3A_711 = arith.select %eq3A_709, %jit3A_710, %jit3A_707 : i32
      %rem3A_712 = arith.remsi %scan3A_682, %select_n3A_711 : i32
      %ne3A_713 = arith.constant 0 : i32
      %ne3A_714 = arith.cmpi ne, %rem3A_712, %ne3A_713 : i32
      %lt3A_715 = arith.constant 0 : i32
      %lt3A_716 = arith.cmpi slt, %rem3A_712, %lt3A_715 : i32
      %lt3A_717 = arith.constant 0 : i32
      %lt3A_718 = arith.cmpi slt, %select_n3A_711, %lt3A_717 : i32
      %ne3A_719 = arith.xori %lt3A_716, %lt3A_718 : i1
      %and3A_720 = arith.andi %ne3A_719, %ne3A_714 : i1
      %add3A_721 = arith.addi %rem3A_712, %select_n3A_711 : i32
      %select_n3A_722 = arith.select %and3A_720, %add3A_721, %rem3A_712 : i32
      %mul3A_723 = arith.constant 16 : i32
      %mul3A_724 = arith.muli %select_n3A_722, %mul3A_723 : i32
      %get3A_725 = arith.index_cast %select_n3A_706 : i32 to index
      %get3A_726 = arith.index_cast %mul3A_724 : i32 to index
      %get3A_727 = tpu.vector_load %arg8[%get3A_725, %get3A_726] {strides = array<i32>} : memref<16x1024xf32, #tpu.memory_space<vmem>>, vector<1x16xf32>,
      %get3A_728 = vector.shape_cast %get3A_727 : vector<1x16xf32> to vector<16xf32>
      %get3A_729 = arith.index_cast %select_n3A_706 : i32 to index
      %get3A_730 = arith.index_cast %mul3A_724 : i32 to index
      %get3A_731 = tpu.vector_load %arg10[%get3A_729, %get3A_730] {strides = array<i32>} : memref<16x1024xf32, #tpu.memory_space<vmem>>, vector<1x16xf32>,
      %get3A_732 = vector.shape_cast %get3A_731 : vector<1x16xf32> to vector<16xf32>
      %add3A_733 = arith.addf %get3A_728, %get3A_732 : vector<16xf32>
      %swap3A_734 = arith.index_cast %select_n3A_706 : i32 to index
      %swap3A_735 = arith.index_cast %mul3A_724 : i32 to index
      %swap3A_736 = tpu.vector_load %arg8[%swap3A_734, %swap3A_735] {strides = array<i32>} : memref<16x1024xf32, #tpu.memory_space<vmem>>, vector<1x16xf32>,
      %swap3A_737 = vector.shape_cast %swap3A_736 : vector<1x16xf32> to vector<16xf32>
      %swap3A_738 = vector.shape_cast %add3A_733 : vector<16xf32> to vector<1x16xf32>
      tpu.vector_store %arg8[%swap3A_734, %swap3A_735], %swap3A_738 {strides = array<i32>} : memref<16x1024xf32, #tpu.memory_space<vmem>>, vector<1x16xf32>,
    }
    %scan3A_251 = arith.constant 1024 : i32
    %add3A_252 = arith.constant 96 : i32
    %add3A_253 = arith.addi %mul3A_2, %add3A_252 : i32
    %dma_start3A_254 = arith.constant 0 : i32
    %dma_start3A_255 = tpu.memref_slice %arg5[%add3A_253, %dma_start3A_254] : memref<4096x1024xf32, #tpu.memory_space<hbm>> -> memref<16x1024xf32, #tpu.memory_space<hbm>>
    %dma_start3A_256 = arith.constant 0 : i32
    %dma_start3A_257 = tpu.memref_slice %arg5[%add3A_253, %dma_start3A_256] : memref<4096x1024xf32, #tpu.memory_space<hbm>> -> memref<16x1024xf32, #tpu.memory_space<hbm>>
    tpu.enqueue_dma source(%arg8 : memref<16x1024xf32, #tpu.memory_space<vmem>>) target(%dma_start3A_257 : memref<16x1024xf32, #tpu.memory_space<hbm>>) target_semaphore(%arg16 : memref<!tpu.dma_semaphore, #tpu.memory_space<semaphore_mem>>)
    %dma_wait3A_258 = arith.constant 112 : i32
    %dma_wait3A_259 = tpu.memref_slice %arg6[%dma_wait3A_258] : memref<128xi32, #tpu.memory_space<vmem>> -> memref<16xi32, #tpu.memory_space<vmem>>
    %dma_wait3A_260 = arith.constant 0 : i32
    %dma_wait3A_261 = arith.constant 0 : i32
    %dma_wait3A_262 = tpu.memref_slice %arg2[%dma_wait3A_260, %dma_wait3A_261] : memref<10240x1024xf32, #tpu.memory_space<hbm>> -> memref<10240x1024xf32, #tpu.memory_space<hbm>>
    tpu.wait_indirect_dma semaphore(%arg13 : memref<!tpu.dma_semaphore, #tpu.memory_space<semaphore_mem>>) src(%dma_wait3A_262 : memref<10240x1024xf32, #tpu.memory_space<hbm>>) dst(%arg9 : memref<16x1024xf32, #tpu.memory_space<vmem>>)
    %dma_wait3A_263 = arith.constant 112 : i32
    %dma_wait3A_264 = tpu.memref_slice %arg7[%dma_wait3A_263] : memref<128xi32, #tpu.memory_space<vmem>> -> memref<16xi32, #tpu.memory_space<vmem>>
    %dma_wait3A_265 = arith.constant 0 : i32
    %dma_wait3A_266 = arith.constant 0 : i32
    %dma_wait3A_267 = tpu.memref_slice %arg2[%dma_wait3A_265, %dma_wait3A_266] : memref<10240x1024xf32, #tpu.memory_space<hbm>> -> memref<10240x1024xf32, #tpu.memory_space<hbm>>
    tpu.wait_indirect_dma semaphore(%arg15 : memref<!tpu.dma_semaphore, #tpu.memory_space<semaphore_mem>>) src(%dma_wait3A_267 : memref<10240x1024xf32, #tpu.memory_space<hbm>>) dst(%arg11 : memref<16x1024xf32, #tpu.memory_space<vmem>>)
    %scan3A_268 = arith.constant 0 : i32
    %scan3A_269 = arith.constant 0 : i32
    %scan3A_270 = arith.constant 1024 : i32
    %scan3A_271 = arith.addi %scan3A_269, %scan3A_270 : i32
    %scan3A_272 = arith.constant 8 : i32
    scf.for %scan3A_288 = %scan3A_269 to %scan3A_271 step %scan3A_272  : i32 {
      %jit3A = arith.constant 64 : i32
      %div3A = arith.divsi %scan3A_288, %jit3A : i32
      %sign3A = arith.constant 0 : i32
      %sign3A_289 = arith.cmpi sgt, %scan3A_288, %sign3A : i32
      %sign3A_290 = arith.extui %sign3A_289 : i1 to i32
      %sign3A_291 = arith.constant 0 : i32
      %sign3A_292 = arith.cmpi slt, %scan3A_288, %sign3A_291 : i32
      %sign3A_293 = arith.extui %sign3A_292 : i1 to i32
      %sign3A_294 = arith.subi %sign3A_290, %sign3A_293 : i32
      %sign3A_295 = arith.constant 0 : i32
      %sign3A_296 = arith.cmpi sgt, %jit3A, %sign3A_295 : i32
      %sign3A_297 = arith.extui %sign3A_296 : i1 to i32
      %sign3A_298 = arith.constant 0 : i32
      %sign3A_299 = arith.cmpi slt, %jit3A, %sign3A_298 : i32
      %sign3A_300 = arith.extui %sign3A_299 : i1 to i32
      %sign3A_301 = arith.subi %sign3A_297, %sign3A_300 : i32
      %ne3A = arith.cmpi ne, %sign3A_294, %sign3A_301 : i32
      %rem3A = arith.remsi %scan3A_288, %jit3A : i32
      %ne3A_302 = arith.constant 0 : i32
      %ne3A_303 = arith.cmpi ne, %rem3A, %ne3A_302 : i32
      %and3A = arith.andi %ne3A, %ne3A_303 : i1
      %sub3A = arith.constant 1 : i32
      %sub3A_304 = arith.subi %div3A, %sub3A : i32
      %select_n3A = arith.select %and3A, %sub3A_304, %div3A : i32
      %jit3A_305 = arith.constant 64 : i32
      %eq3A = arith.constant 0 : i32
      %eq3A_306 = arith.cmpi eq, %jit3A_305, %eq3A : i32
      %jit3A_307 = arith.constant 1 : i32
      %select_n3A_308 = arith.select %eq3A_306, %jit3A_307, %jit3A_305 : i32
      %rem3A_309 = arith.remsi %scan3A_288, %select_n3A_308 : i32
      %ne3A_310 = arith.constant 0 : i32
      %ne3A_311 = arith.cmpi ne, %rem3A_309, %ne3A_310 : i32
      %lt3A = arith.constant 0 : i32
      %lt3A_312 = arith.cmpi slt, %rem3A_309, %lt3A : i32
      %lt3A_313 = arith.constant 0 : i32
      %lt3A_314 = arith.cmpi slt, %select_n3A_308, %lt3A_313 : i32
      %ne3A_315 = arith.xori %lt3A_312, %lt3A_314 : i1
      %and3A_316 = arith.andi %ne3A_315, %ne3A_311 : i1
      %add3A_317 = arith.addi %rem3A_309, %select_n3A_308 : i32
      %select_n3A_318 = arith.select %and3A_316, %add3A_317, %rem3A_309 : i32
      %mul3A_319 = arith.constant 16 : i32
      %mul3A_320 = arith.muli %select_n3A_318, %mul3A_319 : i32
      %get3A = arith.index_cast %select_n3A : i32 to index
      %get3A_321 = arith.index_cast %mul3A_320 : i32 to index
      %get3A_322 = tpu.vector_load %arg9[%get3A, %get3A_321] {strides = array<i32>} : memref<16x1024xf32, #tpu.memory_space<vmem>>, vector<1x16xf32>,
      %get3A_323 = vector.shape_cast %get3A_322 : vector<1x16xf32> to vector<16xf32>
      %get3A_324 = arith.index_cast %select_n3A : i32 to index
      %get3A_325 = arith.index_cast %mul3A_320 : i32 to index
      %get3A_326 = tpu.vector_load %arg11[%get3A_324, %get3A_325] {strides = array<i32>} : memref<16x1024xf32, #tpu.memory_space<vmem>>, vector<1x16xf32>,
      %get3A_327 = vector.shape_cast %get3A_326 : vector<1x16xf32> to vector<16xf32>
      %add3A_328 = arith.addf %get3A_323, %get3A_327 : vector<16xf32>
      %swap3A = arith.index_cast %select_n3A : i32 to index
      %swap3A_329 = arith.index_cast %mul3A_320 : i32 to index
      %swap3A_330 = tpu.vector_load %arg9[%swap3A, %swap3A_329] {strides = array<i32>} : memref<16x1024xf32, #tpu.memory_space<vmem>>, vector<1x16xf32>,
      %swap3A_331 = vector.shape_cast %swap3A_330 : vector<1x16xf32> to vector<16xf32>
      %swap3A_332 = vector.shape_cast %add3A_328 : vector<16xf32> to vector<1x16xf32>
      tpu.vector_store %arg9[%swap3A, %swap3A_329], %swap3A_332 {strides = array<i32>} : memref<16x1024xf32, #tpu.memory_space<vmem>>, vector<1x16xf32>,
      %scan3A_333 = arith.constant 1 : i32
      %scan3A_334 = arith.addi %scan3A_288, %scan3A_333 : i32
      %jit3A_335 = arith.constant 64 : i32
      %div3A_336 = arith.divsi %scan3A_334, %jit3A_335 : i32
      %sign3A_337 = arith.constant 0 : i32
      %sign3A_338 = arith.cmpi sgt, %scan3A_334, %sign3A_337 : i32
      %sign3A_339 = arith.extui %sign3A_338 : i1 to i32
      %sign3A_340 = arith.constant 0 : i32
      %sign3A_341 = arith.cmpi slt, %scan3A_334, %sign3A_340 : i32
      %sign3A_342 = arith.extui %sign3A_341 : i1 to i32
      %sign3A_343 = arith.subi %sign3A_339, %sign3A_342 : i32
      %sign3A_344 = arith.constant 0 : i32
      %sign3A_345 = arith.cmpi sgt, %jit3A_335, %sign3A_344 : i32
      %sign3A_346 = arith.extui %sign3A_345 : i1 to i32
      %sign3A_347 = arith.constant 0 : i32
      %sign3A_348 = arith.cmpi slt, %jit3A_335, %sign3A_347 : i32
      %sign3A_349 = arith.extui %sign3A_348 : i1 to i32
      %sign3A_350 = arith.subi %sign3A_346, %sign3A_349 : i32
      %ne3A_351 = arith.cmpi ne, %sign3A_343, %sign3A_350 : i32
      %rem3A_352 = arith.remsi %scan3A_334, %jit3A_335 : i32
      %ne3A_353 = arith.constant 0 : i32
      %ne3A_354 = arith.cmpi ne, %rem3A_352, %ne3A_353 : i32
      %and3A_355 = arith.andi %ne3A_351, %ne3A_354 : i1
      %sub3A_356 = arith.constant 1 : i32
      %sub3A_357 = arith.subi %div3A_336, %sub3A_356 : i32
      %select_n3A_358 = arith.select %and3A_355, %sub3A_357, %div3A_336 : i32
      %jit3A_359 = arith.constant 64 : i32
      %eq3A_360 = arith.constant 0 : i32
      %eq3A_361 = arith.cmpi eq, %jit3A_359, %eq3A_360 : i32
      %jit3A_362 = arith.constant 1 : i32
      %select_n3A_363 = arith.select %eq3A_361, %jit3A_362, %jit3A_359 : i32
      %rem3A_364 = arith.remsi %scan3A_334, %select_n3A_363 : i32
      %ne3A_365 = arith.constant 0 : i32
      %ne3A_366 = arith.cmpi ne, %rem3A_364, %ne3A_365 : i32
      %lt3A_367 = arith.constant 0 : i32
      %lt3A_368 = arith.cmpi slt, %rem3A_364, %lt3A_367 : i32
      %lt3A_369 = arith.constant 0 : i32
      %lt3A_370 = arith.cmpi slt, %select_n3A_363, %lt3A_369 : i32
      %ne3A_371 = arith.xori %lt3A_368, %lt3A_370 : i1
      %and3A_372 = arith.andi %ne3A_371, %ne3A_366 : i1
      %add3A_373 = arith.addi %rem3A_364, %select_n3A_363 : i32
      %select_n3A_374 = arith.select %and3A_372, %add3A_373, %rem3A_364 : i32
      %mul3A_375 = arith.constant 16 : i32
      %mul3A_376 = arith.muli %select_n3A_374, %mul3A_375 : i32
      %get3A_377 = arith.index_cast %select_n3A_358 : i32 to index
      %get3A_378 = arith.index_cast %mul3A_376 : i32 to index
      %get3A_379 = tpu.vector_load %arg9[%get3A_377, %get3A_378] {strides = array<i32>} : memref<16x1024xf32, #tpu.memory_space<vmem>>, vector<1x16xf32>,
      %get3A_380 = vector.shape_cast %get3A_379 : vector<1x16xf32> to vector<16xf32>
      %get3A_381 = arith.index_cast %select_n3A_358 : i32 to index
      %get3A_382 = arith.index_cast %mul3A_376 : i32 to index
      %get3A_383 = tpu.vector_load %arg11[%get3A_381, %get3A_382] {strides = array<i32>} : memref<16x1024xf32, #tpu.memory_space<vmem>>, vector<1x16xf32>,
      %get3A_384 = vector.shape_cast %get3A_383 : vector<1x16xf32> to vector<16xf32>
      %add3A_385 = arith.addf %get3A_380, %get3A_384 : vector<16xf32>
      %swap3A_386 = arith.index_cast %select_n3A_358 : i32 to index
      %swap3A_387 = arith.index_cast %mul3A_376 : i32 to index
      %swap3A_388 = tpu.vector_load %arg9[%swap3A_386, %swap3A_387] {strides = array<i32>} : memref<16x1024xf32, #tpu.memory_space<vmem>>, vector<1x16xf32>,
      %swap3A_389 = vector.shape_cast %swap3A_388 : vector<1x16xf32> to vector<16xf32>
      %swap3A_390 = vector.shape_cast %add3A_385 : vector<16xf32> to vector<1x16xf32>
      tpu.vector_store %arg9[%swap3A_386, %swap3A_387], %swap3A_390 {strides = array<i32>} : memref<16x1024xf32, #tpu.memory_space<vmem>>, vector<1x16xf32>,
      %scan3A_391 = arith.constant 2 : i32
      %scan3A_392 = arith.addi %scan3A_288, %scan3A_391 : i32
      %jit3A_393 = arith.constant 64 : i32
      %div3A_394 = arith.divsi %scan3A_392, %jit3A_393 : i32
      %sign3A_395 = arith.constant 0 : i32
      %sign3A_396 = arith.cmpi sgt, %scan3A_392, %sign3A_395 : i32
      %sign3A_397 = arith.extui %sign3A_396 : i1 to i32
      %sign3A_398 = arith.constant 0 : i32
      %sign3A_399 = arith.cmpi slt, %scan3A_392, %sign3A_398 : i32
      %sign3A_400 = arith.extui %sign3A_399 : i1 to i32
      %sign3A_401 = arith.subi %sign3A_397, %sign3A_400 : i32
      %sign3A_402 = arith.constant 0 : i32
      %sign3A_403 = arith.cmpi sgt, %jit3A_393, %sign3A_402 : i32
      %sign3A_404 = arith.extui %sign3A_403 : i1 to i32
      %sign3A_405 = arith.constant 0 : i32
      %sign3A_406 = arith.cmpi slt, %jit3A_393, %sign3A_405 : i32
      %sign3A_407 = arith.extui %sign3A_406 : i1 to i32
      %sign3A_408 = arith.subi %sign3A_404, %sign3A_407 : i32
      %ne3A_409 = arith.cmpi ne, %sign3A_401, %sign3A_408 : i32
      %rem3A_410 = arith.remsi %scan3A_392, %jit3A_393 : i32
      %ne3A_411 = arith.constant 0 : i32
      %ne3A_412 = arith.cmpi ne, %rem3A_410, %ne3A_411 : i32
      %and3A_413 = arith.andi %ne3A_409, %ne3A_412 : i1
      %sub3A_414 = arith.constant 1 : i32
      %sub3A_415 = arith.subi %div3A_394, %sub3A_414 : i32
      %select_n3A_416 = arith.select %and3A_413, %sub3A_415, %div3A_394 : i32
      %jit3A_417 = arith.constant 64 : i32
      %eq3A_418 = arith.constant 0 : i32
      %eq3A_419 = arith.cmpi eq, %jit3A_417, %eq3A_418 : i32
      %jit3A_420 = arith.constant 1 : i32
      %select_n3A_421 = arith.select %eq3A_419, %jit3A_420, %jit3A_417 : i32
      %rem3A_422 = arith.remsi %scan3A_392, %select_n3A_421 : i32
      %ne3A_423 = arith.constant 0 : i32
      %ne3A_424 = arith.cmpi ne, %rem3A_422, %ne3A_423 : i32
      %lt3A_425 = arith.constant 0 : i32
      %lt3A_426 = arith.cmpi slt, %rem3A_422, %lt3A_425 : i32
      %lt3A_427 = arith.constant 0 : i32
      %lt3A_428 = arith.cmpi slt, %select_n3A_421, %lt3A_427 : i32
      %ne3A_429 = arith.xori %lt3A_426, %lt3A_428 : i1
      %and3A_430 = arith.andi %ne3A_429, %ne3A_424 : i1
      %add3A_431 = arith.addi %rem3A_422, %select_n3A_421 : i32
      %select_n3A_432 = arith.select %and3A_430, %add3A_431, %rem3A_422 : i32
      %mul3A_433 = arith.constant 16 : i32
      %mul3A_434 = arith.muli %select_n3A_432, %mul3A_433 : i32
      %get3A_435 = arith.index_cast %select_n3A_416 : i32 to index
      %get3A_436 = arith.index_cast %mul3A_434 : i32 to index
      %get3A_437 = tpu.vector_load %arg9[%get3A_435, %get3A_436] {strides = array<i32>} : memref<16x1024xf32, #tpu.memory_space<vmem>>, vector<1x16xf32>,
      %get3A_438 = vector.shape_cast %get3A_437 : vector<1x16xf32> to vector<16xf32>
      %get3A_439 = arith.index_cast %select_n3A_416 : i32 to index
      %get3A_440 = arith.index_cast %mul3A_434 : i32 to index
      %get3A_441 = tpu.vector_load %arg11[%get3A_439, %get3A_440] {strides = array<i32>} : memref<16x1024xf32, #tpu.memory_space<vmem>>, vector<1x16xf32>,
      %get3A_442 = vector.shape_cast %get3A_441 : vector<1x16xf32> to vector<16xf32>
      %add3A_443 = arith.addf %get3A_438, %get3A_442 : vector<16xf32>
      %swap3A_444 = arith.index_cast %select_n3A_416 : i32 to index
      %swap3A_445 = arith.index_cast %mul3A_434 : i32 to index
      %swap3A_446 = tpu.vector_load %arg9[%swap3A_444, %swap3A_445] {strides = array<i32>} : memref<16x1024xf32, #tpu.memory_space<vmem>>, vector<1x16xf32>,
      %swap3A_447 = vector.shape_cast %swap3A_446 : vector<1x16xf32> to vector<16xf32>
      %swap3A_448 = vector.shape_cast %add3A_443 : vector<16xf32> to vector<1x16xf32>
      tpu.vector_store %arg9[%swap3A_444, %swap3A_445], %swap3A_448 {strides = array<i32>} : memref<16x1024xf32, #tpu.memory_space<vmem>>, vector<1x16xf32>,
      %scan3A_449 = arith.constant 3 : i32
      %scan3A_450 = arith.addi %scan3A_288, %scan3A_449 : i32
      %jit3A_451 = arith.constant 64 : i32
      %div3A_452 = arith.divsi %scan3A_450, %jit3A_451 : i32
      %sign3A_453 = arith.constant 0 : i32
      %sign3A_454 = arith.cmpi sgt, %scan3A_450, %sign3A_453 : i32
      %sign3A_455 = arith.extui %sign3A_454 : i1 to i32
      %sign3A_456 = arith.constant 0 : i32
      %sign3A_457 = arith.cmpi slt, %scan3A_450, %sign3A_456 : i32
      %sign3A_458 = arith.extui %sign3A_457 : i1 to i32
      %sign3A_459 = arith.subi %sign3A_455, %sign3A_458 : i32
      %sign3A_460 = arith.constant 0 : i32
      %sign3A_461 = arith.cmpi sgt, %jit3A_451, %sign3A_460 : i32
      %sign3A_462 = arith.extui %sign3A_461 : i1 to i32
      %sign3A_463 = arith.constant 0 : i32
      %sign3A_464 = arith.cmpi slt, %jit3A_451, %sign3A_463 : i32
      %sign3A_465 = arith.extui %sign3A_464 : i1 to i32
      %sign3A_466 = arith.subi %sign3A_462, %sign3A_465 : i32
      %ne3A_467 = arith.cmpi ne, %sign3A_459, %sign3A_466 : i32
      %rem3A_468 = arith.remsi %scan3A_450, %jit3A_451 : i32
      %ne3A_469 = arith.constant 0 : i32
      %ne3A_470 = arith.cmpi ne, %rem3A_468, %ne3A_469 : i32
      %and3A_471 = arith.andi %ne3A_467, %ne3A_470 : i1
      %sub3A_472 = arith.constant 1 : i32
      %sub3A_473 = arith.subi %div3A_452, %sub3A_472 : i32
      %select_n3A_474 = arith.select %and3A_471, %sub3A_473, %div3A_452 : i32
      %jit3A_475 = arith.constant 64 : i32
      %eq3A_476 = arith.constant 0 : i32
      %eq3A_477 = arith.cmpi eq, %jit3A_475, %eq3A_476 : i32
      %jit3A_478 = arith.constant 1 : i32
      %select_n3A_479 = arith.select %eq3A_477, %jit3A_478, %jit3A_475 : i32
      %rem3A_480 = arith.remsi %scan3A_450, %select_n3A_479 : i32
      %ne3A_481 = arith.constant 0 : i32
      %ne3A_482 = arith.cmpi ne, %rem3A_480, %ne3A_481 : i32
      %lt3A_483 = arith.constant 0 : i32
      %lt3A_484 = arith.cmpi slt, %rem3A_480, %lt3A_483 : i32
      %lt3A_485 = arith.constant 0 : i32
      %lt3A_486 = arith.cmpi slt, %select_n3A_479, %lt3A_485 : i32
      %ne3A_487 = arith.xori %lt3A_484, %lt3A_486 : i1
      %and3A_488 = arith.andi %ne3A_487, %ne3A_482 : i1
      %add3A_489 = arith.addi %rem3A_480, %select_n3A_479 : i32
      %select_n3A_490 = arith.select %and3A_488, %add3A_489, %rem3A_480 : i32
      %mul3A_491 = arith.constant 16 : i32
      %mul3A_492 = arith.muli %select_n3A_490, %mul3A_491 : i32
      %get3A_493 = arith.index_cast %select_n3A_474 : i32 to index
      %get3A_494 = arith.index_cast %mul3A_492 : i32 to index
      %get3A_495 = tpu.vector_load %arg9[%get3A_493, %get3A_494] {strides = array<i32>} : memref<16x1024xf32, #tpu.memory_space<vmem>>, vector<1x16xf32>,
      %get3A_496 = vector.shape_cast %get3A_495 : vector<1x16xf32> to vector<16xf32>
      %get3A_497 = arith.index_cast %select_n3A_474 : i32 to index
      %get3A_498 = arith.index_cast %mul3A_492 : i32 to index
      %get3A_499 = tpu.vector_load %arg11[%get3A_497, %get3A_498] {strides = array<i32>} : memref<16x1024xf32, #tpu.memory_space<vmem>>, vector<1x16xf32>,
      %get3A_500 = vector.shape_cast %get3A_499 : vector<1x16xf32> to vector<16xf32>
      %add3A_501 = arith.addf %get3A_496, %get3A_500 : vector<16xf32>
      %swap3A_502 = arith.index_cast %select_n3A_474 : i32 to index
      %swap3A_503 = arith.index_cast %mul3A_492 : i32 to index
      %swap3A_504 = tpu.vector_load %arg9[%swap3A_502, %swap3A_503] {strides = array<i32>} : memref<16x1024xf32, #tpu.memory_space<vmem>>, vector<1x16xf32>,
      %swap3A_505 = vector.shape_cast %swap3A_504 : vector<1x16xf32> to vector<16xf32>
      %swap3A_506 = vector.shape_cast %add3A_501 : vector<16xf32> to vector<1x16xf32>
      tpu.vector_store %arg9[%swap3A_502, %swap3A_503], %swap3A_506 {strides = array<i32>} : memref<16x1024xf32, #tpu.memory_space<vmem>>, vector<1x16xf32>,
      %scan3A_507 = arith.constant 4 : i32
      %scan3A_508 = arith.addi %scan3A_288, %scan3A_507 : i32
      %jit3A_509 = arith.constant 64 : i32
      %div3A_510 = arith.divsi %scan3A_508, %jit3A_509 : i32
      %sign3A_511 = arith.constant 0 : i32
      %sign3A_512 = arith.cmpi sgt, %scan3A_508, %sign3A_511 : i32
      %sign3A_513 = arith.extui %sign3A_512 : i1 to i32
      %sign3A_514 = arith.constant 0 : i32
      %sign3A_515 = arith.cmpi slt, %scan3A_508, %sign3A_514 : i32
      %sign3A_516 = arith.extui %sign3A_515 : i1 to i32
      %sign3A_517 = arith.subi %sign3A_513, %sign3A_516 : i32
      %sign3A_518 = arith.constant 0 : i32
      %sign3A_519 = arith.cmpi sgt, %jit3A_509, %sign3A_518 : i32
      %sign3A_520 = arith.extui %sign3A_519 : i1 to i32
      %sign3A_521 = arith.constant 0 : i32
      %sign3A_522 = arith.cmpi slt, %jit3A_509, %sign3A_521 : i32
      %sign3A_523 = arith.extui %sign3A_522 : i1 to i32
      %sign3A_524 = arith.subi %sign3A_520, %sign3A_523 : i32
      %ne3A_525 = arith.cmpi ne, %sign3A_517, %sign3A_524 : i32
      %rem3A_526 = arith.remsi %scan3A_508, %jit3A_509 : i32
      %ne3A_527 = arith.constant 0 : i32
      %ne3A_528 = arith.cmpi ne, %rem3A_526, %ne3A_527 : i32
      %and3A_529 = arith.andi %ne3A_525, %ne3A_528 : i1
      %sub3A_530 = arith.constant 1 : i32
      %sub3A_531 = arith.subi %div3A_510, %sub3A_530 : i32
      %select_n3A_532 = arith.select %and3A_529, %sub3A_531, %div3A_510 : i32
      %jit3A_533 = arith.constant 64 : i32
      %eq3A_534 = arith.constant 0 : i32
      %eq3A_535 = arith.cmpi eq, %jit3A_533, %eq3A_534 : i32
      %jit3A_536 = arith.constant 1 : i32
      %select_n3A_537 = arith.select %eq3A_535, %jit3A_536, %jit3A_533 : i32
      %rem3A_538 = arith.remsi %scan3A_508, %select_n3A_537 : i32
      %ne3A_539 = arith.constant 0 : i32
      %ne3A_540 = arith.cmpi ne, %rem3A_538, %ne3A_539 : i32
      %lt3A_541 = arith.constant 0 : i32
      %lt3A_542 = arith.cmpi slt, %rem3A_538, %lt3A_541 : i32
      %lt3A_543 = arith.constant 0 : i32
      %lt3A_544 = arith.cmpi slt, %select_n3A_537, %lt3A_543 : i32
      %ne3A_545 = arith.xori %lt3A_542, %lt3A_544 : i1
      %and3A_546 = arith.andi %ne3A_545, %ne3A_540 : i1
      %add3A_547 = arith.addi %rem3A_538, %select_n3A_537 : i32
      %select_n3A_548 = arith.select %and3A_546, %add3A_547, %rem3A_538 : i32
      %mul3A_549 = arith.constant 16 : i32
      %mul3A_550 = arith.muli %select_n3A_548, %mul3A_549 : i32
      %get3A_551 = arith.index_cast %select_n3A_532 : i32 to index
      %get3A_552 = arith.index_cast %mul3A_550 : i32 to index
      %get3A_553 = tpu.vector_load %arg9[%get3A_551, %get3A_552] {strides = array<i32>} : memref<16x1024xf32, #tpu.memory_space<vmem>>, vector<1x16xf32>,
      %get3A_554 = vector.shape_cast %get3A_553 : vector<1x16xf32> to vector<16xf32>
      %get3A_555 = arith.index_cast %select_n3A_532 : i32 to index
      %get3A_556 = arith.index_cast %mul3A_550 : i32 to index
      %get3A_557 = tpu.vector_load %arg11[%get3A_555, %get3A_556] {strides = array<i32>} : memref<16x1024xf32, #tpu.memory_space<vmem>>, vector<1x16xf32>,
      %get3A_558 = vector.shape_cast %get3A_557 : vector<1x16xf32> to vector<16xf32>
      %add3A_559 = arith.addf %get3A_554, %get3A_558 : vector<16xf32>
      %swap3A_560 = arith.index_cast %select_n3A_532 : i32 to index
      %swap3A_561 = arith.index_cast %mul3A_550 : i32 to index
      %swap3A_562 = tpu.vector_load %arg9[%swap3A_560, %swap3A_561] {strides = array<i32>} : memref<16x1024xf32, #tpu.memory_space<vmem>>, vector<1x16xf32>,
      %swap3A_563 = vector.shape_cast %swap3A_562 : vector<1x16xf32> to vector<16xf32>
      %swap3A_564 = vector.shape_cast %add3A_559 : vector<16xf32> to vector<1x16xf32>
      tpu.vector_store %arg9[%swap3A_560, %swap3A_561], %swap3A_564 {strides = array<i32>} : memref<16x1024xf32, #tpu.memory_space<vmem>>, vector<1x16xf32>,
      %scan3A_565 = arith.constant 5 : i32
      %scan3A_566 = arith.addi %scan3A_288, %scan3A_565 : i32
      %jit3A_567 = arith.constant 64 : i32
      %div3A_568 = arith.divsi %scan3A_566, %jit3A_567 : i32
      %sign3A_569 = arith.constant 0 : i32
      %sign3A_570 = arith.cmpi sgt, %scan3A_566, %sign3A_569 : i32
      %sign3A_571 = arith.extui %sign3A_570 : i1 to i32
      %sign3A_572 = arith.constant 0 : i32
      %sign3A_573 = arith.cmpi slt, %scan3A_566, %sign3A_572 : i32
      %sign3A_574 = arith.extui %sign3A_573 : i1 to i32
      %sign3A_575 = arith.subi %sign3A_571, %sign3A_574 : i32
      %sign3A_576 = arith.constant 0 : i32
      %sign3A_577 = arith.cmpi sgt, %jit3A_567, %sign3A_576 : i32
      %sign3A_578 = arith.extui %sign3A_577 : i1 to i32
      %sign3A_579 = arith.constant 0 : i32
      %sign3A_580 = arith.cmpi slt, %jit3A_567, %sign3A_579 : i32
      %sign3A_581 = arith.extui %sign3A_580 : i1 to i32
      %sign3A_582 = arith.subi %sign3A_578, %sign3A_581 : i32
      %ne3A_583 = arith.cmpi ne, %sign3A_575, %sign3A_582 : i32
      %rem3A_584 = arith.remsi %scan3A_566, %jit3A_567 : i32
      %ne3A_585 = arith.constant 0 : i32
      %ne3A_586 = arith.cmpi ne, %rem3A_584, %ne3A_585 : i32
      %and3A_587 = arith.andi %ne3A_583, %ne3A_586 : i1
      %sub3A_588 = arith.constant 1 : i32
      %sub3A_589 = arith.subi %div3A_568, %sub3A_588 : i32
      %select_n3A_590 = arith.select %and3A_587, %sub3A_589, %div3A_568 : i32
      %jit3A_591 = arith.constant 64 : i32
      %eq3A_592 = arith.constant 0 : i32
      %eq3A_593 = arith.cmpi eq, %jit3A_591, %eq3A_592 : i32
      %jit3A_594 = arith.constant 1 : i32
      %select_n3A_595 = arith.select %eq3A_593, %jit3A_594, %jit3A_591 : i32
      %rem3A_596 = arith.remsi %scan3A_566, %select_n3A_595 : i32
      %ne3A_597 = arith.constant 0 : i32
      %ne3A_598 = arith.cmpi ne, %rem3A_596, %ne3A_597 : i32
      %lt3A_599 = arith.constant 0 : i32
      %lt3A_600 = arith.cmpi slt, %rem3A_596, %lt3A_599 : i32
      %lt3A_601 = arith.constant 0 : i32
      %lt3A_602 = arith.cmpi slt, %select_n3A_595, %lt3A_601 : i32
      %ne3A_603 = arith.xori %lt3A_600, %lt3A_602 : i1
      %and3A_604 = arith.andi %ne3A_603, %ne3A_598 : i1
      %add3A_605 = arith.addi %rem3A_596, %select_n3A_595 : i32
      %select_n3A_606 = arith.select %and3A_604, %add3A_605, %rem3A_596 : i32
      %mul3A_607 = arith.constant 16 : i32
      %mul3A_608 = arith.muli %select_n3A_606, %mul3A_607 : i32
      %get3A_609 = arith.index_cast %select_n3A_590 : i32 to index
      %get3A_610 = arith.index_cast %mul3A_608 : i32 to index
      %get3A_611 = tpu.vector_load %arg9[%get3A_609, %get3A_610] {strides = array<i32>} : memref<16x1024xf32, #tpu.memory_space<vmem>>, vector<1x16xf32>,
      %get3A_612 = vector.shape_cast %get3A_611 : vector<1x16xf32> to vector<16xf32>
      %get3A_613 = arith.index_cast %select_n3A_590 : i32 to index
      %get3A_614 = arith.index_cast %mul3A_608 : i32 to index
      %get3A_615 = tpu.vector_load %arg11[%get3A_613, %get3A_614] {strides = array<i32>} : memref<16x1024xf32, #tpu.memory_space<vmem>>, vector<1x16xf32>,
      %get3A_616 = vector.shape_cast %get3A_615 : vector<1x16xf32> to vector<16xf32>
      %add3A_617 = arith.addf %get3A_612, %get3A_616 : vector<16xf32>
      %swap3A_618 = arith.index_cast %select_n3A_590 : i32 to index
      %swap3A_619 = arith.index_cast %mul3A_608 : i32 to index
      %swap3A_620 = tpu.vector_load %arg9[%swap3A_618, %swap3A_619] {strides = array<i32>} : memref<16x1024xf32, #tpu.memory_space<vmem>>, vector<1x16xf32>,
      %swap3A_621 = vector.shape_cast %swap3A_620 : vector<1x16xf32> to vector<16xf32>
      %swap3A_622 = vector.shape_cast %add3A_617 : vector<16xf32> to vector<1x16xf32>
      tpu.vector_store %arg9[%swap3A_618, %swap3A_619], %swap3A_622 {strides = array<i32>} : memref<16x1024xf32, #tpu.memory_space<vmem>>, vector<1x16xf32>,
      %scan3A_623 = arith.constant 6 : i32
      %scan3A_624 = arith.addi %scan3A_288, %scan3A_623 : i32
      %jit3A_625 = arith.constant 64 : i32
      %div3A_626 = arith.divsi %scan3A_624, %jit3A_625 : i32
      %sign3A_627 = arith.constant 0 : i32
      %sign3A_628 = arith.cmpi sgt, %scan3A_624, %sign3A_627 : i32
      %sign3A_629 = arith.extui %sign3A_628 : i1 to i32
      %sign3A_630 = arith.constant 0 : i32
      %sign3A_631 = arith.cmpi slt, %scan3A_624, %sign3A_630 : i32
      %sign3A_632 = arith.extui %sign3A_631 : i1 to i32
      %sign3A_633 = arith.subi %sign3A_629, %sign3A_632 : i32
      %sign3A_634 = arith.constant 0 : i32
      %sign3A_635 = arith.cmpi sgt, %jit3A_625, %sign3A_634 : i32
      %sign3A_636 = arith.extui %sign3A_635 : i1 to i32
      %sign3A_637 = arith.constant 0 : i32
      %sign3A_638 = arith.cmpi slt, %jit3A_625, %sign3A_637 : i32
      %sign3A_639 = arith.extui %sign3A_638 : i1 to i32
      %sign3A_640 = arith.subi %sign3A_636, %sign3A_639 : i32
      %ne3A_641 = arith.cmpi ne, %sign3A_633, %sign3A_640 : i32
      %rem3A_642 = arith.remsi %scan3A_624, %jit3A_625 : i32
      %ne3A_643 = arith.constant 0 : i32
      %ne3A_644 = arith.cmpi ne, %rem3A_642, %ne3A_643 : i32
      %and3A_645 = arith.andi %ne3A_641, %ne3A_644 : i1
      %sub3A_646 = arith.constant 1 : i32
      %sub3A_647 = arith.subi %div3A_626, %sub3A_646 : i32
      %select_n3A_648 = arith.select %and3A_645, %sub3A_647, %div3A_626 : i32
      %jit3A_649 = arith.constant 64 : i32
      %eq3A_650 = arith.constant 0 : i32
      %eq3A_651 = arith.cmpi eq, %jit3A_649, %eq3A_650 : i32
      %jit3A_652 = arith.constant 1 : i32
      %select_n3A_653 = arith.select %eq3A_651, %jit3A_652, %jit3A_649 : i32
      %rem3A_654 = arith.remsi %scan3A_624, %select_n3A_653 : i32
      %ne3A_655 = arith.constant 0 : i32
      %ne3A_656 = arith.cmpi ne, %rem3A_654, %ne3A_655 : i32
      %lt3A_657 = arith.constant 0 : i32
      %lt3A_658 = arith.cmpi slt, %rem3A_654, %lt3A_657 : i32
      %lt3A_659 = arith.constant 0 : i32
      %lt3A_660 = arith.cmpi slt, %select_n3A_653, %lt3A_659 : i32
      %ne3A_661 = arith.xori %lt3A_658, %lt3A_660 : i1
      %and3A_662 = arith.andi %ne3A_661, %ne3A_656 : i1
      %add3A_663 = arith.addi %rem3A_654, %select_n3A_653 : i32
      %select_n3A_664 = arith.select %and3A_662, %add3A_663, %rem3A_654 : i32
      %mul3A_665 = arith.constant 16 : i32
      %mul3A_666 = arith.muli %select_n3A_664, %mul3A_665 : i32
      %get3A_667 = arith.index_cast %select_n3A_648 : i32 to index
      %get3A_668 = arith.index_cast %mul3A_666 : i32 to index
      %get3A_669 = tpu.vector_load %arg9[%get3A_667, %get3A_668] {strides = array<i32>} : memref<16x1024xf32, #tpu.memory_space<vmem>>, vector<1x16xf32>,
      %get3A_670 = vector.shape_cast %get3A_669 : vector<1x16xf32> to vector<16xf32>
      %get3A_671 = arith.index_cast %select_n3A_648 : i32 to index
      %get3A_672 = arith.index_cast %mul3A_666 : i32 to index
      %get3A_673 = tpu.vector_load %arg11[%get3A_671, %get3A_672] {strides = array<i32>} : memref<16x1024xf32, #tpu.memory_space<vmem>>, vector<1x16xf32>,
      %get3A_674 = vector.shape_cast %get3A_673 : vector<1x16xf32> to vector<16xf32>
      %add3A_675 = arith.addf %get3A_670, %get3A_674 : vector<16xf32>
      %swap3A_676 = arith.index_cast %select_n3A_648 : i32 to index
      %swap3A_677 = arith.index_cast %mul3A_666 : i32 to index
      %swap3A_678 = tpu.vector_load %arg9[%swap3A_676, %swap3A_677] {strides = array<i32>} : memref<16x1024xf32, #tpu.memory_space<vmem>>, vector<1x16xf32>,
      %swap3A_679 = vector.shape_cast %swap3A_678 : vector<1x16xf32> to vector<16xf32>
      %swap3A_680 = vector.shape_cast %add3A_675 : vector<16xf32> to vector<1x16xf32>
      tpu.vector_store %arg9[%swap3A_676, %swap3A_677], %swap3A_680 {strides = array<i32>} : memref<16x1024xf32, #tpu.memory_space<vmem>>, vector<1x16xf32>,
      %scan3A_681 = arith.constant 7 : i32
      %scan3A_682 = arith.addi %scan3A_288, %scan3A_681 : i32
      %jit3A_683 = arith.constant 64 : i32
      %div3A_684 = arith.divsi %scan3A_682, %jit3A_683 : i32
      %sign3A_685 = arith.constant 0 : i32
      %sign3A_686 = arith.cmpi sgt, %scan3A_682, %sign3A_685 : i32
      %sign3A_687 = arith.extui %sign3A_686 : i1 to i32
      %sign3A_688 = arith.constant 0 : i32
      %sign3A_689 = arith.cmpi slt, %scan3A_682, %sign3A_688 : i32
      %sign3A_690 = arith.extui %sign3A_689 : i1 to i32
      %sign3A_691 = arith.subi %sign3A_687, %sign3A_690 : i32
      %sign3A_692 = arith.constant 0 : i32
      %sign3A_693 = arith.cmpi sgt, %jit3A_683, %sign3A_692 : i32
      %sign3A_694 = arith.extui %sign3A_693 : i1 to i32
      %sign3A_695 = arith.constant 0 : i32
      %sign3A_696 = arith.cmpi slt, %jit3A_683, %sign3A_695 : i32
      %sign3A_697 = arith.extui %sign3A_696 : i1 to i32
      %sign3A_698 = arith.subi %sign3A_694, %sign3A_697 : i32
      %ne3A_699 = arith.cmpi ne, %sign3A_691, %sign3A_698 : i32
      %rem3A_700 = arith.remsi %scan3A_682, %jit3A_683 : i32
      %ne3A_701 = arith.constant 0 : i32
      %ne3A_702 = arith.cmpi ne, %rem3A_700, %ne3A_701 : i32
      %and3A_703 = arith.andi %ne3A_699, %ne3A_702 : i1
      %sub3A_704 = arith.constant 1 : i32
      %sub3A_705 = arith.subi %div3A_684, %sub3A_704 : i32
      %select_n3A_706 = arith.select %and3A_703, %sub3A_705, %div3A_684 : i32
      %jit3A_707 = arith.constant 64 : i32
      %eq3A_708 = arith.constant 0 : i32
      %eq3A_709 = arith.cmpi eq, %jit3A_707, %eq3A_708 : i32
      %jit3A_710 = arith.constant 1 : i32
      %select_n3A_711 = arith.select %eq3A_709, %jit3A_710, %jit3A_707 : i32
      %rem3A_712 = arith.remsi %scan3A_682, %select_n3A_711 : i32
      %ne3A_713 = arith.constant 0 : i32
      %ne3A_714 = arith.cmpi ne, %rem3A_712, %ne3A_713 : i32
      %lt3A_715 = arith.constant 0 : i32
      %lt3A_716 = arith.cmpi slt, %rem3A_712, %lt3A_715 : i32
      %lt3A_717 = arith.constant 0 : i32
      %lt3A_718 = arith.cmpi slt, %select_n3A_711, %lt3A_717 : i32
      %ne3A_719 = arith.xori %lt3A_716, %lt3A_718 : i1
      %and3A_720 = arith.andi %ne3A_719, %ne3A_714 : i1
      %add3A_721 = arith.addi %rem3A_712, %select_n3A_711 : i32
      %select_n3A_722 = arith.select %and3A_720, %add3A_721, %rem3A_712 : i32
      %mul3A_723 = arith.constant 16 : i32
      %mul3A_724 = arith.muli %select_n3A_722, %mul3A_723 : i32
      %get3A_725 = arith.index_cast %select_n3A_706 : i32 to index
      %get3A_726 = arith.index_cast %mul3A_724 : i32 to index
      %get3A_727 = tpu.vector_load %arg9[%get3A_725, %get3A_726] {strides = array<i32>} : memref<16x1024xf32, #tpu.memory_space<vmem>>, vector<1x16xf32>,
      %get3A_728 = vector.shape_cast %get3A_727 : vector<1x16xf32> to vector<16xf32>
      %get3A_729 = arith.index_cast %select_n3A_706 : i32 to index
      %get3A_730 = arith.index_cast %mul3A_724 : i32 to index
      %get3A_731 = tpu.vector_load %arg11[%get3A_729, %get3A_730] {strides = array<i32>} : memref<16x1024xf32, #tpu.memory_space<vmem>>, vector<1x16xf32>,
      %get3A_732 = vector.shape_cast %get3A_731 : vector<1x16xf32> to vector<16xf32>
      %add3A_733 = arith.addf %get3A_728, %get3A_732 : vector<16xf32>
      %swap3A_734 = arith.index_cast %select_n3A_706 : i32 to index
      %swap3A_735 = arith.index_cast %mul3A_724 : i32 to index
      %swap3A_736 = tpu.vector_load %arg9[%swap3A_734, %swap3A_735] {strides = array<i32>} : memref<16x1024xf32, #tpu.memory_space<vmem>>, vector<1x16xf32>,
      %swap3A_737 = vector.shape_cast %swap3A_736 : vector<1x16xf32> to vector<16xf32>
      %swap3A_738 = vector.shape_cast %add3A_733 : vector<16xf32> to vector<1x16xf32>
      tpu.vector_store %arg9[%swap3A_734, %swap3A_735], %swap3A_738 {strides = array<i32>} : memref<16x1024xf32, #tpu.memory_space<vmem>>, vector<1x16xf32>,
    }
    %scan3A_273 = arith.constant 1024 : i32
    %add3A_274 = arith.constant 112 : i32
    %add3A_275 = arith.addi %mul3A_2, %add3A_274 : i32
    %dma_start3A_276 = arith.constant 0 : i32
    %dma_start3A_277 = tpu.memref_slice %arg5[%add3A_275, %dma_start3A_276] : memref<4096x1024xf32, #tpu.memory_space<hbm>> -> memref<16x1024xf32, #tpu.memory_space<hbm>>
    %dma_start3A_278 = arith.constant 0 : i32
    %dma_start3A_279 = tpu.memref_slice %arg5[%add3A_275, %dma_start3A_278] : memref<4096x1024xf32, #tpu.memory_space<hbm>> -> memref<16x1024xf32, #tpu.memory_space<hbm>>
    tpu.enqueue_dma source(%arg9 : memref<16x1024xf32, #tpu.memory_space<vmem>>) target(%dma_start3A_279 : memref<16x1024xf32, #tpu.memory_space<hbm>>) target_semaphore(%arg17 : memref<!tpu.dma_semaphore, #tpu.memory_space<semaphore_mem>>)
    %dma_wait3A_280 = arith.constant 0 : i32
    %dma_wait3A_281 = tpu.memref_slice %arg5[%add3A_253, %dma_wait3A_280] : memref<4096x1024xf32, #tpu.memory_space<hbm>> -> memref<16x1024xf32, #tpu.memory_space<hbm>>
    %dma_wait3A_282 = arith.constant 0 : i32
    %dma_wait3A_283 = tpu.memref_slice %arg5[%add3A_253, %dma_wait3A_282] : memref<4096x1024xf32, #tpu.memory_space<hbm>> -> memref<16x1024xf32, #tpu.memory_space<hbm>>
    tpu.wait_dma2 semaphore(%arg16 : memref<!tpu.dma_semaphore, #tpu.memory_space<semaphore_mem>>) src(%arg8 : memref<16x1024xf32, #tpu.memory_space<vmem>>) dst(%dma_wait3A_283 : memref<16x1024xf32, #tpu.memory_space<hbm>>)
    %dma_wait3A_284 = arith.constant 0 : i32
    %dma_wait3A_285 = tpu.memref_slice %arg5[%add3A_275, %dma_wait3A_284] : memref<4096x1024xf32, #tpu.memory_space<hbm>> -> memref<16x1024xf32, #tpu.memory_space<hbm>>
    %dma_wait3A_286 = arith.constant 0 : i32
    %dma_wait3A_287 = tpu.memref_slice %arg5[%add3A_275, %dma_wait3A_286] : memref<4096x1024xf32, #tpu.memory_space<hbm>> -> memref<16x1024xf32, #tpu.memory_space<hbm>>
    tpu.wait_dma2 semaphore(%arg17 : memref<!tpu.dma_semaphore, #tpu.memory_space<semaphore_mem>>) src(%arg9 : memref<16x1024xf32, #tpu.memory_space<vmem>>) dst(%dma_wait3A_287 : memref<16x1024xf32, #tpu.memory_space<hbm>>)
    return
  }
}

module attributes {stable_mosaic.version = 14 : i64} {
  func.func @body(%arg0: i32, %arg1: memref<40xi32, #tpu.memory_space<smem>>, %arg2: memref<256x1024xf32, #tpu.memory_space<vmem>>, %arg3: memref<1x1408x1024xf32, #tpu.memory_space<vmem>>, %arg4: memref<1x1024x1408xf32, #tpu.memory_space<vmem>>, %arg5: memref<1x1x256xf32, #tpu.memory_space<vmem>>, %arg6: memref<256x1024xf32, #tpu.memory_space<vmem>>) attributes {dimension_semantics = [#tpu.dimension_semantics<arbitrary>], iteration_bounds = array<i64: 40>, scalar_prefetch = 1 : i64, scratch_operands = 0 : i64, tpu.core_type = #tpu.core_type<tc>, window_params = [{transform_indices = @transform_0, window_bounds = array<i64: 256, 1024>}, {transform_indices = @transform_1, window_bounds = array<i64: 1, 1408, 1024>}, {transform_indices = @transform_2, window_bounds = array<i64: 1, 1024, 1408>}, {transform_indices = @transform_3, window_bounds = array<i64: 1, 1, 256>}, {transform_indices = @transform_4, window_bounds = array<i64: 256, 1024>}]} {
    %get3A = arith.constant 0 : index
    %get3A_0 = arith.constant 0 : index
    %get3A_1 = vector.load %arg2[%get3A, %get3A_0] : memref<256x1024xf32, #tpu.memory_space<vmem>>, vector<256x1024xf32>
    %convert_element_type3A = arith.truncf %get3A_1 : vector<256x1024xf32> to vector<256x1024xbf16>
    %get3A_2 = arith.constant 0 : index
    %get3A_3 = arith.constant 0 : index
    %get3A_4 = arith.constant 0 : index
    %get3A_5 = vector.load %arg3[%get3A_2, %get3A_3, %get3A_4] : memref<1x1408x1024xf32, #tpu.memory_space<vmem>>, vector<1x1408x1024xf32>
    %get3A_6 = vector.shape_cast %get3A_5 : vector<1x1408x1024xf32> to vector<1408x1024xf32>
    %convert_element_type3A_7 = arith.truncf %get3A_6 : vector<1408x1024xf32> to vector<1408x1024xbf16>
    %dot_general3A = arith.constant dense<0.000000e+00> : vector<256x1408xf32>
    %dot_general3A_8 = tpu.matmul %convert_element_type3A, %convert_element_type3A_7, %dot_general3A {dimension_numbers = #tpu.dot_dimension_numbers<[1], [1], [0], [0], [0, 0, 1, 0], [], []>, transpose_lhs_hint = false} : vector<256x1024xbf16>, vector<1408x1024xbf16>, vector<256x1408xf32> -> vector<256x1408xf32>
    %logistic3A = arith.negf %dot_general3A_8 : vector<256x1408xf32>
    %logistic3A_9 = math.exp %logistic3A : vector<256x1408xf32>
    %logistic3A_10 = arith.constant 1.000000e+00 : f32
    %logistic3A_11 = vector.broadcast %logistic3A_10 : f32 to vector<256x1408xf32>
    %logistic3A_12 = arith.addf %logistic3A_11, %logistic3A_9 : vector<256x1408xf32>
    %logistic3A_13 = arith.divf %logistic3A_11, %logistic3A_12 : vector<256x1408xf32>
    %mul3A = arith.mulf %dot_general3A_8, %logistic3A_13 : vector<256x1408xf32>
    %convert_element_type3A_14 = arith.truncf %mul3A : vector<256x1408xf32> to vector<256x1408xbf16>
    %get3A_15 = arith.constant 0 : index
    %get3A_16 = arith.constant 0 : index
    %get3A_17 = arith.constant 0 : index
    %get3A_18 = vector.load %arg4[%get3A_15, %get3A_16, %get3A_17] : memref<1x1024x1408xf32, #tpu.memory_space<vmem>>, vector<1x1024x1408xf32>
    %get3A_19 = vector.shape_cast %get3A_18 : vector<1x1024x1408xf32> to vector<1024x1408xf32>
    %convert_element_type3A_20 = arith.truncf %get3A_19 : vector<1024x1408xf32> to vector<1024x1408xbf16>
    %dot_general3A_21 = arith.constant dense<0.000000e+00> : vector<256x1024xf32>
    %dot_general3A_22 = tpu.matmul %convert_element_type3A_14, %convert_element_type3A_20, %dot_general3A_21 {dimension_numbers = #tpu.dot_dimension_numbers<[1], [1], [0], [0], [0, 0, 1, 0], [], []>, transpose_lhs_hint = false} : vector<256x1408xbf16>, vector<1024x1408xbf16>, vector<256x1024xf32> -> vector<256x1024xf32>
    %get3A_23 = arith.constant 0 : index
    %get3A_24 = arith.constant 0 : index
    %get3A_25 = arith.constant 0 : index
    %get3A_26 = vector.load %arg5[%get3A_23, %get3A_24, %get3A_25] : memref<1x1x256xf32, #tpu.memory_space<vmem>>, vector<1x1x256xf32>
    %get3A_27 = vector.shape_cast %get3A_26 : vector<1x1x256xf32> to vector<256xf32>
    %broadcast_in_dim3A = vector.shape_cast %get3A_27 : vector<256xf32> to vector<256x1xf32>
    %mul3A_28 = vector.broadcast %broadcast_in_dim3A : vector<256x1xf32> to vector<256x1024xf32>
    %mul3A_29 = arith.mulf %dot_general3A_22, %mul3A_28 : vector<256x1024xf32>
    %swap3A = arith.constant 0 : index
    %swap3A_30 = arith.constant 0 : index
    %swap3A_31 = vector.load %arg6[%swap3A, %swap3A_30] : memref<256x1024xf32, #tpu.memory_space<vmem>>, vector<256x1024xf32>
    tpu.vector_store %arg6[%swap3A, %swap3A_30], %mul3A_29 {strides = array<i32>} : memref<256x1024xf32, #tpu.memory_space<vmem>>, vector<256x1024xf32>,
    return
  }
  func.func @transform_0(%arg0: i32, %arg1: memref<40xi32, #tpu.memory_space<smem>>) -> (i32, i32) {
    %c0_i32 = arith.constant 0 : i32
    %c0_i32_0 = arith.constant 0 : i32
    return %arg0, %c0_i32 : i32, i32
  }
  func.func @transform_1(%arg0: i32, %arg1: memref<40xi32, #tpu.memory_space<smem>>) -> (i32, i32, i32) {
    %get3A = arith.index_cast %arg0 : i32 to index
    %get3A_0 = memref.load %arg1[%get3A] : memref<40xi32, #tpu.memory_space<smem>>
    %c0_i32 = arith.constant 0 : i32
    %c0_i32_1 = arith.constant 0 : i32
    %c0_i32_2 = arith.constant 0 : i32
    return %get3A_0, %c0_i32, %c0_i32_1 : i32, i32, i32
  }
  func.func @transform_2(%arg0: i32, %arg1: memref<40xi32, #tpu.memory_space<smem>>) -> (i32, i32, i32) {
    %get3A = arith.index_cast %arg0 : i32 to index
    %get3A_0 = memref.load %arg1[%get3A] : memref<40xi32, #tpu.memory_space<smem>>
    %c0_i32 = arith.constant 0 : i32
    %c0_i32_1 = arith.constant 0 : i32
    %c0_i32_2 = arith.constant 0 : i32
    return %get3A_0, %c0_i32, %c0_i32_1 : i32, i32, i32
  }
  func.func @transform_3(%arg0: i32, %arg1: memref<40xi32, #tpu.memory_space<smem>>) -> (i32, i32, i32) {
    %c0_i32 = arith.constant 0 : i32
    %c0_i32_0 = arith.constant 0 : i32
    %c0_i32_1 = arith.constant 0 : i32
    return %arg0, %c0_i32, %c0_i32_0 : i32, i32, i32
  }
  func.func @transform_4(%arg0: i32, %arg1: memref<40xi32, #tpu.memory_space<smem>>) -> (i32, i32) {
    %c0_i32 = arith.constant 0 : i32
    %c0_i32_0 = arith.constant 0 : i32
    return %arg0, %c0_i32 : i32, i32
  }
}

</mosaic_0001>

<sc_bundles>
// kernel: kernel.5.cloned.1.call-start
scs
__scs_entry_jumppad:
0x0: {  	(pc) =	sbr.rel $0x88, $3  }
0x1: {  	(tag) =	ssettag $0x0;
	lr =	simm.s32 $0x1  }
0x2: {  	[smem:$0x3F9D] =	sst lr;
	_ =	strace $0xD0000000  }
0x3: {  	_ = 	snop  }
0x4: {  	_ = 	snop  }
0x5: {  	_ = 	snop  }
0x6: {  	_ = 	snop  }
0x7: {  	_ = 	snop  }
__scs_overlays_trampoline_lowered:
0x8: {  	[smem:$0x3FAC] =	sst s0  }
0x9: {  	[smem:$0x3FAD] =	sst s1  }
0xa: {  	[smem:$0x3FAE] =	sst s2  }
0xb: {  	[smem:$0x3FAF] =	sst s3  }
0xc: {  	[smem:$0x3FB0] =	sst s4  }
0xd: {  	[smem:$0x3FB1] =	sst s5  }
0xe: {  	[smem:$0x3FB2] =	sst s6  }
0xf: {  	[smem:$0x3FB3] =	sst s7  }
0x10: {  	[smem:$0x3FB4] =	sst s8  }
0x11: {  	[smem:$0x3FB5] =	sst s9;
	s0 =	simm.s32 @!p0 $0x0  }
0x12: {  	s1 =	sld [smem:$0x3F9B];
	s0 =	simm.s32 @p0 $0x1  }
0x13: {  	[smem:$0x3FB6] =	sst s0;
	s0 =	simm.s32 @!p1 $0x0  }
0x14: {  	s2 =	sld [smem:$0x3F9A];
	s0 =	simm.s32 @p1 $0x1  }
0x15: {  	[smem:$0x3FB7] =	sst s0;
	s0 =	simm.s32 @!p2 $0x0  }
0x16: {  	s3 =	sld [smem:$0x3FDB];
	s0 =	simm.s32 @p2 $0x1  }
0x17: {  	s4 =	simm.s32 $0x1BF5;
	[smem:$0x3FB9] =	sst s0  }
0x18: {  	s0 =	sld [smem:$0x3F9C];
	_ =	swait.ge [sflag:s4], $0x0  }
0x19: {  	s7 =	sld [smem:$0x3F9D]  }
0x1a: {  	s8 =	sadd.s32 $0xFFFFE003, lr  }
0x1b: {  	s9 =	sadd.s32 $0xFFFFFEF7, lr;
	s5 =	simm.s32 $0xFFFFFFFF;
	p2 =	slt.u32 s8, $0xFFFFF086  }
0x1c: {  	p1 =	slt.u32 s9, $0xF7A;
	s5 =	simm.s32 @!p2 $0x0  }
0x1d: {  	s5 =	simm.s32 @p1 $0x1;
	p0 =	seq.s32 s7, s2  }
0x1e: {  	s7 =	smul.u32 @!p0 $0xF7A, s2;
	p2 =	seq.s32 @!p0 s5, $0x0  }
0x1f: {  	s9 =	smul.u32 $0xF7A, s1;
	s8 =	simm.s32 @!p0 $0x1BF5;
	p2 =	por !p2, p0  }
0x20: {  	[sflag:s8] =	ssyncset.s32 @!p0 $0xFFFFF086;
	s6 =	sadd.s32 @!p0 s3, s7;
	s7 =	simm.s32 @!p0 $0x108  }
0x21: {  	s3 =	sadd.s32 s3, s9;
	s6 =	sadd.s32 @!p0 $0x88, s6;
	s7 =	simm.s32 @p2 $0x1082  }
0x22: {  	[simem:s7], [sflag:s8] =	dma.local @!p0 [hbm:s6], $0xF7A  }
0x23: {  	s9 =	sor.u32 $0xD0000000, s2;
	s6 =	simm.s32 $0x108;
	_ =	swait.ge @!p0 [sflag:s8], $0x0  }
0x24: {  	s3 =	sadd.s32 $0x88, s3;
	s6 =	simm.s32 @!p1 $0x1082;
	[sflag:s4] =	ssyncset.s32 $0xFFFFF086  }
0x25: {  	[simem:s6], [sflag:s4] =	dma.local [hbm:s3], $0xF7A  }
0x26: {  	[smem:$0x3F9D] =	sst s1;
	(tag) =	ssettag s2;
	_ =	strace s9  }
0x27: {  	s1 =	sld [smem:$0x3FAD]  }
0x28: {  	s2 =	sld [smem:$0x3FAE]  }
0x29: {  	s4 =	sld [smem:$0x3FB0]  }
0x2a: {  	p0 =	seq.s32 s5, $0x0;
	s5 =	sld [smem:$0x3FB1]  }
0x2b: {  	s6 =	sld [smem:$0x3FB2]  }
0x2c: {  	s7 =	sld [smem:$0x3FB3]  }
0x2d: {  	s3 =	simm.s32 $0x108;
	s8 =	sld [smem:$0x3FB4]  }
0x2e: {  	s3 =	simm.s32 @!p0 $0x1082;
	s9 =	sld [smem:$0x3FB5]  }
0x2f: {  	lr =	sadd.s32 s0, s3;
	s0 =	sld [smem:$0x3FAC]  }
0x30: {  	s3 =	sld [smem:$0x3FAF]  }
0x31: {  	[smem:$0x3FB8] =	sst s10  }
0x32: {  	s10 =	sld [smem:$0x3FB6];
	_ =	sdelay $0x3  }
0x33: {  	p0 =	seq.s32 s10, $0x1;
	s10 =	sld [smem:$0x3FB8];
	_ =	sdelay $0x3  }
0x34: {  	[smem:$0x3FB8] =	sst s10  }
0x35: {  	s10 =	sld [smem:$0x3FB7];
	_ =	sdelay $0x3  }
0x36: {  	p1 =	seq.s32 s10, $0x1;
	s10 =	sld [smem:$0x3FB8];
	_ =	sdelay $0x3  }
0x37: {  	[smem:$0x3FB8] =	sst s10  }
0x38: {  	s10 =	sld [smem:$0x3FB9]  }
0x39: {  	_ = 	snop;
	(pc) =	sbr.ind lr, $3  }
0x3a: {  	_ = 	snop  }
0x3b: {  	_ = 	snop  }
0x3c: {  	p2 =	seq.s32 s10, $0x1;
	s10 =	sld [smem:$0x3FB8]  }
0x3d: {  	_ =	shalt  }
0x3e: {  	_ =	shalt  }
0x3f: {  	_ =	shalt  }
0x40: {  	_ =	shalt  }
0x41: {  	_ =	shalt  }
0x42: {  	_ =	shalt  }
0x43: {  	_ =	shalt  }
0x44: {  	_ =	shalt  }
0x45: {  	_ =	shalt  }
0x46: {  	_ =	shalt  }
0x47: {  	_ =	shalt  }
0x48: {  	_ =	shalt  }
0x49: {  	_ =	shalt  }
0x4a: {  	_ =	shalt  }
0x4b: {  	_ =	shalt  }
0x4c: {  	_ =	shalt  }
0x4d: {  	_ =	shalt  }
0x4e: {  	_ =	shalt  }
0x4f: {  	_ =	shalt  }
0x50: {  	_ =	shalt  }
0x51: {  	_ =	shalt  }
0x52: {  	_ =	shalt  }
0x53: {  	_ =	shalt  }
0x54: {  	_ =	shalt  }
0x55: {  	_ =	shalt  }
0x56: {  	_ =	shalt  }
0x57: {  	_ =	shalt  }
0x58: {  	_ =	shalt  }
0x59: {  	_ =	shalt  }
0x5a: {  	_ =	shalt  }
0x5b: {  	_ =	shalt  }
0x5c: {  	_ =	shalt  }
0x5d: {  	_ =	shalt  }
0x5e: {  	_ =	shalt  }
0x5f: {  	_ =	shalt  }
0x60: {  	_ =	shalt  }
0x61: {  	_ =	shalt  }
0x62: {  	_ =	shalt  }
0x63: {  	_ =	shalt  }
0x64: {  	_ =	shalt  }
0x65: {  	_ =	shalt  }
0x66: {  	_ =	shalt  }
0x67: {  	_ =	shalt  }
0x68: {  	_ =	shalt  }
0x69: {  	_ =	shalt  }
0x6a: {  	_ =	shalt  }
0x6b: {  	_ =	shalt  }
0x6c: {  	_ =	shalt  }
0x6d: {  	_ =	shalt  }
0x6e: {  	_ =	shalt  }
0x6f: {  	_ =	shalt  }
0x70: {  	_ =	shalt  }
0x71: {  	_ =	shalt  }
0x72: {  	_ =	shalt  }
0x73: {  	_ =	shalt  }
0x74: {  	_ =	shalt  }
0x75: {  	_ =	shalt  }
0x76: {  	_ =	shalt  }
0x77: {  	_ =	shalt  }
0x78: {  	_ =	shalt  }
0x79: {  	_ =	shalt  }
0x7a: {  	_ =	shalt  }
0x7b: {  	_ =	shalt  }
0x7c: {  	_ =	shalt  }
0x7d: {  	_ =	shalt  }
0x7e: {  	_ =	shalt  }
0x7f: {  	_ =	shalt  }
0x80: {  	_ =	shalt  }
0x81: {  	_ =	shalt  }
0x82: {  	_ =	shalt  }
0x83: {  	_ =	shalt  }
0x84: {  	_ =	shalt  }
0x85: {  	_ =	shalt  }
0x86: {  	_ =	shalt  }
0x87: {  	_ =	shalt  }
.Lfunc_end0:
.L_simem_size_0:
called_computation_lowered:
.L_overlay_start_0:
0x88: {  	s2 =	sld [smem:$0x3FD9]  }
0x89: {  	s3 =	sld [smem:$0x3FFE];
	_ =	sdelay $0x1  }
0x8a: {  	s1 =	srdreg.scid  }
0x8b: {  	s0 =	sand.u32 $0x1, s1  }
0x8c: {  	s17 =	sshll.u32 s0, $0xA;
	s2 =	sadd.s32 s3, s2  }
0x8d: {  	s2 =	sadd.s32 s2, s17  }
0x8e: {  	[smem:$0x3FC4] =	sst s2  }
0x8f: {  	_ = 	snop  }
0x90: {  	s2 =	sld [smem:$0x3FC9]  }
0x91: {  	s18 =	sld [smem:$0x3FD0];
	(tm) =	ssettm $0x1  }
0x92: {  	s4 =	sld [smem:$0x3FFB];
	_ =	sdelay $0x3  }
0x93: {  	_ =	strace s4  }
0x94: {  	s4 =	sld [smem:$0x3FFC];
	_ =	sdelay $0x3  }
0x95: {  	_ =	strace s4  }
0x96: {  	s4 =	sld [smem:$0x3FFD];
	_ =	sdelay $0x3  }
0x97: {  	_ =	strace s4  }
0x98: {  	_ =	strace $0x8FFFFFFF  }
0x99: {  	s19 =	sld [smem:$0x3FDB];
	_ =	sdelay $0x1  }
0x9a: {  	s5 =	simm.s32 $_scs_section_size  }
0x9b: {  	s6 =	simm.s32 $_size__tile_overlayer_lowered;
	s7 =	simm.s32 $_tile_overlayer_lowered  }
0x9c: {  	s22 =	simm.s32 $0x1BFF;
	s21 =	sshll.u32 s7, $0x1;
	s4 =	sadd.s32 s5, s19  }
0x9d: {  	s8 =	simm.s32 $0x0;
	s20 =	sshll.u32 s6, $0x1;
	s6 =	sadd.s32 s21, s4  }
0x9e: {  	[timem:s8], [sflag:s22] =	dma.local [hbm:s6], s20  }
0x9f: {  	_ =	swait.ge [sflag:s22], s20  }
0xa0: {  	s5 =	ssub.s32 $0x0, s20;
	[sflag:s22] =	ssyncset.done $0x0  }
0xa1: {  	[sflag:s22] =	ssyncadd.s32 s5;
	_ =	sdelay $0x1  }
0xa2: {  	s23 =	simm.s32 $0x1B8B  }
0xa3: {  	_ =	swait.ge [sflag:s23], $0x1  }
0xa4: {  	[sflag:s23] =	ssyncset.done $0x0  }
0xa5: {  	s25 =	simm.s32 $0x1B8E;
	s24 =	sld [smem:$0x3FFE];
	[sflag:s23] =	ssyncadd.s32 $0xFFFFFFFF  }
0xa6: {  	s26 =	simm.s32 $execute0_lowered;
	[smem:$0x3FD2] =	sst s25  }
0xa7: {  	s6 =	sshll.u32 s26, $0x1;
	_ =	strace $0x80000046;
	[dreg:$0x1] =	wrdreg $0xFFFFFFFF  }
0xa8: {  	s28 =	simm.s32 $_size_execute0_lowered;
	s4 =	sadd.s32 s4, s6;
	[dreg:$0x0] =	wrdreg $0x0  }
0xa9: {  	s6 =	sshll.u32 s28, $0x1;
	[dreg:$0x2] =	wrdreg s4  }
0xaa: {  	[dreg:$0x3] =	wrdreg s6  }
0xab: {  	[dreg:$0x4] =	wrdreg $0xC0  }
0xac: {  	_ =	task [dreg:s8], $0x5FFFF  }
0xad: {  	[dreg:$0x1] =	wrdreg $0xFFFFFFFF  }
0xae: {  	[dreg:$0x0] =	wrdreg $0x60  }
0xaf: {  	[dreg:$0x2] =	wrdreg s2  }
0xb0: {  	[dreg:$0x3] =	wrdreg s18  }
0xb1: {  	[dreg:$0x4] =	wrdreg s24  }
0xb2: {  	[dreg:$0x5] =	wrdreg $0x9  }
0xb3: {  	_ =	task.clear_ibuf [dreg:s8], $0x6FFFF;
	_ =	strace $0x90000046  }
0xb4: {  	s29 =	simm.s32 $0x9;
	_ =	strace $0x80000048  }
0xb5: {  	_ =	swait.ge [sflag:s29], $0x1  }
0xb6: {  	[sflag:s29] =	ssyncadd.s32 $0xFFFFFFFF  }
0xb7: {  	_ =	strace $0x90000048  }
0xb8: {  	_ =	sfence  }
0xb9: {  	s30 =	sld [smem:$0x0];
	_ =	sdelay $0x2  }
0xba: {  	s31 =	sshll.u32 s1, $0xD;
	s1 =	sshrl.u32 s1, $0x2  }
0xbb: {  	s3 =	sand.u32 $0x4000, s31;
	s1 =	sadd.s32 s1, s30  }
0xbc: {  	s0 =	sor.u32 s3, s0;
	s1 =	sshll.u32 s1, $0x11  }
0xbd: {  	s0 =	sor.u32 s1, s0  }
0xbe: {  	s0 =	sadd.s32 $0x8F2B, s0  }
0xbf: {  	[sflag:s0] =	ssyncadd.remote.s32 $0x1  }
0xc0: {  	_ =	sfence.sel $0xFFFF  }
0xc1: {  	[dreg:$0x0] =	wrdreg $0xFFFFFFFF;
	(pc) =	sbr.abs _section_cstart, $3  }
0xc2: {  	[dreg:$0x1] =	wrdreg $0xFFFFFFFF  }
0xc3: {  	_ =	task.clear_ibuf [dreg:s8], $0x2FFFF;
	_ =	strace $0x9FFFFFFF  }
0xc4: {  	(tm) =	ssettm $0x7FFFFFFF  }
0xc5: {  	_ =	shalt  }
tec
execute0_lowered:
.L_overlay_start_1:
0x0: {  	(tag) =	ssettag $0x1  }
0x1: {  	s0 =	rddreg [dreg:$0x0]  }
0x2: {  	s1 =	rddreg [dreg:$0x1]  }
0x3: {  	s3 =	rddreg [dreg:$0x2];
	s2 =	simm.s32 $0x0;
	s4 =	srdreg.scid  }
0x4: {  	s7 =	stileid.u32;
	s16 =	simm.s32 $0x80;
	[smem:$0x7FF] =	sst s2  }
0x5: {  	s18 =	simm.s32 $0x420;
	_ =	strace $0x80000047;
	[dreg:$0xb] =	wrdreg s16  }
0x6: {  	s19 =	simm.s32 $0x280;
	s20 =	simm.s32 $0x4A0;
	[dreg:$0xc] =	wrdreg s18  }
0x7: {  	s21 =	simm.s32 $0x100;
	s22 =	simm.s32 $0x440;
	[dreg:$0xd] =	wrdreg s19  }
0x8: {  	s23 =	simm.s32 $0x300;
	s24 =	simm.s32 $0x4C0;
	[dreg:$0xe] =	wrdreg s20  }
0x9: {  	s31 =	simm.s32 $0xB;
	s25 =	simm.s32 $0x180;
	[dreg:$0xf] =	wrdreg s21  }
0xa: {  	s26 =	simm.s32 $0x460;
	s30 =	simm.s32 $0x17D00;
	[dreg:$0x10] =	wrdreg s22  }
0xb: {  	s6 =	sand.u32 $0x1, s4;
	s28 =	sshll.u32 s7, $0x7;
	[dreg:$0x11] =	wrdreg s23  }
0xc: {  	s7 =	sshll.u32 s7, $0x1;
	s5 =	sshll.u32 s6, $0x6;
	[dreg:$0x12] =	wrdreg s24  }
0xd: {  	s29 =	sor.u32 s6, s7;
	s17 =	ssub.s32 $0x2, s6;
	[dreg:$0x13] =	wrdreg s25  }
0xe: {  	s7 =	sadd.s32 $0x1800, s3;
	[dreg:$0x14] =	wrdreg s26;
	s4 =	sor.u32 s5, s28  }
0xf: {  	s8 =	sshll.u32 s29, $0x4;
	s5 =	sshll.u32 s29, $0xE;
	s28 =	simm.s32 $0x380  }
0x10: {  	s6 =	sshrl.u32 s17, $0x1;
	s29 =	simm.s32 $0x4E0;
	[dreg:$0x15] =	wrdreg s28  }
0x11: {  	s9 =	sadd.s32 s4, s3;
	s1 =	sadd.s32 s1, s4;
	[dreg:$0x16] =	wrdreg s29  }
0x12: {  	s10 =	sadd.s32 s8, s3;
	s5 =	sadd.s32 s0, s5;
	[dreg:$0x4] =	wrdreg s1  }
0x13: {  	s4 =	sadd.s32 $0x1600, s3;
	s11 =	sadd.s32 $0x400, s9;
	[dreg:$0x17] =	wrdreg s5  }
0x14: {  	s8 =	sadd.s32 $0x1900, s3;
	s12 =	sadd.s32 $0xE00, s10;
	[dreg:$0x5] =	wrdreg s11  }
0x15: {  	s13 =	sadd.s32 $0xC00, s10;
	s0 =	sadd.s32 $0x1000, s5;
	[dreg:$0x6] =	wrdreg s12  }
0x16: {  	s14 =	sadd.s32 $0x2000, s5;
	s15 =	sadd.s32 $0x3000, s5;
	[dreg:$0x7] =	wrdreg s13  }
0x17: {  	v2 =	vlaneseq.u32;
	s5 =	sadd.s32 $0x1000, s3;
	s1 =	ssub.s32 s17, s6;
	[dreg:$0x8] =	wrdreg s0  }
0x18: {  	vm0 =	vmmov $0xffff;
	v1 =	vshrl.u32 v2, $0x3;
	s6 =	sadd.s32 $0x1700, s3;
	s17 =	simm.s32 $0x500;
	[dreg:$0x9] =	wrdreg s14  }
0x19: {  	v0 =	vand.u32 $0x7, v2;
	v2 =	vor.u32 $0x8, v2;
	v1 =	vmul.u32 $0x8, v1;
	[dreg:$0xa] =	wrdreg s15;
	s9 =	smax.u32 s1, $0x1;
	s12 =	simm.s32 $0xA  }
.LBB2_1:
0x1a: {  	s16 =	rddreg [dreg:$0x4]  }
0x1b: {  	[tilespmem:s2], [sflag:$0xB] =	stream.linear.gather [hbm4b:s16+s2], $0x200, $0x38;
	[tilespmem:$0x18500] =	vst v63  }
0x1c: {  	_ =	swait.ge [sflag:s31], $0x200  }
0x1d: {  	[sflag:s31] =	ssyncset.done $0x0  }
0x1e: {  	s11 =	simm.s32 $0x200;
	s20 =	rddreg [dreg:$0x5];
	[sflag:s31] =	ssyncadd.s32 $0xFFFFFE00  }
0x1f: {  	[tilespmem:s11], [sflag:$0xB] =	stream.linear.gather [hbm4b:s20+s2], $0x200, $0x38;
	[tilespmem:$0x18500] =	vst v63  }
0x20: {  	_ =	swait.ge [sflag:s31], $0x200  }
0x21: {  	[sflag:s31] =	ssyncset.done $0x0  }
0x22: {  	s18 =	simm.s32 $0x400;
	s21 =	rddreg [dreg:$0x6];
	[sflag:s31] =	ssyncadd.s32 $0xFFFFFE00  }
0x23: {  	[tilespmem:s18], [sflag:$0xB] =	stream.linear.gather [hbm4b:s21+s2], $0x80, $0x38;
	[tilespmem:$0x18500] =	vst v63  }
0x24: {  	_ =	swait.ge [sflag:s31], $0x80  }
0x25: {  	[sflag:s31] =	ssyncset.done $0x0  }
0x26: {  	s19 =	simm.s32 $0x480;
	s22 =	rddreg [dreg:$0x7];
	[sflag:s31] =	ssyncadd.s32 $0xFFFFFF80  }
0x27: {  	[tilespmem:s19], [sflag:$0xB] =	stream.linear.gather [hbm4b:s22+s2], $0x80, $0x38;
	[tilespmem:$0x18500] =	vst v63  }
0x28: {  	_ =	swait.ge [sflag:s31], $0x80  }
0x29: {  	s23 =	rddreg [dreg:$0xb]  }
0x2a: {  	s24 =	rddreg [dreg:$0xc]  }
0x2b: {  	s25 =	rddreg [dreg:$0xd]  }
0x2c: {  	[sflag:s31] =	ssyncset.done $0x0;
	s26 =	rddreg [dreg:$0xe]  }
0x2d: {  	s0 =	simm.s32 $0x20;
	s28 =	rddreg [dreg:$0xf];
	[sflag:s31] =	ssyncadd.s32 $0xFFFFFF80  }
0x2e: {  	[hbm4b:s5+s0] =	stream.indirect.scatter [tilespmem:s18], [sflag:$0xA], $0x1, s2, s0, $0xb8;
	[tilespmem:$0x18500] =	vst v63  }
0x2f: {  	s29 =	rddreg [dreg:$0x10]  }
0x30: {  	[hbm4b:s5+s0] =	stream.indirect.scatter [tilespmem:s19], [sflag:$0xA], $0x1, s11, s0, $0xb8;
	[tilespmem:$0x18500] =	vst v63  }
0x31: {  	s1 =	rddreg [dreg:$0x11]  }
0x32: {  	[hbm4b:s5+s0] =	stream.indirect.scatter [tilespmem:s24], [sflag:$0xA], $0x1, s23, s0, $0xb8;
	[tilespmem:$0x18500] =	vst v63  }
0x33: {  	s3 =	rddreg [dreg:$0x12]  }
0x34: {  	[hbm4b:s5+s0] =	stream.indirect.scatter [tilespmem:s26], [sflag:$0xA], $0x1, s25, s0, $0xb8;
	[tilespmem:$0x18500] =	vst v63  }
0x35: {  	s10 =	rddreg [dreg:$0x13]  }
0x36: {  	[hbm4b:s5+s0] =	stream.indirect.scatter [tilespmem:s29], [sflag:$0xA], $0x1, s28, s0, $0xb8;
	[tilespmem:$0x18500] =	vst v63  }
0x37: {  	s13 =	rddreg [dreg:$0x14]  }
0x38: {  	[hbm4b:s5+s0] =	stream.indirect.scatter [tilespmem:s3], [sflag:$0xA], $0x1, s1, s0, $0xb8;
	[tilespmem:$0x18500] =	vst v63  }
0x39: {  	s14 =	rddreg [dreg:$0x15]  }
0x3a: {  	[hbm4b:s5+s0] =	stream.indirect.scatter [tilespmem:s13], [sflag:$0xA], $0x1, s10, s0, $0xb8;
	[tilespmem:$0x18500] =	vst v63  }
0x3b: {  	s15 =	rddreg [dreg:$0x16]  }
0x3c: {  	[hbm4b:s5+s0] =	stream.indirect.scatter [tilespmem:s15], [sflag:$0xA], $0x1, s14, s0, $0xb8;
	[tilespmem:$0x18500] =	vst v63  }
0x3d: {  	s21 =	rddreg [dreg:$0x17]  }
0x3e: {  	[tilespmem:s17], [sflag:$0x1] =	stream.linear.gather [hbm4b:s21+s2], $0x8000, $0x38;
	[tilespmem:$0x18500] =	vst v63  }
0x3f: {  	s16 =	simm.s32 $0x8500;
	s20 =	rddreg [dreg:$0x8];
	s3 =	simm.s32 $0x1  }
0x40: {  	[tilespmem:s16], [sflag:$0x2] =	stream.linear.gather [hbm4b:s20+s2], $0x8000, $0x38;
	[tilespmem:$0x18500] =	vst v63  }
0x41: {  	_ =	swait.ge [sflag:s3], $0x8000  }
0x42: {  	[sflag:s3] =	ssyncset.done $0x0  }
0x43: {  	[sflag:s3] =	ssyncadd.s32 $0xFFFF8000  }
0x44: {  	v3 =	vld [tilespmem:$0x0];
	_ =	sdelay $0x4  }
0x45: {  	v4 =	vshll.u32 v3, $0x3  }
0x46: {  	v3 =	vand.u32 $0x7, v3;
	v4 =	vand.u32 $0xFFFFFFC0, v4  }
0x47: {  	v3 =	vor.u32 v3, v4  }
0x48: {  	v4 =	vperm.xlane v3, v0;
	_ =	sdelay $0x1  }
0x49: {  	v4 =	vadd.s32 v1, v4;
	_ =	sdelay $0x4  }
0x4a: {  	[hbm4b:s4+s2] =	stream.indirect_vreg.scatter [tilespmem:s17], [sflag:$0x4], $0x80, v4, vm0, $0xb8;
	[tilespmem:$0x18500] =	vst v63  }
0x4b: {  	s18 =	simm.s32 $0xD00;
	v3 =	vperm.xlane v3, v2  }
0x4c: {  	[hbm4b:s6+s2] =	stream.indirect_vreg.scatter [tilespmem:s18], [sflag:$0x4], $0x80, v4, vm0, $0xb8;
	[tilespmem:$0x18500] =	vst v63  }
0x4d: {  	s19 =	simm.s32 $0x1500;
	v3 =	vadd.s32 v1, v3  }
0x4e: {  	[hbm4b:s7+s2] =	stream.indirect_vreg.scatter [tilespmem:s19], [sflag:$0x4], $0x80, v4, vm0, $0xb8;
	[tilespmem:$0x18500] =	vst v63  }
0x4f: {  	s22 =	simm.s32 $0x1D00  }
0x50: {  	[hbm4b:s8+s2] =	stream.indirect_vreg.scatter [tilespmem:s22], [sflag:$0x4], $0x80, v4, vm0, $0xb8;
	[tilespmem:$0x18500] =	vst v63  }
0x51: {  	s23 =	simm.s32 $0x2500  }
0x52: {  	[hbm4b:s4+s2] =	stream.indirect_vreg.scatter [tilespmem:s23], [sflag:$0x4], $0x80, v3, vm0, $0xb8;
	[tilespmem:$0x18500] =	vst v63  }
0x53: {  	s24 =	simm.s32 $0x2D00  }
0x54: {  	[hbm4b:s6+s2] =	stream.indirect_vreg.scatter [tilespmem:s24], [sflag:$0x4], $0x80, v3, vm0, $0xb8;
	[tilespmem:$0x18500] =	vst v63  }
0x55: {  	s25 =	simm.s32 $0x3500  }
0x56: {  	[hbm4b:s7+s2] =	stream.indirect_vreg.scatter [tilespmem:s25], [sflag:$0x4], $0x80, v3, vm0, $0xb8;
	[tilespmem:$0x18500] =	vst v63  }
0x57: {  	s26 =	simm.s32 $0x3D00  }
0x58: {  	[hbm4b:s8+s2] =	stream.indirect_vreg.scatter [tilespmem:s26], [sflag:$0x4], $0x80, v3, vm0, $0xb8;
	[tilespmem:$0x18500] =	vst v63  }
0x59: {  	v3 =	vld [tilespmem:$0x10];
	_ =	sdelay $0x4  }
0x5a: {  	v49 =	vshll.u32 v3, $0x3  }
0x5b: {  	v3 =	vand.u32 $0x7, v3;
	v4 =	vand.u32 $0xFFFFFFC0, v49  }
0x5c: {  	v3 =	vor.u32 v3, v4  }
0x5d: {  	v4 =	vperm.xlane v3, v0;
	_ =	sdelay $0x1  }
0x5e: {  	v4 =	vadd.s32 v1, v4;
	_ =	sdelay $0x3  }
0x5f: {  	s28 =	simm.s32 $0x4500  }
0x60: {  	[hbm4b:s4+s2] =	stream.indirect_vreg.scatter [tilespmem:s28], [sflag:$0x4], $0x80, v4, vm0, $0xb8;
	[tilespmem:$0x18500] =	vst v63  }
0x61: {  	s29 =	simm.s32 $0x4D00;
	v3 =	vperm.xlane v3, v2  }
0x62: {  	[hbm4b:s6+s2] =	stream.indirect_vreg.scatter [tilespmem:s29], [sflag:$0x4], $0x80, v4, vm0, $0xb8;
	[tilespmem:$0x18500] =	vst v63  }
0x63: {  	s14 =	simm.s32 $0x5500;
	v3 =	vadd.s32 v1, v3  }
0x64: {  	[hbm4b:s7+s2] =	stream.indirect_vreg.scatter [tilespmem:s14], [sflag:$0x4], $0x80, v4, vm0, $0xb8;
	[tilespmem:$0x18500] =	vst v63  }
0x65: {  	s15 =	simm.s32 $0x5D00  }
0x66: {  	[hbm4b:s8+s2] =	stream.indirect_vreg.scatter [tilespmem:s15], [sflag:$0x4], $0x80, v4, vm0, $0xb8;
	[tilespmem:$0x18500] =	vst v63  }
0x67: {  	s20 =	simm.s32 $0x6500  }
0x68: {  	[hbm4b:s4+s2] =	stream.indirect_vreg.scatter [tilespmem:s20], [sflag:$0x4], $0x80, v3, vm0, $0xb8;
	[tilespmem:$0x18500] =	vst v63  }
0x69: {  	s21 =	simm.s32 $0x6D00  }
0x6a: {  	[hbm4b:s6+s2] =	stream.indirect_vreg.scatter [tilespmem:s21], [sflag:$0x4], $0x80, v3, vm0, $0xb8;
	[tilespmem:$0x18500] =	vst v63  }
0x6b: {  	s22 =	simm.s32 $0x7500  }
0x6c: {  	[hbm4b:s7+s2] =	stream.indirect_vreg.scatter [tilespmem:s22], [sflag:$0x4], $0x80, v3, vm0, $0xb8;
	[tilespmem:$0x18500] =	vst v63  }
0x6d: {  	s26 =	simm.s32 $0x7D00  }
0x6e: {  	[hbm4b:s8+s2] =	stream.indirect_vreg.scatter [tilespmem:s26], [sflag:$0x4], $0x80, v3, vm0, $0xb8;
	[tilespmem:$0x18500] =	vst v63  }
0x6f: {  	v3 =	vld [tilespmem:$0x200];
	_ =	sdelay $0x4  }
0x70: {  	v50 =	vshll.u32 v3, $0x3  }
0x71: {  	v3 =	vand.u32 $0x7, v3;
	v4 =	vand.u32 $0xFFFFFFC0, v50  }
0x72: {  	v3 =	vor.u32 v3, v4  }
0x73: {  	v4 =	vperm.xlane v3, v0;
	_ =	sdelay $0x1  }
0x74: {  	v4 =	vadd.s32 v1, v4;
	_ =	sdelay $0x4  }
0x75: {  	[hbm4b:s4+s2] =	stream.indirect_vreg.scatter [tilespmem:s17], [sflag:$0x7], $0x80, v4, vm0, $0xb8;
	[tilespmem:$0x18500] =	vst v63  }
0x76: {  	v3 =	vperm.xlane v3, v2  }
0x77: {  	[hbm4b:s6+s2] =	stream.indirect_vreg.scatter [tilespmem:s18], [sflag:$0x7], $0x80, v4, vm0, $0xb8;
	[tilespmem:$0x18500] =	vst v63  }
0x78: {  	v3 =	vadd.s32 v1, v3  }
0x79: {  	[hbm4b:s7+s2] =	stream.indirect_vreg.scatter [tilespmem:s19], [sflag:$0x7], $0x80, v4, vm0, $0xb8;
	[tilespmem:$0x18500] =	vst v63  }
0x7a: {  	s1 =	simm.s32 $0x1D00  }
0x7b: {  	[hbm4b:s8+s2] =	stream.indirect_vreg.scatter [tilespmem:s1], [sflag:$0x7], $0x80, v4, vm0, $0xb8;
	[tilespmem:$0x18500] =	vst v63  }
0x7c: {  	s10 =	simm.s32 $0x2500  }
0x7d: {  	[hbm4b:s4+s2] =	stream.indirect_vreg.scatter [tilespmem:s10], [sflag:$0x7], $0x80, v3, vm0, $0xb8;
	[tilespmem:$0x18500] =	vst v63  }
0x7e: {  	s11 =	simm.s32 $0x2D00  }
0x7f: {  	[hbm4b:s6+s2] =	stream.indirect_vreg.scatter [tilespmem:s11], [sflag:$0x7], $0x80, v3, vm0, $0xb8;
	[tilespmem:$0x18500] =	vst v63  }
0x80: {  	s13 =	simm.s32 $0x3500  }
0x81: {  	[hbm4b:s7+s2] =	stream.indirect_vreg.scatter [tilespmem:s13], [sflag:$0x7], $0x80, v3, vm0, $0xb8;
	[tilespmem:$0x18500] =	vst v63  }
0x82: {  	s23 =	simm.s32 $0x3D00  }
0x83: {  	[hbm4b:s8+s2] =	stream.indirect_vreg.scatter [tilespmem:s23], [sflag:$0x7], $0x80, v3, vm0, $0xb8;
	[tilespmem:$0x18500] =	vst v63  }
0x84: {  	v3 =	vld [tilespmem:$0x210];
	_ =	sdelay $0x4  }
0x85: {  	v51 =	vshll.u32 v3, $0x3  }
0x86: {  	v3 =	vand.u32 $0x7, v3;
	v4 =	vand.u32 $0xFFFFFFC0, v51  }
0x87: {  	v3 =	vor.u32 v3, v4  }
0x88: {  	v4 =	vperm.xlane v3, v0;
	_ =	sdelay $0x1  }
0x89: {  	v4 =	vadd.s32 v1, v4;
	_ =	sdelay $0x3  }
0x8a: {  	s24 =	simm.s32 $0x4500  }
0x8b: {  	[hbm4b:s4+s2] =	stream.indirect_vreg.scatter [tilespmem:s24], [sflag:$0x7], $0x80, v4, vm0, $0xb8;
	[tilespmem:$0x18500] =	vst v63  }
0x8c: {  	s25 =	simm.s32 $0x4D00;
	v3 =	vperm.xlane v3, v2  }
0x8d: {  	[hbm4b:s6+s2] =	stream.indirect_vreg.scatter [tilespmem:s25], [sflag:$0x7], $0x80, v4, vm0, $0xb8;
	[tilespmem:$0x18500] =	vst v63  }
0x8e: {  	s14 =	simm.s32 $0x5500;
	v3 =	vadd.s32 v1, v3  }
0x8f: {  	[hbm4b:s7+s2] =	stream.indirect_vreg.scatter [tilespmem:s14], [sflag:$0x7], $0x80, v4, vm0, $0xb8;
	[tilespmem:$0x18500] =	vst v63  }
0x90: {  	s15 =	simm.s32 $0x5D00  }
0x91: {  	[hbm4b:s8+s2] =	stream.indirect_vreg.scatter [tilespmem:s15], [sflag:$0x7], $0x80, v4, vm0, $0xb8;
	[tilespmem:$0x18500] =	vst v63  }
0x92: {  	s20 =	simm.s32 $0x6500  }
0x93: {  	[hbm4b:s4+s2] =	stream.indirect_vreg.scatter [tilespmem:s20], [sflag:$0x7], $0x80, v3, vm0, $0xb8;
	[tilespmem:$0x18500] =	vst v63  }
0x94: {  	s21 =	simm.s32 $0x6D00  }
0x95: {  	[hbm4b:s6+s2] =	stream.indirect_vreg.scatter [tilespmem:s21], [sflag:$0x7], $0x80, v3, vm0, $0xb8;
	[tilespmem:$0x18500] =	vst v63  }
0x96: {  	s22 =	simm.s32 $0x7500  }
0x97: {  	[hbm4b:s7+s2] =	stream.indirect_vreg.scatter [tilespmem:s22], [sflag:$0x7], $0x80, v3, vm0, $0xb8;
	[tilespmem:$0x18500] =	vst v63  }
0x98: {  	s28 =	simm.s32 $0x7D00  }
0x99: {  	[hbm4b:s8+s2] =	stream.indirect_vreg.scatter [tilespmem:s28], [sflag:$0x7], $0x80, v3, vm0, $0xb8;
	[tilespmem:$0x18500] =	vst v63  }
0x9a: {  	s29 =	rddreg [dreg:$0x9];
	s1 =	simm.s32 $0x2;
	s20 =	simm.s32 $0x10500  }
0x9b: {  	[tilespmem:s20], [sflag:$0x3] =	stream.linear.gather [hbm4b:s29+s2], $0x8000, $0x38;
	[tilespmem:$0x18500] =	vst v63  }
0x9c: {  	_ =	swait.ge [sflag:s1], $0x8000  }
0x9d: {  	[sflag:s1] =	ssyncset.done $0x0  }
0x9e: {  	[sflag:s1] =	ssyncadd.s32 $0xFFFF8000  }
0x9f: {  	v3 =	vld [tilespmem:$0x80];
	_ =	sdelay $0x4  }
0xa0: {  	v52 =	vshll.u32 v3, $0x3  }
0xa1: {  	v3 =	vand.u32 $0x7, v3;
	v4 =	vand.u32 $0xFFFFFFC0, v52  }
0xa2: {  	v3 =	vor.u32 v3, v4  }
0xa3: {  	v4 =	vperm.xlane v3, v0;
	_ =	sdelay $0x1  }
0xa4: {  	v4 =	vadd.s32 v1, v4;
	_ =	sdelay $0x4  }
0xa5: {  	[hbm4b:s4+s2] =	stream.indirect_vreg.scatter [tilespmem:s16], [sflag:$0x5], $0x80, v4, vm0, $0xb8;
	[tilespmem:$0x18500] =	vst v63  }
0xa6: {  	s11 =	simm.s32 $0x8D00;
	v3 =	vperm.xlane v3, v2  }
0xa7: {  	[hbm4b:s6+s2] =	stream.indirect_vreg.scatter [tilespmem:s11], [sflag:$0x5], $0x80, v4, vm0, $0xb8;
	[tilespmem:$0x18500] =	vst v63  }
0xa8: {  	s13 =	simm.s32 $0x9500;
	v3 =	vadd.s32 v1, v3  }
0xa9: {  	[hbm4b:s7+s2] =	stream.indirect_vreg.scatter [tilespmem:s13], [sflag:$0x5], $0x80, v4, vm0, $0xb8;
	[tilespmem:$0x18500] =	vst v63  }
0xaa: {  	s14 =	simm.s32 $0x9D00  }
0xab: {  	[hbm4b:s8+s2] =	stream.indirect_vreg.scatter [tilespmem:s14], [sflag:$0x5], $0x80, v4, vm0, $0xb8;
	[tilespmem:$0x18500] =	vst v63  }
0xac: {  	s0 =	simm.s32 $0xA500  }
0xad: {  	[hbm4b:s4+s2] =	stream.indirect_vreg.scatter [tilespmem:s0], [sflag:$0x5], $0x80, v3, vm0, $0xb8;
	[tilespmem:$0x18500] =	vst v63  }
0xae: {  	s1 =	simm.s32 $0xAD00  }
0xaf: {  	[hbm4b:s6+s2] =	stream.indirect_vreg.scatter [tilespmem:s1], [sflag:$0x5], $0x80, v3, vm0, $0xb8;
	[tilespmem:$0x18500] =	vst v63  }
0xb0: {  	s10 =	simm.s32 $0xB500  }
0xb1: {  	[hbm4b:s7+s2] =	stream.indirect_vreg.scatter [tilespmem:s10], [sflag:$0x5], $0x80, v3, vm0, $0xb8;
	[tilespmem:$0x18500] =	vst v63  }
0xb2: {  	s15 =	simm.s32 $0xBD00  }
0xb3: {  	[hbm4b:s8+s2] =	stream.indirect_vreg.scatter [tilespmem:s15], [sflag:$0x5], $0x80, v3, vm0, $0xb8;
	[tilespmem:$0x18500] =	vst v63  }
0xb4: {  	v3 =	vld [tilespmem:$0x90];
	_ =	sdelay $0x4  }
0xb5: {  	v53 =	vshll.u32 v3, $0x3  }
0xb6: {  	v3 =	vand.u32 $0x7, v3;
	v4 =	vand.u32 $0xFFFFFFC0, v53  }
0xb7: {  	v3 =	vor.u32 v3, v4  }
0xb8: {  	v4 =	vperm.xlane v3, v0;
	_ =	sdelay $0x1  }
0xb9: {  	v4 =	vadd.s32 v1, v4;
	_ =	sdelay $0x3  }
0xba: {  	s21 =	simm.s32 $0xC500  }
0xbb: {  	[hbm4b:s4+s2] =	stream.indirect_vreg.scatter [tilespmem:s21], [sflag:$0x5], $0x80, v4, vm0, $0xb8;
	[tilespmem:$0x18500] =	vst v63  }
0xbc: {  	s22 =	simm.s32 $0xCD00;
	v3 =	vperm.xlane v3, v2  }
0xbd: {  	[hbm4b:s6+s2] =	stream.indirect_vreg.scatter [tilespmem:s22], [sflag:$0x5], $0x80, v4, vm0, $0xb8;
	[tilespmem:$0x18500] =	vst v63  }
0xbe: {  	s23 =	simm.s32 $0xD500;
	v3 =	vadd.s32 v1, v3  }
0xbf: {  	[hbm4b:s7+s2] =	stream.indirect_vreg.scatter [tilespmem:s23], [sflag:$0x5], $0x80, v4, vm0, $0xb8;
	[tilespmem:$0x18500] =	vst v63  }
0xc0: {  	s24 =	simm.s32 $0xDD00  }
0xc1: {  	[hbm4b:s8+s2] =	stream.indirect_vreg.scatter [tilespmem:s24], [sflag:$0x5], $0x80, v4, vm0, $0xb8;
	[tilespmem:$0x18500] =	vst v63  }
0xc2: {  	s25 =	simm.s32 $0xE500  }
0xc3: {  	[hbm4b:s4+s2] =	stream.indirect_vreg.scatter [tilespmem:s25], [sflag:$0x5], $0x80, v3, vm0, $0xb8;
	[tilespmem:$0x18500] =	vst v63  }
0xc4: {  	s26 =	simm.s32 $0xED00  }
0xc5: {  	[hbm4b:s6+s2] =	stream.indirect_vreg.scatter [tilespmem:s26], [sflag:$0x5], $0x80, v3, vm0, $0xb8;
	[tilespmem:$0x18500] =	vst v63  }
0xc6: {  	s28 =	simm.s32 $0xF500  }
0xc7: {  	[hbm4b:s7+s2] =	stream.indirect_vreg.scatter [tilespmem:s28], [sflag:$0x5], $0x80, v3, vm0, $0xb8;
	[tilespmem:$0x18500] =	vst v63  }
0xc8: {  	s29 =	simm.s32 $0xFD00  }
0xc9: {  	[hbm4b:s8+s2] =	stream.indirect_vreg.scatter [tilespmem:s29], [sflag:$0x5], $0x80, v3, vm0, $0xb8;
	[tilespmem:$0x18500] =	vst v63  }
0xca: {  	v3 =	vld [tilespmem:$0x280];
	_ =	sdelay $0x4  }
0xcb: {  	v54 =	vshll.u32 v3, $0x3  }
0xcc: {  	v3 =	vand.u32 $0x7, v3;
	v4 =	vand.u32 $0xFFFFFFC0, v54  }
0xcd: {  	v3 =	vor.u32 v3, v4  }
0xce: {  	v4 =	vperm.xlane v3, v0;
	_ =	sdelay $0x1  }
0xcf: {  	v4 =	vadd.s32 v1, v4;
	_ =	sdelay $0x4  }
0xd0: {  	[hbm4b:s4+s2] =	stream.indirect_vreg.scatter [tilespmem:s16], [sflag:$0x8], $0x80, v4, vm0, $0xb8;
	[tilespmem:$0x18500] =	vst v63  }
0xd1: {  	v3 =	vperm.xlane v3, v2  }
0xd2: {  	[hbm4b:s6+s2] =	stream.indirect_vreg.scatter [tilespmem:s11], [sflag:$0x8], $0x80, v4, vm0, $0xb8;
	[tilespmem:$0x18500] =	vst v63  }
0xd3: {  	v3 =	vadd.s32 v1, v3  }
0xd4: {  	[hbm4b:s7+s2] =	stream.indirect_vreg.scatter [tilespmem:s13], [sflag:$0x8], $0x80, v4, vm0, $0xb8;
	[tilespmem:$0x18500] =	vst v63  }
0xd5: {  	_ = 	snop  }
0xd6: {  	[hbm4b:s8+s2] =	stream.indirect_vreg.scatter [tilespmem:s14], [sflag:$0x8], $0x80, v4, vm0, $0xb8;
	[tilespmem:$0x18500] =	vst v63  }
0xd7: {  	_ = 	snop  }
0xd8: {  	[hbm4b:s4+s2] =	stream.indirect_vreg.scatter [tilespmem:s0], [sflag:$0x8], $0x80, v3, vm0, $0xb8;
	[tilespmem:$0x18500] =	vst v63  }
0xd9: {  	_ = 	snop  }
0xda: {  	[hbm4b:s6+s2] =	stream.indirect_vreg.scatter [tilespmem:s1], [sflag:$0x8], $0x80, v3, vm0, $0xb8;
	[tilespmem:$0x18500] =	vst v63  }
0xdb: {  	_ = 	snop  }
0xdc: {  	[hbm4b:s7+s2] =	stream.indirect_vreg.scatter [tilespmem:s10], [sflag:$0x8], $0x80, v3, vm0, $0xb8;
	[tilespmem:$0x18500] =	vst v63  }
0xdd: {  	_ = 	snop  }
0xde: {  	[hbm4b:s8+s2] =	stream.indirect_vreg.scatter [tilespmem:s15], [sflag:$0x8], $0x80, v3, vm0, $0xb8;
	[tilespmem:$0x18500] =	vst v63  }
0xdf: {  	v3 =	vld [tilespmem:$0x290];
	_ =	sdelay $0x4  }
0xe0: {  	v55 =	vshll.u32 v3, $0x3  }
0xe1: {  	v3 =	vand.u32 $0x7, v3;
	v4 =	vand.u32 $0xFFFFFFC0, v55  }
0xe2: {  	v3 =	vor.u32 v3, v4  }
0xe3: {  	v4 =	vperm.xlane v3, v0;
	_ =	sdelay $0x1  }
0xe4: {  	v4 =	vadd.s32 v1, v4;
	_ =	sdelay $0x4  }
0xe5: {  	[hbm4b:s4+s2] =	stream.indirect_vreg.scatter [tilespmem:s21], [sflag:$0x8], $0x80, v4, vm0, $0xb8;
	[tilespmem:$0x18500] =	vst v63  }
0xe6: {  	v3 =	vperm.xlane v3, v2  }
0xe7: {  	[hbm4b:s6+s2] =	stream.indirect_vreg.scatter [tilespmem:s22], [sflag:$0x8], $0x80, v4, vm0, $0xb8;
	[tilespmem:$0x18500] =	vst v63  }
0xe8: {  	v3 =	vadd.s32 v1, v3  }
0xe9: {  	[hbm4b:s7+s2] =	stream.indirect_vreg.scatter [tilespmem:s23], [sflag:$0x8], $0x80, v4, vm0, $0xb8;
	[tilespmem:$0x18500] =	vst v63  }
0xea: {  	_ = 	snop  }
0xeb: {  	[hbm4b:s8+s2] =	stream.indirect_vreg.scatter [tilespmem:s24], [sflag:$0x8], $0x80, v4, vm0, $0xb8;
	[tilespmem:$0x18500] =	vst v63  }
0xec: {  	_ = 	snop  }
0xed: {  	[hbm4b:s4+s2] =	stream.indirect_vreg.scatter [tilespmem:s25], [sflag:$0x8], $0x80, v3, vm0, $0xb8;
	[tilespmem:$0x18500] =	vst v63  }
0xee: {  	_ = 	snop  }
0xef: {  	[hbm4b:s6+s2] =	stream.indirect_vreg.scatter [tilespmem:s26], [sflag:$0x8], $0x80, v3, vm0, $0xb8;
	[tilespmem:$0x18500] =	vst v63  }
0xf0: {  	_ = 	snop  }
0xf1: {  	[hbm4b:s7+s2] =	stream.indirect_vreg.scatter [tilespmem:s28], [sflag:$0x8], $0x80, v3, vm0, $0xb8;
	[tilespmem:$0x18500] =	vst v63  }
0xf2: {  	s0 =	simm.s32 $0x4  }
0xf3: {  	[hbm4b:s8+s2] =	stream.indirect_vreg.scatter [tilespmem:s29], [sflag:$0x8], $0x80, v3, vm0, $0xb8;
	[tilespmem:$0x18500] =	vst v63  }
0xf4: {  	_ =	swait.ge [sflag:s0], $0x8000  }
0xf5: {  	[sflag:s0] =	ssyncset.done $0x0  }
0xf6: {  	s1 =	simm.s32 $0x7;
	[sflag:s0] =	ssyncadd.s32 $0xFFFF8000  }
0xf7: {  	_ =	swait.ge [sflag:s1], $0x8000  }
0xf8: {  	[sflag:s1] =	ssyncset.done $0x0  }
0xf9: {  	s11 =	simm.s32 $0x3;
	s10 =	rddreg [dreg:$0xa];
	[sflag:s1] =	ssyncadd.s32 $0xFFFF8000  }
0xfa: {  	[tilespmem:s17], [sflag:$0x1] =	stream.linear.gather [hbm4b:s10+s2], $0x8000, $0x38;
	[tilespmem:$0x18500] =	vst v63  }
0xfb: {  	_ =	swait.ge [sflag:s11], $0x8000  }
0xfc: {  	[sflag:s11] =	ssyncset.done $0x0  }
0xfd: {  	[sflag:s11] =	ssyncadd.s32 $0xFFFF8000  }
0xfe: {  	v3 =	vld [tilespmem:$0x100];
	_ =	sdelay $0x4  }
0xff: {  	v56 =	vshll.u32 v3, $0x3  }
0x100: {  	v3 =	vand.u32 $0x7, v3;
	v4 =	vand.u32 $0xFFFFFFC0, v56  }
0x101: {  	v3 =	vor.u32 v3, v4  }
0x102: {  	v4 =	vperm.xlane v3, v0;
	_ =	sdelay $0x1  }
0x103: {  	v4 =	vadd.s32 v1, v4;
	_ =	sdelay $0x4  }
0x104: {  	[hbm4b:s4+s2] =	stream.indirect_vreg.scatter [tilespmem:s20], [sflag:$0x6], $0x80, v4, vm0, $0xb8;
	[tilespmem:$0x18500] =	vst v63  }
0x105: {  	s10 =	simm.s32 $0x10D00;
	v3 =	vperm.xlane v3, v2  }
0x106: {  	[hbm4b:s6+s2] =	stream.indirect_vreg.scatter [tilespmem:s10], [sflag:$0x6], $0x80, v4, vm0, $0xb8;
	[tilespmem:$0x18500] =	vst v63  }
0x107: {  	s11 =	simm.s32 $0x11500;
	v3 =	vadd.s32 v1, v3  }
0x108: {  	[hbm4b:s7+s2] =	stream.indirect_vreg.scatter [tilespmem:s11], [sflag:$0x6], $0x80, v4, vm0, $0xb8;
	[tilespmem:$0x18500] =	vst v63  }
0x109: {  	s13 =	simm.s32 $0x11D00  }
0x10a: {  	[hbm4b:s8+s2] =	stream.indirect_vreg.scatter [tilespmem:s13], [sflag:$0x6], $0x80, v4, vm0, $0xb8;
	[tilespmem:$0x18500] =	vst v63  }
0x10b: {  	s14 =	simm.s32 $0x12500  }
0x10c: {  	[hbm4b:s4+s2] =	stream.indirect_vreg.scatter [tilespmem:s14], [sflag:$0x6], $0x80, v3, vm0, $0xb8;
	[tilespmem:$0x18500] =	vst v63  }
0x10d: {  	s15 =	simm.s32 $0x12D00  }
0x10e: {  	[hbm4b:s6+s2] =	stream.indirect_vreg.scatter [tilespmem:s15], [sflag:$0x6], $0x80, v3, vm0, $0xb8;
	[tilespmem:$0x18500] =	vst v63  }
0x10f: {  	s16 =	simm.s32 $0x13500  }
0x110: {  	[hbm4b:s7+s2] =	stream.indirect_vreg.scatter [tilespmem:s16], [sflag:$0x6], $0x80, v3, vm0, $0xb8;
	[tilespmem:$0x18500] =	vst v63  }
0x111: {  	s21 =	simm.s32 $0x13D00  }
0x112: {  	[hbm4b:s8+s2] =	stream.indirect_vreg.scatter [tilespmem:s21], [sflag:$0x6], $0x80, v3, vm0, $0xb8;
	[tilespmem:$0x18500] =	vst v63  }
0x113: {  	v3 =	vld [tilespmem:$0x110];
	_ =	sdelay $0x4  }
0x114: {  	v57 =	vshll.u32 v3, $0x3  }
0x115: {  	v3 =	vand.u32 $0x7, v3;
	v4 =	vand.u32 $0xFFFFFFC0, v57  }
0x116: {  	v3 =	vor.u32 v3, v4  }
0x117: {  	v4 =	vperm.xlane v3, v0;
	_ =	sdelay $0x1  }
0x118: {  	v4 =	vadd.s32 v1, v4;
	_ =	sdelay $0x3  }
0x119: {  	s22 =	simm.s32 $0x14500  }
0x11a: {  	[hbm4b:s4+s2] =	stream.indirect_vreg.scatter [tilespmem:s22], [sflag:$0x6], $0x80, v4, vm0, $0xb8;
	[tilespmem:$0x18500] =	vst v63  }
0x11b: {  	s23 =	simm.s32 $0x14D00;
	v3 =	vperm.xlane v3, v2  }
0x11c: {  	[hbm4b:s6+s2] =	stream.indirect_vreg.scatter [tilespmem:s23], [sflag:$0x6], $0x80, v4, vm0, $0xb8;
	[tilespmem:$0x18500] =	vst v63  }
0x11d: {  	s24 =	simm.s32 $0x15500;
	v3 =	vadd.s32 v1, v3  }
0x11e: {  	[hbm4b:s7+s2] =	stream.indirect_vreg.scatter [tilespmem:s24], [sflag:$0x6], $0x80, v4, vm0, $0xb8;
	[tilespmem:$0x18500] =	vst v63  }
0x11f: {  	s25 =	simm.s32 $0x15D00  }
0x120: {  	[hbm4b:s8+s2] =	stream.indirect_vreg.scatter [tilespmem:s25], [sflag:$0x6], $0x80, v4, vm0, $0xb8;
	[tilespmem:$0x18500] =	vst v63  }
0x121: {  	s26 =	simm.s32 $0x16500  }
0x122: {  	[hbm4b:s4+s2] =	stream.indirect_vreg.scatter [tilespmem:s26], [sflag:$0x6], $0x80, v3, vm0, $0xb8;
	[tilespmem:$0x18500] =	vst v63  }
0x123: {  	s28 =	simm.s32 $0x16D00  }
0x124: {  	[hbm4b:s6+s2] =	stream.indirect_vreg.scatter [tilespmem:s28], [sflag:$0x6], $0x80, v3, vm0, $0xb8;
	[tilespmem:$0x18500] =	vst v63  }
0x125: {  	s29 =	simm.s32 $0x17500  }
0x126: {  	[hbm4b:s7+s2] =	stream.indirect_vreg.scatter [tilespmem:s29], [sflag:$0x6], $0x80, v3, vm0, $0xb8;
	[tilespmem:$0x18500] =	vst v63  }
0x127: {  	_ = 	snop  }
0x128: {  	[hbm4b:s8+s2] =	stream.indirect_vreg.scatter [tilespmem:s30], [sflag:$0x6], $0x80, v3, vm0, $0xb8;
	[tilespmem:$0x18500] =	vst v63  }
0x129: {  	v3 =	vld [tilespmem:$0x300];
	_ =	sdelay $0x4  }
0x12a: {  	v58 =	vshll.u32 v3, $0x3  }
0x12b: {  	v3 =	vand.u32 $0x7, v3;
	v4 =	vand.u32 $0xFFFFFFC0, v58  }
0x12c: {  	v3 =	vor.u32 v3, v4  }
0x12d: {  	v4 =	vperm.xlane v3, v0;
	_ =	sdelay $0x1  }
0x12e: {  	v4 =	vadd.s32 v1, v4;
	_ =	sdelay $0x4  }
0x12f: {  	[hbm4b:s4+s2] =	stream.indirect_vreg.scatter [tilespmem:s20], [sflag:$0x9], $0x80, v4, vm0, $0xb8;
	[tilespmem:$0x18500] =	vst v63  }
0x130: {  	v3 =	vperm.xlane v3, v2  }
0x131: {  	[hbm4b:s6+s2] =	stream.indirect_vreg.scatter [tilespmem:s10], [sflag:$0x9], $0x80, v4, vm0, $0xb8;
	[tilespmem:$0x18500] =	vst v63  }
0x132: {  	v3 =	vadd.s32 v1, v3  }
0x133: {  	[hbm4b:s7+s2] =	stream.indirect_vreg.scatter [tilespmem:s11], [sflag:$0x9], $0x80, v4, vm0, $0xb8;
	[tilespmem:$0x18500] =	vst v63  }
0x134: {  	_ = 	snop  }
0x135: {  	[hbm4b:s8+s2] =	stream.indirect_vreg.scatter [tilespmem:s13], [sflag:$0x9], $0x80, v4, vm0, $0xb8;
	[tilespmem:$0x18500] =	vst v63  }
0x136: {  	_ = 	snop  }
0x137: {  	[hbm4b:s4+s2] =	stream.indirect_vreg.scatter [tilespmem:s14], [sflag:$0x9], $0x80, v3, vm0, $0xb8;
	[tilespmem:$0x18500] =	vst v63  }
0x138: {  	_ = 	snop  }
0x139: {  	[hbm4b:s6+s2] =	stream.indirect_vreg.scatter [tilespmem:s15], [sflag:$0x9], $0x80, v3, vm0, $0xb8;
	[tilespmem:$0x18500] =	vst v63  }
0x13a: {  	_ = 	snop  }
0x13b: {  	[hbm4b:s7+s2] =	stream.indirect_vreg.scatter [tilespmem:s16], [sflag:$0x9], $0x80, v3, vm0, $0xb8;
	[tilespmem:$0x18500] =	vst v63  }
0x13c: {  	_ = 	snop  }
0x13d: {  	[hbm4b:s8+s2] =	stream.indirect_vreg.scatter [tilespmem:s21], [sflag:$0x9], $0x80, v3, vm0, $0xb8;
	[tilespmem:$0x18500] =	vst v63  }
0x13e: {  	v3 =	vld [tilespmem:$0x310];
	_ =	sdelay $0x4  }
0x13f: {  	v59 =	vshll.u32 v3, $0x3  }
0x140: {  	v3 =	vand.u32 $0x7, v3;
	v4 =	vand.u32 $0xFFFFFFC0, v59  }
0x141: {  	v3 =	vor.u32 v3, v4  }
0x142: {  	v4 =	vperm.xlane v3, v0;
	_ =	sdelay $0x1  }
0x143: {  	v4 =	vadd.s32 v1, v4;
	_ =	sdelay $0x4  }
0x144: {  	[hbm4b:s4+s2] =	stream.indirect_vreg.scatter [tilespmem:s22], [sflag:$0x9], $0x80, v4, vm0, $0xb8;
	[tilespmem:$0x18500] =	vst v63  }
0x145: {  	v3 =	vperm.xlane v3, v2  }
0x146: {  	[hbm4b:s6+s2] =	stream.indirect_vreg.scatter [tilespmem:s23], [sflag:$0x9], $0x80, v4, vm0, $0xb8;
	[tilespmem:$0x18500] =	vst v63  }
0x147: {  	v3 =	vadd.s32 v1, v3  }
0x148: {  	[hbm4b:s7+s2] =	stream.indirect_vreg.scatter [tilespmem:s24], [sflag:$0x9], $0x80, v4, vm0, $0xb8;
	[tilespmem:$0x18500] =	vst v63  }
0x149: {  	_ = 	snop  }
0x14a: {  	[hbm4b:s8+s2] =	stream.indirect_vreg.scatter [tilespmem:s25], [sflag:$0x9], $0x80, v4, vm0, $0xb8;
	[tilespmem:$0x18500] =	vst v63  }
0x14b: {  	_ = 	snop  }
0x14c: {  	[hbm4b:s4+s2] =	stream.indirect_vreg.scatter [tilespmem:s26], [sflag:$0x9], $0x80, v3, vm0, $0xb8;
	[tilespmem:$0x18500] =	vst v63  }
0x14d: {  	_ = 	snop  }
0x14e: {  	[hbm4b:s6+s2] =	stream.indirect_vreg.scatter [tilespmem:s28], [sflag:$0x9], $0x80, v3, vm0, $0xb8;
	[tilespmem:$0x18500] =	vst v63  }
0x14f: {  	_ = 	snop  }
0x150: {  	[hbm4b:s7+s2] =	stream.indirect_vreg.scatter [tilespmem:s29], [sflag:$0x9], $0x80, v3, vm0, $0xb8;
	[tilespmem:$0x18500] =	vst v63  }
0x151: {  	_ = 	snop  }
0x152: {  	[hbm4b:s8+s2] =	stream.indirect_vreg.scatter [tilespmem:s30], [sflag:$0x9], $0x80, v3, vm0, $0xb8;
	[tilespmem:$0x18500] =	vst v63  }
0x153: {  	_ =	swait.ge [sflag:s3], $0x8000  }
0x154: {  	[sflag:s3] =	ssyncset.done $0x0  }
0x155: {  	[sflag:s3] =	ssyncadd.s32 $0xFFFF8000  }
0x156: {  	v3 =	vld [tilespmem:$0x180];
	_ =	sdelay $0x4  }
0x157: {  	v60 =	vshll.u32 v3, $0x3  }
0x158: {  	v3 =	vand.u32 $0x7, v3;
	v4 =	vand.u32 $0xFFFFFFC0, v60  }
0x159: {  	v3 =	vor.u32 v3, v4  }
0x15a: {  	v4 =	vperm.xlane v3, v0;
	_ =	sdelay $0x1  }
0x15b: {  	v4 =	vadd.s32 v1, v4;
	_ =	sdelay $0x4  }
0x15c: {  	[hbm4b:s4+s2] =	stream.indirect_vreg.scatter [tilespmem:s17], [sflag:$0x4], $0x80, v4, vm0, $0xb8;
	[tilespmem:$0x18500] =	vst v63  }
0x15d: {  	v3 =	vperm.xlane v3, v2  }
0x15e: {  	[hbm4b:s6+s2] =	stream.indirect_vreg.scatter [tilespmem:s18], [sflag:$0x4], $0x80, v4, vm0, $0xb8;
	[tilespmem:$0x18500] =	vst v63  }
0x15f: {  	v3 =	vadd.s32 v1, v3  }
0x160: {  	[hbm4b:s7+s2] =	stream.indirect_vreg.scatter [tilespmem:s19], [sflag:$0x4], $0x80, v4, vm0, $0xb8;
	[tilespmem:$0x18500] =	vst v63  }
0x161: {  	s13 =	simm.s32 $0x1D00  }
0x162: {  	[hbm4b:s8+s2] =	stream.indirect_vreg.scatter [tilespmem:s13], [sflag:$0x4], $0x80, v4, vm0, $0xb8;
	[tilespmem:$0x18500] =	vst v63  }
0x163: {  	s22 =	simm.s32 $0x2500  }
0x164: {  	[hbm4b:s4+s2] =	stream.indirect_vreg.scatter [tilespmem:s22], [sflag:$0x4], $0x80, v3, vm0, $0xb8;
	[tilespmem:$0x18500] =	vst v63  }
0x165: {  	s23 =	simm.s32 $0x2D00  }
0x166: {  	[hbm4b:s6+s2] =	stream.indirect_vreg.scatter [tilespmem:s23], [sflag:$0x4], $0x80, v3, vm0, $0xb8;
	[tilespmem:$0x18500] =	vst v63  }
0x167: {  	s24 =	simm.s32 $0x3500  }
0x168: {  	[hbm4b:s7+s2] =	stream.indirect_vreg.scatter [tilespmem:s24], [sflag:$0x4], $0x80, v3, vm0, $0xb8;
	[tilespmem:$0x18500] =	vst v63  }
0x169: {  	s14 =	simm.s32 $0x3D00  }
0x16a: {  	[hbm4b:s8+s2] =	stream.indirect_vreg.scatter [tilespmem:s14], [sflag:$0x4], $0x80, v3, vm0, $0xb8;
	[tilespmem:$0x18500] =	vst v63  }
0x16b: {  	v3 =	vld [tilespmem:$0x190];
	_ =	sdelay $0x4  }
0x16c: {  	v61 =	vshll.u32 v3, $0x3  }
0x16d: {  	v3 =	vand.u32 $0x7, v3;
	v4 =	vand.u32 $0xFFFFFFC0, v61  }
0x16e: {  	v3 =	vor.u32 v3, v4  }
0x16f: {  	v4 =	vperm.xlane v3, v0;
	_ =	sdelay $0x1  }
0x170: {  	v4 =	vadd.s32 v1, v4;
	_ =	sdelay $0x3  }
0x171: {  	s15 =	simm.s32 $0x4500  }
0x172: {  	[hbm4b:s4+s2] =	stream.indirect_vreg.scatter [tilespmem:s15], [sflag:$0x4], $0x80, v4, vm0, $0xb8;
	[tilespmem:$0x18500] =	vst v63  }
0x173: {  	s16 =	simm.s32 $0x4D00;
	v3 =	vperm.xlane v3, v2  }
0x174: {  	[hbm4b:s6+s2] =	stream.indirect_vreg.scatter [tilespmem:s16], [sflag:$0x4], $0x80, v4, vm0, $0xb8;
	[tilespmem:$0x18500] =	vst v63  }
0x175: {  	s20 =	simm.s32 $0x5500;
	v3 =	vadd.s32 v1, v3  }
0x176: {  	[hbm4b:s7+s2] =	stream.indirect_vreg.scatter [tilespmem:s20], [sflag:$0x4], $0x80, v4, vm0, $0xb8;
	[tilespmem:$0x18500] =	vst v63  }
0x177: {  	s21 =	simm.s32 $0x5D00  }
0x178: {  	[hbm4b:s8+s2] =	stream.indirect_vreg.scatter [tilespmem:s21], [sflag:$0x4], $0x80, v4, vm0, $0xb8;
	[tilespmem:$0x18500] =	vst v63  }
0x179: {  	s25 =	simm.s32 $0x6500  }
0x17a: {  	[hbm4b:s4+s2] =	stream.indirect_vreg.scatter [tilespmem:s25], [sflag:$0x4], $0x80, v3, vm0, $0xb8;
	[tilespmem:$0x18500] =	vst v63  }
0x17b: {  	s26 =	simm.s32 $0x6D00  }
0x17c: {  	[hbm4b:s6+s2] =	stream.indirect_vreg.scatter [tilespmem:s26], [sflag:$0x4], $0x80, v3, vm0, $0xb8;
	[tilespmem:$0x18500] =	vst v63  }
0x17d: {  	s28 =	simm.s32 $0x7500  }
0x17e: {  	[hbm4b:s7+s2] =	stream.indirect_vreg.scatter [tilespmem:s28], [sflag:$0x4], $0x80, v3, vm0, $0xb8;
	[tilespmem:$0x18500] =	vst v63  }
0x17f: {  	s29 =	simm.s32 $0x7D00  }
0x180: {  	[hbm4b:s8+s2] =	stream.indirect_vreg.scatter [tilespmem:s29], [sflag:$0x4], $0x80, v3, vm0, $0xb8;
	[tilespmem:$0x18500] =	vst v63  }
0x181: {  	v3 =	vld [tilespmem:$0x380];
	_ =	sdelay $0x4  }
0x182: {  	v62 =	vshll.u32 v3, $0x3  }
0x183: {  	v3 =	vand.u32 $0x7, v3;
	v4 =	vand.u32 $0xFFFFFFC0, v62  }
0x184: {  	v3 =	vor.u32 v3, v4  }
0x185: {  	v4 =	vperm.xlane v3, v0;
	_ =	sdelay $0x1  }
0x186: {  	v4 =	vadd.s32 v1, v4;
	_ =	sdelay $0x4  }
0x187: {  	[hbm4b:s4+s2] =	stream.indirect_vreg.scatter [tilespmem:s17], [sflag:$0x7], $0x80, v4, vm0, $0xb8;
	[tilespmem:$0x18500] =	vst v63  }
0x188: {  	v3 =	vperm.xlane v3, v2  }
0x189: {  	[hbm4b:s6+s2] =	stream.indirect_vreg.scatter [tilespmem:s18], [sflag:$0x7], $0x80, v4, vm0, $0xb8;
	[tilespmem:$0x18500] =	vst v63  }
0x18a: {  	v3 =	vadd.s32 v1, v3  }
0x18b: {  	[hbm4b:s7+s2] =	stream.indirect_vreg.scatter [tilespmem:s19], [sflag:$0x7], $0x80, v4, vm0, $0xb8;
	[tilespmem:$0x18500] =	vst v63  }
0x18c: {  	_ = 	snop  }
0x18d: {  	[hbm4b:s8+s2] =	stream.indirect_vreg.scatter [tilespmem:s13], [sflag:$0x7], $0x80, v4, vm0, $0xb8;
	[tilespmem:$0x18500] =	vst v63  }
0x18e: {  	_ = 	snop  }
0x18f: {  	[hbm4b:s4+s2] =	stream.indirect_vreg.scatter [tilespmem:s22], [sflag:$0x7], $0x80, v3, vm0, $0xb8;
	[tilespmem:$0x18500] =	vst v63  }
0x190: {  	_ = 	snop  }
0x191: {  	[hbm4b:s6+s2] =	stream.indirect_vreg.scatter [tilespmem:s23], [sflag:$0x7], $0x80, v3, vm0, $0xb8;
	[tilespmem:$0x18500] =	vst v63  }
0x192: {  	_ = 	snop  }
0x193: {  	[hbm4b:s7+s2] =	stream.indirect_vreg.scatter [tilespmem:s24], [sflag:$0x7], $0x80, v3, vm0, $0xb8;
	[tilespmem:$0x18500] =	vst v63  }
0x194: {  	_ = 	snop  }
0x195: {  	[hbm4b:s8+s2] =	stream.indirect_vreg.scatter [tilespmem:s14], [sflag:$0x7], $0x80, v3, vm0, $0xb8;
	[tilespmem:$0x18500] =	vst v63  }
0x196: {  	v3 =	vld [tilespmem:$0x390];
	_ =	sdelay $0x4  }
0x197: {  	v63 =	vshll.u32 v3, $0x3  }
0x198: {  	v3 =	vand.u32 $0x7, v3;
	v4 =	vand.u32 $0xFFFFFFC0, v63  }
0x199: {  	v3 =	vor.u32 v3, v4  }
0x19a: {  	v4 =	vperm.xlane v3, v0;
	_ =	sdelay $0x1  }
0x19b: {  	v4 =	vadd.s32 v1, v4;
	_ =	sdelay $0x4  }
0x19c: {  	[hbm4b:s4+s2] =	stream.indirect_vreg.scatter [tilespmem:s15], [sflag:$0x7], $0x80, v4, vm0, $0xb8;
	[tilespmem:$0x18500] =	vst v63  }
0x19d: {  	v3 =	vperm.xlane v3, v2  }
0x19e: {  	[hbm4b:s6+s2] =	stream.indirect_vreg.scatter [tilespmem:s16], [sflag:$0x7], $0x80, v4, vm0, $0xb8;
	[tilespmem:$0x18500] =	vst v63  }
0x19f: {  	v3 =	vadd.s32 v1, v3  }
0x1a0: {  	[hbm4b:s7+s2] =	stream.indirect_vreg.scatter [tilespmem:s20], [sflag:$0x7], $0x80, v4, vm0, $0xb8;
	[tilespmem:$0x18500] =	vst v63  }
0x1a1: {  	_ = 	snop  }
0x1a2: {  	[hbm4b:s8+s2] =	stream.indirect_vreg.scatter [tilespmem:s21], [sflag:$0x7], $0x80, v4, vm0, $0xb8;
	[tilespmem:$0x18500] =	vst v63  }
0x1a3: {  	_ = 	snop  }
0x1a4: {  	[hbm4b:s4+s2] =	stream.indirect_vreg.scatter [tilespmem:s25], [sflag:$0x7], $0x80, v3, vm0, $0xb8;
	[tilespmem:$0x18500] =	vst v63  }
0x1a5: {  	_ = 	snop  }
0x1a6: {  	[hbm4b:s6+s2] =	stream.indirect_vreg.scatter [tilespmem:s26], [sflag:$0x7], $0x80, v3, vm0, $0xb8;
	[tilespmem:$0x18500] =	vst v63  }
0x1a7: {  	_ = 	snop  }
0x1a8: {  	[hbm4b:s7+s2] =	stream.indirect_vreg.scatter [tilespmem:s28], [sflag:$0x7], $0x80, v3, vm0, $0xb8;
	[tilespmem:$0x18500] =	vst v63  }
0x1a9: {  	s25 =	simm.s32 $0x5  }
0x1aa: {  	[hbm4b:s8+s2] =	stream.indirect_vreg.scatter [tilespmem:s29], [sflag:$0x7], $0x80, v3, vm0, $0xb8;
	[tilespmem:$0x18500] =	vst v63  }
0x1ab: {  	_ =	swait.ge [sflag:s25], $0x8000  }
0x1ac: {  	[sflag:s25] =	ssyncset.done $0x0  }
0x1ad: {  	s26 =	simm.s32 $0x8;
	[sflag:s25] =	ssyncadd.s32 $0xFFFF8000  }
0x1ae: {  	_ =	swait.ge [sflag:s26], $0x8000  }
0x1af: {  	[sflag:s26] =	ssyncset.done $0x0  }
0x1b0: {  	s28 =	simm.s32 $0x6;
	[sflag:s26] =	ssyncadd.s32 $0xFFFF8000  }
0x1b1: {  	_ =	swait.ge [sflag:s28], $0x8000  }
0x1b2: {  	[sflag:s28] =	ssyncset.done $0x0  }
0x1b3: {  	s29 =	simm.s32 $0x9;
	[sflag:s28] =	ssyncadd.s32 $0xFFFF8000  }
0x1b4: {  	_ =	swait.ge [sflag:s29], $0x8000  }
0x1b5: {  	[sflag:s29] =	ssyncset.done $0x0  }
0x1b6: {  	[sflag:s29] =	ssyncadd.s32 $0xFFFF8000  }
0x1b7: {  	_ =	swait.ge [sflag:s0], $0x8000  }
0x1b8: {  	[sflag:s0] =	ssyncset.done $0x0  }
0x1b9: {  	[sflag:s0] =	ssyncadd.s32 $0xFFFF8000  }
0x1ba: {  	_ =	swait.ge [sflag:s1], $0x8000  }
0x1bb: {  	[sflag:s1] =	ssyncset.done $0x0  }
0x1bc: {  	[sflag:s1] =	ssyncadd.s32 $0xFFFF8000  }
0x1bd: {  	_ =	swait.ge [sflag:s12], $0x20  }
0x1be: {  	[sflag:s12] =	ssyncset.done $0x0  }
0x1bf: {  	[sflag:s12] =	ssyncadd.s32 $0xFFFFFFE0  }
0x1c0: {  	_ =	swait.ge [sflag:s12], $0x20  }
0x1c1: {  	[sflag:s12] =	ssyncset.done $0x0  }
0x1c2: {  	[sflag:s12] =	ssyncadd.s32 $0xFFFFFFE0  }
0x1c3: {  	_ =	swait.ge [sflag:s12], $0x20  }
0x1c4: {  	[sflag:s12] =	ssyncset.done $0x0  }
0x1c5: {  	[sflag:s12] =	ssyncadd.s32 $0xFFFFFFE0  }
0x1c6: {  	_ =	swait.ge [sflag:s12], $0x20  }
0x1c7: {  	[sflag:s12] =	ssyncset.done $0x0  }
0x1c8: {  	[sflag:s12] =	ssyncadd.s32 $0xFFFFFFE0  }
0x1c9: {  	_ =	swait.ge [sflag:s12], $0x20  }
0x1ca: {  	[sflag:s12] =	ssyncset.done $0x0  }
0x1cb: {  	[sflag:s12] =	ssyncadd.s32 $0xFFFFFFE0  }
0x1cc: {  	_ =	swait.ge [sflag:s12], $0x20  }
0x1cd: {  	[sflag:s12] =	ssyncset.done $0x0  }
0x1ce: {  	[sflag:s12] =	ssyncadd.s32 $0xFFFFFFE0  }
0x1cf: {  	p0 =	sne.s32 s9, $0x1;
	_ =	swait.ge [sflag:s12], $0x20  }
.Ltmp0:
0x1d0: {  	[sflag:s12] =	ssyncset.done $0x0;
	(pc) =	sbr.rel @p0 .LBB2_1-.Ltmp0, $4  }
0x1d1: {  	[sflag:s12] =	ssyncadd.s32 $0xFFFFFFE0  }
0x1d2: {  	_ =	swait.ge [sflag:s12], $0x20  }
0x1d3: {  	[sflag:s12] =	ssyncset.done $0x0  }
0x1d4: {  	s9 =	sadd.s32 $0xFFFFFFFF, s9;
	[sflag:s12] =	ssyncadd.s32 $0xFFFFFFE0  }
0x1d5: {  	_ =	sfence.sel $0x180000  }
0x1d6: {  	[bflag:$0x0] =	sbarrier.arrive $0xFFFF  }
0x1d7: {  	_ =	strace $0x90000047  }
0x1d8: {  	s0 =	stileid.u32;
	[bflag:$0x2] =	sbarrier.arrive $0xFFFF  }
0x1d9: {  	p0 =	sne.s32 s0, $0x0;
	s0 =	rddreg [dreg:$0x3]  }
0x1da: {  	s0 =	sadd.s32 @!p0 $0x100000, s0  }
0x1db: {  	[sflag:s0] =	ssyncadd.tile.s32 @!p0 $0x1;
	_ =	shalt  }
.Lfunc_end2:
_tile_overlayer_lowered:
.L_overlay_start_2:
0x1dc: {  	(tag) =	ssettag $0x2  }
0x1dd: {  	s0 =	rddreg [dreg:$0x0];
	s2 =	stileid.u32  }
0x1de: {  	s1 =	rddreg [dreg:$0x1];
	p0 =	sne.s32 s2, $0x0  }
0x1df: {  	s3 =	rddreg [dreg:$0x2];
	[bflag:$0x3] =	sbarrier.arrive $0xFFFF;
	s2 =	simm.s32 @!p0 $0x1C0B  }
0x1e0: {  	[timem:s3], [sflag:s2] =	dma.local @!p0 [hbm:s0], s1  }
0x1e1: {  	s0 =	simm.s32 @!p0 $0xB  }
0x1e2: {  	_ =	swait.ge @!p0 [sflag:s0], s1  }
0x1e3: {  	s1 =	ssub.s32 @!p0 $0x0, s1;
	[sflag:s0] =	ssyncset.done @!p0 $0x0  }
0x1e4: {  	[sflag:s0] =	ssyncadd.s32 @!p0 s1  }
0x1e5: {  	[bflag:$0x3] =	sbarrier.arrive $0xFFFF  }
0x1e6: {  	_ =	shalt  }

// kernel: kernel.8.cloned.1.call-start
scs
__scs_entry_jumppad:
0x0: {  	(pc) =	sbr.rel $0x88, $3  }
0x1: {  	(tag) =	ssettag $0x0;
	lr =	simm.s32 $0x1  }
0x2: {  	[smem:$0x3F9D] =	sst lr;
	_ =	strace $0xD0000000  }
0x3: {  	_ = 	snop  }
0x4: {  	_ = 	snop  }
0x5: {  	_ = 	snop  }
0x6: {  	_ = 	snop  }
0x7: {  	_ = 	snop  }
__scs_overlays_trampoline_lowered:
0x8: {  	[smem:$0x3FAC] =	sst s0  }
0x9: {  	[smem:$0x3FAD] =	sst s1  }
0xa: {  	[smem:$0x3FAE] =	sst s2  }
0xb: {  	[smem:$0x3FAF] =	sst s3  }
0xc: {  	[smem:$0x3FB0] =	sst s4  }
0xd: {  	[smem:$0x3FB1] =	sst s5  }
0xe: {  	[smem:$0x3FB2] =	sst s6  }
0xf: {  	[smem:$0x3FB3] =	sst s7  }
0x10: {  	[smem:$0x3FB4] =	sst s8  }
0x11: {  	[smem:$0x3FB5] =	sst s9;
	s0 =	simm.s32 @!p0 $0x0  }
0x12: {  	s1 =	sld [smem:$0x3F9B];
	s0 =	simm.s32 @p0 $0x1  }
0x13: {  	[smem:$0x3FB6] =	sst s0;
	s0 =	simm.s32 @!p1 $0x0  }
0x14: {  	s2 =	sld [smem:$0x3F9A];
	s0 =	simm.s32 @p1 $0x1  }
0x15: {  	[smem:$0x3FB7] =	sst s0;
	s0 =	simm.s32 @!p2 $0x0  }
0x16: {  	s3 =	sld [smem:$0x3FDB];
	s0 =	simm.s32 @p2 $0x1  }
0x17: {  	s4 =	simm.s32 $0x1BF5;
	[smem:$0x3FB9] =	sst s0  }
0x18: {  	s0 =	sld [smem:$0x3F9C];
	_ =	swait.ge [sflag:s4], $0x0  }
0x19: {  	s7 =	sld [smem:$0x3F9D]  }
0x1a: {  	s8 =	sadd.s32 $0xFFFFE003, lr  }
0x1b: {  	s9 =	sadd.s32 $0xFFFFFEF7, lr;
	s5 =	simm.s32 $0xFFFFFFFF;
	p2 =	slt.u32 s8, $0xFFFFF086  }
0x1c: {  	p1 =	slt.u32 s9, $0xF7A;
	s5 =	simm.s32 @!p2 $0x0  }
0x1d: {  	s5 =	simm.s32 @p1 $0x1;
	p0 =	seq.s32 s7, s2  }
0x1e: {  	s7 =	smul.u32 @!p0 $0xF7A, s2;
	p2 =	seq.s32 @!p0 s5, $0x0  }
0x1f: {  	s9 =	smul.u32 $0xF7A, s1;
	s8 =	simm.s32 @!p0 $0x1BF5;
	p2 =	por !p2, p0  }
0x20: {  	[sflag:s8] =	ssyncset.s32 @!p0 $0xFFFFF086;
	s6 =	sadd.s32 @!p0 s3, s7;
	s7 =	simm.s32 @!p0 $0x108  }
0x21: {  	s3 =	sadd.s32 s3, s9;
	s6 =	sadd.s32 @!p0 $0x88, s6;
	s7 =	simm.s32 @p2 $0x1082  }
0x22: {  	[simem:s7], [sflag:s8] =	dma.local @!p0 [hbm:s6], $0xF7A  }
0x23: {  	s9 =	sor.u32 $0xD0000000, s2;
	s6 =	simm.s32 $0x108;
	_ =	swait.ge @!p0 [sflag:s8], $0x0  }
0x24: {  	s3 =	sadd.s32 $0x88, s3;
	s6 =	simm.s32 @!p1 $0x1082;
	[sflag:s4] =	ssyncset.s32 $0xFFFFF086  }
0x25: {  	[simem:s6], [sflag:s4] =	dma.local [hbm:s3], $0xF7A  }
0x26: {  	[smem:$0x3F9D] =	sst s1;
	(tag) =	ssettag s2;
	_ =	strace s9  }
0x27: {  	s1 =	sld [smem:$0x3FAD]  }
0x28: {  	s2 =	sld [smem:$0x3FAE]  }
0x29: {  	s4 =	sld [smem:$0x3FB0]  }
0x2a: {  	p0 =	seq.s32 s5, $0x0;
	s5 =	sld [smem:$0x3FB1]  }
0x2b: {  	s6 =	sld [smem:$0x3FB2]  }
0x2c: {  	s7 =	sld [smem:$0x3FB3]  }
0x2d: {  	s3 =	simm.s32 $0x108;
	s8 =	sld [smem:$0x3FB4]  }
0x2e: {  	s3 =	simm.s32 @!p0 $0x1082;
	s9 =	sld [smem:$0x3FB5]  }
0x2f: {  	lr =	sadd.s32 s0, s3;
	s0 =	sld [smem:$0x3FAC]  }
0x30: {  	s3 =	sld [smem:$0x3FAF]  }
0x31: {  	[smem:$0x3FB8] =	sst s10  }
0x32: {  	s10 =	sld [smem:$0x3FB6];
	_ =	sdelay $0x3  }
0x33: {  	p0 =	seq.s32 s10, $0x1;
	s10 =	sld [smem:$0x3FB8];
	_ =	sdelay $0x3  }
0x34: {  	[smem:$0x3FB8] =	sst s10  }
0x35: {  	s10 =	sld [smem:$0x3FB7];
	_ =	sdelay $0x3  }
0x36: {  	p1 =	seq.s32 s10, $0x1;
	s10 =	sld [smem:$0x3FB8];
	_ =	sdelay $0x3  }
0x37: {  	[smem:$0x3FB8] =	sst s10  }
0x38: {  	s10 =	sld [smem:$0x3FB9]  }
0x39: {  	_ = 	snop;
	(pc) =	sbr.ind lr, $3  }
0x3a: {  	_ = 	snop  }
0x3b: {  	_ = 	snop  }
0x3c: {  	p2 =	seq.s32 s10, $0x1;
	s10 =	sld [smem:$0x3FB8]  }
0x3d: {  	_ =	shalt  }
0x3e: {  	_ =	shalt  }
0x3f: {  	_ =	shalt  }
0x40: {  	_ =	shalt  }
0x41: {  	_ =	shalt  }
0x42: {  	_ =	shalt  }
0x43: {  	_ =	shalt  }
0x44: {  	_ =	shalt  }
0x45: {  	_ =	shalt  }
0x46: {  	_ =	shalt  }
0x47: {  	_ =	shalt  }
0x48: {  	_ =	shalt  }
0x49: {  	_ =	shalt  }
0x4a: {  	_ =	shalt  }
0x4b: {  	_ =	shalt  }
0x4c: {  	_ =	shalt  }
0x4d: {  	_ =	shalt  }
0x4e: {  	_ =	shalt  }
0x4f: {  	_ =	shalt  }
0x50: {  	_ =	shalt  }
0x51: {  	_ =	shalt  }
0x52: {  	_ =	shalt  }
0x53: {  	_ =	shalt  }
0x54: {  	_ =	shalt  }
0x55: {  	_ =	shalt  }
0x56: {  	_ =	shalt  }
0x57: {  	_ =	shalt  }
0x58: {  	_ =	shalt  }
0x59: {  	_ =	shalt  }
0x5a: {  	_ =	shalt  }
0x5b: {  	_ =	shalt  }
0x5c: {  	_ =	shalt  }
0x5d: {  	_ =	shalt  }
0x5e: {  	_ =	shalt  }
0x5f: {  	_ =	shalt  }
0x60: {  	_ =	shalt  }
0x61: {  	_ =	shalt  }
0x62: {  	_ =	shalt  }
0x63: {  	_ =	shalt  }
0x64: {  	_ =	shalt  }
0x65: {  	_ =	shalt  }
0x66: {  	_ =	shalt  }
0x67: {  	_ =	shalt  }
0x68: {  	_ =	shalt  }
0x69: {  	_ =	shalt  }
0x6a: {  	_ =	shalt  }
0x6b: {  	_ =	shalt  }
0x6c: {  	_ =	shalt  }
0x6d: {  	_ =	shalt  }
0x6e: {  	_ =	shalt  }
0x6f: {  	_ =	shalt  }
0x70: {  	_ =	shalt  }
0x71: {  	_ =	shalt  }
0x72: {  	_ =	shalt  }
0x73: {  	_ =	shalt  }
0x74: {  	_ =	shalt  }
0x75: {  	_ =	shalt  }
0x76: {  	_ =	shalt  }
0x77: {  	_ =	shalt  }
0x78: {  	_ =	shalt  }
0x79: {  	_ =	shalt  }
0x7a: {  	_ =	shalt  }
0x7b: {  	_ =	shalt  }
0x7c: {  	_ =	shalt  }
0x7d: {  	_ =	shalt  }
0x7e: {  	_ =	shalt  }
0x7f: {  	_ =	shalt  }
0x80: {  	_ =	shalt  }
0x81: {  	_ =	shalt  }
0x82: {  	_ =	shalt  }
0x83: {  	_ =	shalt  }
0x84: {  	_ =	shalt  }
0x85: {  	_ =	shalt  }
0x86: {  	_ =	shalt  }
0x87: {  	_ =	shalt  }
.Lfunc_end0:
.L_simem_size_0:
called_computation.1_lowered:
.L_overlay_start_0:
0x88: {  	s2 =	sld [smem:$0x3FD9]  }
0x89: {  	s3 =	sld [smem:$0x3FFE];
	_ =	sdelay $0x1  }
0x8a: {  	s1 =	srdreg.scid  }
0x8b: {  	s0 =	sand.u32 $0x1, s1  }
0x8c: {  	s17 =	sshll.u32 s0, $0xA;
	s2 =	sadd.s32 s3, s2  }
0x8d: {  	s2 =	sadd.s32 s2, s17  }
0x8e: {  	[smem:$0x3FC4] =	sst s2  }
0x8f: {  	_ = 	snop  }
0x90: {  	s2 =	sld [smem:$0x3FD0];
	(tm) =	ssettm $0x1  }
0x91: {  	s18 =	sld [smem:$0x3FFB];
	_ =	sdelay $0x3  }
0x92: {  	_ =	strace s18  }
0x93: {  	s3 =	sld [smem:$0x3FFC];
	_ =	sdelay $0x3  }
0x94: {  	_ =	strace s3  }
0x95: {  	s3 =	sld [smem:$0x3FFD];
	_ =	sdelay $0x3  }
0x96: {  	_ =	strace s3  }
0x97: {  	_ =	strace $0x8FFFFFFF  }
0x98: {  	s19 =	sld [smem:$0x3FDB];
	_ =	sdelay $0x1  }
0x99: {  	s4 =	simm.s32 $_scs_section_size  }
0x9a: {  	s5 =	simm.s32 $_size__tile_overlayer_lowered;
	s6 =	simm.s32 $_tile_overlayer_lowered  }
0x9b: {  	s22 =	simm.s32 $0x1BFF;
	s21 =	sshll.u32 s6, $0x1;
	s3 =	sadd.s32 s4, s19  }
0x9c: {  	s7 =	simm.s32 $0x0;
	s20 =	sshll.u32 s5, $0x1;
	s5 =	sadd.s32 s21, s3  }
0x9d: {  	[timem:s7], [sflag:s22] =	dma.local [hbm:s5], s20  }
0x9e: {  	_ =	swait.ge [sflag:s22], s20  }
0x9f: {  	s4 =	ssub.s32 $0x0, s20;
	[sflag:s22] =	ssyncset.done $0x0  }
0xa0: {  	[sflag:s22] =	ssyncadd.s32 s4;
	_ =	sdelay $0x1  }
0xa1: {  	s23 =	simm.s32 $0x1B8B  }
0xa2: {  	_ =	swait.ge [sflag:s23], $0x1  }
0xa3: {  	[sflag:s23] =	ssyncset.done $0x0  }
0xa4: {  	s25 =	simm.s32 $0x1B8E;
	s24 =	sld [smem:$0x3FFE];
	[sflag:s23] =	ssyncadd.s32 $0xFFFFFFFF  }
0xa5: {  	s26 =	simm.s32 $execute0_lowered;
	[smem:$0x3FD2] =	sst s25  }
0xa6: {  	s5 =	sshll.u32 s26, $0x1;
	_ =	strace $0x80000049;
	[dreg:$0x1] =	wrdreg $0xFFFFFFFF  }
0xa7: {  	s28 =	simm.s32 $_size_execute0_lowered;
	s3 =	sadd.s32 s3, s5;
	[dreg:$0x0] =	wrdreg $0x0  }
0xa8: {  	s5 =	sshll.u32 s28, $0x1;
	[dreg:$0x2] =	wrdreg s3  }
0xa9: {  	[dreg:$0x3] =	wrdreg s5  }
0xaa: {  	[dreg:$0x4] =	wrdreg $0xC0  }
0xab: {  	_ =	task [dreg:s7], $0x5FFFF  }
0xac: {  	[dreg:$0x1] =	wrdreg $0xFFFFFFFF  }
0xad: {  	[dreg:$0x0] =	wrdreg $0x60  }
0xae: {  	[dreg:$0x2] =	wrdreg s24  }
0xaf: {  	[dreg:$0x3] =	wrdreg s2  }
0xb0: {  	[dreg:$0x4] =	wrdreg $0x9  }
0xb1: {  	_ =	task.clear_ibuf [dreg:s7], $0x5FFFF;
	_ =	strace $0x90000049  }
0xb2: {  	s29 =	simm.s32 $0x9;
	_ =	strace $0x8000004B  }
0xb3: {  	_ =	swait.ge [sflag:s29], $0x1  }
0xb4: {  	[sflag:s29] =	ssyncadd.s32 $0xFFFFFFFF  }
0xb5: {  	_ =	strace $0x9000004B  }
0xb6: {  	_ =	sfence  }
0xb7: {  	s30 =	sld [smem:$0x0];
	_ =	sdelay $0x2  }
0xb8: {  	s31 =	sshll.u32 s1, $0xD;
	s1 =	sshrl.u32 s1, $0x2  }
0xb9: {  	s3 =	sand.u32 $0x4000, s31;
	s1 =	sadd.s32 s1, s30  }
0xba: {  	s0 =	sor.u32 s3, s0;
	s1 =	sshll.u32 s1, $0x11  }
0xbb: {  	s0 =	sor.u32 s1, s0  }
0xbc: {  	s0 =	sadd.s32 $0x8F2B, s0  }
0xbd: {  	[sflag:s0] =	ssyncadd.remote.s32 $0x1  }
0xbe: {  	_ =	sfence.sel $0xFFFF  }
0xbf: {  	[dreg:$0x0] =	wrdreg $0xFFFFFFFF;
	(pc) =	sbr.abs _section_cstart, $3  }
0xc0: {  	[dreg:$0x1] =	wrdreg $0xFFFFFFFF  }
0xc1: {  	_ =	task.clear_ibuf [dreg:s7], $0x2FFFF;
	_ =	strace $0x9FFFFFFF  }
0xc2: {  	(tm) =	ssettm $0x7FFFFFFF  }
0xc3: {  	_ =	shalt  }
tec
execute0_lowered:
.L_overlay_start_1:
0x0: {  	(tag) =	ssettag $0x1  }
0x1: {  	s0 =	rddreg [dreg:$0x0]  }
0x2: {  	s1 =	rddreg [dreg:$0x1]  }
0x3: {  	s3 =	srdreg.scid;
	s2 =	simm.s32 $0x0;
	s4 =	stileid.u32  }
0x4: {  	s11 =	simm.s32 $0x4100;
	s28 =	simm.s32 $0xF900;
	s29 =	simm.s32 $0x1  }
0x5: {  	s30 =	simm.s32 $0x3;
	s31 =	simm.s32 $0x5;
	s3 =	sand.u32 $0x1, s3  }
0x6: {  	[smem:$0x7FF] =	sst s2;
	s4 =	sshll.u32 s4, $0x8;
	s5 =	sshll.u32 s3, $0x7  }
0x7: {  	s9 =	sadd.s32 $0x141900, s0;
	_ =	strace $0x8000004A;
	s4 =	sor.u32 s5, s4  }
0x8: {  	s6 =	ssub.s32 $0x2, s3;
	s3 =	sadd.s32 $0x141600, s0;
	s7 =	sshrl.u32 s4, $0x3  }
0x9: {  	s17 =	sshrl.u32 s6, $0x1;
	s4 =	sshll.u32 s4, $0x7;
	s7 =	sadd.s32 s0, s7  }
0xa: {  	s8 =	ssub.s32 s6, s17;
	s1 =	sadd.s32 s1, s4;
	[dreg:$0x3] =	wrdreg s7  }
0xb: {  	s5 =	sadd.s32 $0x141700, s0;
	s26 =	smax.u32 s8, $0x1;
	[dreg:$0x4] =	wrdreg s1  }
0xc: {  	s6 =	sadd.s32 $0x141800, s0;
	s18 =	sadd.s32 $0x200, s7;
	[dreg:$0xd] =	wrdreg s26  }
0xd: {  	s17 =	simm.s32 $0x7100;
	s19 =	sadd.s32 $0x800, s1;
	[dreg:$0x5] =	wrdreg s18  }
0xe: {  	s4 =	simm.s32 $0x7900;
	s20 =	sadd.s32 $0x1000, s1;
	[dreg:$0x6] =	wrdreg s19  }
0xf: {  	s0 =	simm.s32 $0x2;
	s21 =	sadd.s32 $0x1800, s1;
	[dreg:$0x7] =	wrdreg s20  }
0x10: {  	s8 =	simm.s32 $0x0;
	s22 =	sadd.s32 $0x2000, s1;
	[dreg:$0x8] =	wrdreg s21  }
0x11: {  	s23 =	sadd.s32 $0x2800, s1;
	s24 =	sadd.s32 $0x3000, s1;
	[dreg:$0x9] =	wrdreg s22  }
0x12: {  	s25 =	sadd.s32 $0x3800, s1;
	s7 =	simm.s32 $0xC100;
	[dreg:$0xa] =	wrdreg s23  }
0x13: {  	s26 =	simm.s32 $0xF100;
	s1 =	simm.s32 $0x4;
	[dreg:$0xb] =	wrdreg s24  }
0x14: {  	v2 =	vlaneseq.u32;
	[dreg:$0xc] =	wrdreg s25;
	s18 =	simm.s32 $0x7;
	s20 =	simm.s32 $0x100  }
0x15: {  	vm0 =	vmmov $0xffff;
	v1 =	vshrl.u32 v2, $0x3;
	s21 =	simm.s32 $0xC900;
	s22 =	simm.s32 $0xD100;
	s23 =	simm.s32 $0xD900  }
0x16: {  	v0 =	vand.u32 $0x7, v2;
	v2 =	vor.u32 $0x8, v2;
	v1 =	vmul.u32 $0x8, v1;
	s24 =	simm.s32 $0xE100;
	s25 =	simm.s32 $0xE900;
	s19 =	simm.s32 $0x6  }
.LBB2_1:
0x17: {  	s10 =	rddreg [dreg:$0x5]  }
0x18: {  	[tilespmem:s2], [sflag:$0x7] =	stream.linear.gather [hbm4b:s10+s2], $0x80, $0x38;
	[tilespmem:$0x10100] =	vst v63  }
0x19: {  	_ =	swait.ge [sflag:s18], $0x80  }
0x1a: {  	[sflag:s18] =	ssyncset.done $0x0  }
0x1b: {  	s12 =	simm.s32 $0x80;
	s13 =	rddreg [dreg:$0x3];
	[sflag:s18] =	ssyncadd.s32 $0xFFFFFF80  }
0x1c: {  	[tilespmem:s12], [sflag:$0x7] =	stream.linear.gather [hbm4b:s13+s2], $0x80, $0x38;
	[tilespmem:$0x10100] =	vst v63  }
0x1d: {  	_ =	swait.ge [sflag:s18], $0x80  }
0x1e: {  	[sflag:s18] =	ssyncset.done $0x0  }
0x1f: {  	[sflag:s18] =	ssyncadd.s32 $0xFFFFFF80  }
0x20: {  	v3 =	vld [tilespmem:$0x0];
	_ =	sdelay $0x4  }
0x21: {  	v4 =	vshll.u32 v3, $0x3  }
0x22: {  	v3 =	vand.u32 $0x7, v3;
	v4 =	vand.u32 $0xFFFFFFC0, v4  }
0x23: {  	v3 =	vor.u32 v3, v4  }
0x24: {  	v4 =	vperm.xlane v3, v0;
	_ =	sdelay $0x1  }
0x25: {  	v4 =	vadd.s32 v1, v4;
	_ =	sdelay $0x4  }
0x26: {  	[tilespmem:s20], [sflag:$0x1] =	stream.indirect_vreg.gather [hbm4b:s3+s2], $0x80, v4, vm0, $0xb8;
	[tilespmem:$0x10100] =	vst v63  }
0x27: {  	s14 =	simm.s32 $0x900;
	v3 =	vperm.xlane v3, v2  }
0x28: {  	[tilespmem:s14], [sflag:$0x1] =	stream.indirect_vreg.gather [hbm4b:s5+s2], $0x80, v4, vm0, $0xb8;
	[tilespmem:$0x10100] =	vst v63  }
0x29: {  	s15 =	simm.s32 $0x1100;
	v3 =	vadd.s32 v1, v3  }
0x2a: {  	[tilespmem:s15], [sflag:$0x1] =	stream.indirect_vreg.gather [hbm4b:s6+s2], $0x80, v4, vm0, $0xb8;
	[tilespmem:$0x10100] =	vst v63  }
0x2b: {  	s16 =	simm.s32 $0x1900  }
0x2c: {  	[tilespmem:s16], [sflag:$0x1] =	stream.indirect_vreg.gather [hbm4b:s9+s2], $0x80, v4, vm0, $0xb8;
	[tilespmem:$0x10100] =	vst v63  }
0x2d: {  	s12 =	simm.s32 $0x2100  }
0x2e: {  	[tilespmem:s12], [sflag:$0x1] =	stream.indirect_vreg.gather [hbm4b:s3+s2], $0x80, v3, vm0, $0xb8;
	[tilespmem:$0x10100] =	vst v63  }
0x2f: {  	s13 =	simm.s32 $0x2900  }
0x30: {  	[tilespmem:s13], [sflag:$0x1] =	stream.indirect_vreg.gather [hbm4b:s5+s2], $0x80, v3, vm0, $0xb8;
	[tilespmem:$0x10100] =	vst v63  }
0x31: {  	s14 =	simm.s32 $0x3100  }
0x32: {  	[tilespmem:s14], [sflag:$0x1] =	stream.indirect_vreg.gather [hbm4b:s6+s2], $0x80, v3, vm0, $0xb8;
	[tilespmem:$0x10100] =	vst v63  }
0x33: {  	s15 =	simm.s32 $0x3900  }
0x34: {  	[tilespmem:s15], [sflag:$0x1] =	stream.indirect_vreg.gather [hbm4b:s9+s2], $0x80, v3, vm0, $0xb8;
	[tilespmem:$0x10100] =	vst v63  }
0x35: {  	v3 =	vld [tilespmem:$0x80];
	_ =	sdelay $0x4  }
0x36: {  	v4 =	vshll.u32 v3, $0x3  }
0x37: {  	v3 =	vand.u32 $0x7, v3;
	v4 =	vand.u32 $0xFFFFFFC0, v4  }
0x38: {  	v3 =	vor.u32 v3, v4  }
0x39: {  	v4 =	vperm.xlane v3, v0;
	_ =	sdelay $0x1  }
0x3a: {  	v4 =	vadd.s32 v1, v4;
	_ =	sdelay $0x3  }
0x3b: {  	s16 =	simm.s32 $0x8100  }
0x3c: {  	[tilespmem:s16], [sflag:$0x3] =	stream.indirect_vreg.gather [hbm4b:s3+s2], $0x80, v4, vm0, $0xb8;
	[tilespmem:$0x10100] =	vst v63  }
0x3d: {  	s12 =	simm.s32 $0x8900;
	v3 =	vperm.xlane v3, v2  }
0x3e: {  	[tilespmem:s12], [sflag:$0x3] =	stream.indirect_vreg.gather [hbm4b:s5+s2], $0x80, v4, vm0, $0xb8;
	[tilespmem:$0x10100] =	vst v63  }
0x3f: {  	s13 =	simm.s32 $0x9100;
	v3 =	vadd.s32 v1, v3  }
0x40: {  	[tilespmem:s13], [sflag:$0x3] =	stream.indirect_vreg.gather [hbm4b:s6+s2], $0x80, v4, vm0, $0xb8;
	[tilespmem:$0x10100] =	vst v63  }
0x41: {  	s14 =	simm.s32 $0x9900  }
0x42: {  	[tilespmem:s14], [sflag:$0x3] =	stream.indirect_vreg.gather [hbm4b:s9+s2], $0x80, v4, vm0, $0xb8;
	[tilespmem:$0x10100] =	vst v63  }
0x43: {  	s15 =	simm.s32 $0xA100  }
0x44: {  	[tilespmem:s15], [sflag:$0x3] =	stream.indirect_vreg.gather [hbm4b:s3+s2], $0x80, v3, vm0, $0xb8;
	[tilespmem:$0x10100] =	vst v63  }
0x45: {  	s16 =	simm.s32 $0xA900  }
0x46: {  	[tilespmem:s16], [sflag:$0x3] =	stream.indirect_vreg.gather [hbm4b:s5+s2], $0x80, v3, vm0, $0xb8;
	[tilespmem:$0x10100] =	vst v63  }
0x47: {  	s12 =	simm.s32 $0xB100  }
0x48: {  	[tilespmem:s12], [sflag:$0x3] =	stream.indirect_vreg.gather [hbm4b:s6+s2], $0x80, v3, vm0, $0xb8;
	[tilespmem:$0x10100] =	vst v63  }
0x49: {  	s13 =	simm.s32 $0xB900  }
0x4a: {  	[tilespmem:s13], [sflag:$0x3] =	stream.indirect_vreg.gather [hbm4b:s9+s2], $0x80, v3, vm0, $0xb8;
	[tilespmem:$0x10100] =	vst v63  }
0x4b: {  	v3 =	vld [tilespmem:$0x10];
	_ =	sdelay $0x4  }
0x4c: {  	v4 =	vshll.u32 v3, $0x3  }
0x4d: {  	v3 =	vand.u32 $0x7, v3;
	v4 =	vand.u32 $0xFFFFFFC0, v4  }
0x4e: {  	v3 =	vor.u32 v3, v4  }
0x4f: {  	v4 =	vperm.xlane v3, v0;
	_ =	sdelay $0x1  }
0x50: {  	v4 =	vadd.s32 v1, v4;
	_ =	sdelay $0x4  }
0x51: {  	[tilespmem:s11], [sflag:$0x2] =	stream.indirect_vreg.gather [hbm4b:s3+s2], $0x80, v4, vm0, $0xb8;
	[tilespmem:$0x10100] =	vst v63  }
0x52: {  	s14 =	simm.s32 $0x4900;
	v3 =	vperm.xlane v3, v2  }
0x53: {  	[tilespmem:s14], [sflag:$0x2] =	stream.indirect_vreg.gather [hbm4b:s5+s2], $0x80, v4, vm0, $0xb8;
	[tilespmem:$0x10100] =	vst v63  }
0x54: {  	s15 =	simm.s32 $0x5100;
	v3 =	vadd.s32 v1, v3  }
0x55: {  	[tilespmem:s15], [sflag:$0x2] =	stream.indirect_vreg.gather [hbm4b:s6+s2], $0x80, v4, vm0, $0xb8;
	[tilespmem:$0x10100] =	vst v63  }
0x56: {  	s16 =	simm.s32 $0x5900  }
0x57: {  	[tilespmem:s16], [sflag:$0x2] =	stream.indirect_vreg.gather [hbm4b:s9+s2], $0x80, v4, vm0, $0xb8;
	[tilespmem:$0x10100] =	vst v63  }
0x58: {  	s12 =	simm.s32 $0x6100  }
0x59: {  	[tilespmem:s12], [sflag:$0x2] =	stream.indirect_vreg.gather [hbm4b:s3+s2], $0x80, v3, vm0, $0xb8;
	[tilespmem:$0x10100] =	vst v63  }
0x5a: {  	s13 =	simm.s32 $0x6900  }
0x5b: {  	[tilespmem:s13], [sflag:$0x2] =	stream.indirect_vreg.gather [hbm4b:s5+s2], $0x80, v3, vm0, $0xb8;
	[tilespmem:$0x10100] =	vst v63  }
0x5c: {  	_ = 	snop  }
0x5d: {  	[tilespmem:s17], [sflag:$0x2] =	stream.indirect_vreg.gather [hbm4b:s6+s2], $0x80, v3, vm0, $0xb8;
	[tilespmem:$0x10100] =	vst v63  }
0x5e: {  	_ = 	snop  }
0x5f: {  	[tilespmem:s4], [sflag:$0x2] =	stream.indirect_vreg.gather [hbm4b:s9+s2], $0x80, v3, vm0, $0xb8;
	[tilespmem:$0x10100] =	vst v63  }
0x60: {  	v3 =	vld [tilespmem:$0x90];
	_ =	sdelay $0x4  }
0x61: {  	v4 =	vshll.u32 v3, $0x3  }
0x62: {  	v3 =	vand.u32 $0x7, v3;
	v4 =	vand.u32 $0xFFFFFFC0, v4  }
0x63: {  	v3 =	vor.u32 v3, v4  }
0x64: {  	v4 =	vperm.xlane v3, v0;
	_ =	sdelay $0x1  }
0x65: {  	v4 =	vadd.s32 v1, v4;
	_ =	sdelay $0x4  }
0x66: {  	[tilespmem:s7], [sflag:$0x4] =	stream.indirect_vreg.gather [hbm4b:s3+s2], $0x80, v4, vm0, $0xb8;
	[tilespmem:$0x10100] =	vst v63  }
0x67: {  	v3 =	vperm.xlane v3, v2  }
0x68: {  	[tilespmem:s21], [sflag:$0x4] =	stream.indirect_vreg.gather [hbm4b:s5+s2], $0x80, v4, vm0, $0xb8;
	[tilespmem:$0x10100] =	vst v63  }
0x69: {  	v3 =	vadd.s32 v1, v3  }
0x6a: {  	[tilespmem:s22], [sflag:$0x4] =	stream.indirect_vreg.gather [hbm4b:s6+s2], $0x80, v4, vm0, $0xb8;
	[tilespmem:$0x10100] =	vst v63  }
0x6b: {  	_ = 	snop  }
0x6c: {  	[tilespmem:s23], [sflag:$0x4] =	stream.indirect_vreg.gather [hbm4b:s9+s2], $0x80, v4, vm0, $0xb8;
	[tilespmem:$0x10100] =	vst v63  }
0x6d: {  	_ = 	snop  }
0x6e: {  	[tilespmem:s24], [sflag:$0x4] =	stream.indirect_vreg.gather [hbm4b:s3+s2], $0x80, v3, vm0, $0xb8;
	[tilespmem:$0x10100] =	vst v63  }
0x6f: {  	_ = 	snop  }
0x70: {  	[tilespmem:s25], [sflag:$0x4] =	stream.indirect_vreg.gather [hbm4b:s5+s2], $0x80, v3, vm0, $0xb8;
	[tilespmem:$0x10100] =	vst v63  }
0x71: {  	_ = 	snop  }
0x72: {  	[tilespmem:s26], [sflag:$0x4] =	stream.indirect_vreg.gather [hbm4b:s6+s2], $0x80, v3, vm0, $0xb8;
	[tilespmem:$0x10100] =	vst v63  }
0x73: {  	_ = 	snop  }
0x74: {  	[tilespmem:s28], [sflag:$0x4] =	stream.indirect_vreg.gather [hbm4b:s9+s2], $0x80, v3, vm0, $0xb8;
	[tilespmem:$0x10100] =	vst v63  }
0x75: {  	_ =	swait.ge [sflag:s29], $0x4000  }
0x76: {  	s14 =	simm.s32 $0x0;
	[sflag:s29] =	ssyncset.done $0x0  }
0x77: {  	s10 =	sand.u32 $0x2000, s14;
	[sflag:s29] =	ssyncadd.s32 $0xFFFFC000  }
0x78: {  	s15 =	sand.u32 $0x1C00, s2;
	s13 =	simm.s32 $0x0;
	_ =	swait.ge [sflag:s30], $0x4000  }
0x79: {  	s10 =	sor.u32 s15, s10;
	s16 =	sand.u32 $0x380, s13;
	[sflag:s30] =	ssyncset.done $0x0  }
0x7a: {  	s10 =	sor.u32 s16, s10;
	[sflag:s30] =	ssyncadd.s32 $0xFFFFC000  }
0x7b: {  	v10 =	vld [tilespmem:s10+$0x8100]  }
0x7c: {  	v9 =	vld [tilespmem:s10+$0x8110]  }
0x7d: {  	v8 =	vld [tilespmem:s10+$0x8120]  }
0x7e: {  	v7 =	vld [tilespmem:s10+$0x8130]  }
0x7f: {  	v6 =	vld [tilespmem:s10+$0x8140]  }
0x80: {  	v5 =	vld [tilespmem:s10+$0x8150]  }
0x81: {  	v4 =	vld [tilespmem:s10+$0x8160]  }
0x82: {  	v3 =	vld [tilespmem:s10+$0x8170]  }
0x83: {  	v13 =	vld [tilespmem:s10+$0x100]  }
0x84: {  	v12 =	vld [tilespmem:s10+$0x110]  }
0x85: {  	s12 =	simm.s32 $0x0;
	s13 =	simm.s32 $0x0;
	v11 =	vld [tilespmem:s10+$0x120]  }
.LBB2_2:
0x86: {  	s12 =	sadd.s32 $0x8, s12;
	v14 =	vld [tilespmem:s10+$0x130]  }
0x87: {  	s13 =	sadd.s32 $0x400, s13;
	s14 =	sshll.u32 s12, $0x4;
	p0 =	slt.u32 s12, $0x3F8;
	v15 =	vld [tilespmem:s10+$0x140]  }
0x88: {  	s15 =	sand.u32 $0x1C00, s13;
	s16 =	sshll.u32 s12, $0x1;
	s14 =	sand.u32 $0x2000, s14;
	v10 =	vadd.f32 v10, v13;
	v13 =	vld [tilespmem:s10+$0x150]  }
0x89: {  	s14 =	sor.u32 s15, s14;
	s15 =	sand.u32 $0x380, s16;
	v9 =	vadd.f32 v9, v12;
	v12 =	vld [tilespmem:s10+$0x160]  }
0x8a: {  	s14 =	sor.u32 s15, s14;
	[tilespmem:s10+$0x100] =	vst v10;
	v8 =	vadd.f32 v8, v11;
	v11 =	vld [tilespmem:s10+$0x170]  }
0x8b: {  	v10 =	vld [tilespmem:s14+$0x8100];
	[tilespmem:s10+$0x110] =	vst v9;
	v7 =	vadd.f32 v7, v14  }
0x8c: {  	v9 =	vld [tilespmem:s14+$0x8110];
	[tilespmem:s10+$0x120] =	vst v8;
	v6 =	vadd.f32 v6, v15  }
0x8d: {  	v8 =	vld [tilespmem:s14+$0x8120];
	[tilespmem:s10+$0x130] =	vst v7;
	v5 =	vadd.f32 v5, v13  }
0x8e: {  	v7 =	vld [tilespmem:s14+$0x8130];
	[tilespmem:s10+$0x140] =	vst v6;
	v4 =	vadd.f32 v4, v12  }
0x8f: {  	v6 =	vld [tilespmem:s14+$0x8140];
	[tilespmem:s10+$0x150] =	vst v5;
	v3 =	vadd.f32 v3, v11  }
0x90: {  	v5 =	vld [tilespmem:s14+$0x8150];
	[tilespmem:s10+$0x160] =	vst v4  }
.Ltmp0:
0x91: {  	v4 =	vld [tilespmem:s14+$0x8160];
	[tilespmem:s10+$0x170] =	vst v3;
	s10 =	smov.u32 s14;
	(pc) =	sbr.rel @p0 .LBB2_2-.Ltmp0, $4  }
0x92: {  	v3 =	vld [tilespmem:s10+$0x8170]  }
0x93: {  	v13 =	vld [tilespmem:s10+$0x100]  }
0x94: {  	v12 =	vld [tilespmem:s10+$0x110]  }
0x95: {  	v11 =	vld [tilespmem:s10+$0x120]  }
0x96: {  	v14 =	vld [tilespmem:s10+$0x130]  }
0x97: {  	v15 =	vld [tilespmem:s10+$0x140]  }
0x98: {  	v10 =	vadd.f32 v10, v13;
	v13 =	vld [tilespmem:s10+$0x150]  }
0x99: {  	v9 =	vadd.f32 v9, v12;
	v12 =	vld [tilespmem:s10+$0x160]  }
0x9a: {  	[tilespmem:s10+$0x100] =	vst v10;
	v8 =	vadd.f32 v8, v11;
	v10 =	vld [tilespmem:s10+$0x170]  }
0x9b: {  	[tilespmem:s10+$0x110] =	vst v9;
	v7 =	vadd.f32 v7, v14  }
0x9c: {  	v6 =	vadd.f32 v6, v15;
	[tilespmem:s10+$0x120] =	vst v8  }
0x9d: {  	[tilespmem:s10+$0x130] =	vst v7;
	v5 =	vadd.f32 v5, v13  }
0x9e: {  	[tilespmem:s10+$0x140] =	vst v6;
	v4 =	vadd.f32 v4, v12  }
0x9f: {  	[tilespmem:s10+$0x150] =	vst v5;
	v3 =	vadd.f32 v3, v10  }
0xa0: {  	[tilespmem:s10+$0x160] =	vst v4  }
0xa1: {  	s12 =	rddreg [dreg:$0x4];
	[tilespmem:s10+$0x170] =	vst v3;
	s10 =	simm.s32 $0x0  }
0xa2: {  	[hbm4b:s12+s10] =	stream.linear.scatter [tilespmem:s20], [sflag:$0x5], $0x4000, $0x38;
	[tilespmem:$0x10100] =	vst v63  }
0xa3: {  	_ =	swait.ge [sflag:s31], $0x4000  }
0xa4: {  	[sflag:s31] =	ssyncset.done $0x0  }
0xa5: {  	[sflag:s31] =	ssyncadd.s32 $0xFFFFC000  }
0xa6: {  	v3 =	vld [tilespmem:$0x20];
	_ =	sdelay $0x4  }
0xa7: {  	v4 =	vshll.u32 v3, $0x3  }
0xa8: {  	v3 =	vand.u32 $0x7, v3;
	v4 =	vand.u32 $0xFFFFFFC0, v4  }
0xa9: {  	v3 =	vor.u32 v3, v4  }
0xaa: {  	v4 =	vperm.xlane v3, v0;
	_ =	sdelay $0x1  }
0xab: {  	v4 =	vadd.s32 v1, v4;
	_ =	sdelay $0x4  }
0xac: {  	[tilespmem:s20], [sflag:$0x1] =	stream.indirect_vreg.gather [hbm4b:s3+s10], $0x80, v4, vm0, $0xb8;
	[tilespmem:$0x10100] =	vst v63  }
0xad: {  	s16 =	simm.s32 $0x900;
	v3 =	vperm.xlane v3, v2  }
0xae: {  	[tilespmem:s16], [sflag:$0x1] =	stream.indirect_vreg.gather [hbm4b:s5+s10], $0x80, v4, vm0, $0xb8;
	[tilespmem:$0x10100] =	vst v63  }
0xaf: {  	s13 =	simm.s32 $0x1100;
	v3 =	vadd.s32 v1, v3  }
0xb0: {  	[tilespmem:s13], [sflag:$0x1] =	stream.indirect_vreg.gather [hbm4b:s6+s10], $0x80, v4, vm0, $0xb8;
	[tilespmem:$0x10100] =	vst v63  }
0xb1: {  	s14 =	simm.s32 $0x1900  }
0xb2: {  	[tilespmem:s14], [sflag:$0x1] =	stream.indirect_vreg.gather [hbm4b:s9+s10], $0x80, v4, vm0, $0xb8;
	[tilespmem:$0x10100] =	vst v63  }
0xb3: {  	s15 =	simm.s32 $0x2100  }
0xb4: {  	[tilespmem:s15], [sflag:$0x1] =	stream.indirect_vreg.gather [hbm4b:s3+s10], $0x80, v3, vm0, $0xb8;
	[tilespmem:$0x10100] =	vst v63  }
0xb5: {  	s16 =	simm.s32 $0x2900  }
0xb6: {  	[tilespmem:s16], [sflag:$0x1] =	stream.indirect_vreg.gather [hbm4b:s5+s10], $0x80, v3, vm0, $0xb8;
	[tilespmem:$0x10100] =	vst v63  }
0xb7: {  	s13 =	simm.s32 $0x3100  }
0xb8: {  	[tilespmem:s13], [sflag:$0x1] =	stream.indirect_vreg.gather [hbm4b:s6+s10], $0x80, v3, vm0, $0xb8;
	[tilespmem:$0x10100] =	vst v63  }
0xb9: {  	s14 =	simm.s32 $0x3900  }
0xba: {  	[tilespmem:s14], [sflag:$0x1] =	stream.indirect_vreg.gather [hbm4b:s9+s10], $0x80, v3, vm0, $0xb8;
	[tilespmem:$0x10100] =	vst v63  }
0xbb: {  	v3 =	vld [tilespmem:$0xA0];
	_ =	sdelay $0x4  }
0xbc: {  	v4 =	vshll.u32 v3, $0x3  }
0xbd: {  	v3 =	vand.u32 $0x7, v3;
	v4 =	vand.u32 $0xFFFFFFC0, v4  }
0xbe: {  	v3 =	vor.u32 v3, v4  }
0xbf: {  	v4 =	vperm.xlane v3, v0;
	_ =	sdelay $0x1  }
0xc0: {  	v4 =	vadd.s32 v1, v4;
	_ =	sdelay $0x3  }
0xc1: {  	s15 =	simm.s32 $0x8100  }
0xc2: {  	[tilespmem:s15], [sflag:$0x3] =	stream.indirect_vreg.gather [hbm4b:s3+s10], $0x80, v4, vm0, $0xb8;
	[tilespmem:$0x10100] =	vst v63  }
0xc3: {  	s16 =	simm.s32 $0x8900;
	v3 =	vperm.xlane v3, v2  }
0xc4: {  	[tilespmem:s16], [sflag:$0x3] =	stream.indirect_vreg.gather [hbm4b:s5+s10], $0x80, v4, vm0, $0xb8;
	[tilespmem:$0x10100] =	vst v63  }
0xc5: {  	s13 =	simm.s32 $0x9100;
	v3 =	vadd.s32 v1, v3  }
0xc6: {  	[tilespmem:s13], [sflag:$0x3] =	stream.indirect_vreg.gather [hbm4b:s6+s10], $0x80, v4, vm0, $0xb8;
	[tilespmem:$0x10100] =	vst v63  }
0xc7: {  	s14 =	simm.s32 $0x9900  }
0xc8: {  	[tilespmem:s14], [sflag:$0x3] =	stream.indirect_vreg.gather [hbm4b:s9+s10], $0x80, v4, vm0, $0xb8;
	[tilespmem:$0x10100] =	vst v63  }
0xc9: {  	s15 =	simm.s32 $0xA100  }
0xca: {  	[tilespmem:s15], [sflag:$0x3] =	stream.indirect_vreg.gather [hbm4b:s3+s10], $0x80, v3, vm0, $0xb8;
	[tilespmem:$0x10100] =	vst v63  }
0xcb: {  	s16 =	simm.s32 $0xA900  }
0xcc: {  	[tilespmem:s16], [sflag:$0x3] =	stream.indirect_vreg.gather [hbm4b:s5+s10], $0x80, v3, vm0, $0xb8;
	[tilespmem:$0x10100] =	vst v63  }
0xcd: {  	s13 =	simm.s32 $0xB100  }
0xce: {  	[tilespmem:s13], [sflag:$0x3] =	stream.indirect_vreg.gather [hbm4b:s6+s10], $0x80, v3, vm0, $0xb8;
	[tilespmem:$0x10100] =	vst v63  }
0xcf: {  	s14 =	simm.s32 $0xB900  }
0xd0: {  	[tilespmem:s14], [sflag:$0x3] =	stream.indirect_vreg.gather [hbm4b:s9+s10], $0x80, v3, vm0, $0xb8;
	[tilespmem:$0x10100] =	vst v63  }
0xd1: {  	_ =	swait.ge [sflag:s0], $0x4000  }
0xd2: {  	s15 =	simm.s32 $0x0;
	[sflag:s0] =	ssyncset.done $0x0  }
0xd3: {  	s12 =	sand.u32 $0x2000, s15;
	[sflag:s0] =	ssyncadd.s32 $0xFFFFC000  }
0xd4: {  	s13 =	sand.u32 $0x1C00, s10;
	s14 =	simm.s32 $0x0;
	_ =	swait.ge [sflag:s1], $0x4000  }
0xd5: {  	s12 =	sor.u32 s13, s12;
	s16 =	sand.u32 $0x380, s14;
	[sflag:s1] =	ssyncset.done $0x0  }
0xd6: {  	s12 =	sor.u32 s16, s12;
	[sflag:s1] =	ssyncadd.s32 $0xFFFFC000  }
0xd7: {  	v10 =	vld [tilespmem:s12+$0xC100]  }
0xd8: {  	v9 =	vld [tilespmem:s12+$0xC110]  }
0xd9: {  	v8 =	vld [tilespmem:s12+$0xC120]  }
0xda: {  	v7 =	vld [tilespmem:s12+$0xC130]  }
0xdb: {  	v6 =	vld [tilespmem:s12+$0xC140]  }
0xdc: {  	v5 =	vld [tilespmem:s12+$0xC150]  }
0xdd: {  	v4 =	vld [tilespmem:s12+$0xC160]  }
0xde: {  	v3 =	vld [tilespmem:s12+$0xC170]  }
0xdf: {  	v13 =	vld [tilespmem:s12+$0x4100]  }
0xe0: {  	v12 =	vld [tilespmem:s12+$0x4110]  }
0xe1: {  	s13 =	simm.s32 $0x0;
	v11 =	vld [tilespmem:s12+$0x4120]  }
.LBB2_4:
0xe2: {  	s13 =	sadd.s32 $0x8, s13;
	v14 =	vld [tilespmem:s12+$0x4130]  }
0xe3: {  	s10 =	sadd.s32 $0x400, s10;
	s14 =	sshll.u32 s13, $0x4;
	p0 =	slt.u32 s13, $0x3F8;
	v15 =	vld [tilespmem:s12+$0x4140]  }
0xe4: {  	s15 =	sand.u32 $0x1C00, s10;
	s16 =	sshll.u32 s13, $0x1;
	s14 =	sand.u32 $0x2000, s14;
	v10 =	vadd.f32 v10, v13;
	v13 =	vld [tilespmem:s12+$0x4150]  }
0xe5: {  	s14 =	sor.u32 s15, s14;
	s15 =	sand.u32 $0x380, s16;
	v9 =	vadd.f32 v9, v12;
	v12 =	vld [tilespmem:s12+$0x4160]  }
0xe6: {  	s14 =	sor.u32 s15, s14;
	[tilespmem:s12+$0x4100] =	vst v10;
	v8 =	vadd.f32 v8, v11;
	v11 =	vld [tilespmem:s12+$0x4170]  }
0xe7: {  	v10 =	vld [tilespmem:s14+$0xC100];
	[tilespmem:s12+$0x4110] =	vst v9;
	v7 =	vadd.f32 v7, v14  }
0xe8: {  	v9 =	vld [tilespmem:s14+$0xC110];
	[tilespmem:s12+$0x4120] =	vst v8;
	v6 =	vadd.f32 v6, v15  }
0xe9: {  	v8 =	vld [tilespmem:s14+$0xC120];
	[tilespmem:s12+$0x4130] =	vst v7;
	v5 =	vadd.f32 v5, v13  }
0xea: {  	v7 =	vld [tilespmem:s14+$0xC130];
	[tilespmem:s12+$0x4140] =	vst v6;
	v4 =	vadd.f32 v4, v12  }
0xeb: {  	v6 =	vld [tilespmem:s14+$0xC140];
	[tilespmem:s12+$0x4150] =	vst v5;
	v3 =	vadd.f32 v3, v11  }
0xec: {  	v5 =	vld [tilespmem:s14+$0xC150];
	[tilespmem:s12+$0x4160] =	vst v4  }
.Ltmp1:
0xed: {  	v4 =	vld [tilespmem:s14+$0xC160];
	[tilespmem:s12+$0x4170] =	vst v3;
	s12 =	smov.u32 s14;
	(pc) =	sbr.rel @p0 .LBB2_4-.Ltmp1, $4  }
0xee: {  	v3 =	vld [tilespmem:s12+$0xC170]  }
0xef: {  	v13 =	vld [tilespmem:s12+$0x4100]  }
0xf0: {  	v12 =	vld [tilespmem:s12+$0x4110]  }
0xf1: {  	v11 =	vld [tilespmem:s12+$0x4120]  }
0xf2: {  	v14 =	vld [tilespmem:s12+$0x4130]  }
0xf3: {  	v15 =	vld [tilespmem:s12+$0x4140]  }
0xf4: {  	v10 =	vadd.f32 v10, v13;
	v13 =	vld [tilespmem:s12+$0x4150]  }
0xf5: {  	v9 =	vadd.f32 v9, v12;
	v12 =	vld [tilespmem:s12+$0x4160]  }
0xf6: {  	[tilespmem:s12+$0x4100] =	vst v10;
	v8 =	vadd.f32 v8, v11;
	v10 =	vld [tilespmem:s12+$0x4170]  }
0xf7: {  	[tilespmem:s12+$0x4110] =	vst v9;
	v7 =	vadd.f32 v7, v14  }
0xf8: {  	v6 =	vadd.f32 v6, v15;
	[tilespmem:s12+$0x4120] =	vst v8  }
0xf9: {  	[tilespmem:s12+$0x4130] =	vst v7;
	v5 =	vadd.f32 v5, v13  }
0xfa: {  	[tilespmem:s12+$0x4140] =	vst v6;
	v4 =	vadd.f32 v4, v12  }
0xfb: {  	[tilespmem:s12+$0x4150] =	vst v5;
	v3 =	vadd.f32 v3, v10  }
0xfc: {  	[tilespmem:s12+$0x4160] =	vst v4  }
0xfd: {  	s10 =	simm.s32 $0x0;
	s13 =	rddreg [dreg:$0x6];
	[tilespmem:s12+$0x4170] =	vst v3  }
0xfe: {  	[hbm4b:s13+s10] =	stream.linear.scatter [tilespmem:s11], [sflag:$0x6], $0x4000, $0x38;
	[tilespmem:$0x10100] =	vst v63  }
0xff: {  	_ =	swait.ge [sflag:s19], $0x4000  }
0x100: {  	[sflag:s19] =	ssyncset.done $0x0  }
0x101: {  	[sflag:s19] =	ssyncadd.s32 $0xFFFFC000  }
0x102: {  	v3 =	vld [tilespmem:$0x30];
	_ =	sdelay $0x4  }
0x103: {  	v4 =	vshll.u32 v3, $0x3  }
0x104: {  	v3 =	vand.u32 $0x7, v3;
	v4 =	vand.u32 $0xFFFFFFC0, v4  }
0x105: {  	v3 =	vor.u32 v3, v4  }
0x106: {  	v4 =	vperm.xlane v3, v0;
	_ =	sdelay $0x1  }
0x107: {  	v4 =	vadd.s32 v1, v4;
	_ =	sdelay $0x4  }
0x108: {  	[tilespmem:s11], [sflag:$0x2] =	stream.indirect_vreg.gather [hbm4b:s3+s10], $0x80, v4, vm0, $0xb8;
	[tilespmem:$0x10100] =	vst v63  }
0x109: {  	s14 =	simm.s32 $0x4900;
	v3 =	vperm.xlane v3, v2  }
0x10a: {  	[tilespmem:s14], [sflag:$0x2] =	stream.indirect_vreg.gather [hbm4b:s5+s10], $0x80, v4, vm0, $0xb8;
	[tilespmem:$0x10100] =	vst v63  }
0x10b: {  	s15 =	simm.s32 $0x5100;
	v3 =	vadd.s32 v1, v3  }
0x10c: {  	[tilespmem:s15], [sflag:$0x2] =	stream.indirect_vreg.gather [hbm4b:s6+s10], $0x80, v4, vm0, $0xb8;
	[tilespmem:$0x10100] =	vst v63  }
0x10d: {  	s16 =	simm.s32 $0x5900  }
0x10e: {  	[tilespmem:s16], [sflag:$0x2] =	stream.indirect_vreg.gather [hbm4b:s9+s10], $0x80, v4, vm0, $0xb8;
	[tilespmem:$0x10100] =	vst v63  }
0x10f: {  	s13 =	simm.s32 $0x6100  }
0x110: {  	[tilespmem:s13], [sflag:$0x2] =	stream.indirect_vreg.gather [hbm4b:s3+s10], $0x80, v3, vm0, $0xb8;
	[tilespmem:$0x10100] =	vst v63  }
0x111: {  	s14 =	simm.s32 $0x6900  }
0x112: {  	[tilespmem:s14], [sflag:$0x2] =	stream.indirect_vreg.gather [hbm4b:s5+s10], $0x80, v3, vm0, $0xb8;
	[tilespmem:$0x10100] =	vst v63  }
0x113: {  	_ = 	snop  }
0x114: {  	[tilespmem:s17], [sflag:$0x2] =	stream.indirect_vreg.gather [hbm4b:s6+s10], $0x80, v3, vm0, $0xb8;
	[tilespmem:$0x10100] =	vst v63  }
0x115: {  	_ = 	snop  }
0x116: {  	[tilespmem:s4], [sflag:$0x2] =	stream.indirect_vreg.gather [hbm4b:s9+s10], $0x80, v3, vm0, $0xb8;
	[tilespmem:$0x10100] =	vst v63  }
0x117: {  	v3 =	vld [tilespmem:$0xB0];
	_ =	sdelay $0x4  }
0x118: {  	v4 =	vshll.u32 v3, $0x3  }
0x119: {  	v3 =	vand.u32 $0x7, v3;
	v4 =	vand.u32 $0xFFFFFFC0, v4  }
0x11a: {  	v3 =	vor.u32 v3, v4  }
0x11b: {  	v4 =	vperm.xlane v3, v0;
	_ =	sdelay $0x1  }
0x11c: {  	v4 =	vadd.s32 v1, v4;
	_ =	sdelay $0x4  }
0x11d: {  	[tilespmem:s7], [sflag:$0x4] =	stream.indirect_vreg.gather [hbm4b:s3+s10], $0x80, v4, vm0, $0xb8;
	[tilespmem:$0x10100] =	vst v63  }
0x11e: {  	v3 =	vperm.xlane v3, v2  }
0x11f: {  	[tilespmem:s21], [sflag:$0x4] =	stream.indirect_vreg.gather [hbm4b:s5+s10], $0x80, v4, vm0, $0xb8;
	[tilespmem:$0x10100] =	vst v63  }
0x120: {  	v3 =	vadd.s32 v1, v3  }
0x121: {  	[tilespmem:s22], [sflag:$0x4] =	stream.indirect_vreg.gather [hbm4b:s6+s10], $0x80, v4, vm0, $0xb8;
	[tilespmem:$0x10100] =	vst v63  }
0x122: {  	_ = 	snop  }
0x123: {  	[tilespmem:s23], [sflag:$0x4] =	stream.indirect_vreg.gather [hbm4b:s9+s10], $0x80, v4, vm0, $0xb8;
	[tilespmem:$0x10100] =	vst v63  }
0x124: {  	_ = 	snop  }
0x125: {  	[tilespmem:s24], [sflag:$0x4] =	stream.indirect_vreg.gather [hbm4b:s3+s10], $0x80, v3, vm0, $0xb8;
	[tilespmem:$0x10100] =	vst v63  }
0x126: {  	_ = 	snop  }
0x127: {  	[tilespmem:s25], [sflag:$0x4] =	stream.indirect_vreg.gather [hbm4b:s5+s10], $0x80, v3, vm0, $0xb8;
	[tilespmem:$0x10100] =	vst v63  }
0x128: {  	_ = 	snop  }
0x129: {  	[tilespmem:s26], [sflag:$0x4] =	stream.indirect_vreg.gather [hbm4b:s6+s10], $0x80, v3, vm0, $0xb8;
	[tilespmem:$0x10100] =	vst v63  }
0x12a: {  	_ = 	snop  }
0x12b: {  	[tilespmem:s28], [sflag:$0x4] =	stream.indirect_vreg.gather [hbm4b:s9+s10], $0x80, v3, vm0, $0xb8;
	[tilespmem:$0x10100] =	vst v63  }
0x12c: {  	_ =	swait.ge [sflag:s29], $0x4000  }
0x12d: {  	s15 =	simm.s32 $0x0;
	[sflag:s29] =	ssyncset.done $0x0  }
0x12e: {  	s12 =	sand.u32 $0x2000, s15;
	[sflag:s29] =	ssyncadd.s32 $0xFFFFC000  }
0x12f: {  	s13 =	sand.u32 $0x1C00, s10;
	s14 =	simm.s32 $0x0;
	_ =	swait.ge [sflag:s30], $0x4000  }
0x130: {  	s12 =	sor.u32 s13, s12;
	s16 =	sand.u32 $0x380, s14;
	[sflag:s30] =	ssyncset.done $0x0  }
0x131: {  	s12 =	sor.u32 s16, s12;
	[sflag:s30] =	ssyncadd.s32 $0xFFFFC000  }
0x132: {  	v10 =	vld [tilespmem:s12+$0x8100]  }
0x133: {  	v9 =	vld [tilespmem:s12+$0x8110]  }
0x134: {  	v8 =	vld [tilespmem:s12+$0x8120]  }
0x135: {  	v7 =	vld [tilespmem:s12+$0x8130]  }
0x136: {  	v6 =	vld [tilespmem:s12+$0x8140]  }
0x137: {  	v5 =	vld [tilespmem:s12+$0x8150]  }
0x138: {  	v4 =	vld [tilespmem:s12+$0x8160]  }
0x139: {  	v3 =	vld [tilespmem:s12+$0x8170]  }
0x13a: {  	v13 =	vld [tilespmem:s12+$0x100]  }
0x13b: {  	v12 =	vld [tilespmem:s12+$0x110]  }
0x13c: {  	s13 =	simm.s32 $0x0;
	v11 =	vld [tilespmem:s12+$0x120]  }
.LBB2_6:
0x13d: {  	s13 =	sadd.s32 $0x8, s13;
	v14 =	vld [tilespmem:s12+$0x130]  }
0x13e: {  	s10 =	sadd.s32 $0x400, s10;
	s14 =	sshll.u32 s13, $0x4;
	p0 =	slt.u32 s13, $0x3F8;
	v15 =	vld [tilespmem:s12+$0x140]  }
0x13f: {  	s15 =	sand.u32 $0x1C00, s10;
	s16 =	sshll.u32 s13, $0x1;
	s14 =	sand.u32 $0x2000, s14;
	v10 =	vadd.f32 v10, v13;
	v13 =	vld [tilespmem:s12+$0x150]  }
0x140: {  	s14 =	sor.u32 s15, s14;
	s15 =	sand.u32 $0x380, s16;
	v9 =	vadd.f32 v9, v12;
	v12 =	vld [tilespmem:s12+$0x160]  }
0x141: {  	s14 =	sor.u32 s15, s14;
	[tilespmem:s12+$0x100] =	vst v10;
	v8 =	vadd.f32 v8, v11;
	v11 =	vld [tilespmem:s12+$0x170]  }
0x142: {  	v10 =	vld [tilespmem:s14+$0x8100];
	[tilespmem:s12+$0x110] =	vst v9;
	v7 =	vadd.f32 v7, v14  }
0x143: {  	v9 =	vld [tilespmem:s14+$0x8110];
	[tilespmem:s12+$0x120] =	vst v8;
	v6 =	vadd.f32 v6, v15  }
0x144: {  	v8 =	vld [tilespmem:s14+$0x8120];
	[tilespmem:s12+$0x130] =	vst v7;
	v5 =	vadd.f32 v5, v13  }
0x145: {  	v7 =	vld [tilespmem:s14+$0x8130];
	[tilespmem:s12+$0x140] =	vst v6;
	v4 =	vadd.f32 v4, v12  }
0x146: {  	v6 =	vld [tilespmem:s14+$0x8140];
	[tilespmem:s12+$0x150] =	vst v5;
	v3 =	vadd.f32 v3, v11  }
0x147: {  	v5 =	vld [tilespmem:s14+$0x8150];
	[tilespmem:s12+$0x160] =	vst v4  }
.Ltmp2:
0x148: {  	v4 =	vld [tilespmem:s14+$0x8160];
	[tilespmem:s12+$0x170] =	vst v3;
	s12 =	smov.u32 s14;
	(pc) =	sbr.rel @p0 .LBB2_6-.Ltmp2, $4  }
0x149: {  	v3 =	vld [tilespmem:s12+$0x8170]  }
0x14a: {  	v13 =	vld [tilespmem:s12+$0x100]  }
0x14b: {  	v12 =	vld [tilespmem:s12+$0x110]  }
0x14c: {  	v11 =	vld [tilespmem:s12+$0x120]  }
0x14d: {  	v14 =	vld [tilespmem:s12+$0x130]  }
0x14e: {  	v15 =	vld [tilespmem:s12+$0x140]  }
0x14f: {  	v10 =	vadd.f32 v10, v13;
	v13 =	vld [tilespmem:s12+$0x150]  }
0x150: {  	v9 =	vadd.f32 v9, v12;
	v12 =	vld [tilespmem:s12+$0x160]  }
0x151: {  	[tilespmem:s12+$0x100] =	vst v10;
	v8 =	vadd.f32 v8, v11;
	v10 =	vld [tilespmem:s12+$0x170]  }
0x152: {  	[tilespmem:s12+$0x110] =	vst v9;
	v7 =	vadd.f32 v7, v14  }
0x153: {  	v6 =	vadd.f32 v6, v15;
	[tilespmem:s12+$0x120] =	vst v8  }
0x154: {  	[tilespmem:s12+$0x130] =	vst v7;
	v5 =	vadd.f32 v5, v13  }
0x155: {  	[tilespmem:s12+$0x140] =	vst v6;
	v4 =	vadd.f32 v4, v12  }
0x156: {  	[tilespmem:s12+$0x150] =	vst v5;
	v3 =	vadd.f32 v3, v10  }
0x157: {  	[tilespmem:s12+$0x160] =	vst v4  }
0x158: {  	s10 =	simm.s32 $0x0;
	s15 =	rddreg [dreg:$0x7];
	[tilespmem:s12+$0x170] =	vst v3  }
0x159: {  	[hbm4b:s15+s10] =	stream.linear.scatter [tilespmem:s20], [sflag:$0x5], $0x4000, $0x38;
	[tilespmem:$0x10100] =	vst v63  }
0x15a: {  	_ =	swait.ge [sflag:s31], $0x4000  }
0x15b: {  	[sflag:s31] =	ssyncset.done $0x0  }
0x15c: {  	[sflag:s31] =	ssyncadd.s32 $0xFFFFC000  }
0x15d: {  	v3 =	vld [tilespmem:$0x40];
	_ =	sdelay $0x4  }
0x15e: {  	v4 =	vshll.u32 v3, $0x3  }
0x15f: {  	v3 =	vand.u32 $0x7, v3;
	v4 =	vand.u32 $0xFFFFFFC0, v4  }
0x160: {  	v3 =	vor.u32 v3, v4  }
0x161: {  	v4 =	vperm.xlane v3, v0;
	_ =	sdelay $0x1  }
0x162: {  	v4 =	vadd.s32 v1, v4;
	_ =	sdelay $0x4  }
0x163: {  	[tilespmem:s20], [sflag:$0x1] =	stream.indirect_vreg.gather [hbm4b:s3+s10], $0x80, v4, vm0, $0xb8;
	[tilespmem:$0x10100] =	vst v63  }
0x164: {  	s16 =	simm.s32 $0x900;
	v3 =	vperm.xlane v3, v2  }
0x165: {  	[tilespmem:s16], [sflag:$0x1] =	stream.indirect_vreg.gather [hbm4b:s5+s10], $0x80, v4, vm0, $0xb8;
	[tilespmem:$0x10100] =	vst v63  }
0x166: {  	s13 =	simm.s32 $0x1100;
	v3 =	vadd.s32 v1, v3  }
0x167: {  	[tilespmem:s13], [sflag:$0x1] =	stream.indirect_vreg.gather [hbm4b:s6+s10], $0x80, v4, vm0, $0xb8;
	[tilespmem:$0x10100] =	vst v63  }
0x168: {  	s14 =	simm.s32 $0x1900  }
0x169: {  	[tilespmem:s14], [sflag:$0x1] =	stream.indirect_vreg.gather [hbm4b:s9+s10], $0x80, v4, vm0, $0xb8;
	[tilespmem:$0x10100] =	vst v63  }
0x16a: {  	s15 =	simm.s32 $0x2100  }
0x16b: {  	[tilespmem:s15], [sflag:$0x1] =	stream.indirect_vreg.gather [hbm4b:s3+s10], $0x80, v3, vm0, $0xb8;
	[tilespmem:$0x10100] =	vst v63  }
0x16c: {  	s16 =	simm.s32 $0x2900  }
0x16d: {  	[tilespmem:s16], [sflag:$0x1] =	stream.indirect_vreg.gather [hbm4b:s5+s10], $0x80, v3, vm0, $0xb8;
	[tilespmem:$0x10100] =	vst v63  }
0x16e: {  	s13 =	simm.s32 $0x3100  }
0x16f: {  	[tilespmem:s13], [sflag:$0x1] =	stream.indirect_vreg.gather [hbm4b:s6+s10], $0x80, v3, vm0, $0xb8;
	[tilespmem:$0x10100] =	vst v63  }
0x170: {  	s14 =	simm.s32 $0x3900  }
0x171: {  	[tilespmem:s14], [sflag:$0x1] =	stream.indirect_vreg.gather [hbm4b:s9+s10], $0x80, v3, vm0, $0xb8;
	[tilespmem:$0x10100] =	vst v63  }
0x172: {  	v3 =	vld [tilespmem:$0xC0];
	_ =	sdelay $0x4  }
0x173: {  	v4 =	vshll.u32 v3, $0x3  }
0x174: {  	v3 =	vand.u32 $0x7, v3;
	v4 =	vand.u32 $0xFFFFFFC0, v4  }
0x175: {  	v3 =	vor.u32 v3, v4  }
0x176: {  	v4 =	vperm.xlane v3, v0;
	_ =	sdelay $0x1  }
0x177: {  	v4 =	vadd.s32 v1, v4;
	_ =	sdelay $0x3  }
0x178: {  	s15 =	simm.s32 $0x8100  }
0x179: {  	[tilespmem:s15], [sflag:$0x3] =	stream.indirect_vreg.gather [hbm4b:s3+s10], $0x80, v4, vm0, $0xb8;
	[tilespmem:$0x10100] =	vst v63  }
0x17a: {  	s16 =	simm.s32 $0x8900;
	v3 =	vperm.xlane v3, v2  }
0x17b: {  	[tilespmem:s16], [sflag:$0x3] =	stream.indirect_vreg.gather [hbm4b:s5+s10], $0x80, v4, vm0, $0xb8;
	[tilespmem:$0x10100] =	vst v63  }
0x17c: {  	s13 =	simm.s32 $0x9100;
	v3 =	vadd.s32 v1, v3  }
0x17d: {  	[tilespmem:s13], [sflag:$0x3] =	stream.indirect_vreg.gather [hbm4b:s6+s10], $0x80, v4, vm0, $0xb8;
	[tilespmem:$0x10100] =	vst v63  }
0x17e: {  	s14 =	simm.s32 $0x9900  }
0x17f: {  	[tilespmem:s14], [sflag:$0x3] =	stream.indirect_vreg.gather [hbm4b:s9+s10], $0x80, v4, vm0, $0xb8;
	[tilespmem:$0x10100] =	vst v63  }
0x180: {  	s15 =	simm.s32 $0xA100  }
0x181: {  	[tilespmem:s15], [sflag:$0x3] =	stream.indirect_vreg.gather [hbm4b:s3+s10], $0x80, v3, vm0, $0xb8;
	[tilespmem:$0x10100] =	vst v63  }
0x182: {  	s16 =	simm.s32 $0xA900  }
0x183: {  	[tilespmem:s16], [sflag:$0x3] =	stream.indirect_vreg.gather [hbm4b:s5+s10], $0x80, v3, vm0, $0xb8;
	[tilespmem:$0x10100] =	vst v63  }
0x184: {  	s13 =	simm.s32 $0xB100  }
0x185: {  	[tilespmem:s13], [sflag:$0x3] =	stream.indirect_vreg.gather [hbm4b:s6+s10], $0x80, v3, vm0, $0xb8;
	[tilespmem:$0x10100] =	vst v63  }
0x186: {  	s14 =	simm.s32 $0xB900  }
0x187: {  	[tilespmem:s14], [sflag:$0x3] =	stream.indirect_vreg.gather [hbm4b:s9+s10], $0x80, v3, vm0, $0xb8;
	[tilespmem:$0x10100] =	vst v63  }
0x188: {  	_ =	swait.ge [sflag:s0], $0x4000  }
0x189: {  	s15 =	simm.s32 $0x0;
	[sflag:s0] =	ssyncset.done $0x0  }
0x18a: {  	s12 =	sand.u32 $0x2000, s15;
	[sflag:s0] =	ssyncadd.s32 $0xFFFFC000  }
0x18b: {  	s13 =	sand.u32 $0x1C00, s10;
	s14 =	simm.s32 $0x0;
	_ =	swait.ge [sflag:s1], $0x4000  }
0x18c: {  	s12 =	sor.u32 s13, s12;
	s16 =	sand.u32 $0x380, s14;
	[sflag:s1] =	ssyncset.done $0x0  }
0x18d: {  	s12 =	sor.u32 s16, s12;
	[sflag:s1] =	ssyncadd.s32 $0xFFFFC000  }
0x18e: {  	v10 =	vld [tilespmem:s12+$0xC100]  }
0x18f: {  	v9 =	vld [tilespmem:s12+$0xC110]  }
0x190: {  	v8 =	vld [tilespmem:s12+$0xC120]  }
0x191: {  	v7 =	vld [tilespmem:s12+$0xC130]  }
0x192: {  	v6 =	vld [tilespmem:s12+$0xC140]  }
0x193: {  	v5 =	vld [tilespmem:s12+$0xC150]  }
0x194: {  	v4 =	vld [tilespmem:s12+$0xC160]  }
0x195: {  	v3 =	vld [tilespmem:s12+$0xC170]  }
0x196: {  	v13 =	vld [tilespmem:s12+$0x4100]  }
0x197: {  	v12 =	vld [tilespmem:s12+$0x4110]  }
0x198: {  	s13 =	simm.s32 $0x0;
	v11 =	vld [tilespmem:s12+$0x4120]  }
.LBB2_8:
0x199: {  	s13 =	sadd.s32 $0x8, s13;
	v14 =	vld [tilespmem:s12+$0x4130]  }
0x19a: {  	s10 =	sadd.s32 $0x400, s10;
	s14 =	sshll.u32 s13, $0x4;
	p0 =	slt.u32 s13, $0x3F8;
	v15 =	vld [tilespmem:s12+$0x4140]  }
0x19b: {  	s15 =	sand.u32 $0x1C00, s10;
	s16 =	sshll.u32 s13, $0x1;
	s14 =	sand.u32 $0x2000, s14;
	v10 =	vadd.f32 v10, v13;
	v13 =	vld [tilespmem:s12+$0x4150]  }
0x19c: {  	s14 =	sor.u32 s15, s14;
	s15 =	sand.u32 $0x380, s16;
	v9 =	vadd.f32 v9, v12;
	v12 =	vld [tilespmem:s12+$0x4160]  }
0x19d: {  	s14 =	sor.u32 s15, s14;
	[tilespmem:s12+$0x4100] =	vst v10;
	v8 =	vadd.f32 v8, v11;
	v11 =	vld [tilespmem:s12+$0x4170]  }
0x19e: {  	v10 =	vld [tilespmem:s14+$0xC100];
	[tilespmem:s12+$0x4110] =	vst v9;
	v7 =	vadd.f32 v7, v14  }
0x19f: {  	v9 =	vld [tilespmem:s14+$0xC110];
	[tilespmem:s12+$0x4120] =	vst v8;
	v6 =	vadd.f32 v6, v15  }
0x1a0: {  	v8 =	vld [tilespmem:s14+$0xC120];
	[tilespmem:s12+$0x4130] =	vst v7;
	v5 =	vadd.f32 v5, v13  }
0x1a1: {  	v7 =	vld [tilespmem:s14+$0xC130];
	[tilespmem:s12+$0x4140] =	vst v6;
	v4 =	vadd.f32 v4, v12  }
0x1a2: {  	v6 =	vld [tilespmem:s14+$0xC140];
	[tilespmem:s12+$0x4150] =	vst v5;
	v3 =	vadd.f32 v3, v11  }
0x1a3: {  	v5 =	vld [tilespmem:s14+$0xC150];
	[tilespmem:s12+$0x4160] =	vst v4  }
.Ltmp3:
0x1a4: {  	v4 =	vld [tilespmem:s14+$0xC160];
	[tilespmem:s12+$0x4170] =	vst v3;
	s12 =	smov.u32 s14;
	(pc) =	sbr.rel @p0 .LBB2_8-.Ltmp3, $4  }
0x1a5: {  	v3 =	vld [tilespmem:s12+$0xC170]  }
0x1a6: {  	v13 =	vld [tilespmem:s12+$0x4100]  }
0x1a7: {  	v12 =	vld [tilespmem:s12+$0x4110]  }
0x1a8: {  	v11 =	vld [tilespmem:s12+$0x4120]  }
0x1a9: {  	v14 =	vld [tilespmem:s12+$0x4130]  }
0x1aa: {  	v15 =	vld [tilespmem:s12+$0x4140]  }
0x1ab: {  	v10 =	vadd.f32 v10, v13;
	v13 =	vld [tilespmem:s12+$0x4150]  }
0x1ac: {  	v9 =	vadd.f32 v9, v12;
	v12 =	vld [tilespmem:s12+$0x4160]  }
0x1ad: {  	[tilespmem:s12+$0x4100] =	vst v10;
	v8 =	vadd.f32 v8, v11;
	v10 =	vld [tilespmem:s12+$0x4170]  }
0x1ae: {  	[tilespmem:s12+$0x4110] =	vst v9;
	v7 =	vadd.f32 v7, v14  }
0x1af: {  	v6 =	vadd.f32 v6, v15;
	[tilespmem:s12+$0x4120] =	vst v8  }
0x1b0: {  	[tilespmem:s12+$0x4130] =	vst v7;
	v5 =	vadd.f32 v5, v13  }
0x1b1: {  	[tilespmem:s12+$0x4140] =	vst v6;
	v4 =	vadd.f32 v4, v12  }
0x1b2: {  	[tilespmem:s12+$0x4150] =	vst v5;
	v3 =	vadd.f32 v3, v10  }
0x1b3: {  	[tilespmem:s12+$0x4160] =	vst v4  }
0x1b4: {  	s10 =	simm.s32 $0x0;
	s13 =	rddreg [dreg:$0x8];
	[tilespmem:s12+$0x4170] =	vst v3  }
0x1b5: {  	[hbm4b:s13+s10] =	stream.linear.scatter [tilespmem:s11], [sflag:$0x6], $0x4000, $0x38;
	[tilespmem:$0x10100] =	vst v63  }
0x1b6: {  	_ =	swait.ge [sflag:s19], $0x4000  }
0x1b7: {  	[sflag:s19] =	ssyncset.done $0x0  }
0x1b8: {  	[sflag:s19] =	ssyncadd.s32 $0xFFFFC000  }
0x1b9: {  	v3 =	vld [tilespmem:$0x50];
	_ =	sdelay $0x4  }
0x1ba: {  	v4 =	vshll.u32 v3, $0x3  }
0x1bb: {  	v3 =	vand.u32 $0x7, v3;
	v4 =	vand.u32 $0xFFFFFFC0, v4  }
0x1bc: {  	v3 =	vor.u32 v3, v4  }
0x1bd: {  	v4 =	vperm.xlane v3, v0;
	_ =	sdelay $0x1  }
0x1be: {  	v4 =	vadd.s32 v1, v4;
	_ =	sdelay $0x4  }
0x1bf: {  	[tilespmem:s11], [sflag:$0x2] =	stream.indirect_vreg.gather [hbm4b:s3+s10], $0x80, v4, vm0, $0xb8;
	[tilespmem:$0x10100] =	vst v63  }
0x1c0: {  	s14 =	simm.s32 $0x4900;
	v3 =	vperm.xlane v3, v2  }
0x1c1: {  	[tilespmem:s14], [sflag:$0x2] =	stream.indirect_vreg.gather [hbm4b:s5+s10], $0x80, v4, vm0, $0xb8;
	[tilespmem:$0x10100] =	vst v63  }
0x1c2: {  	s15 =	simm.s32 $0x5100;
	v3 =	vadd.s32 v1, v3  }
0x1c3: {  	[tilespmem:s15], [sflag:$0x2] =	stream.indirect_vreg.gather [hbm4b:s6+s10], $0x80, v4, vm0, $0xb8;
	[tilespmem:$0x10100] =	vst v63  }
0x1c4: {  	s16 =	simm.s32 $0x5900  }
0x1c5: {  	[tilespmem:s16], [sflag:$0x2] =	stream.indirect_vreg.gather [hbm4b:s9+s10], $0x80, v4, vm0, $0xb8;
	[tilespmem:$0x10100] =	vst v63  }
0x1c6: {  	s13 =	simm.s32 $0x6100  }
0x1c7: {  	[tilespmem:s13], [sflag:$0x2] =	stream.indirect_vreg.gather [hbm4b:s3+s10], $0x80, v3, vm0, $0xb8;
	[tilespmem:$0x10100] =	vst v63  }
0x1c8: {  	s14 =	simm.s32 $0x6900  }
0x1c9: {  	[tilespmem:s14], [sflag:$0x2] =	stream.indirect_vreg.gather [hbm4b:s5+s10], $0x80, v3, vm0, $0xb8;
	[tilespmem:$0x10100] =	vst v63  }
0x1ca: {  	_ = 	snop  }
0x1cb: {  	[tilespmem:s17], [sflag:$0x2] =	stream.indirect_vreg.gather [hbm4b:s6+s10], $0x80, v3, vm0, $0xb8;
	[tilespmem:$0x10100] =	vst v63  }
0x1cc: {  	_ = 	snop  }
0x1cd: {  	[tilespmem:s4], [sflag:$0x2] =	stream.indirect_vreg.gather [hbm4b:s9+s10], $0x80, v3, vm0, $0xb8;
	[tilespmem:$0x10100] =	vst v63  }
0x1ce: {  	v3 =	vld [tilespmem:$0xD0];
	_ =	sdelay $0x4  }
0x1cf: {  	v4 =	vshll.u32 v3, $0x3  }
0x1d0: {  	v3 =	vand.u32 $0x7, v3;
	v4 =	vand.u32 $0xFFFFFFC0, v4  }
0x1d1: {  	v3 =	vor.u32 v3, v4  }
0x1d2: {  	v4 =	vperm.xlane v3, v0;
	_ =	sdelay $0x1  }
0x1d3: {  	v4 =	vadd.s32 v1, v4;
	_ =	sdelay $0x4  }
0x1d4: {  	[tilespmem:s7], [sflag:$0x4] =	stream.indirect_vreg.gather [hbm4b:s3+s10], $0x80, v4, vm0, $0xb8;
	[tilespmem:$0x10100] =	vst v63  }
0x1d5: {  	v3 =	vperm.xlane v3, v2  }
0x1d6: {  	[tilespmem:s21], [sflag:$0x4] =	stream.indirect_vreg.gather [hbm4b:s5+s10], $0x80, v4, vm0, $0xb8;
	[tilespmem:$0x10100] =	vst v63  }
0x1d7: {  	v3 =	vadd.s32 v1, v3  }
0x1d8: {  	[tilespmem:s22], [sflag:$0x4] =	stream.indirect_vreg.gather [hbm4b:s6+s10], $0x80, v4, vm0, $0xb8;
	[tilespmem:$0x10100] =	vst v63  }
0x1d9: {  	_ = 	snop  }
0x1da: {  	[tilespmem:s23], [sflag:$0x4] =	stream.indirect_vreg.gather [hbm4b:s9+s10], $0x80, v4, vm0, $0xb8;
	[tilespmem:$0x10100] =	vst v63  }
0x1db: {  	_ = 	snop  }
0x1dc: {  	[tilespmem:s24], [sflag:$0x4] =	stream.indirect_vreg.gather [hbm4b:s3+s10], $0x80, v3, vm0, $0xb8;
	[tilespmem:$0x10100] =	vst v63  }
0x1dd: {  	_ = 	snop  }
0x1de: {  	[tilespmem:s25], [sflag:$0x4] =	stream.indirect_vreg.gather [hbm4b:s5+s10], $0x80, v3, vm0, $0xb8;
	[tilespmem:$0x10100] =	vst v63  }
0x1df: {  	_ = 	snop  }
0x1e0: {  	[tilespmem:s26], [sflag:$0x4] =	stream.indirect_vreg.gather [hbm4b:s6+s10], $0x80, v3, vm0, $0xb8;
	[tilespmem:$0x10100] =	vst v63  }
0x1e1: {  	_ = 	snop  }
0x1e2: {  	[tilespmem:s28], [sflag:$0x4] =	stream.indirect_vreg.gather [hbm4b:s9+s10], $0x80, v3, vm0, $0xb8;
	[tilespmem:$0x10100] =	vst v63  }
0x1e3: {  	_ =	swait.ge [sflag:s29], $0x4000  }
0x1e4: {  	s15 =	simm.s32 $0x0;
	[sflag:s29] =	ssyncset.done $0x0  }
0x1e5: {  	s12 =	sand.u32 $0x2000, s15;
	[sflag:s29] =	ssyncadd.s32 $0xFFFFC000  }
0x1e6: {  	s13 =	sand.u32 $0x1C00, s10;
	s14 =	simm.s32 $0x0;
	_ =	swait.ge [sflag:s30], $0x4000  }
0x1e7: {  	s12 =	sor.u32 s13, s12;
	s16 =	sand.u32 $0x380, s14;
	[sflag:s30] =	ssyncset.done $0x0  }
0x1e8: {  	s12 =	sor.u32 s16, s12;
	[sflag:s30] =	ssyncadd.s32 $0xFFFFC000  }
0x1e9: {  	v10 =	vld [tilespmem:s12+$0x8100]  }
0x1ea: {  	v9 =	vld [tilespmem:s12+$0x8110]  }
0x1eb: {  	v8 =	vld [tilespmem:s12+$0x8120]  }
0x1ec: {  	v7 =	vld [tilespmem:s12+$0x8130]  }
0x1ed: {  	v6 =	vld [tilespmem:s12+$0x8140]  }
0x1ee: {  	v5 =	vld [tilespmem:s12+$0x8150]  }
0x1ef: {  	v4 =	vld [tilespmem:s12+$0x8160]  }
0x1f0: {  	v3 =	vld [tilespmem:s12+$0x8170]  }
0x1f1: {  	v13 =	vld [tilespmem:s12+$0x100]  }
0x1f2: {  	v12 =	vld [tilespmem:s12+$0x110]  }
0x1f3: {  	s13 =	simm.s32 $0x0;
	v11 =	vld [tilespmem:s12+$0x120]  }
.LBB2_10:
0x1f4: {  	s13 =	sadd.s32 $0x8, s13;
	v14 =	vld [tilespmem:s12+$0x130]  }
0x1f5: {  	s10 =	sadd.s32 $0x400, s10;
	s14 =	sshll.u32 s13, $0x4;
	p0 =	slt.u32 s13, $0x3F8;
	v15 =	vld [tilespmem:s12+$0x140]  }
0x1f6: {  	s15 =	sand.u32 $0x1C00, s10;
	s16 =	sshll.u32 s13, $0x1;
	s14 =	sand.u32 $0x2000, s14;
	v10 =	vadd.f32 v10, v13;
	v13 =	vld [tilespmem:s12+$0x150]  }
0x1f7: {  	s14 =	sor.u32 s15, s14;
	s15 =	sand.u32 $0x380, s16;
	v9 =	vadd.f32 v9, v12;
	v12 =	vld [tilespmem:s12+$0x160]  }
0x1f8: {  	s14 =	sor.u32 s15, s14;
	[tilespmem:s12+$0x100] =	vst v10;
	v8 =	vadd.f32 v8, v11;
	v11 =	vld [tilespmem:s12+$0x170]  }
0x1f9: {  	v10 =	vld [tilespmem:s14+$0x8100];
	[tilespmem:s12+$0x110] =	vst v9;
	v7 =	vadd.f32 v7, v14  }
0x1fa: {  	v9 =	vld [tilespmem:s14+$0x8110];
	[tilespmem:s12+$0x120] =	vst v8;
	v6 =	vadd.f32 v6, v15  }
0x1fb: {  	v8 =	vld [tilespmem:s14+$0x8120];
	[tilespmem:s12+$0x130] =	vst v7;
	v5 =	vadd.f32 v5, v13  }
0x1fc: {  	v7 =	vld [tilespmem:s14+$0x8130];
	[tilespmem:s12+$0x140] =	vst v6;
	v4 =	vadd.f32 v4, v12  }
0x1fd: {  	v6 =	vld [tilespmem:s14+$0x8140];
	[tilespmem:s12+$0x150] =	vst v5;
	v3 =	vadd.f32 v3, v11  }
0x1fe: {  	v5 =	vld [tilespmem:s14+$0x8150];
	[tilespmem:s12+$0x160] =	vst v4  }
.Ltmp4:
0x1ff: {  	v4 =	vld [tilespmem:s14+$0x8160];
	[tilespmem:s12+$0x170] =	vst v3;
	s12 =	smov.u32 s14;
	(pc) =	sbr.rel @p0 .LBB2_10-.Ltmp4, $4  }
0x200: {  	v3 =	vld [tilespmem:s12+$0x8170]  }
0x201: {  	v13 =	vld [tilespmem:s12+$0x100]  }
0x202: {  	v12 =	vld [tilespmem:s12+$0x110]  }
0x203: {  	v11 =	vld [tilespmem:s12+$0x120]  }
0x204: {  	v14 =	vld [tilespmem:s12+$0x130]  }
0x205: {  	v15 =	vld [tilespmem:s12+$0x140]  }
0x206: {  	v10 =	vadd.f32 v10, v13;
	v13 =	vld [tilespmem:s12+$0x150]  }
0x207: {  	v9 =	vadd.f32 v9, v12;
	v12 =	vld [tilespmem:s12+$0x160]  }
0x208: {  	[tilespmem:s12+$0x100] =	vst v10;
	v8 =	vadd.f32 v8, v11;
	v10 =	vld [tilespmem:s12+$0x170]  }
0x209: {  	[tilespmem:s12+$0x110] =	vst v9;
	v7 =	vadd.f32 v7, v14  }
0x20a: {  	v6 =	vadd.f32 v6, v15;
	[tilespmem:s12+$0x120] =	vst v8  }
0x20b: {  	[tilespmem:s12+$0x130] =	vst v7;
	v5 =	vadd.f32 v5, v13  }
0x20c: {  	[tilespmem:s12+$0x140] =	vst v6;
	v4 =	vadd.f32 v4, v12  }
0x20d: {  	[tilespmem:s12+$0x150] =	vst v5;
	v3 =	vadd.f32 v3, v10  }
0x20e: {  	[tilespmem:s12+$0x160] =	vst v4  }
0x20f: {  	s10 =	simm.s32 $0x0;
	s15 =	rddreg [dreg:$0x9];
	[tilespmem:s12+$0x170] =	vst v3  }
0x210: {  	[hbm4b:s15+s10] =	stream.linear.scatter [tilespmem:s20], [sflag:$0x5], $0x4000, $0x38;
	[tilespmem:$0x10100] =	vst v63  }
0x211: {  	_ =	swait.ge [sflag:s31], $0x4000  }
0x212: {  	[sflag:s31] =	ssyncset.done $0x0  }
0x213: {  	[sflag:s31] =	ssyncadd.s32 $0xFFFFC000  }
0x214: {  	v3 =	vld [tilespmem:$0x60];
	_ =	sdelay $0x4  }
0x215: {  	v4 =	vshll.u32 v3, $0x3  }
0x216: {  	v3 =	vand.u32 $0x7, v3;
	v4 =	vand.u32 $0xFFFFFFC0, v4  }
0x217: {  	v3 =	vor.u32 v3, v4  }
0x218: {  	v4 =	vperm.xlane v3, v0;
	_ =	sdelay $0x1  }
0x219: {  	v4 =	vadd.s32 v1, v4;
	_ =	sdelay $0x4  }
0x21a: {  	[tilespmem:s20], [sflag:$0x1] =	stream.indirect_vreg.gather [hbm4b:s3+s10], $0x80, v4, vm0, $0xb8;
	[tilespmem:$0x10100] =	vst v63  }
0x21b: {  	s16 =	simm.s32 $0x900;
	v3 =	vperm.xlane v3, v2  }
0x21c: {  	[tilespmem:s16], [sflag:$0x1] =	stream.indirect_vreg.gather [hbm4b:s5+s10], $0x80, v4, vm0, $0xb8;
	[tilespmem:$0x10100] =	vst v63  }
0x21d: {  	s13 =	simm.s32 $0x1100;
	v3 =	vadd.s32 v1, v3  }
0x21e: {  	[tilespmem:s13], [sflag:$0x1] =	stream.indirect_vreg.gather [hbm4b:s6+s10], $0x80, v4, vm0, $0xb8;
	[tilespmem:$0x10100] =	vst v63  }
0x21f: {  	s14 =	simm.s32 $0x1900  }
0x220: {  	[tilespmem:s14], [sflag:$0x1] =	stream.indirect_vreg.gather [hbm4b:s9+s10], $0x80, v4, vm0, $0xb8;
	[tilespmem:$0x10100] =	vst v63  }
0x221: {  	s15 =	simm.s32 $0x2100  }
0x222: {  	[tilespmem:s15], [sflag:$0x1] =	stream.indirect_vreg.gather [hbm4b:s3+s10], $0x80, v3, vm0, $0xb8;
	[tilespmem:$0x10100] =	vst v63  }
0x223: {  	s16 =	simm.s32 $0x2900  }
0x224: {  	[tilespmem:s16], [sflag:$0x1] =	stream.indirect_vreg.gather [hbm4b:s5+s10], $0x80, v3, vm0, $0xb8;
	[tilespmem:$0x10100] =	vst v63  }
0x225: {  	s13 =	simm.s32 $0x3100  }
0x226: {  	[tilespmem:s13], [sflag:$0x1] =	stream.indirect_vreg.gather [hbm4b:s6+s10], $0x80, v3, vm0, $0xb8;
	[tilespmem:$0x10100] =	vst v63  }
0x227: {  	s14 =	simm.s32 $0x3900  }
0x228: {  	[tilespmem:s14], [sflag:$0x1] =	stream.indirect_vreg.gather [hbm4b:s9+s10], $0x80, v3, vm0, $0xb8;
	[tilespmem:$0x10100] =	vst v63  }
0x229: {  	v3 =	vld [tilespmem:$0xE0];
	_ =	sdelay $0x4  }
0x22a: {  	v4 =	vshll.u32 v3, $0x3  }
0x22b: {  	v3 =	vand.u32 $0x7, v3;
	v4 =	vand.u32 $0xFFFFFFC0, v4  }
0x22c: {  	v3 =	vor.u32 v3, v4  }
0x22d: {  	v4 =	vperm.xlane v3, v0;
	_ =	sdelay $0x1  }
0x22e: {  	v4 =	vadd.s32 v1, v4;
	_ =	sdelay $0x3  }
0x22f: {  	s15 =	simm.s32 $0x8100  }
0x230: {  	[tilespmem:s15], [sflag:$0x3] =	stream.indirect_vreg.gather [hbm4b:s3+s10], $0x80, v4, vm0, $0xb8;
	[tilespmem:$0x10100] =	vst v63  }
0x231: {  	s16 =	simm.s32 $0x8900;
	v3 =	vperm.xlane v3, v2  }
0x232: {  	[tilespmem:s16], [sflag:$0x3] =	stream.indirect_vreg.gather [hbm4b:s5+s10], $0x80, v4, vm0, $0xb8;
	[tilespmem:$0x10100] =	vst v63  }
0x233: {  	s13 =	simm.s32 $0x9100;
	v3 =	vadd.s32 v1, v3  }
0x234: {  	[tilespmem:s13], [sflag:$0x3] =	stream.indirect_vreg.gather [hbm4b:s6+s10], $0x80, v4, vm0, $0xb8;
	[tilespmem:$0x10100] =	vst v63  }
0x235: {  	s14 =	simm.s32 $0x9900  }
0x236: {  	[tilespmem:s14], [sflag:$0x3] =	stream.indirect_vreg.gather [hbm4b:s9+s10], $0x80, v4, vm0, $0xb8;
	[tilespmem:$0x10100] =	vst v63  }
0x237: {  	s15 =	simm.s32 $0xA100  }
0x238: {  	[tilespmem:s15], [sflag:$0x3] =	stream.indirect_vreg.gather [hbm4b:s3+s10], $0x80, v3, vm0, $0xb8;
	[tilespmem:$0x10100] =	vst v63  }
0x239: {  	s16 =	simm.s32 $0xA900  }
0x23a: {  	[tilespmem:s16], [sflag:$0x3] =	stream.indirect_vreg.gather [hbm4b:s5+s10], $0x80, v3, vm0, $0xb8;
	[tilespmem:$0x10100] =	vst v63  }
0x23b: {  	s13 =	simm.s32 $0xB100  }
0x23c: {  	[tilespmem:s13], [sflag:$0x3] =	stream.indirect_vreg.gather [hbm4b:s6+s10], $0x80, v3, vm0, $0xb8;
	[tilespmem:$0x10100] =	vst v63  }
0x23d: {  	s14 =	simm.s32 $0xB900  }
0x23e: {  	[tilespmem:s14], [sflag:$0x3] =	stream.indirect_vreg.gather [hbm4b:s9+s10], $0x80, v3, vm0, $0xb8;
	[tilespmem:$0x10100] =	vst v63  }
0x23f: {  	_ =	swait.ge [sflag:s0], $0x4000  }
0x240: {  	s15 =	simm.s32 $0x0;
	[sflag:s0] =	ssyncset.done $0x0  }
0x241: {  	s12 =	sand.u32 $0x2000, s15;
	[sflag:s0] =	ssyncadd.s32 $0xFFFFC000  }
0x242: {  	s13 =	sand.u32 $0x1C00, s10;
	s14 =	simm.s32 $0x0;
	_ =	swait.ge [sflag:s1], $0x4000  }
0x243: {  	s12 =	sor.u32 s13, s12;
	s16 =	sand.u32 $0x380, s14;
	[sflag:s1] =	ssyncset.done $0x0  }
0x244: {  	s12 =	sor.u32 s16, s12;
	[sflag:s1] =	ssyncadd.s32 $0xFFFFC000  }
0x245: {  	v10 =	vld [tilespmem:s12+$0xC100]  }
0x246: {  	v9 =	vld [tilespmem:s12+$0xC110]  }
0x247: {  	v8 =	vld [tilespmem:s12+$0xC120]  }
0x248: {  	v7 =	vld [tilespmem:s12+$0xC130]  }
0x249: {  	v6 =	vld [tilespmem:s12+$0xC140]  }
0x24a: {  	v5 =	vld [tilespmem:s12+$0xC150]  }
0x24b: {  	v4 =	vld [tilespmem:s12+$0xC160]  }
0x24c: {  	v3 =	vld [tilespmem:s12+$0xC170]  }
0x24d: {  	v13 =	vld [tilespmem:s12+$0x4100]  }
0x24e: {  	v12 =	vld [tilespmem:s12+$0x4110]  }
0x24f: {  	s13 =	simm.s32 $0x0;
	v11 =	vld [tilespmem:s12+$0x4120]  }
.LBB2_12:
0x250: {  	s13 =	sadd.s32 $0x8, s13;
	v14 =	vld [tilespmem:s12+$0x4130]  }
0x251: {  	s10 =	sadd.s32 $0x400, s10;
	s14 =	sshll.u32 s13, $0x4;
	p0 =	slt.u32 s13, $0x3F8;
	v15 =	vld [tilespmem:s12+$0x4140]  }
0x252: {  	s15 =	sand.u32 $0x1C00, s10;
	s16 =	sshll.u32 s13, $0x1;
	s14 =	sand.u32 $0x2000, s14;
	v10 =	vadd.f32 v10, v13;
	v13 =	vld [tilespmem:s12+$0x4150]  }
0x253: {  	s14 =	sor.u32 s15, s14;
	s15 =	sand.u32 $0x380, s16;
	v9 =	vadd.f32 v9, v12;
	v12 =	vld [tilespmem:s12+$0x4160]  }
0x254: {  	s14 =	sor.u32 s15, s14;
	[tilespmem:s12+$0x4100] =	vst v10;
	v8 =	vadd.f32 v8, v11;
	v11 =	vld [tilespmem:s12+$0x4170]  }
0x255: {  	v10 =	vld [tilespmem:s14+$0xC100];
	[tilespmem:s12+$0x4110] =	vst v9;
	v7 =	vadd.f32 v7, v14  }
0x256: {  	v9 =	vld [tilespmem:s14+$0xC110];
	[tilespmem:s12+$0x4120] =	vst v8;
	v6 =	vadd.f32 v6, v15  }
0x257: {  	v8 =	vld [tilespmem:s14+$0xC120];
	[tilespmem:s12+$0x4130] =	vst v7;
	v5 =	vadd.f32 v5, v13  }
0x258: {  	v7 =	vld [tilespmem:s14+$0xC130];
	[tilespmem:s12+$0x4140] =	vst v6;
	v4 =	vadd.f32 v4, v12  }
0x259: {  	v6 =	vld [tilespmem:s14+$0xC140];
	[tilespmem:s12+$0x4150] =	vst v5;
	v3 =	vadd.f32 v3, v11  }
0x25a: {  	v5 =	vld [tilespmem:s14+$0xC150];
	[tilespmem:s12+$0x4160] =	vst v4  }
.Ltmp5:
0x25b: {  	v4 =	vld [tilespmem:s14+$0xC160];
	[tilespmem:s12+$0x4170] =	vst v3;
	s12 =	smov.u32 s14;
	(pc) =	sbr.rel @p0 .LBB2_12-.Ltmp5, $4  }
0x25c: {  	v3 =	vld [tilespmem:s12+$0xC170]  }
0x25d: {  	v13 =	vld [tilespmem:s12+$0x4100]  }
0x25e: {  	v12 =	vld [tilespmem:s12+$0x4110]  }
0x25f: {  	v11 =	vld [tilespmem:s12+$0x4120]  }
0x260: {  	v14 =	vld [tilespmem:s12+$0x4130]  }
0x261: {  	v15 =	vld [tilespmem:s12+$0x4140]  }
0x262: {  	v10 =	vadd.f32 v10, v13;
	v13 =	vld [tilespmem:s12+$0x4150]  }
0x263: {  	v9 =	vadd.f32 v9, v12;
	v12 =	vld [tilespmem:s12+$0x4160]  }
0x264: {  	[tilespmem:s12+$0x4100] =	vst v10;
	v8 =	vadd.f32 v8, v11;
	v10 =	vld [tilespmem:s12+$0x4170]  }
0x265: {  	[tilespmem:s12+$0x4110] =	vst v9;
	v7 =	vadd.f32 v7, v14  }
0x266: {  	v6 =	vadd.f32 v6, v15;
	[tilespmem:s12+$0x4120] =	vst v8  }
0x267: {  	[tilespmem:s12+$0x4130] =	vst v7;
	v5 =	vadd.f32 v5, v13  }
0x268: {  	[tilespmem:s12+$0x4140] =	vst v6;
	v4 =	vadd.f32 v4, v12  }
0x269: {  	[tilespmem:s12+$0x4150] =	vst v5;
	v3 =	vadd.f32 v3, v10  }
0x26a: {  	[tilespmem:s12+$0x4160] =	vst v4  }
0x26b: {  	s10 =	simm.s32 $0x0;
	s13 =	rddreg [dreg:$0xa];
	[tilespmem:s12+$0x4170] =	vst v3  }
0x26c: {  	[hbm4b:s13+s10] =	stream.linear.scatter [tilespmem:s11], [sflag:$0x6], $0x4000, $0x38;
	[tilespmem:$0x10100] =	vst v63  }
0x26d: {  	_ =	swait.ge [sflag:s19], $0x4000  }
0x26e: {  	[sflag:s19] =	ssyncset.done $0x0  }
0x26f: {  	[sflag:s19] =	ssyncadd.s32 $0xFFFFC000  }
0x270: {  	v3 =	vld [tilespmem:$0x70];
	_ =	sdelay $0x4  }
0x271: {  	v4 =	vshll.u32 v3, $0x3  }
0x272: {  	v3 =	vand.u32 $0x7, v3;
	v4 =	vand.u32 $0xFFFFFFC0, v4  }
0x273: {  	v3 =	vor.u32 v3, v4  }
0x274: {  	v4 =	vperm.xlane v3, v0;
	_ =	sdelay $0x1  }
0x275: {  	v4 =	vadd.s32 v1, v4;
	_ =	sdelay $0x4  }
0x276: {  	[tilespmem:s11], [sflag:$0x2] =	stream.indirect_vreg.gather [hbm4b:s3+s10], $0x80, v4, vm0, $0xb8;
	[tilespmem:$0x10100] =	vst v63  }
0x277: {  	s14 =	simm.s32 $0x4900;
	v3 =	vperm.xlane v3, v2  }
0x278: {  	[tilespmem:s14], [sflag:$0x2] =	stream.indirect_vreg.gather [hbm4b:s5+s10], $0x80, v4, vm0, $0xb8;
	[tilespmem:$0x10100] =	vst v63  }
0x279: {  	s15 =	simm.s32 $0x5100;
	v3 =	vadd.s32 v1, v3  }
0x27a: {  	[tilespmem:s15], [sflag:$0x2] =	stream.indirect_vreg.gather [hbm4b:s6+s10], $0x80, v4, vm0, $0xb8;
	[tilespmem:$0x10100] =	vst v63  }
0x27b: {  	s16 =	simm.s32 $0x5900  }
0x27c: {  	[tilespmem:s16], [sflag:$0x2] =	stream.indirect_vreg.gather [hbm4b:s9+s10], $0x80, v4, vm0, $0xb8;
	[tilespmem:$0x10100] =	vst v63  }
0x27d: {  	s13 =	simm.s32 $0x6100  }
0x27e: {  	[tilespmem:s13], [sflag:$0x2] =	stream.indirect_vreg.gather [hbm4b:s3+s10], $0x80, v3, vm0, $0xb8;
	[tilespmem:$0x10100] =	vst v63  }
0x27f: {  	s14 =	simm.s32 $0x6900  }
0x280: {  	[tilespmem:s14], [sflag:$0x2] =	stream.indirect_vreg.gather [hbm4b:s5+s10], $0x80, v3, vm0, $0xb8;
	[tilespmem:$0x10100] =	vst v63  }
0x281: {  	_ = 	snop  }
0x282: {  	[tilespmem:s17], [sflag:$0x2] =	stream.indirect_vreg.gather [hbm4b:s6+s10], $0x80, v3, vm0, $0xb8;
	[tilespmem:$0x10100] =	vst v63  }
0x283: {  	_ = 	snop  }
0x284: {  	[tilespmem:s4], [sflag:$0x2] =	stream.indirect_vreg.gather [hbm4b:s9+s10], $0x80, v3, vm0, $0xb8;
	[tilespmem:$0x10100] =	vst v63  }
0x285: {  	v3 =	vld [tilespmem:$0xF0];
	_ =	sdelay $0x4  }
0x286: {  	v4 =	vshll.u32 v3, $0x3  }
0x287: {  	v3 =	vand.u32 $0x7, v3;
	v4 =	vand.u32 $0xFFFFFFC0, v4  }
0x288: {  	v3 =	vor.u32 v3, v4  }
0x289: {  	v4 =	vperm.xlane v3, v0;
	_ =	sdelay $0x1  }
0x28a: {  	v4 =	vadd.s32 v1, v4;
	_ =	sdelay $0x4  }
0x28b: {  	[tilespmem:s7], [sflag:$0x4] =	stream.indirect_vreg.gather [hbm4b:s3+s10], $0x80, v4, vm0, $0xb8;
	[tilespmem:$0x10100] =	vst v63  }
0x28c: {  	v3 =	vperm.xlane v3, v2  }
0x28d: {  	[tilespmem:s21], [sflag:$0x4] =	stream.indirect_vreg.gather [hbm4b:s5+s10], $0x80, v4, vm0, $0xb8;
	[tilespmem:$0x10100] =	vst v63  }
0x28e: {  	v3 =	vadd.s32 v1, v3  }
0x28f: {  	[tilespmem:s22], [sflag:$0x4] =	stream.indirect_vreg.gather [hbm4b:s6+s10], $0x80, v4, vm0, $0xb8;
	[tilespmem:$0x10100] =	vst v63  }
0x290: {  	_ = 	snop  }
0x291: {  	[tilespmem:s23], [sflag:$0x4] =	stream.indirect_vreg.gather [hbm4b:s9+s10], $0x80, v4, vm0, $0xb8;
	[tilespmem:$0x10100] =	vst v63  }
0x292: {  	_ = 	snop  }
0x293: {  	[tilespmem:s24], [sflag:$0x4] =	stream.indirect_vreg.gather [hbm4b:s3+s10], $0x80, v3, vm0, $0xb8;
	[tilespmem:$0x10100] =	vst v63  }
0x294: {  	_ = 	snop  }
0x295: {  	[tilespmem:s25], [sflag:$0x4] =	stream.indirect_vreg.gather [hbm4b:s5+s10], $0x80, v3, vm0, $0xb8;
	[tilespmem:$0x10100] =	vst v63  }
0x296: {  	_ = 	snop  }
0x297: {  	[tilespmem:s26], [sflag:$0x4] =	stream.indirect_vreg.gather [hbm4b:s6+s10], $0x80, v3, vm0, $0xb8;
	[tilespmem:$0x10100] =	vst v63  }
0x298: {  	_ = 	snop  }
0x299: {  	[tilespmem:s28], [sflag:$0x4] =	stream.indirect_vreg.gather [hbm4b:s9+s10], $0x80, v3, vm0, $0xb8;
	[tilespmem:$0x10100] =	vst v63  }
0x29a: {  	_ =	swait.ge [sflag:s29], $0x4000  }
0x29b: {  	s15 =	simm.s32 $0x0;
	[sflag:s29] =	ssyncset.done $0x0  }
0x29c: {  	s12 =	sand.u32 $0x2000, s15;
	[sflag:s29] =	ssyncadd.s32 $0xFFFFC000  }
0x29d: {  	s13 =	sand.u32 $0x1C00, s10;
	s14 =	simm.s32 $0x0;
	_ =	swait.ge [sflag:s30], $0x4000  }
0x29e: {  	s12 =	sor.u32 s13, s12;
	s16 =	sand.u32 $0x380, s14;
	[sflag:s30] =	ssyncset.done $0x0  }
0x29f: {  	s12 =	sor.u32 s16, s12;
	[sflag:s30] =	ssyncadd.s32 $0xFFFFC000  }
0x2a0: {  	v10 =	vld [tilespmem:s12+$0x8100]  }
0x2a1: {  	v9 =	vld [tilespmem:s12+$0x8110]  }
0x2a2: {  	v8 =	vld [tilespmem:s12+$0x8120]  }
0x2a3: {  	v7 =	vld [tilespmem:s12+$0x8130]  }
0x2a4: {  	v6 =	vld [tilespmem:s12+$0x8140]  }
0x2a5: {  	v5 =	vld [tilespmem:s12+$0x8150]  }
0x2a6: {  	v4 =	vld [tilespmem:s12+$0x8160]  }
0x2a7: {  	v3 =	vld [tilespmem:s12+$0x8170]  }
0x2a8: {  	v13 =	vld [tilespmem:s12+$0x100]  }
0x2a9: {  	v12 =	vld [tilespmem:s12+$0x110]  }
0x2aa: {  	s13 =	simm.s32 $0x0;
	v11 =	vld [tilespmem:s12+$0x120]  }
.LBB2_14:
0x2ab: {  	s13 =	sadd.s32 $0x8, s13;
	v14 =	vld [tilespmem:s12+$0x130]  }
0x2ac: {  	s10 =	sadd.s32 $0x400, s10;
	s14 =	sshll.u32 s13, $0x4;
	p0 =	slt.u32 s13, $0x3F8;
	v15 =	vld [tilespmem:s12+$0x140]  }
0x2ad: {  	s15 =	sand.u32 $0x1C00, s10;
	s16 =	sshll.u32 s13, $0x1;
	s14 =	sand.u32 $0x2000, s14;
	v10 =	vadd.f32 v10, v13;
	v13 =	vld [tilespmem:s12+$0x150]  }
0x2ae: {  	s14 =	sor.u32 s15, s14;
	s15 =	sand.u32 $0x380, s16;
	v9 =	vadd.f32 v9, v12;
	v12 =	vld [tilespmem:s12+$0x160]  }
0x2af: {  	s14 =	sor.u32 s15, s14;
	[tilespmem:s12+$0x100] =	vst v10;
	v8 =	vadd.f32 v8, v11;
	v11 =	vld [tilespmem:s12+$0x170]  }
0x2b0: {  	v10 =	vld [tilespmem:s14+$0x8100];
	[tilespmem:s12+$0x110] =	vst v9;
	v7 =	vadd.f32 v7, v14  }
0x2b1: {  	v9 =	vld [tilespmem:s14+$0x8110];
	[tilespmem:s12+$0x120] =	vst v8;
	v6 =	vadd.f32 v6, v15  }
0x2b2: {  	v8 =	vld [tilespmem:s14+$0x8120];
	[tilespmem:s12+$0x130] =	vst v7;
	v5 =	vadd.f32 v5, v13  }
0x2b3: {  	v7 =	vld [tilespmem:s14+$0x8130];
	[tilespmem:s12+$0x140] =	vst v6;
	v4 =	vadd.f32 v4, v12  }
0x2b4: {  	v6 =	vld [tilespmem:s14+$0x8140];
	[tilespmem:s12+$0x150] =	vst v5;
	v3 =	vadd.f32 v3, v11  }
0x2b5: {  	v5 =	vld [tilespmem:s14+$0x8150];
	[tilespmem:s12+$0x160] =	vst v4  }
.Ltmp6:
0x2b6: {  	v4 =	vld [tilespmem:s14+$0x8160];
	[tilespmem:s12+$0x170] =	vst v3;
	s12 =	smov.u32 s14;
	(pc) =	sbr.rel @p0 .LBB2_14-.Ltmp6, $4  }
0x2b7: {  	v3 =	vld [tilespmem:s12+$0x8170]  }
0x2b8: {  	v13 =	vld [tilespmem:s12+$0x100]  }
0x2b9: {  	v12 =	vld [tilespmem:s12+$0x110]  }
0x2ba: {  	v11 =	vld [tilespmem:s12+$0x120]  }
0x2bb: {  	v14 =	vld [tilespmem:s12+$0x130]  }
0x2bc: {  	v15 =	vld [tilespmem:s12+$0x140]  }
0x2bd: {  	v10 =	vadd.f32 v10, v13;
	v13 =	vld [tilespmem:s12+$0x150]  }
0x2be: {  	v9 =	vadd.f32 v9, v12;
	v12 =	vld [tilespmem:s12+$0x160]  }
0x2bf: {  	[tilespmem:s12+$0x100] =	vst v10;
	v8 =	vadd.f32 v8, v11;
	v10 =	vld [tilespmem:s12+$0x170]  }
0x2c0: {  	[tilespmem:s12+$0x110] =	vst v9;
	v7 =	vadd.f32 v7, v14  }
0x2c1: {  	v6 =	vadd.f32 v6, v15;
	[tilespmem:s12+$0x120] =	vst v8  }
0x2c2: {  	[tilespmem:s12+$0x130] =	vst v7;
	v5 =	vadd.f32 v5, v13  }
0x2c3: {  	[tilespmem:s12+$0x140] =	vst v6;
	v4 =	vadd.f32 v4, v12  }
0x2c4: {  	[tilespmem:s12+$0x150] =	vst v5;
	v3 =	vadd.f32 v3, v10  }
0x2c5: {  	[tilespmem:s12+$0x160] =	vst v4  }
0x2c6: {  	s10 =	rddreg [dreg:$0xb];
	[tilespmem:s12+$0x170] =	vst v3;
	s12 =	simm.s32 $0x0  }
0x2c7: {  	[hbm4b:s10+s12] =	stream.linear.scatter [tilespmem:s20], [sflag:$0x5], $0x4000, $0x38;
	[tilespmem:$0x10100] =	vst v63  }
0x2c8: {  	_ =	swait.ge [sflag:s0], $0x4000  }
0x2c9: {  	[sflag:s0] =	ssyncset.done $0x0  }
0x2ca: {  	s15 =	simm.s32 $0x0;
	s14 =	simm.s32 $0x0;
	[sflag:s0] =	ssyncadd.s32 $0xFFFFC000  }
0x2cb: {  	s10 =	sand.u32 $0x2000, s15;
	s13 =	sand.u32 $0x1C00, s12;
	_ =	swait.ge [sflag:s1], $0x4000  }
0x2cc: {  	s16 =	sand.u32 $0x380, s14;
	s10 =	sor.u32 s13, s10;
	[sflag:s1] =	ssyncset.done $0x0  }
0x2cd: {  	s10 =	sor.u32 s16, s10;
	[sflag:s1] =	ssyncadd.s32 $0xFFFFC000  }
0x2ce: {  	v10 =	vld [tilespmem:s10+$0xC100]  }
0x2cf: {  	v9 =	vld [tilespmem:s10+$0xC110]  }
0x2d0: {  	v8 =	vld [tilespmem:s10+$0xC120]  }
0x2d1: {  	v7 =	vld [tilespmem:s10+$0xC130]  }
0x2d2: {  	v6 =	vld [tilespmem:s10+$0xC140]  }
0x2d3: {  	v5 =	vld [tilespmem:s10+$0xC150]  }
0x2d4: {  	v4 =	vld [tilespmem:s10+$0xC160]  }
0x2d5: {  	v3 =	vld [tilespmem:s10+$0xC170]  }
0x2d6: {  	v13 =	vld [tilespmem:s10+$0x4100]  }
0x2d7: {  	v12 =	vld [tilespmem:s10+$0x4110]  }
0x2d8: {  	s13 =	simm.s32 $0x0;
	v11 =	vld [tilespmem:s10+$0x4120]  }
.LBB2_16:
0x2d9: {  	s13 =	sadd.s32 $0x8, s13;
	v14 =	vld [tilespmem:s10+$0x4130]  }
0x2da: {  	s12 =	sadd.s32 $0x400, s12;
	s14 =	sshll.u32 s13, $0x4;
	p0 =	slt.u32 s13, $0x3F8;
	v15 =	vld [tilespmem:s10+$0x4140]  }
0x2db: {  	s15 =	sand.u32 $0x1C00, s12;
	s16 =	sshll.u32 s13, $0x1;
	s14 =	sand.u32 $0x2000, s14;
	v10 =	vadd.f32 v10, v13;
	v13 =	vld [tilespmem:s10+$0x4150]  }
0x2dc: {  	s14 =	sor.u32 s15, s14;
	s15 =	sand.u32 $0x380, s16;
	v9 =	vadd.f32 v9, v12;
	v12 =	vld [tilespmem:s10+$0x4160]  }
0x2dd: {  	s14 =	sor.u32 s15, s14;
	[tilespmem:s10+$0x4100] =	vst v10;
	v8 =	vadd.f32 v8, v11;
	v11 =	vld [tilespmem:s10+$0x4170]  }
0x2de: {  	v10 =	vld [tilespmem:s14+$0xC100];
	[tilespmem:s10+$0x4110] =	vst v9;
	v7 =	vadd.f32 v7, v14  }
0x2df: {  	v9 =	vld [tilespmem:s14+$0xC110];
	[tilespmem:s10+$0x4120] =	vst v8;
	v6 =	vadd.f32 v6, v15  }
0x2e0: {  	v8 =	vld [tilespmem:s14+$0xC120];
	[tilespmem:s10+$0x4130] =	vst v7;
	v5 =	vadd.f32 v5, v13  }
0x2e1: {  	v7 =	vld [tilespmem:s14+$0xC130];
	[tilespmem:s10+$0x4140] =	vst v6;
	v4 =	vadd.f32 v4, v12  }
0x2e2: {  	v6 =	vld [tilespmem:s14+$0xC140];
	[tilespmem:s10+$0x4150] =	vst v5;
	v3 =	vadd.f32 v3, v11  }
0x2e3: {  	v5 =	vld [tilespmem:s14+$0xC150];
	[tilespmem:s10+$0x4160] =	vst v4  }
.Ltmp7:
0x2e4: {  	v4 =	vld [tilespmem:s14+$0xC160];
	[tilespmem:s10+$0x4170] =	vst v3;
	s10 =	smov.u32 s14;
	(pc) =	sbr.rel @p0 .LBB2_16-.Ltmp7, $4  }
0x2e5: {  	v3 =	vld [tilespmem:s10+$0xC170]  }
0x2e6: {  	v13 =	vld [tilespmem:s10+$0x4100]  }
0x2e7: {  	v12 =	vld [tilespmem:s10+$0x4110]  }
0x2e8: {  	v11 =	vld [tilespmem:s10+$0x4120]  }
0x2e9: {  	v14 =	vld [tilespmem:s10+$0x4130]  }
0x2ea: {  	v15 =	vld [tilespmem:s10+$0x4140]  }
0x2eb: {  	v61 =	vld [tilespmem:s10+$0x4150];
	v10 =	vadd.f32 v10, v13  }
0x2ec: {  	v62 =	vld [tilespmem:s10+$0x4160];
	v9 =	vadd.f32 v9, v12  }
0x2ed: {  	v63 =	vld [tilespmem:s10+$0x4170];
	[tilespmem:s10+$0x4100] =	vst v10;
	v8 =	vadd.f32 v8, v11  }
0x2ee: {  	[tilespmem:s10+$0x4110] =	vst v9;
	v7 =	vadd.f32 v7, v14  }
0x2ef: {  	v6 =	vadd.f32 v6, v15;
	[tilespmem:s10+$0x4120] =	vst v8  }
0x2f0: {  	v5 =	vadd.f32 v5, v61;
	[tilespmem:s10+$0x4130] =	vst v7  }
0x2f1: {  	v4 =	vadd.f32 v4, v62;
	[tilespmem:s10+$0x4140] =	vst v6  }
0x2f2: {  	v3 =	vadd.f32 v3, v63;
	[tilespmem:s10+$0x4150] =	vst v5  }
0x2f3: {  	[tilespmem:s10+$0x4160] =	vst v4  }
0x2f4: {  	s15 =	rddreg [dreg:$0xc];
	[tilespmem:s10+$0x4170] =	vst v3  }
0x2f5: {  	[hbm4b:s15+s2] =	stream.linear.scatter [tilespmem:s11], [sflag:$0x6], $0x4000, $0x38;
	[tilespmem:$0x10100] =	vst v63  }
0x2f6: {  	_ =	swait.ge [sflag:s31], $0x4000  }
0x2f7: {  	[sflag:s31] =	ssyncset.done $0x0  }
0x2f8: {  	[sflag:s31] =	ssyncadd.s32 $0xFFFFC000  }
0x2f9: {  	_ =	swait.ge [sflag:s19], $0x4000  }
0x2fa: {  	s8 =	sadd.s32 $0x1, s8;
	s16 =	rddreg [dreg:$0xd]  }
0x2fb: {  	p0 =	sne.s32 s8, s16  }
.Ltmp8:
0x2fc: {  	_ = 	snop;
	(pc) =	sbr.rel @p0 .LBB2_1-.Ltmp8, $3  }
0x2fd: {  	_ =	sdelay $0x1  }
0x2fe: {  	[sflag:s19] =	ssyncset.done $0x0  }
0x2ff: {  	[sflag:s19] =	ssyncadd.s32 $0xFFFFC000  }
0x300: {  	_ =	sfence.sel $0x180000  }
0x301: {  	[bflag:$0x0] =	sbarrier.arrive $0xFFFF  }
0x302: {  	_ =	strace $0x9000004A  }
0x303: {  	s0 =	stileid.u32;
	[bflag:$0x2] =	sbarrier.arrive $0xFFFF  }
0x304: {  	p0 =	sne.s32 s0, $0x0;
	s0 =	rddreg [dreg:$0x2]  }
0x305: {  	s0 =	sadd.s32 @!p0 $0x100000, s0  }
0x306: {  	[sflag:s0] =	ssyncadd.tile.s32 @!p0 $0x1;
	_ =	shalt  }
.Lfunc_end2:
_tile_overlayer_lowered:
.L_overlay_start_2:
0x307: {  	(tag) =	ssettag $0x2  }
0x308: {  	s0 =	rddreg [dreg:$0x0];
	s2 =	stileid.u32  }
0x309: {  	s1 =	rddreg [dreg:$0x1];
	p0 =	sne.s32 s2, $0x0  }
0x30a: {  	s3 =	rddreg [dreg:$0x2];
	[bflag:$0x3] =	sbarrier.arrive $0xFFFF;
	s2 =	simm.s32 @!p0 $0x1C07  }
0x30b: {  	[timem:s3], [sflag:s2] =	dma.local @!p0 [hbm:s0], s1  }
0x30c: {  	s0 =	simm.s32 @!p0 $0x7  }
0x30d: {  	_ =	swait.ge @!p0 [sflag:s0], s1  }
0x30e: {  	s1 =	ssub.s32 @!p0 $0x0, s1;
	[sflag:s0] =	ssyncset.done @!p0 $0x0  }
0x30f: {  	[sflag:s0] =	ssyncadd.s32 @!p0 s1  }
0x310: {  	[bflag:$0x3] =	sbarrier.arrive $0xFFFF  }
0x311: {  	_ =	shalt  }

</sc_bundles>
